<compile_context>
chip_gen: v7x
topology: tpu7x:2x2x1
jax: 0.10.2.dev20260603
libtpu: 0.0.44.dev20260713+nightly
codegen_flags: <defaults>
</compile_context>

<pallas_src>
import functools

import jax
import jax.numpy as jnp
from jax import lax
from jax.experimental import pallas as pl
from jax.experimental.pallas import tpu as pltpu
from jax.experimental.pallas import tpu_sc as plsc

N = 10000
E = 320000
D = 128
H = 128
C = 64

NC = 2
NS = 16
NW = NC * NS
EPT = E // NW
ROWS_PT = 624
TAIL0 = ROWS_PT * NS
TAIL = N - TAIL0


def _make_seg_sum(w: int, batch: int, with_deg: bool, ring: int = 2):
  nb = EPT // batch
  mesh = plsc.VectorSubcoreMesh(core_axis_name="c", subcore_axis_name="s")
  if with_deg:
    out_type = [jax.ShapeDtypeStruct((NC, N, 128), jnp.float32),
                jax.ShapeDtypeStruct((NC, N, 8), jnp.float32)]
  else:
    out_type = jax.ShapeDtypeStruct((NC, N, w), jnp.float32)

  @functools.partial(
      pl.kernel,
      out_type=out_type,
      mesh=mesh,
      compiler_params=pltpu.CompilerParams(use_tc_tiling_on_sc=False),
      scratch_types=[
          pltpu.VMEM((EPT,), jnp.int32),
          pltpu.VMEM((EPT,), jnp.int32),
          pltpu.VMEM((ring, batch, w), jnp.float32),
          pltpu.SemaphoreType.DMA((ring,)),
          pltpu.VMEM_SHARED((N, w), jnp.float32),
      ],
  )
  def seg(edges_hbm, p_hbm, zeros_hbm, *out_and_scratch):
    if with_deg:
      outf_hbm, outd_hbm, src_v, dst_v, buf, gsem, acc = out_and_scratch
    else:
      outf_hbm, src_v, dst_v, buf, gsem, acc = out_and_scratch
      outd_hbm = None
    c = lax.axis_index("c")
    s = lax.axis_index("s")
    wid = s * NC + c
    r0 = s * ROWS_PT


    pltpu.sync_copy(zeros_hbm.at[pl.ds(r0, ROWS_PT)], acc.at[pl.ds(r0, ROWS_PT)])

    @pl.when(s == NS - 1)
    def _():
      pltpu.sync_copy(zeros_hbm.at[pl.ds(TAIL0, TAIL)],
                      acc.at[pl.ds(TAIL0, TAIL)])

    pltpu.sync_copy(edges_hbm.at[0, pl.ds(wid * EPT, EPT)], src_v)
    pltpu.sync_copy(edges_hbm.at[1, pl.ds(wid * EPT, EPT)], dst_v)
    plsc.subcore_barrier()

    pltpu.async_copy(p_hbm.at[src_v.at[pl.ds(0, batch)]], buf.at[0], gsem.at[0])

    def body(j, carry):
      nx = j + 1

      if ring == 2:
        @pl.when(nx < nb)
        def _():
          pltpu.async_copy(p_hbm.at[src_v.at[pl.ds(nx * batch, batch)]],
                           buf.at[nx % 2], gsem.at[nx % 2])

      pltpu.make_async_copy(p_hbm.at[src_v.at[pl.ds(j * batch, batch)]],
                            buf.at[j % ring], gsem.at[j % ring]).wait()
      pltpu.sync_copy(buf.at[j % ring],
                      acc.at[dst_v.at[pl.ds(j * batch, batch)]], add=True)

      if ring == 1:
        @pl.when(nx < nb)
        def _():
          pltpu.async_copy(p_hbm.at[src_v.at[pl.ds(nx * batch, batch)]],
                           buf.at[0], gsem.at[0])
      return carry

    lax.fori_loop(0, nb, body, 0)

    plsc.subcore_barrier()

    def copy_out(rr, nr):
      if with_deg:
        pltpu.sync_copy(acc.at[pl.ds(rr, nr), pl.ds(0, 128)],
                        outf_hbm.at[c, pl.ds(rr, nr)])
        pltpu.sync_copy(acc.at[pl.ds(rr, nr), pl.ds(128, 8)],
                        outd_hbm.at[c, pl.ds(rr, nr)])
      else:
        pltpu.sync_copy(acc.at[pl.ds(rr, nr)], outf_hbm.at[c, pl.ds(rr, nr)])

    copy_out(r0, ROWS_PT)

    @pl.when(s == NS - 1)
    def _():
      copy_out(TAIL0, TAIL)

  return seg


NB128 = 78
NCH = 6
CHB = NB128 // NCH
CHW = CHB * 128
TOFF = NB128 * 128 * NW


def _make_seg_sum128(w: int, with_deg: bool):
  mesh = plsc.VectorSubcoreMesh(core_axis_name="c", subcore_axis_name="s")
  if with_deg:
    out_type = [jax.ShapeDtypeStruct((NC, N, 128), jnp.float32),
                jax.ShapeDtypeStruct((NC, N, 8), jnp.float32)]
  else:
    out_type = jax.ShapeDtypeStruct((NC, N, w), jnp.float32)

  @functools.partial(
      pl.kernel,
      out_type=out_type,
      mesh=mesh,
      compiler_params=pltpu.CompilerParams(use_tc_tiling_on_sc=False),
      scratch_types=[
          pltpu.VMEM((2, 2, CHW), jnp.int32),
          pltpu.VMEM((2, 128, w), jnp.float32),
          pltpu.SemaphoreType.DMA((2,)),
          pltpu.SemaphoreType.DMA((2,)),
          pltpu.VMEM_SHARED((N, w), jnp.float32),
      ],
  )
  def seg(edges_hbm, p_hbm, zeros_hbm, *out_and_scratch):
    if with_deg:
      outf_hbm, outd_hbm, idx_v, buf, gsem, isem, acc = out_and_scratch
    else:
      outf_hbm, idx_v, buf, gsem, isem, acc = out_and_scratch
      outd_hbm = None
    c = lax.axis_index("c")
    s = lax.axis_index("s")
    wid = s * NC + c
    r0 = s * ROWS_PT
    off = wid * NB128 * 128

    pltpu.sync_copy(zeros_hbm.at[pl.ds(r0, ROWS_PT)], acc.at[pl.ds(r0, ROWS_PT)])

    @pl.when(s == NS - 1)
    def _():
      pltpu.sync_copy(zeros_hbm.at[pl.ds(TAIL0, TAIL)],
                      acc.at[pl.ds(TAIL0, TAIL)])

    def load_chunk_start(g, slot):
      pltpu.async_copy(edges_hbm.at[0, pl.ds(off + g * CHW, CHW)],
                       idx_v.at[slot, 0], isem.at[slot])
      pltpu.async_copy(edges_hbm.at[1, pl.ds(off + g * CHW, CHW)],
                       idx_v.at[slot, 1], isem.at[slot])

    def load_chunk_wait(g, slot):
      pltpu.make_async_copy(edges_hbm.at[0, pl.ds(off + g * CHW, CHW)],
                            idx_v.at[slot, 0], isem.at[slot]).wait()
      pltpu.make_async_copy(edges_hbm.at[1, pl.ds(off + g * CHW, CHW)],
                            idx_v.at[slot, 1], isem.at[slot]).wait()

    def gidx(slot, j):
      return idx_v.at[slot, 0, pl.ds(j * 128, 128)]

    def sidx(slot, j):
      return idx_v.at[slot, 1, pl.ds(j * 128, 128)]

    def gather_start(slot, j, b):
      pltpu.async_copy(p_hbm.at[gidx(slot, j)], buf.at[b % 2], gsem.at[b % 2])

    def gather_wait(slot, j, b):
      pltpu.make_async_copy(p_hbm.at[gidx(slot, j)], buf.at[b % 2],
                            gsem.at[b % 2]).wait()

    load_chunk_start(0, 0)
    load_chunk_wait(0, 0)
    gather_start(0, 0, 0)
    load_chunk_start(1, 1)
    plsc.subcore_barrier()

    for g in range(NCH):
      cs = g % 2

      def body(j, carry, g=g, cs=cs):
        b = g * CHB + j

        @pl.when(j < CHB - 1)
        def _():
          gather_start(cs, j + 1, b + 1)

        if g < NCH - 1:
          @pl.when(j == CHB - 1)
          def _():
            load_chunk_wait(g + 1, 1 - cs)
            gather_start(1 - cs, 0, b + 1)

        gather_wait(cs, j, b)
        pltpu.sync_copy(buf.at[b % 2], acc.at[sidx(cs, j)], add=True)
        return carry

      lax.fori_loop(0, CHB, body, 0)
      if g + 2 < NCH:
        load_chunk_start(g + 2, cs)

    @pl.when(wid < 4)
    def _():
      toff = TOFF + wid * 128
      pltpu.sync_copy(edges_hbm.at[0, pl.ds(toff, 128)],
                      idx_v.at[0, 0, pl.ds(0, 128)])
      pltpu.sync_copy(edges_hbm.at[1, pl.ds(toff, 128)],
                      idx_v.at[0, 1, pl.ds(0, 128)])
      gather_start(0, 0, 0)
      gather_wait(0, 0, 0)
      pltpu.sync_copy(buf.at[0], acc.at[sidx(0, 0)], add=True)

    plsc.subcore_barrier()

    def copy_out(rr, nr):
      if with_deg:
        pltpu.sync_copy(acc.at[pl.ds(rr, nr), pl.ds(0, 128)],
                        outf_hbm.at[c, pl.ds(rr, nr)])
        pltpu.sync_copy(acc.at[pl.ds(rr, nr), pl.ds(128, 8)],
                        outd_hbm.at[c, pl.ds(rr, nr)])
      else:
        pltpu.sync_copy(acc.at[pl.ds(rr, nr)], outf_hbm.at[c, pl.ds(rr, nr)])

    copy_out(r0, ROWS_PT)

    @pl.when(s == NS - 1)
    def _():
      copy_out(TAIL0, TAIL)

  return seg


_seg136 = _make_seg_sum128(H + 8, True)
_seg128 = _make_seg_sum128(H, False)
_seg64 = _make_seg_sum(C, 400, False)

_R = 2000
_G = N // _R


def _mm0_body(x_ref, ws_ref, wn_ref, b_ref, s_ref, p_ref):
  x = x_ref[...]
  s_ref[...] = jnp.dot(x, ws_ref[...],
                       preferred_element_type=jnp.float32) + b_ref[...]
  p_ref[:, :H] = jnp.dot(x, wn_ref[...], preferred_element_type=jnp.float32)
  p_ref[:, H:] = jnp.ones((_R, 8), jnp.float32)


def _stage1_body(s0_ref, g_ref, gd_ref, ws_ref, wn_ref, b_ref,
                 s1_ref, p1_ref, inv_ref):
  deg = jnp.maximum(gd_ref[0, :, 0:1] + gd_ref[1, :, 0:1], 1.0)
  inv = 1.0 / deg
  h = jnp.maximum(s0_ref[...] + (g_ref[0] + g_ref[1]) * inv, 0.0)
  s1_ref[...] = jnp.dot(h, ws_ref[...],
                        preferred_element_type=jnp.float32) + b_ref[...]
  p1_ref[...] = jnp.dot(h, wn_ref[...], preferred_element_type=jnp.float32)
  inv_ref[...] = jnp.broadcast_to(inv, (_R, 8))


def _stage2_body(s1_ref, g_ref, inv_ref, ws_ref, wn_ref, b_ref,
                 s2_ref, p2_ref):
  inv = inv_ref[:, 0:1]
  h = jnp.maximum(s1_ref[...] + (g_ref[0] + g_ref[1]) * inv, 0.0)
  s2_ref[...] = jnp.dot(h, ws_ref[...],
                        preferred_element_type=jnp.float32) + b_ref[...]
  p2_ref[...] = jnp.dot(h, wn_ref[...], preferred_element_type=jnp.float32)


def _stage3_body(s2_ref, g_ref, inv_ref, out_ref):
  inv = inv_ref[:, 0:1]
  out_ref[...] = jnp.maximum(s2_ref[...] + (g_ref[0] + g_ref[1]) * inv, 0.0)


def _rows(w):
  return pl.BlockSpec((_R, w), lambda i: (i, 0))


def _pair(w):
  return pl.BlockSpec((NC, _R, w), lambda i: (0, i, 0))


def _whole(a, b):
  return pl.BlockSpec((a, b), lambda i: (0, 0))


def kernel(x, edge_index, W_self0, W_neigh0, b0, W_self1, W_neigh1, b1,
           W_self2, W_neigh2, b2):
  z136 = jnp.zeros((N, H + 8), jnp.float32)
  z128 = jnp.zeros((N, H), jnp.float32)
  z64 = jnp.zeros((N, C), jnp.float32)

  s0, p0 = pl.pallas_call(
      _mm0_body,
      grid=(_G,),
      in_specs=[_rows(D), _whole(D, H), _whole(D, H), _whole(1, H)],
      out_specs=[_rows(H), _rows(H + 8)],
      out_shape=[jax.ShapeDtypeStruct((N, H), jnp.float32),
                 jax.ShapeDtypeStruct((N, H + 8), jnp.float32)],
  )(x, W_self0, W_neigh0, b0.reshape(1, H))

  g0, g0d = _seg136(edge_index, p0, z136)

  s1, p1, invd = pl.pallas_call(
      _stage1_body,
      grid=(_G,),
      in_specs=[_rows(H), _pair(H), _pair(8), _whole(H, H), _whole(H, H),
                _whole(1, H)],
      out_specs=[_rows(H), _rows(H), _rows(8)],
      out_shape=[jax.ShapeDtypeStruct((N, H), jnp.float32),
                 jax.ShapeDtypeStruct((N, H), jnp.float32),
                 jax.ShapeDtypeStruct((N, 8), jnp.float32)],
  )(s0, g0, g0d, W_self1, W_neigh1, b1.reshape(1, H))

  g1 = _seg128(edge_index, p1, z128)

  s2, p2 = pl.pallas_call(
      _stage2_body,
      grid=(_G,),
      in_specs=[_rows(H), _pair(H), _rows(8), _whole(H, C), _whole(H, C),
                _whole(1, C)],
      out_specs=[_rows(C), _rows(C)],
      out_shape=[jax.ShapeDtypeStruct((N, C), jnp.float32),
                 jax.ShapeDtypeStruct((N, C), jnp.float32)],
  )(s1, g1, invd, W_self2, W_neigh2, b2.reshape(1, C))

  g2 = _seg64(edge_index, p2, z64)

  out = pl.pallas_call(
      _stage3_body,
      grid=(_G,),
      in_specs=[_rows(C), _pair(C), _rows(8)],
      out_specs=_rows(C),
      out_shape=jax.ShapeDtypeStruct((N, C), jnp.float32),
  )(s2, g2, invd)

  return out

# --- scband reference (transcript-rebuilt; emitter-appended) ---
"""Pipeline reference for scband-graph-sage-50062138802388 (READ-ONLY COPY).

The authoritative reference and input builder live on the scoring server;
editing this copy changes nothing except your own understanding.
"""

import jax, jax.numpy as jnp
import numpy as np

N = 10000
E = 320000
D = 128
H = 128
C = 64


def _glorot(key, shape):
    fan_in, fan_out = shape
    lim = (6.0 / (fan_in + fan_out)) ** 0.5
    return jax.random.uniform(key, shape, dtype=jnp.float32, minval=-lim, maxval=lim)


def setup_inputs(seed: int = 0) -> dict:
    key = jax.random.key(seed)
    ks = jax.random.split(key, 12)
    x = jax.random.normal(ks[0], (N, D), dtype=jnp.float32)
    edge_index = jax.random.randint(ks[1], (2, E), 0, N, dtype=jnp.int32)
    return {
        "x": x,
        "edge_index": edge_index,
        "W_self0": _glorot(ks[2], (D, H)),
        "W_neigh0": _glorot(ks[3], (D, H)),
        "b0": jnp.zeros((H,), jnp.float32),
        "W_self1": _glorot(ks[4], (H, H)),
        "W_neigh1": _glorot(ks[5], (H, H)),
        "b1": jnp.zeros((H,), jnp.float32),
        "W_self2": _glorot(ks[6], (H, C)),
        "W_neigh2": _glorot(ks[7], (H, C)),
        "b2": jnp.zeros((C,), jnp.float32),
    }


def _sage_layer(h, src, dst, W_self, W_neigh, b):
    # DGL SAGEConv, aggregator_type='mean':
    #   h_neigh = mean_{j -> i} h[j];  rst = fc_self(h_i) + fc_neigh(h_neigh) + b
    ones = jnp.ones((src.shape[0],), jnp.float32)
    deg = jax.ops.segment_sum(ones, dst, num_segments=N)
    deg = jnp.maximum(deg, 1.0)
    agg = jax.ops.segment_sum(h[src], dst, num_segments=N) / deg[:, None]
    out = h @ W_self + agg @ W_neigh + b
    # activation='relu' is applied inside every SAGEConv layer in this model
    return jax.nn.relu(out)


def reference(x, edge_index, W_self0, W_neigh0, b0, W_self1, W_neigh1, b1, W_self2, W_neigh2, b2):
    src = edge_index[0]
    dst = edge_index[1]
    h = _sage_layer(x, src, dst, W_self0, W_neigh0, b0)
    h = _sage_layer(h, src, dst, W_self1, W_neigh1, b1)
    h = _sage_layer(h, src, dst, W_self2, W_neigh2, b2)
    return h

if __name__ == "__main__":
    import jax
    _d = setup_inputs()
    print(jax.jit(kernel)(*tuple(_d.values())))

</pallas_src>

<mosaic_0001>
#map = affine_map<(d0, d1) -> (0, 0)>
#map1 = affine_map<(d0, d1) -> (0, 0, 0)>
module attributes {stable_mosaic.version = 14 : i64} {
  func.func @seg(%arg0: i32, %arg1: i32, %arg2: memref<2x320000xi32, #tpu.memory_space<hbm>>, %arg3: memref<10000x128xf32, #tpu.memory_space<hbm>>, %arg4: memref<10000x128xf32, #tpu.memory_space<hbm>>, %arg5: memref<2x10000x128xf32, #tpu.memory_space<hbm>>, %arg6: memref<2x2x1664xi32, #tpu.memory_space<vmem>>, %arg7: memref<2x128x128xf32, #tpu.memory_space<vmem>>, %arg8: memref<2x!tpu.dma_semaphore, #tpu.memory_space<semaphore_mem>>, %arg9: memref<2x!tpu.dma_semaphore, #tpu.memory_space<semaphore_mem>>, %arg10: memref<10000x128xf32, #tpu.memory_space<vmem_shared>>) attributes {dimension_semantics = [#tpu.dimension_semantics<core_parallel>, #tpu.dimension_semantics<subcore_parallel>], iteration_bounds = array<i64: 2, 16>, scalar_prefetch = 0 : i64, scratch_operands = 5 : i64, tpu.core_type = #tpu.core_type<sc_vector_subcore>, window_params = [{transform_indices = #map}, {transform_indices = #map}, {transform_indices = #map}, {transform_indices = #map1}]} {
    %mul3A = arith.constant 2 : i32
    %mul3A_0 = arith.muli %arg1, %mul3A : i32
    %add3A = arith.addi %mul3A_0, %arg0 : i32
    %mul3A_1 = arith.constant 624 : i32
    %mul3A_2 = arith.muli %arg1, %mul3A_1 : i32
    %mul3A_3 = arith.constant 78 : i32
    %mul3A_4 = arith.muli %add3A, %mul3A_3 : i32
    %mul3A_5 = arith.constant 128 : i32
    %mul3A_6 = arith.muli %mul3A_4, %mul3A_5 : i32
    "tpu.region"() ({
      %run_scoped3A = tpu.sem_alloc : memref<!tpu.dma_semaphore, #tpu.memory_space<semaphore_mem>>
      %dma_start3A_320 = arith.constant 0 : i32
      %dma_start3A_321 = tpu.memref_slice %arg10[%mul3A_2, %dma_start3A_320] : memref<10000x128xf32, #tpu.memory_space<vmem_shared>> -> memref<624x128xf32, #tpu.memory_space<vmem_shared>>
      %dma_start3A_322 = arith.constant 0 : i32
      %dma_start3A_323 = tpu.memref_slice %arg4[%mul3A_2, %dma_start3A_322] : memref<10000x128xf32, #tpu.memory_space<hbm>> -> memref<624x128xf32, #tpu.memory_space<hbm>>
      tpu.enqueue_dma source(%dma_start3A_323 : memref<624x128xf32, #tpu.memory_space<hbm>>) target(%dma_start3A_321 : memref<624x128xf32, #tpu.memory_space<vmem_shared>>) target_semaphore(%run_scoped3A : memref<!tpu.dma_semaphore, #tpu.memory_space<semaphore_mem>>)
      %dma_wait3A_324 = arith.constant 0 : i32
      %dma_wait3A_325 = tpu.memref_slice %arg10[%mul3A_2, %dma_wait3A_324] : memref<10000x128xf32, #tpu.memory_space<vmem_shared>> -> memref<624x128xf32, #tpu.memory_space<vmem_shared>>
      %dma_wait3A_326 = arith.constant 0 : i32
      %dma_wait3A_327 = tpu.memref_slice %arg4[%mul3A_2, %dma_wait3A_326] : memref<10000x128xf32, #tpu.memory_space<hbm>> -> memref<624x128xf32, #tpu.memory_space<hbm>>
      tpu.wait_dma2 semaphore(%run_scoped3A : memref<!tpu.dma_semaphore, #tpu.memory_space<semaphore_mem>>) src(%dma_wait3A_327 : memref<624x128xf32, #tpu.memory_space<hbm>>) dst(%dma_wait3A_325 : memref<624x128xf32, #tpu.memory_space<vmem_shared>>)
      tpu.yield
    }) : () -> ()
    %eq3A = arith.constant 15 : i32
    %eq3A_7 = arith.cmpi eq, %arg1, %eq3A : i32
    %convert_element_type3A = arith.extui %eq3A_7 : i1 to i32
    %cond3A = arith.constant 0 : i32
    %cond3A_8 = arith.cmpi ne, %convert_element_type3A, %cond3A : i32
    scf.if %cond3A_8 {
      "tpu.region"() ({
        %run_scoped3A = tpu.sem_alloc : memref<!tpu.dma_semaphore, #tpu.memory_space<semaphore_mem>>
        %dma_start3A_320 = arith.constant 9984 : i32
        %dma_start3A_321 = arith.constant 0 : i32
        %dma_start3A_322 = tpu.memref_slice %arg10[%dma_start3A_320, %dma_start3A_321] : memref<10000x128xf32, #tpu.memory_space<vmem_shared>> -> memref<16x128xf32, #tpu.memory_space<vmem_shared>>
        %dma_start3A_323 = arith.constant 9984 : i32
        %dma_start3A_324 = arith.constant 0 : i32
        %dma_start3A_325 = tpu.memref_slice %arg4[%dma_start3A_323, %dma_start3A_324] : memref<10000x128xf32, #tpu.memory_space<hbm>> -> memref<16x128xf32, #tpu.memory_space<hbm>>
        tpu.enqueue_dma source(%dma_start3A_325 : memref<16x128xf32, #tpu.memory_space<hbm>>) target(%dma_start3A_322 : memref<16x128xf32, #tpu.memory_space<vmem_shared>>) target_semaphore(%run_scoped3A : memref<!tpu.dma_semaphore, #tpu.memory_space<semaphore_mem>>)
        %dma_wait3A_326 = arith.constant 9984 : i32
        %dma_wait3A_327 = arith.constant 0 : i32
        %dma_wait3A_328 = tpu.memref_slice %arg10[%dma_wait3A_326, %dma_wait3A_327] : memref<10000x128xf32, #tpu.memory_space<vmem_shared>> -> memref<16x128xf32, #tpu.memory_space<vmem_shared>>
        %dma_wait3A_329 = arith.constant 9984 : i32
        %dma_wait3A_330 = arith.constant 0 : i32
        %dma_wait3A_331 = tpu.memref_slice %arg4[%dma_wait3A_329, %dma_wait3A_330] : memref<10000x128xf32, #tpu.memory_space<hbm>> -> memref<16x128xf32, #tpu.memory_space<hbm>>
        tpu.wait_dma2 semaphore(%run_scoped3A : memref<!tpu.dma_semaphore, #tpu.memory_space<semaphore_mem>>) src(%dma_wait3A_331 : memref<16x128xf32, #tpu.memory_space<hbm>>) dst(%dma_wait3A_328 : memref<16x128xf32, #tpu.memory_space<vmem_shared>>)
        tpu.yield
      }) : () -> ()
    } else {
    }
    %add3A_9 = arith.constant 0 : i32
    %add3A_10 = arith.addi %mul3A_6, %add3A_9 : i32
    %dma_start3A = arith.constant 0 : i32
    %dma_start3A_11 = arith.constant 0 : i32
    %dma_start3A_12 = arith.constant 0 : i32
    %dma_start3A_13 = arith.constant 0 : i32
    %dma_start3A_14 = arith.constant 0 : i32
    %dma_start3A_15 = tpu.memref_slice %arg6[%dma_start3A_11, %dma_start3A_12, %dma_start3A_14] : memref<2x2x1664xi32, #tpu.memory_space<vmem>> -> memref<1x1x1664xi32, #tpu.memory_space<vmem>>
    %dma_start3A_16 = tpu.memref_squeeze %dma_start3A_15 : memref<1x1x1664xi32, #tpu.memory_space<vmem>> -> memref<1664xi32, #tpu.memory_space<vmem>>
    %dma_start3A_17 = tpu.memref_slice %arg2[%dma_start3A, %add3A_10] : memref<2x320000xi32, #tpu.memory_space<hbm>> -> memref<1x1664xi32, #tpu.memory_space<hbm>>
    %dma_start3A_18 = tpu.memref_squeeze %dma_start3A_17 : memref<1x1664xi32, #tpu.memory_space<hbm>> -> memref<1664xi32, #tpu.memory_space<hbm>>
    %dma_start3A_19 = tpu.memref_slice %arg9[%dma_start3A_13] : memref<2x!tpu.dma_semaphore, #tpu.memory_space<semaphore_mem>> -> memref<1x!tpu.dma_semaphore, #tpu.memory_space<semaphore_mem>>
    %dma_start3A_20 = tpu.memref_squeeze %dma_start3A_19 : memref<1x!tpu.dma_semaphore, #tpu.memory_space<semaphore_mem>> -> memref<!tpu.dma_semaphore, #tpu.memory_space<semaphore_mem>>
    %dma_start3A_21 = arith.constant 0 : i32
    %dma_start3A_22 = tpu.memref_slice %arg6[%dma_start3A_11, %dma_start3A_12, %dma_start3A_21] : memref<2x2x1664xi32, #tpu.memory_space<vmem>> -> memref<1x1x1664xi32, #tpu.memory_space<vmem>>
    %dma_start3A_23 = tpu.memref_squeeze %dma_start3A_22 : memref<1x1x1664xi32, #tpu.memory_space<vmem>> -> memref<1664xi32, #tpu.memory_space<vmem>>
    %dma_start3A_24 = tpu.memref_slice %arg2[%dma_start3A, %add3A_10] : memref<2x320000xi32, #tpu.memory_space<hbm>> -> memref<1x1664xi32, #tpu.memory_space<hbm>>
    %dma_start3A_25 = tpu.memref_squeeze %dma_start3A_24 : memref<1x1664xi32, #tpu.memory_space<hbm>> -> memref<1664xi32, #tpu.memory_space<hbm>>
    tpu.enqueue_dma source(%dma_start3A_25 : memref<1664xi32, #tpu.memory_space<hbm>>) target(%dma_start3A_23 : memref<1664xi32, #tpu.memory_space<vmem>>) target_semaphore(%dma_start3A_20 : memref<!tpu.dma_semaphore, #tpu.memory_space<semaphore_mem>>)
    %add3A_26 = arith.constant 0 : i32
    %add3A_27 = arith.addi %mul3A_6, %add3A_26 : i32
    %dma_start3A_28 = arith.constant 1 : i32
    %dma_start3A_29 = arith.constant 0 : i32
    %dma_start3A_30 = arith.constant 1 : i32
    %dma_start3A_31 = arith.constant 0 : i32
    %dma_start3A_32 = arith.constant 0 : i32
    %dma_start3A_33 = tpu.memref_slice %arg6[%dma_start3A_29, %dma_start3A_30, %dma_start3A_32] : memref<2x2x1664xi32, #tpu.memory_space<vmem>> -> memref<1x1x1664xi32, #tpu.memory_space<vmem>>
    %dma_start3A_34 = tpu.memref_squeeze %dma_start3A_33 : memref<1x1x1664xi32, #tpu.memory_space<vmem>> -> memref<1664xi32, #tpu.memory_space<vmem>>
    %dma_start3A_35 = tpu.memref_slice %arg2[%dma_start3A_28, %add3A_27] : memref<2x320000xi32, #tpu.memory_space<hbm>> -> memref<1x1664xi32, #tpu.memory_space<hbm>>
    %dma_start3A_36 = tpu.memref_squeeze %dma_start3A_35 : memref<1x1664xi32, #tpu.memory_space<hbm>> -> memref<1664xi32, #tpu.memory_space<hbm>>
    %dma_start3A_37 = tpu.memref_slice %arg9[%dma_start3A_31] : memref<2x!tpu.dma_semaphore, #tpu.memory_space<semaphore_mem>> -> memref<1x!tpu.dma_semaphore, #tpu.memory_space<semaphore_mem>>
    %dma_start3A_38 = tpu.memref_squeeze %dma_start3A_37 : memref<1x!tpu.dma_semaphore, #tpu.memory_space<semaphore_mem>> -> memref<!tpu.dma_semaphore, #tpu.memory_space<semaphore_mem>>
    %dma_start3A_39 = arith.constant 0 : i32
    %dma_start3A_40 = tpu.memref_slice %arg6[%dma_start3A_29, %dma_start3A_30, %dma_start3A_39] : memref<2x2x1664xi32, #tpu.memory_space<vmem>> -> memref<1x1x1664xi32, #tpu.memory_space<vmem>>
    %dma_start3A_41 = tpu.memref_squeeze %dma_start3A_40 : memref<1x1x1664xi32, #tpu.memory_space<vmem>> -> memref<1664xi32, #tpu.memory_space<vmem>>
    %dma_start3A_42 = tpu.memref_slice %arg2[%dma_start3A_28, %add3A_27] : memref<2x320000xi32, #tpu.memory_space<hbm>> -> memref<1x1664xi32, #tpu.memory_space<hbm>>
    %dma_start3A_43 = tpu.memref_squeeze %dma_start3A_42 : memref<1x1664xi32, #tpu.memory_space<hbm>> -> memref<1664xi32, #tpu.memory_space<hbm>>
    tpu.enqueue_dma source(%dma_start3A_43 : memref<1664xi32, #tpu.memory_space<hbm>>) target(%dma_start3A_41 : memref<1664xi32, #tpu.memory_space<vmem>>) target_semaphore(%dma_start3A_38 : memref<!tpu.dma_semaphore, #tpu.memory_space<semaphore_mem>>)
    %add3A_44 = arith.constant 0 : i32
    %add3A_45 = arith.addi %mul3A_6, %add3A_44 : i32
    %dma_wait3A = arith.constant 0 : i32
    %dma_wait3A_46 = arith.constant 0 : i32
    %dma_wait3A_47 = arith.constant 0 : i32
    %dma_wait3A_48 = arith.constant 0 : i32
    %dma_wait3A_49 = arith.constant 0 : i32
    %dma_wait3A_50 = tpu.memref_slice %arg6[%dma_wait3A_46, %dma_wait3A_47, %dma_wait3A_49] : memref<2x2x1664xi32, #tpu.memory_space<vmem>> -> memref<1x1x1664xi32, #tpu.memory_space<vmem>>
    %dma_wait3A_51 = tpu.memref_squeeze %dma_wait3A_50 : memref<1x1x1664xi32, #tpu.memory_space<vmem>> -> memref<1664xi32, #tpu.memory_space<vmem>>
    %dma_wait3A_52 = tpu.memref_slice %arg2[%dma_wait3A, %add3A_45] : memref<2x320000xi32, #tpu.memory_space<hbm>> -> memref<1x1664xi32, #tpu.memory_space<hbm>>
    %dma_wait3A_53 = tpu.memref_squeeze %dma_wait3A_52 : memref<1x1664xi32, #tpu.memory_space<hbm>> -> memref<1664xi32, #tpu.memory_space<hbm>>
    %dma_wait3A_54 = tpu.memref_slice %arg9[%dma_wait3A_48] : memref<2x!tpu.dma_semaphore, #tpu.memory_space<semaphore_mem>> -> memref<1x!tpu.dma_semaphore, #tpu.memory_space<semaphore_mem>>
    %dma_wait3A_55 = tpu.memref_squeeze %dma_wait3A_54 : memref<1x!tpu.dma_semaphore, #tpu.memory_space<semaphore_mem>> -> memref<!tpu.dma_semaphore, #tpu.memory_space<semaphore_mem>>
    %dma_wait3A_56 = arith.constant 0 : i32
    %dma_wait3A_57 = tpu.memref_slice %arg6[%dma_wait3A_46, %dma_wait3A_47, %dma_wait3A_56] : memref<2x2x1664xi32, #tpu.memory_space<vmem>> -> memref<1x1x1664xi32, #tpu.memory_space<vmem>>
    %dma_wait3A_58 = tpu.memref_squeeze %dma_wait3A_57 : memref<1x1x1664xi32, #tpu.memory_space<vmem>> -> memref<1664xi32, #tpu.memory_space<vmem>>
    %dma_wait3A_59 = tpu.memref_slice %arg2[%dma_wait3A, %add3A_45] : memref<2x320000xi32, #tpu.memory_space<hbm>> -> memref<1x1664xi32, #tpu.memory_space<hbm>>
    %dma_wait3A_60 = tpu.memref_squeeze %dma_wait3A_59 : memref<1x1664xi32, #tpu.memory_space<hbm>> -> memref<1664xi32, #tpu.memory_space<hbm>>
    tpu.wait_dma2 semaphore(%dma_wait3A_55 : memref<!tpu.dma_semaphore, #tpu.memory_space<semaphore_mem>>) src(%dma_wait3A_60 : memref<1664xi32, #tpu.memory_space<hbm>>) dst(%dma_wait3A_58 : memref<1664xi32, #tpu.memory_space<vmem>>)
    %add3A_61 = arith.constant 0 : i32
    %add3A_62 = arith.addi %mul3A_6, %add3A_61 : i32
    %dma_wait3A_63 = arith.constant 1 : i32
    %dma_wait3A_64 = arith.constant 0 : i32
    %dma_wait3A_65 = arith.constant 1 : i32
    %dma_wait3A_66 = arith.constant 0 : i32
    %dma_wait3A_67 = arith.constant 0 : i32
    %dma_wait3A_68 = tpu.memref_slice %arg6[%dma_wait3A_64, %dma_wait3A_65, %dma_wait3A_67] : memref<2x2x1664xi32, #tpu.memory_space<vmem>> -> memref<1x1x1664xi32, #tpu.memory_space<vmem>>
    %dma_wait3A_69 = tpu.memref_squeeze %dma_wait3A_68 : memref<1x1x1664xi32, #tpu.memory_space<vmem>> -> memref<1664xi32, #tpu.memory_space<vmem>>
    %dma_wait3A_70 = tpu.memref_slice %arg2[%dma_wait3A_63, %add3A_62] : memref<2x320000xi32, #tpu.memory_space<hbm>> -> memref<1x1664xi32, #tpu.memory_space<hbm>>
    %dma_wait3A_71 = tpu.memref_squeeze %dma_wait3A_70 : memref<1x1664xi32, #tpu.memory_space<hbm>> -> memref<1664xi32, #tpu.memory_space<hbm>>
    %dma_wait3A_72 = tpu.memref_slice %arg9[%dma_wait3A_66] : memref<2x!tpu.dma_semaphore, #tpu.memory_space<semaphore_mem>> -> memref<1x!tpu.dma_semaphore, #tpu.memory_space<semaphore_mem>>
    %dma_wait3A_73 = tpu.memref_squeeze %dma_wait3A_72 : memref<1x!tpu.dma_semaphore, #tpu.memory_space<semaphore_mem>> -> memref<!tpu.dma_semaphore, #tpu.memory_space<semaphore_mem>>
    %dma_wait3A_74 = arith.constant 0 : i32
    %dma_wait3A_75 = tpu.memref_slice %arg6[%dma_wait3A_64, %dma_wait3A_65, %dma_wait3A_74] : memref<2x2x1664xi32, #tpu.memory_space<vmem>> -> memref<1x1x1664xi32, #tpu.memory_space<vmem>>
    %dma_wait3A_76 = tpu.memref_squeeze %dma_wait3A_75 : memref<1x1x1664xi32, #tpu.memory_space<vmem>> -> memref<1664xi32, #tpu.memory_space<vmem>>
    %dma_wait3A_77 = tpu.memref_slice %arg2[%dma_wait3A_63, %add3A_62] : memref<2x320000xi32, #tpu.memory_space<hbm>> -> memref<1x1664xi32, #tpu.memory_space<hbm>>
    %dma_wait3A_78 = tpu.memref_squeeze %dma_wait3A_77 : memref<1x1664xi32, #tpu.memory_space<hbm>> -> memref<1664xi32, #tpu.memory_space<hbm>>
    tpu.wait_dma2 semaphore(%dma_wait3A_73 : memref<!tpu.dma_semaphore, #tpu.memory_space<semaphore_mem>>) src(%dma_wait3A_78 : memref<1664xi32, #tpu.memory_space<hbm>>) dst(%dma_wait3A_76 : memref<1664xi32, #tpu.memory_space<vmem>>)
    %dma_start3A_79 = arith.constant 0 : i32
    %dma_start3A_80 = arith.constant 0 : i32
    %dma_start3A_81 = arith.constant 0 : i32
    %dma_start3A_82 = arith.constant 0 : i32
    %dma_start3A_83 = arith.constant 0 : i32
    %dma_start3A_84 = arith.constant 0 : i32
    %dma_start3A_85 = tpu.memref_slice %arg7[%dma_start3A_81, %dma_start3A_83, %dma_start3A_84] : memref<2x128x128xf32, #tpu.memory_space<vmem>> -> memref<1x128x128xf32, #tpu.memory_space<vmem>>
    %dma_start3A_86 = tpu.memref_squeeze %dma_start3A_85 : memref<1x128x128xf32, #tpu.memory_space<vmem>> -> memref<128x128xf32, #tpu.memory_space<vmem>>
    %dma_start3A_87 = arith.constant 0 : i32
    %dma_start3A_88 = tpu.memref_slice %arg6[%dma_start3A_79, %dma_start3A_80, %dma_start3A_87] : memref<2x2x1664xi32, #tpu.memory_space<vmem>> -> memref<1x1x128xi32, #tpu.memory_space<vmem>>
    %dma_start3A_89 = tpu.memref_squeeze %dma_start3A_88 : memref<1x1x128xi32, #tpu.memory_space<vmem>> -> memref<128xi32, #tpu.memory_space<vmem>>
    %dma_start3A_90 = arith.constant 0 : i32
    %dma_start3A_91 = arith.constant 0 : i32
    %dma_start3A_92 = tpu.memref_slice %arg3[%dma_start3A_90, %dma_start3A_91] : memref<10000x128xf32, #tpu.memory_space<hbm>> -> memref<10000x128xf32, #tpu.memory_space<hbm>>
    %dma_start3A_93 = tpu.memref_slice %arg8[%dma_start3A_82] : memref<2x!tpu.dma_semaphore, #tpu.memory_space<semaphore_mem>> -> memref<1x!tpu.dma_semaphore, #tpu.memory_space<semaphore_mem>>
    %dma_start3A_94 = tpu.memref_squeeze %dma_start3A_93 : memref<1x!tpu.dma_semaphore, #tpu.memory_space<semaphore_mem>> -> memref<!tpu.dma_semaphore, #tpu.memory_space<semaphore_mem>>
    tpu.enqueue_indirect_dma source(%dma_start3A_92 : memref<10000x128xf32, #tpu.memory_space<hbm>>) target(%dma_start3A_86 : memref<128x128xf32, #tpu.memory_space<vmem>>) offsets(%dma_start3A_89 : memref<128xi32, #tpu.memory_space<vmem>>) semaphore(%dma_start3A_94 : memref<!tpu.dma_semaphore, #tpu.memory_space<semaphore_mem>>)
    %add3A_95 = arith.constant 1664 : i32
    %add3A_96 = arith.addi %mul3A_6, %add3A_95 : i32
    %dma_start3A_97 = arith.constant 0 : i32
    %dma_start3A_98 = arith.constant 1 : i32
    %dma_start3A_99 = arith.constant 0 : i32
    %dma_start3A_100 = arith.constant 1 : i32
    %dma_start3A_101 = arith.constant 0 : i32
    %dma_start3A_102 = tpu.memref_slice %arg6[%dma_start3A_98, %dma_start3A_99, %dma_start3A_101] : memref<2x2x1664xi32, #tpu.memory_space<vmem>> -> memref<1x1x1664xi32, #tpu.memory_space<vmem>>
    %dma_start3A_103 = tpu.memref_squeeze %dma_start3A_102 : memref<1x1x1664xi32, #tpu.memory_space<vmem>> -> memref<1664xi32, #tpu.memory_space<vmem>>
    %dma_start3A_104 = tpu.memref_slice %arg2[%dma_start3A_97, %add3A_96] : memref<2x320000xi32, #tpu.memory_space<hbm>> -> memref<1x1664xi32, #tpu.memory_space<hbm>>
    %dma_start3A_105 = tpu.memref_squeeze %dma_start3A_104 : memref<1x1664xi32, #tpu.memory_space<hbm>> -> memref<1664xi32, #tpu.memory_space<hbm>>
    %dma_start3A_106 = tpu.memref_slice %arg9[%dma_start3A_100] : memref<2x!tpu.dma_semaphore, #tpu.memory_space<semaphore_mem>> -> memref<1x!tpu.dma_semaphore, #tpu.memory_space<semaphore_mem>>
    %dma_start3A_107 = tpu.memref_squeeze %dma_start3A_106 : memref<1x!tpu.dma_semaphore, #tpu.memory_space<semaphore_mem>> -> memref<!tpu.dma_semaphore, #tpu.memory_space<semaphore_mem>>
    %dma_start3A_108 = arith.constant 0 : i32
    %dma_start3A_109 = tpu.memref_slice %arg6[%dma_start3A_98, %dma_start3A_99, %dma_start3A_108] : memref<2x2x1664xi32, #tpu.memory_space<vmem>> -> memref<1x1x1664xi32, #tpu.memory_space<vmem>>
    %dma_start3A_110 = tpu.memref_squeeze %dma_start3A_109 : memref<1x1x1664xi32, #tpu.memory_space<vmem>> -> memref<1664xi32, #tpu.memory_space<vmem>>
    %dma_start3A_111 = tpu.memref_slice %arg2[%dma_start3A_97, %add3A_96] : memref<2x320000xi32, #tpu.memory_space<hbm>> -> memref<1x1664xi32, #tpu.memory_space<hbm>>
    %dma_start3A_112 = tpu.memref_squeeze %dma_start3A_111 : memref<1x1664xi32, #tpu.memory_space<hbm>> -> memref<1664xi32, #tpu.memory_space<hbm>>
    tpu.enqueue_dma source(%dma_start3A_112 : memref<1664xi32, #tpu.memory_space<hbm>>) target(%dma_start3A_110 : memref<1664xi32, #tpu.memory_space<vmem>>) target_semaphore(%dma_start3A_107 : memref<!tpu.dma_semaphore, #tpu.memory_space<semaphore_mem>>)
    %add3A_113 = arith.constant 1664 : i32
    %add3A_114 = arith.addi %mul3A_6, %add3A_113 : i32
    %dma_start3A_115 = arith.constant 1 : i32
    %dma_start3A_116 = arith.constant 1 : i32
    %dma_start3A_117 = arith.constant 1 : i32
    %dma_start3A_118 = arith.constant 1 : i32
    %dma_start3A_119 = arith.constant 0 : i32
    %dma_start3A_120 = tpu.memref_slice %arg6[%dma_start3A_116, %dma_start3A_117, %dma_start3A_119] : memref<2x2x1664xi32, #tpu.memory_space<vmem>> -> memref<1x1x1664xi32, #tpu.memory_space<vmem>>
    %dma_start3A_121 = tpu.memref_squeeze %dma_start3A_120 : memref<1x1x1664xi32, #tpu.memory_space<vmem>> -> memref<1664xi32, #tpu.memory_space<vmem>>
    %dma_start3A_122 = tpu.memref_slice %arg2[%dma_start3A_115, %add3A_114] : memref<2x320000xi32, #tpu.memory_space<hbm>> -> memref<1x1664xi32, #tpu.memory_space<hbm>>
    %dma_start3A_123 = tpu.memref_squeeze %dma_start3A_122 : memref<1x1664xi32, #tpu.memory_space<hbm>> -> memref<1664xi32, #tpu.memory_space<hbm>>
    %dma_start3A_124 = tpu.memref_slice %arg9[%dma_start3A_118] : memref<2x!tpu.dma_semaphore, #tpu.memory_space<semaphore_mem>> -> memref<1x!tpu.dma_semaphore, #tpu.memory_space<semaphore_mem>>
    %dma_start3A_125 = tpu.memref_squeeze %dma_start3A_124 : memref<1x!tpu.dma_semaphore, #tpu.memory_space<semaphore_mem>> -> memref<!tpu.dma_semaphore, #tpu.memory_space<semaphore_mem>>
    %dma_start3A_126 = arith.constant 0 : i32
    %dma_start3A_127 = tpu.memref_slice %arg6[%dma_start3A_116, %dma_start3A_117, %dma_start3A_126] : memref<2x2x1664xi32, #tpu.memory_space<vmem>> -> memref<1x1x1664xi32, #tpu.memory_space<vmem>>
    %dma_start3A_128 = tpu.memref_squeeze %dma_start3A_127 : memref<1x1x1664xi32, #tpu.memory_space<vmem>> -> memref<1664xi32, #tpu.memory_space<vmem>>
    %dma_start3A_129 = tpu.memref_slice %arg2[%dma_start3A_115, %add3A_114] : memref<2x320000xi32, #tpu.memory_space<hbm>> -> memref<1x1664xi32, #tpu.memory_space<hbm>>
    %dma_start3A_130 = tpu.memref_squeeze %dma_start3A_129 : memref<1x1664xi32, #tpu.memory_space<hbm>> -> memref<1664xi32, #tpu.memory_space<hbm>>
    tpu.enqueue_dma source(%dma_start3A_130 : memref<1664xi32, #tpu.memory_space<hbm>>) target(%dma_start3A_128 : memref<1664xi32, #tpu.memory_space<vmem>>) target_semaphore(%dma_start3A_125 : memref<!tpu.dma_semaphore, #tpu.memory_space<semaphore_mem>>)
    %barrier3A = arith.constant 0 : index
    tpu.barrier barrier_id(%barrier3A)
    %scan3A = arith.constant 0 : i32
    %scan3A_131 = arith.constant 0 : i32
    %scan3A_132 = arith.constant 13 : i32
    %scan3A_133 = arith.addi %scan3A_131, %scan3A_132 : i32
    %scan3A_134 = arith.constant 1 : i32
    scf.for %scan3A_320 = %scan3A_131 to %scan3A_133 step %scan3A_134  : i32 {
      %add3A_321 = arith.constant 0 : i32
      %add3A_322 = arith.addi %add3A_321, %scan3A_320 : i32
      %lt3A_323 = arith.constant 12 : i32
      %lt3A_324 = arith.cmpi slt, %scan3A_320, %lt3A_323 : i32
      %convert_element_type3A_325 = arith.extui %lt3A_324 : i1 to i32
      %cond3A_326 = arith.constant 0 : i32
      %cond3A_327 = arith.cmpi ne, %convert_element_type3A_325, %cond3A_326 : i32
      scf.if %cond3A_327 {
        %add3A_394 = arith.constant 1 : i32
        %add3A_395 = arith.addi %scan3A_320, %add3A_394 : i32
        %add3A_396 = arith.constant 1 : i32
        %add3A_397 = arith.addi %add3A_322, %add3A_396 : i32
        %mul3A_398 = arith.constant 128 : i32
        %mul3A_399 = arith.muli %add3A_395, %mul3A_398 : i32
        %jit3A_400 = arith.constant 2 : i32
        %eq3A_401 = arith.constant 0 : i32
        %eq3A_402 = arith.cmpi eq, %jit3A_400, %eq3A_401 : i32
        %jit3A_403 = arith.constant 1 : i32
        %select_n3A_404 = arith.select %eq3A_402, %jit3A_403, %jit3A_400 : i32
        %rem3A_405 = arith.remsi %add3A_397, %select_n3A_404 : i32
        %ne3A_406 = arith.constant 0 : i32
        %ne3A_407 = arith.cmpi ne, %rem3A_405, %ne3A_406 : i32
        %lt3A_408 = arith.constant 0 : i32
        %lt3A_409 = arith.cmpi slt, %rem3A_405, %lt3A_408 : i32
        %lt3A_410 = arith.constant 0 : i32
        %lt3A_411 = arith.cmpi slt, %select_n3A_404, %lt3A_410 : i32
        %ne3A_412 = arith.xori %lt3A_409, %lt3A_411 : i1
        %and3A_413 = arith.andi %ne3A_412, %ne3A_407 : i1
        %add3A_414 = arith.addi %rem3A_405, %select_n3A_404 : i32
        %select_n3A_415 = arith.select %and3A_413, %add3A_414, %rem3A_405 : i32
        %jit3A_416 = arith.constant 2 : i32
        %eq3A_417 = arith.constant 0 : i32
        %eq3A_418 = arith.cmpi eq, %jit3A_416, %eq3A_417 : i32
        %jit3A_419 = arith.constant 1 : i32
        %select_n3A_420 = arith.select %eq3A_418, %jit3A_419, %jit3A_416 : i32
        %rem3A_421 = arith.remsi %add3A_397, %select_n3A_420 : i32
        %ne3A_422 = arith.constant 0 : i32
        %ne3A_423 = arith.cmpi ne, %rem3A_421, %ne3A_422 : i32
        %lt3A_424 = arith.constant 0 : i32
        %lt3A_425 = arith.cmpi slt, %rem3A_421, %lt3A_424 : i32
        %lt3A_426 = arith.constant 0 : i32
        %lt3A_427 = arith.cmpi slt, %select_n3A_420, %lt3A_426 : i32
        %ne3A_428 = arith.xori %lt3A_425, %lt3A_427 : i1
        %and3A_429 = arith.andi %ne3A_428, %ne3A_423 : i1
        %add3A_430 = arith.addi %rem3A_421, %select_n3A_420 : i32
        %select_n3A_431 = arith.select %and3A_429, %add3A_430, %rem3A_421 : i32
        %dma_start3A_432 = arith.constant 0 : i32
        %dma_start3A_433 = arith.constant 0 : i32
        %dma_start3A_434 = arith.constant 0 : i32
        %dma_start3A_435 = arith.constant 0 : i32
        %dma_start3A_436 = tpu.memref_slice %arg7[%select_n3A_415, %dma_start3A_434, %dma_start3A_435] : memref<2x128x128xf32, #tpu.memory_space<vmem>> -> memref<1x128x128xf32, #tpu.memory_space<vmem>>
        %dma_start3A_437 = tpu.memref_squeeze %dma_start3A_436 : memref<1x128x128xf32, #tpu.memory_space<vmem>> -> memref<128x128xf32, #tpu.memory_space<vmem>>
        %dma_start3A_438 = tpu.memref_slice %arg6[%dma_start3A_432, %dma_start3A_433, %mul3A_399] : memref<2x2x1664xi32, #tpu.memory_space<vmem>> -> memref<1x1x128xi32, #tpu.memory_space<vmem>>
        %dma_start3A_439 = tpu.memref_squeeze %dma_start3A_438 : memref<1x1x128xi32, #tpu.memory_space<vmem>> -> memref<128xi32, #tpu.memory_space<vmem>>
        %dma_start3A_440 = arith.constant 0 : i32
        %dma_start3A_441 = arith.constant 0 : i32
        %dma_start3A_442 = tpu.memref_slice %arg3[%dma_start3A_440, %dma_start3A_441] : memref<10000x128xf32, #tpu.memory_space<hbm>> -> memref<10000x128xf32, #tpu.memory_space<hbm>>
        %dma_start3A_443 = tpu.memref_slice %arg8[%select_n3A_431] : memref<2x!tpu.dma_semaphore, #tpu.memory_space<semaphore_mem>> -> memref<1x!tpu.dma_semaphore, #tpu.memory_space<semaphore_mem>>
        %dma_start3A_444 = tpu.memref_squeeze %dma_start3A_443 : memref<1x!tpu.dma_semaphore, #tpu.memory_space<semaphore_mem>> -> memref<!tpu.dma_semaphore, #tpu.memory_space<semaphore_mem>>
        tpu.enqueue_indirect_dma source(%dma_start3A_442 : memref<10000x128xf32, #tpu.memory_space<hbm>>) target(%dma_start3A_437 : memref<128x128xf32, #tpu.memory_space<vmem>>) offsets(%dma_start3A_439 : memref<128xi32, #tpu.memory_space<vmem>>) semaphore(%dma_start3A_444 : memref<!tpu.dma_semaphore, #tpu.memory_space<semaphore_mem>>)
      } else {
      }
      %eq3A_328 = arith.constant 12 : i32
      %eq3A_329 = arith.cmpi eq, %scan3A_320, %eq3A_328 : i32
      %convert_element_type3A_330 = arith.extui %eq3A_329 : i1 to i32
      %cond3A_331 = arith.constant 0 : i32
      %cond3A_332 = arith.cmpi ne, %convert_element_type3A_330, %cond3A_331 : i32
      scf.if %cond3A_332 {
        %add3A_394 = arith.constant 1664 : i32
        %add3A_395 = arith.addi %mul3A_6, %add3A_394 : i32
        %dma_wait3A_396 = arith.constant 0 : i32
        %dma_wait3A_397 = arith.constant 1 : i32
        %dma_wait3A_398 = arith.constant 0 : i32
        %dma_wait3A_399 = arith.constant 1 : i32
        %dma_wait3A_400 = arith.constant 0 : i32
        %dma_wait3A_401 = tpu.memref_slice %arg6[%dma_wait3A_397, %dma_wait3A_398, %dma_wait3A_400] : memref<2x2x1664xi32, #tpu.memory_space<vmem>> -> memref<1x1x1664xi32, #tpu.memory_space<vmem>>
        %dma_wait3A_402 = tpu.memref_squeeze %dma_wait3A_401 : memref<1x1x1664xi32, #tpu.memory_space<vmem>> -> memref<1664xi32, #tpu.memory_space<vmem>>
        %dma_wait3A_403 = tpu.memref_slice %arg2[%dma_wait3A_396, %add3A_395] : memref<2x320000xi32, #tpu.memory_space<hbm>> -> memref<1x1664xi32, #tpu.memory_space<hbm>>
        %dma_wait3A_404 = tpu.memref_squeeze %dma_wait3A_403 : memref<1x1664xi32, #tpu.memory_space<hbm>> -> memref<1664xi32, #tpu.memory_space<hbm>>
        %dma_wait3A_405 = tpu.memref_slice %arg9[%dma_wait3A_399] : memref<2x!tpu.dma_semaphore, #tpu.memory_space<semaphore_mem>> -> memref<1x!tpu.dma_semaphore, #tpu.memory_space<semaphore_mem>>
        %dma_wait3A_406 = tpu.memref_squeeze %dma_wait3A_405 : memref<1x!tpu.dma_semaphore, #tpu.memory_space<semaphore_mem>> -> memref<!tpu.dma_semaphore, #tpu.memory_space<semaphore_mem>>
        %dma_wait3A_407 = arith.constant 0 : i32
        %dma_wait3A_408 = tpu.memref_slice %arg6[%dma_wait3A_397, %dma_wait3A_398, %dma_wait3A_407] : memref<2x2x1664xi32, #tpu.memory_space<vmem>> -> memref<1x1x1664xi32, #tpu.memory_space<vmem>>
        %dma_wait3A_409 = tpu.memref_squeeze %dma_wait3A_408 : memref<1x1x1664xi32, #tpu.memory_space<vmem>> -> memref<1664xi32, #tpu.memory_space<vmem>>
        %dma_wait3A_410 = tpu.memref_slice %arg2[%dma_wait3A_396, %add3A_395] : memref<2x320000xi32, #tpu.memory_space<hbm>> -> memref<1x1664xi32, #tpu.memory_space<hbm>>
        %dma_wait3A_411 = tpu.memref_squeeze %dma_wait3A_410 : memref<1x1664xi32, #tpu.memory_space<hbm>> -> memref<1664xi32, #tpu.memory_space<hbm>>
        tpu.wait_dma2 semaphore(%dma_wait3A_406 : memref<!tpu.dma_semaphore, #tpu.memory_space<semaphore_mem>>) src(%dma_wait3A_411 : memref<1664xi32, #tpu.memory_space<hbm>>) dst(%dma_wait3A_409 : memref<1664xi32, #tpu.memory_space<vmem>>)
        %add3A_412 = arith.constant 1664 : i32
        %add3A_413 = arith.addi %mul3A_6, %add3A_412 : i32
        %dma_wait3A_414 = arith.constant 1 : i32
        %dma_wait3A_415 = arith.constant 1 : i32
        %dma_wait3A_416 = arith.constant 1 : i32
        %dma_wait3A_417 = arith.constant 1 : i32
        %dma_wait3A_418 = arith.constant 0 : i32
        %dma_wait3A_419 = tpu.memref_slice %arg6[%dma_wait3A_415, %dma_wait3A_416, %dma_wait3A_418] : memref<2x2x1664xi32, #tpu.memory_space<vmem>> -> memref<1x1x1664xi32, #tpu.memory_space<vmem>>
        %dma_wait3A_420 = tpu.memref_squeeze %dma_wait3A_419 : memref<1x1x1664xi32, #tpu.memory_space<vmem>> -> memref<1664xi32, #tpu.memory_space<vmem>>
        %dma_wait3A_421 = tpu.memref_slice %arg2[%dma_wait3A_414, %add3A_413] : memref<2x320000xi32, #tpu.memory_space<hbm>> -> memref<1x1664xi32, #tpu.memory_space<hbm>>
        %dma_wait3A_422 = tpu.memref_squeeze %dma_wait3A_421 : memref<1x1664xi32, #tpu.memory_space<hbm>> -> memref<1664xi32, #tpu.memory_space<hbm>>
        %dma_wait3A_423 = tpu.memref_slice %arg9[%dma_wait3A_417] : memref<2x!tpu.dma_semaphore, #tpu.memory_space<semaphore_mem>> -> memref<1x!tpu.dma_semaphore, #tpu.memory_space<semaphore_mem>>
        %dma_wait3A_424 = tpu.memref_squeeze %dma_wait3A_423 : memref<1x!tpu.dma_semaphore, #tpu.memory_space<semaphore_mem>> -> memref<!tpu.dma_semaphore, #tpu.memory_space<semaphore_mem>>
        %dma_wait3A_425 = arith.constant 0 : i32
        %dma_wait3A_426 = tpu.memref_slice %arg6[%dma_wait3A_415, %dma_wait3A_416, %dma_wait3A_425] : memref<2x2x1664xi32, #tpu.memory_space<vmem>> -> memref<1x1x1664xi32, #tpu.memory_space<vmem>>
        %dma_wait3A_427 = tpu.memref_squeeze %dma_wait3A_426 : memref<1x1x1664xi32, #tpu.memory_space<vmem>> -> memref<1664xi32, #tpu.memory_space<vmem>>
        %dma_wait3A_428 = tpu.memref_slice %arg2[%dma_wait3A_414, %add3A_413] : memref<2x320000xi32, #tpu.memory_space<hbm>> -> memref<1x1664xi32, #tpu.memory_space<hbm>>
        %dma_wait3A_429 = tpu.memref_squeeze %dma_wait3A_428 : memref<1x1664xi32, #tpu.memory_space<hbm>> -> memref<1664xi32, #tpu.memory_space<hbm>>
        tpu.wait_dma2 semaphore(%dma_wait3A_424 : memref<!tpu.dma_semaphore, #tpu.memory_space<semaphore_mem>>) src(%dma_wait3A_429 : memref<1664xi32, #tpu.memory_space<hbm>>) dst(%dma_wait3A_427 : memref<1664xi32, #tpu.memory_space<vmem>>)
        %add3A_430 = arith.constant 1 : i32
        %add3A_431 = arith.addi %add3A_322, %add3A_430 : i32
        %jit3A_432 = arith.constant 2 : i32
        %eq3A_433 = arith.constant 0 : i32
        %eq3A_434 = arith.cmpi eq, %jit3A_432, %eq3A_433 : i32
        %jit3A_435 = arith.constant 1 : i32
        %select_n3A_436 = arith.select %eq3A_434, %jit3A_435, %jit3A_432 : i32
        %rem3A_437 = arith.remsi %add3A_431, %select_n3A_436 : i32
        %ne3A_438 = arith.constant 0 : i32
        %ne3A_439 = arith.cmpi ne, %rem3A_437, %ne3A_438 : i32
        %lt3A_440 = arith.constant 0 : i32
        %lt3A_441 = arith.cmpi slt, %rem3A_437, %lt3A_440 : i32
        %lt3A_442 = arith.constant 0 : i32
        %lt3A_443 = arith.cmpi slt, %select_n3A_436, %lt3A_442 : i32
        %ne3A_444 = arith.xori %lt3A_441, %lt3A_443 : i1
        %and3A_445 = arith.andi %ne3A_444, %ne3A_439 : i1
        %add3A_446 = arith.addi %rem3A_437, %select_n3A_436 : i32
        %select_n3A_447 = arith.select %and3A_445, %add3A_446, %rem3A_437 : i32
        %jit3A_448 = arith.constant 2 : i32
        %eq3A_449 = arith.constant 0 : i32
        %eq3A_450 = arith.cmpi eq, %jit3A_448, %eq3A_449 : i32
        %jit3A_451 = arith.constant 1 : i32
        %select_n3A_452 = arith.select %eq3A_450, %jit3A_451, %jit3A_448 : i32
        %rem3A_453 = arith.remsi %add3A_431, %select_n3A_452 : i32
        %ne3A_454 = arith.constant 0 : i32
        %ne3A_455 = arith.cmpi ne, %rem3A_453, %ne3A_454 : i32
        %lt3A_456 = arith.constant 0 : i32
        %lt3A_457 = arith.cmpi slt, %rem3A_453, %lt3A_456 : i32
        %lt3A_458 = arith.constant 0 : i32
        %lt3A_459 = arith.cmpi slt, %select_n3A_452, %lt3A_458 : i32
        %ne3A_460 = arith.xori %lt3A_457, %lt3A_459 : i1
        %and3A_461 = arith.andi %ne3A_460, %ne3A_455 : i1
        %add3A_462 = arith.addi %rem3A_453, %select_n3A_452 : i32
        %select_n3A_463 = arith.select %and3A_461, %add3A_462, %rem3A_453 : i32
        %dma_start3A_464 = arith.constant 1 : i32
        %dma_start3A_465 = arith.constant 0 : i32
        %dma_start3A_466 = arith.constant 0 : i32
        %dma_start3A_467 = arith.constant 0 : i32
        %dma_start3A_468 = tpu.memref_slice %arg7[%select_n3A_447, %dma_start3A_466, %dma_start3A_467] : memref<2x128x128xf32, #tpu.memory_space<vmem>> -> memref<1x128x128xf32, #tpu.memory_space<vmem>>
        %dma_start3A_469 = tpu.memref_squeeze %dma_start3A_468 : memref<1x128x128xf32, #tpu.memory_space<vmem>> -> memref<128x128xf32, #tpu.memory_space<vmem>>
        %dma_start3A_470 = arith.constant 0 : i32
        %dma_start3A_471 = tpu.memref_slice %arg6[%dma_start3A_464, %dma_start3A_465, %dma_start3A_470] : memref<2x2x1664xi32, #tpu.memory_space<vmem>> -> memref<1x1x128xi32, #tpu.memory_space<vmem>>
        %dma_start3A_472 = tpu.memref_squeeze %dma_start3A_471 : memref<1x1x128xi32, #tpu.memory_space<vmem>> -> memref<128xi32, #tpu.memory_space<vmem>>
        %dma_start3A_473 = arith.constant 0 : i32
        %dma_start3A_474 = arith.constant 0 : i32
        %dma_start3A_475 = tpu.memref_slice %arg3[%dma_start3A_473, %dma_start3A_474] : memref<10000x128xf32, #tpu.memory_space<hbm>> -> memref<10000x128xf32, #tpu.memory_space<hbm>>
        %dma_start3A_476 = tpu.memref_slice %arg8[%select_n3A_463] : memref<2x!tpu.dma_semaphore, #tpu.memory_space<semaphore_mem>> -> memref<1x!tpu.dma_semaphore, #tpu.memory_space<semaphore_mem>>
        %dma_start3A_477 = tpu.memref_squeeze %dma_start3A_476 : memref<1x!tpu.dma_semaphore, #tpu.memory_space<semaphore_mem>> -> memref<!tpu.dma_semaphore, #tpu.memory_space<semaphore_mem>>
        tpu.enqueue_indirect_dma source(%dma_start3A_475 : memref<10000x128xf32, #tpu.memory_space<hbm>>) target(%dma_start3A_469 : memref<128x128xf32, #tpu.memory_space<vmem>>) offsets(%dma_start3A_472 : memref<128xi32, #tpu.memory_space<vmem>>) semaphore(%dma_start3A_477 : memref<!tpu.dma_semaphore, #tpu.memory_space<semaphore_mem>>)
      } else {
      }
      %mul3A_333 = arith.constant 128 : i32
      %mul3A_334 = arith.muli %scan3A_320, %mul3A_333 : i32
      %jit3A = arith.constant 2 : i32
      %eq3A_335 = arith.constant 0 : i32
      %eq3A_336 = arith.cmpi eq, %jit3A, %eq3A_335 : i32
      %jit3A_337 = arith.constant 1 : i32
      %select_n3A = arith.select %eq3A_336, %jit3A_337, %jit3A : i32
      %rem3A = arith.remsi %add3A_322, %select_n3A : i32
      %ne3A = arith.constant 0 : i32
      %ne3A_338 = arith.cmpi ne, %rem3A, %ne3A : i32
      %lt3A_339 = arith.constant 0 : i32
      %lt3A_340 = arith.cmpi slt, %rem3A, %lt3A_339 : i32
      %lt3A_341 = arith.constant 0 : i32
      %lt3A_342 = arith.cmpi slt, %select_n3A, %lt3A_341 : i32
      %ne3A_343 = arith.xori %lt3A_340, %lt3A_342 : i1
      %and3A = arith.andi %ne3A_343, %ne3A_338 : i1
      %add3A_344 = arith.addi %rem3A, %select_n3A : i32
      %select_n3A_345 = arith.select %and3A, %add3A_344, %rem3A : i32
      %jit3A_346 = arith.constant 2 : i32
      %eq3A_347 = arith.constant 0 : i32
      %eq3A_348 = arith.cmpi eq, %jit3A_346, %eq3A_347 : i32
      %jit3A_349 = arith.constant 1 : i32
      %select_n3A_350 = arith.select %eq3A_348, %jit3A_349, %jit3A_346 : i32
      %rem3A_351 = arith.remsi %add3A_322, %select_n3A_350 : i32
      %ne3A_352 = arith.constant 0 : i32
      %ne3A_353 = arith.cmpi ne, %rem3A_351, %ne3A_352 : i32
      %lt3A_354 = arith.constant 0 : i32
      %lt3A_355 = arith.cmpi slt, %rem3A_351, %lt3A_354 : i32
      %lt3A_356 = arith.constant 0 : i32
      %lt3A_357 = arith.cmpi slt, %select_n3A_350, %lt3A_356 : i32
      %ne3A_358 = arith.xori %lt3A_355, %lt3A_357 : i1
      %and3A_359 = arith.andi %ne3A_358, %ne3A_353 : i1
      %add3A_360 = arith.addi %rem3A_351, %select_n3A_350 : i32
      %select_n3A_361 = arith.select %and3A_359, %add3A_360, %rem3A_351 : i32
      %dma_wait3A_362 = arith.constant 0 : i32
      %dma_wait3A_363 = arith.constant 0 : i32
      %dma_wait3A_364 = arith.constant 0 : i32
      %dma_wait3A_365 = arith.constant 0 : i32
      %dma_wait3A_366 = tpu.memref_slice %arg7[%select_n3A_345, %dma_wait3A_364, %dma_wait3A_365] : memref<2x128x128xf32, #tpu.memory_space<vmem>> -> memref<1x128x128xf32, #tpu.memory_space<vmem>>
      %dma_wait3A_367 = tpu.memref_squeeze %dma_wait3A_366 : memref<1x128x128xf32, #tpu.memory_space<vmem>> -> memref<128x128xf32, #tpu.memory_space<vmem>>
      %dma_wait3A_368 = tpu.memref_slice %arg6[%dma_wait3A_362, %dma_wait3A_363, %mul3A_334] : memref<2x2x1664xi32, #tpu.memory_space<vmem>> -> memref<1x1x128xi32, #tpu.memory_space<vmem>>
      %dma_wait3A_369 = tpu.memref_squeeze %dma_wait3A_368 : memref<1x1x128xi32, #tpu.memory_space<vmem>> -> memref<128xi32, #tpu.memory_space<vmem>>
      %dma_wait3A_370 = arith.constant 0 : i32
      %dma_wait3A_371 = arith.constant 0 : i32
      %dma_wait3A_372 = tpu.memref_slice %arg3[%dma_wait3A_370, %dma_wait3A_371] : memref<10000x128xf32, #tpu.memory_space<hbm>> -> memref<10000x128xf32, #tpu.memory_space<hbm>>
      %dma_wait3A_373 = tpu.memref_slice %arg8[%select_n3A_361] : memref<2x!tpu.dma_semaphore, #tpu.memory_space<semaphore_mem>> -> memref<1x!tpu.dma_semaphore, #tpu.memory_space<semaphore_mem>>
      %dma_wait3A_374 = tpu.memref_squeeze %dma_wait3A_373 : memref<1x!tpu.dma_semaphore, #tpu.memory_space<semaphore_mem>> -> memref<!tpu.dma_semaphore, #tpu.memory_space<semaphore_mem>>
      tpu.wait_indirect_dma semaphore(%dma_wait3A_374 : memref<!tpu.dma_semaphore, #tpu.memory_space<semaphore_mem>>) src(%dma_wait3A_372 : memref<10000x128xf32, #tpu.memory_space<hbm>>) dst(%dma_wait3A_367 : memref<128x128xf32, #tpu.memory_space<vmem>>)
      %jit3A_375 = arith.constant 2 : i32
      %eq3A_376 = arith.constant 0 : i32
      %eq3A_377 = arith.cmpi eq, %jit3A_375, %eq3A_376 : i32
      %jit3A_378 = arith.constant 1 : i32
      %select_n3A_379 = arith.select %eq3A_377, %jit3A_378, %jit3A_375 : i32
      %rem3A_380 = arith.remsi %add3A_322, %select_n3A_379 : i32
      %ne3A_381 = arith.constant 0 : i32
      %ne3A_382 = arith.cmpi ne, %rem3A_380, %ne3A_381 : i32
      %lt3A_383 = arith.constant 0 : i32
      %lt3A_384 = arith.cmpi slt, %rem3A_380, %lt3A_383 : i32
      %lt3A_385 = arith.constant 0 : i32
      %lt3A_386 = arith.cmpi slt, %select_n3A_379, %lt3A_385 : i32
      %ne3A_387 = arith.xori %lt3A_384, %lt3A_386 : i1
      %and3A_388 = arith.andi %ne3A_387, %ne3A_382 : i1
      %add3A_389 = arith.addi %rem3A_380, %select_n3A_379 : i32
      %select_n3A_390 = arith.select %and3A_388, %add3A_389, %rem3A_380 : i32
      %mul3A_391 = arith.constant 128 : i32
      %mul3A_392 = arith.muli %scan3A_320, %mul3A_391 : i32
      %run_scoped3A = arith.constant 0 : i32
      %run_scoped3A_393 = arith.constant 1 : i32
      "tpu.region"() ({
        %run_scoped3A_394 = tpu.sem_alloc : memref<!tpu.dma_semaphore, #tpu.memory_space<semaphore_mem>>
        %dma_start3A_395 = arith.constant 0 : i32
        %dma_start3A_396 = arith.constant 0 : i32
        %dma_start3A_397 = tpu.memref_slice %arg7[%select_n3A_390, %dma_start3A_395, %dma_start3A_396] : memref<2x128x128xf32, #tpu.memory_space<vmem>> -> memref<1x128x128xf32, #tpu.memory_space<vmem>>
        %dma_start3A_398 = tpu.memref_squeeze %dma_start3A_397 : memref<1x128x128xf32, #tpu.memory_space<vmem>> -> memref<128x128xf32, #tpu.memory_space<vmem>>
        %dma_start3A_399 = tpu.memref_slice %arg6[%run_scoped3A, %run_scoped3A_393, %mul3A_392] : memref<2x2x1664xi32, #tpu.memory_space<vmem>> -> memref<1x1x128xi32, #tpu.memory_space<vmem>>
        %dma_start3A_400 = tpu.memref_squeeze %dma_start3A_399 : memref<1x1x128xi32, #tpu.memory_space<vmem>> -> memref<128xi32, #tpu.memory_space<vmem>>
        %dma_start3A_401 = arith.constant 0 : i32
        %dma_start3A_402 = arith.constant 0 : i32
        %dma_start3A_403 = tpu.memref_slice %arg10[%dma_start3A_401, %dma_start3A_402] : memref<10000x128xf32, #tpu.memory_space<vmem_shared>> -> memref<10000x128xf32, #tpu.memory_space<vmem_shared>>
        tpu.enqueue_indirect_dma source(%dma_start3A_398 : memref<128x128xf32, #tpu.memory_space<vmem>>) target(%dma_start3A_403 : memref<10000x128xf32, #tpu.memory_space<vmem_shared>>) offsets(%dma_start3A_400 : memref<128xi32, #tpu.memory_space<vmem>>) semaphore(%run_scoped3A_394 : memref<!tpu.dma_semaphore, #tpu.memory_space<semaphore_mem>>) {add = true}
        %dma_wait3A_404 = arith.constant 0 : i32
        %dma_wait3A_405 = arith.constant 0 : i32
        %dma_wait3A_406 = tpu.memref_slice %arg7[%select_n3A_390, %dma_wait3A_404, %dma_wait3A_405] : memref<2x128x128xf32, #tpu.memory_space<vmem>> -> memref<1x128x128xf32, #tpu.memory_space<vmem>>
        %dma_wait3A_407 = tpu.memref_squeeze %dma_wait3A_406 : memref<1x128x128xf32, #tpu.memory_space<vmem>> -> memref<128x128xf32, #tpu.memory_space<vmem>>
        %dma_wait3A_408 = tpu.memref_slice %arg6[%run_scoped3A, %run_scoped3A_393, %mul3A_392] : memref<2x2x1664xi32, #tpu.memory_space<vmem>> -> memref<1x1x128xi32, #tpu.memory_space<vmem>>
        %dma_wait3A_409 = tpu.memref_squeeze %dma_wait3A_408 : memref<1x1x128xi32, #tpu.memory_space<vmem>> -> memref<128xi32, #tpu.memory_space<vmem>>
        %dma_wait3A_410 = arith.constant 0 : i32
        %dma_wait3A_411 = arith.constant 0 : i32
        %dma_wait3A_412 = tpu.memref_slice %arg10[%dma_wait3A_410, %dma_wait3A_411] : memref<10000x128xf32, #tpu.memory_space<vmem_shared>> -> memref<10000x128xf32, #tpu.memory_space<vmem_shared>>
        tpu.wait_indirect_dma semaphore(%run_scoped3A_394 : memref<!tpu.dma_semaphore, #tpu.memory_space<semaphore_mem>>) src(%dma_wait3A_407 : memref<128x128xf32, #tpu.memory_space<vmem>>) dst(%dma_wait3A_412 : memref<10000x128xf32, #tpu.memory_space<vmem_shared>>)
        tpu.yield
      }) : () -> ()
    }
    %scan3A_135 = arith.constant 13 : i32
    %add3A_136 = arith.constant 3328 : i32
    %add3A_137 = arith.addi %mul3A_6, %add3A_136 : i32
    %dma_start3A_138 = arith.constant 0 : i32
    %dma_start3A_139 = arith.constant 0 : i32
    %dma_start3A_140 = arith.constant 0 : i32
    %dma_start3A_141 = arith.constant 0 : i32
    %dma_start3A_142 = arith.constant 0 : i32
    %dma_start3A_143 = tpu.memref_slice %arg6[%dma_start3A_139, %dma_start3A_140, %dma_start3A_142] : memref<2x2x1664xi32, #tpu.memory_space<vmem>> -> memref<1x1x1664xi32, #tpu.memory_space<vmem>>
    %dma_start3A_144 = tpu.memref_squeeze %dma_start3A_143 : memref<1x1x1664xi32, #tpu.memory_space<vmem>> -> memref<1664xi32, #tpu.memory_space<vmem>>
    %dma_start3A_145 = tpu.memref_slice %arg2[%dma_start3A_138, %add3A_137] : memref<2x320000xi32, #tpu.memory_space<hbm>> -> memref<1x1664xi32, #tpu.memory_space<hbm>>
    %dma_start3A_146 = tpu.memref_squeeze %dma_start3A_145 : memref<1x1664xi32, #tpu.memory_space<hbm>> -> memref<1664xi32, #tpu.memory_space<hbm>>
    %dma_start3A_147 = tpu.memref_slice %arg9[%dma_start3A_141] : memref<2x!tpu.dma_semaphore, #tpu.memory_space<semaphore_mem>> -> memref<1x!tpu.dma_semaphore, #tpu.memory_space<semaphore_mem>>
    %dma_start3A_148 = tpu.memref_squeeze %dma_start3A_147 : memref<1x!tpu.dma_semaphore, #tpu.memory_space<semaphore_mem>> -> memref<!tpu.dma_semaphore, #tpu.memory_space<semaphore_mem>>
    %dma_start3A_149 = arith.constant 0 : i32
    %dma_start3A_150 = tpu.memref_slice %arg6[%dma_start3A_139, %dma_start3A_140, %dma_start3A_149] : memref<2x2x1664xi32, #tpu.memory_space<vmem>> -> memref<1x1x1664xi32, #tpu.memory_space<vmem>>
    %dma_start3A_151 = tpu.memref_squeeze %dma_start3A_150 : memref<1x1x1664xi32, #tpu.memory_space<vmem>> -> memref<1664xi32, #tpu.memory_space<vmem>>
    %dma_start3A_152 = tpu.memref_slice %arg2[%dma_start3A_138, %add3A_137] : memref<2x320000xi32, #tpu.memory_space<hbm>> -> memref<1x1664xi32, #tpu.memory_space<hbm>>
    %dma_start3A_153 = tpu.memref_squeeze %dma_start3A_152 : memref<1x1664xi32, #tpu.memory_space<hbm>> -> memref<1664xi32, #tpu.memory_space<hbm>>
    tpu.enqueue_dma source(%dma_start3A_153 : memref<1664xi32, #tpu.memory_space<hbm>>) target(%dma_start3A_151 : memref<1664xi32, #tpu.memory_space<vmem>>) target_semaphore(%dma_start3A_148 : memref<!tpu.dma_semaphore, #tpu.memory_space<semaphore_mem>>)
    %add3A_154 = arith.constant 3328 : i32
    %add3A_155 = arith.addi %mul3A_6, %add3A_154 : i32
    %dma_start3A_156 = arith.constant 1 : i32
    %dma_start3A_157 = arith.constant 0 : i32
    %dma_start3A_158 = arith.constant 1 : i32
    %dma_start3A_159 = arith.constant 0 : i32
    %dma_start3A_160 = arith.constant 0 : i32
    %dma_start3A_161 = tpu.memref_slice %arg6[%dma_start3A_157, %dma_start3A_158, %dma_start3A_160] : memref<2x2x1664xi32, #tpu.memory_space<vmem>> -> memref<1x1x1664xi32, #tpu.memory_space<vmem>>
    %dma_start3A_162 = tpu.memref_squeeze %dma_start3A_161 : memref<1x1x1664xi32, #tpu.memory_space<vmem>> -> memref<1664xi32, #tpu.memory_space<vmem>>
    %dma_start3A_163 = tpu.memref_slice %arg2[%dma_start3A_156, %add3A_155] : memref<2x320000xi32, #tpu.memory_space<hbm>> -> memref<1x1664xi32, #tpu.memory_space<hbm>>
    %dma_start3A_164 = tpu.memref_squeeze %dma_start3A_163 : memref<1x1664xi32, #tpu.memory_space<hbm>> -> memref<1664xi32, #tpu.memory_space<hbm>>
    %dma_start3A_165 = tpu.memref_slice %arg9[%dma_start3A_159] : memref<2x!tpu.dma_semaphore, #tpu.memory_space<semaphore_mem>> -> memref<1x!tpu.dma_semaphore, #tpu.memory_space<semaphore_mem>>
    %dma_start3A_166 = tpu.memref_squeeze %dma_start3A_165 : memref<1x!tpu.dma_semaphore, #tpu.memory_space<semaphore_mem>> -> memref<!tpu.dma_semaphore, #tpu.memory_space<semaphore_mem>>
    %dma_start3A_167 = arith.constant 0 : i32
    %dma_start3A_168 = tpu.memref_slice %arg6[%dma_start3A_157, %dma_start3A_158, %dma_start3A_167] : memref<2x2x1664xi32, #tpu.memory_space<vmem>> -> memref<1x1x1664xi32, #tpu.memory_space<vmem>>
    %dma_start3A_169 = tpu.memref_squeeze %dma_start3A_168 : memref<1x1x1664xi32, #tpu.memory_space<vmem>> -> memref<1664xi32, #tpu.memory_space<vmem>>
    %dma_start3A_170 = tpu.memref_slice %arg2[%dma_start3A_156, %add3A_155] : memref<2x320000xi32, #tpu.memory_space<hbm>> -> memref<1x1664xi32, #tpu.memory_space<hbm>>
    %dma_start3A_171 = tpu.memref_squeeze %dma_start3A_170 : memref<1x1664xi32, #tpu.memory_space<hbm>> -> memref<1664xi32, #tpu.memory_space<hbm>>
    tpu.enqueue_dma source(%dma_start3A_171 : memref<1664xi32, #tpu.memory_space<hbm>>) target(%dma_start3A_169 : memref<1664xi32, #tpu.memory_space<vmem>>) target_semaphore(%dma_start3A_166 : memref<!tpu.dma_semaphore, #tpu.memory_space<semaphore_mem>>)
    %scan3A_172 = arith.constant 0 : i32
    %scan3A_173 = arith.constant 0 : i32
    %scan3A_174 = arith.constant 13 : i32
    %scan3A_175 = arith.addi %scan3A_173, %scan3A_174 : i32
    %scan3A_176 = arith.constant 1 : i32
    scf.for %scan3A_320 = %scan3A_173 to %scan3A_175 step %scan3A_176  : i32 {
      %add3A_321 = arith.constant 13 : i32
      %add3A_322 = arith.addi %add3A_321, %scan3A_320 : i32
      %lt3A_323 = arith.constant 12 : i32
      %lt3A_324 = arith.cmpi slt, %scan3A_320, %lt3A_323 : i32
      %convert_element_type3A_325 = arith.extui %lt3A_324 : i1 to i32
      %cond3A_326 = arith.constant 0 : i32
      %cond3A_327 = arith.cmpi ne, %convert_element_type3A_325, %cond3A_326 : i32
      scf.if %cond3A_327 {
        %add3A_394 = arith.constant 1 : i32
        %add3A_395 = arith.addi %scan3A_320, %add3A_394 : i32
        %add3A_396 = arith.constant 1 : i32
        %add3A_397 = arith.addi %add3A_322, %add3A_396 : i32
        %mul3A_398 = arith.constant 128 : i32
        %mul3A_399 = arith.muli %add3A_395, %mul3A_398 : i32
        %jit3A_400 = arith.constant 2 : i32
        %eq3A_401 = arith.constant 0 : i32
        %eq3A_402 = arith.cmpi eq, %jit3A_400, %eq3A_401 : i32
        %jit3A_403 = arith.constant 1 : i32
        %select_n3A_404 = arith.select %eq3A_402, %jit3A_403, %jit3A_400 : i32
        %rem3A_405 = arith.remsi %add3A_397, %select_n3A_404 : i32
        %ne3A_406 = arith.constant 0 : i32
        %ne3A_407 = arith.cmpi ne, %rem3A_405, %ne3A_406 : i32
        %lt3A_408 = arith.constant 0 : i32
        %lt3A_409 = arith.cmpi slt, %rem3A_405, %lt3A_408 : i32
        %lt3A_410 = arith.constant 0 : i32
        %lt3A_411 = arith.cmpi slt, %select_n3A_404, %lt3A_410 : i32
        %ne3A_412 = arith.xori %lt3A_409, %lt3A_411 : i1
        %and3A_413 = arith.andi %ne3A_412, %ne3A_407 : i1
        %add3A_414 = arith.addi %rem3A_405, %select_n3A_404 : i32
        %select_n3A_415 = arith.select %and3A_413, %add3A_414, %rem3A_405 : i32
        %jit3A_416 = arith.constant 2 : i32
        %eq3A_417 = arith.constant 0 : i32
        %eq3A_418 = arith.cmpi eq, %jit3A_416, %eq3A_417 : i32
        %jit3A_419 = arith.constant 1 : i32
        %select_n3A_420 = arith.select %eq3A_418, %jit3A_419, %jit3A_416 : i32
        %rem3A_421 = arith.remsi %add3A_397, %select_n3A_420 : i32
        %ne3A_422 = arith.constant 0 : i32
        %ne3A_423 = arith.cmpi ne, %rem3A_421, %ne3A_422 : i32
        %lt3A_424 = arith.constant 0 : i32
        %lt3A_425 = arith.cmpi slt, %rem3A_421, %lt3A_424 : i32
        %lt3A_426 = arith.constant 0 : i32
        %lt3A_427 = arith.cmpi slt, %select_n3A_420, %lt3A_426 : i32
        %ne3A_428 = arith.xori %lt3A_425, %lt3A_427 : i1
        %and3A_429 = arith.andi %ne3A_428, %ne3A_423 : i1
        %add3A_430 = arith.addi %rem3A_421, %select_n3A_420 : i32
        %select_n3A_431 = arith.select %and3A_429, %add3A_430, %rem3A_421 : i32
        %dma_start3A_432 = arith.constant 1 : i32
        %dma_start3A_433 = arith.constant 0 : i32
        %dma_start3A_434 = arith.constant 0 : i32
        %dma_start3A_435 = arith.constant 0 : i32
        %dma_start3A_436 = tpu.memref_slice %arg7[%select_n3A_415, %dma_start3A_434, %dma_start3A_435] : memref<2x128x128xf32, #tpu.memory_space<vmem>> -> memref<1x128x128xf32, #tpu.memory_space<vmem>>
        %dma_start3A_437 = tpu.memref_squeeze %dma_start3A_436 : memref<1x128x128xf32, #tpu.memory_space<vmem>> -> memref<128x128xf32, #tpu.memory_space<vmem>>
        %dma_start3A_438 = tpu.memref_slice %arg6[%dma_start3A_432, %dma_start3A_433, %mul3A_399] : memref<2x2x1664xi32, #tpu.memory_space<vmem>> -> memref<1x1x128xi32, #tpu.memory_space<vmem>>
        %dma_start3A_439 = tpu.memref_squeeze %dma_start3A_438 : memref<1x1x128xi32, #tpu.memory_space<vmem>> -> memref<128xi32, #tpu.memory_space<vmem>>
        %dma_start3A_440 = arith.constant 0 : i32
        %dma_start3A_441 = arith.constant 0 : i32
        %dma_start3A_442 = tpu.memref_slice %arg3[%dma_start3A_440, %dma_start3A_441] : memref<10000x128xf32, #tpu.memory_space<hbm>> -> memref<10000x128xf32, #tpu.memory_space<hbm>>
        %dma_start3A_443 = tpu.memref_slice %arg8[%select_n3A_431] : memref<2x!tpu.dma_semaphore, #tpu.memory_space<semaphore_mem>> -> memref<1x!tpu.dma_semaphore, #tpu.memory_space<semaphore_mem>>
        %dma_start3A_444 = tpu.memref_squeeze %dma_start3A_443 : memref<1x!tpu.dma_semaphore, #tpu.memory_space<semaphore_mem>> -> memref<!tpu.dma_semaphore, #tpu.memory_space<semaphore_mem>>
        tpu.enqueue_indirect_dma source(%dma_start3A_442 : memref<10000x128xf32, #tpu.memory_space<hbm>>) target(%dma_start3A_437 : memref<128x128xf32, #tpu.memory_space<vmem>>) offsets(%dma_start3A_439 : memref<128xi32, #tpu.memory_space<vmem>>) semaphore(%dma_start3A_444 : memref<!tpu.dma_semaphore, #tpu.memory_space<semaphore_mem>>)
      } else {
      }
      %eq3A_328 = arith.constant 12 : i32
      %eq3A_329 = arith.cmpi eq, %scan3A_320, %eq3A_328 : i32
      %convert_element_type3A_330 = arith.extui %eq3A_329 : i1 to i32
      %cond3A_331 = arith.constant 0 : i32
      %cond3A_332 = arith.cmpi ne, %convert_element_type3A_330, %cond3A_331 : i32
      scf.if %cond3A_332 {
        %add3A_394 = arith.constant 3328 : i32
        %add3A_395 = arith.addi %mul3A_6, %add3A_394 : i32
        %dma_wait3A_396 = arith.constant 0 : i32
        %dma_wait3A_397 = arith.constant 0 : i32
        %dma_wait3A_398 = arith.constant 0 : i32
        %dma_wait3A_399 = arith.constant 0 : i32
        %dma_wait3A_400 = arith.constant 0 : i32
        %dma_wait3A_401 = tpu.memref_slice %arg6[%dma_wait3A_397, %dma_wait3A_398, %dma_wait3A_400] : memref<2x2x1664xi32, #tpu.memory_space<vmem>> -> memref<1x1x1664xi32, #tpu.memory_space<vmem>>
        %dma_wait3A_402 = tpu.memref_squeeze %dma_wait3A_401 : memref<1x1x1664xi32, #tpu.memory_space<vmem>> -> memref<1664xi32, #tpu.memory_space<vmem>>
        %dma_wait3A_403 = tpu.memref_slice %arg2[%dma_wait3A_396, %add3A_395] : memref<2x320000xi32, #tpu.memory_space<hbm>> -> memref<1x1664xi32, #tpu.memory_space<hbm>>
        %dma_wait3A_404 = tpu.memref_squeeze %dma_wait3A_403 : memref<1x1664xi32, #tpu.memory_space<hbm>> -> memref<1664xi32, #tpu.memory_space<hbm>>
        %dma_wait3A_405 = tpu.memref_slice %arg9[%dma_wait3A_399] : memref<2x!tpu.dma_semaphore, #tpu.memory_space<semaphore_mem>> -> memref<1x!tpu.dma_semaphore, #tpu.memory_space<semaphore_mem>>
        %dma_wait3A_406 = tpu.memref_squeeze %dma_wait3A_405 : memref<1x!tpu.dma_semaphore, #tpu.memory_space<semaphore_mem>> -> memref<!tpu.dma_semaphore, #tpu.memory_space<semaphore_mem>>
        %dma_wait3A_407 = arith.constant 0 : i32
        %dma_wait3A_408 = tpu.memref_slice %arg6[%dma_wait3A_397, %dma_wait3A_398, %dma_wait3A_407] : memref<2x2x1664xi32, #tpu.memory_space<vmem>> -> memref<1x1x1664xi32, #tpu.memory_space<vmem>>
        %dma_wait3A_409 = tpu.memref_squeeze %dma_wait3A_408 : memref<1x1x1664xi32, #tpu.memory_space<vmem>> -> memref<1664xi32, #tpu.memory_space<vmem>>
        %dma_wait3A_410 = tpu.memref_slice %arg2[%dma_wait3A_396, %add3A_395] : memref<2x320000xi32, #tpu.memory_space<hbm>> -> memref<1x1664xi32, #tpu.memory_space<hbm>>
        %dma_wait3A_411 = tpu.memref_squeeze %dma_wait3A_410 : memref<1x1664xi32, #tpu.memory_space<hbm>> -> memref<1664xi32, #tpu.memory_space<hbm>>
        tpu.wait_dma2 semaphore(%dma_wait3A_406 : memref<!tpu.dma_semaphore, #tpu.memory_space<semaphore_mem>>) src(%dma_wait3A_411 : memref<1664xi32, #tpu.memory_space<hbm>>) dst(%dma_wait3A_409 : memref<1664xi32, #tpu.memory_space<vmem>>)
        %add3A_412 = arith.constant 3328 : i32
        %add3A_413 = arith.addi %mul3A_6, %add3A_412 : i32
        %dma_wait3A_414 = arith.constant 1 : i32
        %dma_wait3A_415 = arith.constant 0 : i32
        %dma_wait3A_416 = arith.constant 1 : i32
        %dma_wait3A_417 = arith.constant 0 : i32
        %dma_wait3A_418 = arith.constant 0 : i32
        %dma_wait3A_419 = tpu.memref_slice %arg6[%dma_wait3A_415, %dma_wait3A_416, %dma_wait3A_418] : memref<2x2x1664xi32, #tpu.memory_space<vmem>> -> memref<1x1x1664xi32, #tpu.memory_space<vmem>>
        %dma_wait3A_420 = tpu.memref_squeeze %dma_wait3A_419 : memref<1x1x1664xi32, #tpu.memory_space<vmem>> -> memref<1664xi32, #tpu.memory_space<vmem>>
        %dma_wait3A_421 = tpu.memref_slice %arg2[%dma_wait3A_414, %add3A_413] : memref<2x320000xi32, #tpu.memory_space<hbm>> -> memref<1x1664xi32, #tpu.memory_space<hbm>>
        %dma_wait3A_422 = tpu.memref_squeeze %dma_wait3A_421 : memref<1x1664xi32, #tpu.memory_space<hbm>> -> memref<1664xi32, #tpu.memory_space<hbm>>
        %dma_wait3A_423 = tpu.memref_slice %arg9[%dma_wait3A_417] : memref<2x!tpu.dma_semaphore, #tpu.memory_space<semaphore_mem>> -> memref<1x!tpu.dma_semaphore, #tpu.memory_space<semaphore_mem>>
        %dma_wait3A_424 = tpu.memref_squeeze %dma_wait3A_423 : memref<1x!tpu.dma_semaphore, #tpu.memory_space<semaphore_mem>> -> memref<!tpu.dma_semaphore, #tpu.memory_space<semaphore_mem>>
        %dma_wait3A_425 = arith.constant 0 : i32
        %dma_wait3A_426 = tpu.memref_slice %arg6[%dma_wait3A_415, %dma_wait3A_416, %dma_wait3A_425] : memref<2x2x1664xi32, #tpu.memory_space<vmem>> -> memref<1x1x1664xi32, #tpu.memory_space<vmem>>
        %dma_wait3A_427 = tpu.memref_squeeze %dma_wait3A_426 : memref<1x1x1664xi32, #tpu.memory_space<vmem>> -> memref<1664xi32, #tpu.memory_space<vmem>>
        %dma_wait3A_428 = tpu.memref_slice %arg2[%dma_wait3A_414, %add3A_413] : memref<2x320000xi32, #tpu.memory_space<hbm>> -> memref<1x1664xi32, #tpu.memory_space<hbm>>
        %dma_wait3A_429 = tpu.memref_squeeze %dma_wait3A_428 : memref<1x1664xi32, #tpu.memory_space<hbm>> -> memref<1664xi32, #tpu.memory_space<hbm>>
        tpu.wait_dma2 semaphore(%dma_wait3A_424 : memref<!tpu.dma_semaphore, #tpu.memory_space<semaphore_mem>>) src(%dma_wait3A_429 : memref<1664xi32, #tpu.memory_space<hbm>>) dst(%dma_wait3A_427 : memref<1664xi32, #tpu.memory_space<vmem>>)
        %add3A_430 = arith.constant 1 : i32
        %add3A_431 = arith.addi %add3A_322, %add3A_430 : i32
        %jit3A_432 = arith.constant 2 : i32
        %eq3A_433 = arith.constant 0 : i32
        %eq3A_434 = arith.cmpi eq, %jit3A_432, %eq3A_433 : i32
        %jit3A_435 = arith.constant 1 : i32
        %select_n3A_436 = arith.select %eq3A_434, %jit3A_435, %jit3A_432 : i32
        %rem3A_437 = arith.remsi %add3A_431, %select_n3A_436 : i32
        %ne3A_438 = arith.constant 0 : i32
        %ne3A_439 = arith.cmpi ne, %rem3A_437, %ne3A_438 : i32
        %lt3A_440 = arith.constant 0 : i32
        %lt3A_441 = arith.cmpi slt, %rem3A_437, %lt3A_440 : i32
        %lt3A_442 = arith.constant 0 : i32
        %lt3A_443 = arith.cmpi slt, %select_n3A_436, %lt3A_442 : i32
        %ne3A_444 = arith.xori %lt3A_441, %lt3A_443 : i1
        %and3A_445 = arith.andi %ne3A_444, %ne3A_439 : i1
        %add3A_446 = arith.addi %rem3A_437, %select_n3A_436 : i32
        %select_n3A_447 = arith.select %and3A_445, %add3A_446, %rem3A_437 : i32
        %jit3A_448 = arith.constant 2 : i32
        %eq3A_449 = arith.constant 0 : i32
        %eq3A_450 = arith.cmpi eq, %jit3A_448, %eq3A_449 : i32
        %jit3A_451 = arith.constant 1 : i32
        %select_n3A_452 = arith.select %eq3A_450, %jit3A_451, %jit3A_448 : i32
        %rem3A_453 = arith.remsi %add3A_431, %select_n3A_452 : i32
        %ne3A_454 = arith.constant 0 : i32
        %ne3A_455 = arith.cmpi ne, %rem3A_453, %ne3A_454 : i32
        %lt3A_456 = arith.constant 0 : i32
        %lt3A_457 = arith.cmpi slt, %rem3A_453, %lt3A_456 : i32
        %lt3A_458 = arith.constant 0 : i32
        %lt3A_459 = arith.cmpi slt, %select_n3A_452, %lt3A_458 : i32
        %ne3A_460 = arith.xori %lt3A_457, %lt3A_459 : i1
        %and3A_461 = arith.andi %ne3A_460, %ne3A_455 : i1
        %add3A_462 = arith.addi %rem3A_453, %select_n3A_452 : i32
        %select_n3A_463 = arith.select %and3A_461, %add3A_462, %rem3A_453 : i32
        %dma_start3A_464 = arith.constant 0 : i32
        %dma_start3A_465 = arith.constant 0 : i32
        %dma_start3A_466 = arith.constant 0 : i32
        %dma_start3A_467 = arith.constant 0 : i32
        %dma_start3A_468 = tpu.memref_slice %arg7[%select_n3A_447, %dma_start3A_466, %dma_start3A_467] : memref<2x128x128xf32, #tpu.memory_space<vmem>> -> memref<1x128x128xf32, #tpu.memory_space<vmem>>
        %dma_start3A_469 = tpu.memref_squeeze %dma_start3A_468 : memref<1x128x128xf32, #tpu.memory_space<vmem>> -> memref<128x128xf32, #tpu.memory_space<vmem>>
        %dma_start3A_470 = arith.constant 0 : i32
        %dma_start3A_471 = tpu.memref_slice %arg6[%dma_start3A_464, %dma_start3A_465, %dma_start3A_470] : memref<2x2x1664xi32, #tpu.memory_space<vmem>> -> memref<1x1x128xi32, #tpu.memory_space<vmem>>
        %dma_start3A_472 = tpu.memref_squeeze %dma_start3A_471 : memref<1x1x128xi32, #tpu.memory_space<vmem>> -> memref<128xi32, #tpu.memory_space<vmem>>
        %dma_start3A_473 = arith.constant 0 : i32
        %dma_start3A_474 = arith.constant 0 : i32
        %dma_start3A_475 = tpu.memref_slice %arg3[%dma_start3A_473, %dma_start3A_474] : memref<10000x128xf32, #tpu.memory_space<hbm>> -> memref<10000x128xf32, #tpu.memory_space<hbm>>
        %dma_start3A_476 = tpu.memref_slice %arg8[%select_n3A_463] : memref<2x!tpu.dma_semaphore, #tpu.memory_space<semaphore_mem>> -> memref<1x!tpu.dma_semaphore, #tpu.memory_space<semaphore_mem>>
        %dma_start3A_477 = tpu.memref_squeeze %dma_start3A_476 : memref<1x!tpu.dma_semaphore, #tpu.memory_space<semaphore_mem>> -> memref<!tpu.dma_semaphore, #tpu.memory_space<semaphore_mem>>
        tpu.enqueue_indirect_dma source(%dma_start3A_475 : memref<10000x128xf32, #tpu.memory_space<hbm>>) target(%dma_start3A_469 : memref<128x128xf32, #tpu.memory_space<vmem>>) offsets(%dma_start3A_472 : memref<128xi32, #tpu.memory_space<vmem>>) semaphore(%dma_start3A_477 : memref<!tpu.dma_semaphore, #tpu.memory_space<semaphore_mem>>)
      } else {
      }
      %mul3A_333 = arith.constant 128 : i32
      %mul3A_334 = arith.muli %scan3A_320, %mul3A_333 : i32
      %jit3A = arith.constant 2 : i32
      %eq3A_335 = arith.constant 0 : i32
      %eq3A_336 = arith.cmpi eq, %jit3A, %eq3A_335 : i32
      %jit3A_337 = arith.constant 1 : i32
      %select_n3A = arith.select %eq3A_336, %jit3A_337, %jit3A : i32
      %rem3A = arith.remsi %add3A_322, %select_n3A : i32
      %ne3A = arith.constant 0 : i32
      %ne3A_338 = arith.cmpi ne, %rem3A, %ne3A : i32
      %lt3A_339 = arith.constant 0 : i32
      %lt3A_340 = arith.cmpi slt, %rem3A, %lt3A_339 : i32
      %lt3A_341 = arith.constant 0 : i32
      %lt3A_342 = arith.cmpi slt, %select_n3A, %lt3A_341 : i32
      %ne3A_343 = arith.xori %lt3A_340, %lt3A_342 : i1
      %and3A = arith.andi %ne3A_343, %ne3A_338 : i1
      %add3A_344 = arith.addi %rem3A, %select_n3A : i32
      %select_n3A_345 = arith.select %and3A, %add3A_344, %rem3A : i32
      %jit3A_346 = arith.constant 2 : i32
      %eq3A_347 = arith.constant 0 : i32
      %eq3A_348 = arith.cmpi eq, %jit3A_346, %eq3A_347 : i32
      %jit3A_349 = arith.constant 1 : i32
      %select_n3A_350 = arith.select %eq3A_348, %jit3A_349, %jit3A_346 : i32
      %rem3A_351 = arith.remsi %add3A_322, %select_n3A_350 : i32
      %ne3A_352 = arith.constant 0 : i32
      %ne3A_353 = arith.cmpi ne, %rem3A_351, %ne3A_352 : i32
      %lt3A_354 = arith.constant 0 : i32
      %lt3A_355 = arith.cmpi slt, %rem3A_351, %lt3A_354 : i32
      %lt3A_356 = arith.constant 0 : i32
      %lt3A_357 = arith.cmpi slt, %select_n3A_350, %lt3A_356 : i32
      %ne3A_358 = arith.xori %lt3A_355, %lt3A_357 : i1
      %and3A_359 = arith.andi %ne3A_358, %ne3A_353 : i1
      %add3A_360 = arith.addi %rem3A_351, %select_n3A_350 : i32
      %select_n3A_361 = arith.select %and3A_359, %add3A_360, %rem3A_351 : i32
      %dma_wait3A_362 = arith.constant 1 : i32
      %dma_wait3A_363 = arith.constant 0 : i32
      %dma_wait3A_364 = arith.constant 0 : i32
      %dma_wait3A_365 = arith.constant 0 : i32
      %dma_wait3A_366 = tpu.memref_slice %arg7[%select_n3A_345, %dma_wait3A_364, %dma_wait3A_365] : memref<2x128x128xf32, #tpu.memory_space<vmem>> -> memref<1x128x128xf32, #tpu.memory_space<vmem>>
      %dma_wait3A_367 = tpu.memref_squeeze %dma_wait3A_366 : memref<1x128x128xf32, #tpu.memory_space<vmem>> -> memref<128x128xf32, #tpu.memory_space<vmem>>
      %dma_wait3A_368 = tpu.memref_slice %arg6[%dma_wait3A_362, %dma_wait3A_363, %mul3A_334] : memref<2x2x1664xi32, #tpu.memory_space<vmem>> -> memref<1x1x128xi32, #tpu.memory_space<vmem>>
      %dma_wait3A_369 = tpu.memref_squeeze %dma_wait3A_368 : memref<1x1x128xi32, #tpu.memory_space<vmem>> -> memref<128xi32, #tpu.memory_space<vmem>>
      %dma_wait3A_370 = arith.constant 0 : i32
      %dma_wait3A_371 = arith.constant 0 : i32
      %dma_wait3A_372 = tpu.memref_slice %arg3[%dma_wait3A_370, %dma_wait3A_371] : memref<10000x128xf32, #tpu.memory_space<hbm>> -> memref<10000x128xf32, #tpu.memory_space<hbm>>
      %dma_wait3A_373 = tpu.memref_slice %arg8[%select_n3A_361] : memref<2x!tpu.dma_semaphore, #tpu.memory_space<semaphore_mem>> -> memref<1x!tpu.dma_semaphore, #tpu.memory_space<semaphore_mem>>
      %dma_wait3A_374 = tpu.memref_squeeze %dma_wait3A_373 : memref<1x!tpu.dma_semaphore, #tpu.memory_space<semaphore_mem>> -> memref<!tpu.dma_semaphore, #tpu.memory_space<semaphore_mem>>
      tpu.wait_indirect_dma semaphore(%dma_wait3A_374 : memref<!tpu.dma_semaphore, #tpu.memory_space<semaphore_mem>>) src(%dma_wait3A_372 : memref<10000x128xf32, #tpu.memory_space<hbm>>) dst(%dma_wait3A_367 : memref<128x128xf32, #tpu.memory_space<vmem>>)
      %jit3A_375 = arith.constant 2 : i32
      %eq3A_376 = arith.constant 0 : i32
      %eq3A_377 = arith.cmpi eq, %jit3A_375, %eq3A_376 : i32
      %jit3A_378 = arith.constant 1 : i32
      %select_n3A_379 = arith.select %eq3A_377, %jit3A_378, %jit3A_375 : i32
      %rem3A_380 = arith.remsi %add3A_322, %select_n3A_379 : i32
      %ne3A_381 = arith.constant 0 : i32
      %ne3A_382 = arith.cmpi ne, %rem3A_380, %ne3A_381 : i32
      %lt3A_383 = arith.constant 0 : i32
      %lt3A_384 = arith.cmpi slt, %rem3A_380, %lt3A_383 : i32
      %lt3A_385 = arith.constant 0 : i32
      %lt3A_386 = arith.cmpi slt, %select_n3A_379, %lt3A_385 : i32
      %ne3A_387 = arith.xori %lt3A_384, %lt3A_386 : i1
      %and3A_388 = arith.andi %ne3A_387, %ne3A_382 : i1
      %add3A_389 = arith.addi %rem3A_380, %select_n3A_379 : i32
      %select_n3A_390 = arith.select %and3A_388, %add3A_389, %rem3A_380 : i32
      %mul3A_391 = arith.constant 128 : i32
      %mul3A_392 = arith.muli %scan3A_320, %mul3A_391 : i32
      %run_scoped3A = arith.constant 1 : i32
      %run_scoped3A_393 = arith.constant 1 : i32
      "tpu.region"() ({
        %run_scoped3A_394 = tpu.sem_alloc : memref<!tpu.dma_semaphore, #tpu.memory_space<semaphore_mem>>
        %dma_start3A_395 = arith.constant 0 : i32
        %dma_start3A_396 = arith.constant 0 : i32
        %dma_start3A_397 = tpu.memref_slice %arg7[%select_n3A_390, %dma_start3A_395, %dma_start3A_396] : memref<2x128x128xf32, #tpu.memory_space<vmem>> -> memref<1x128x128xf32, #tpu.memory_space<vmem>>
        %dma_start3A_398 = tpu.memref_squeeze %dma_start3A_397 : memref<1x128x128xf32, #tpu.memory_space<vmem>> -> memref<128x128xf32, #tpu.memory_space<vmem>>
        %dma_start3A_399 = tpu.memref_slice %arg6[%run_scoped3A, %run_scoped3A_393, %mul3A_392] : memref<2x2x1664xi32, #tpu.memory_space<vmem>> -> memref<1x1x128xi32, #tpu.memory_space<vmem>>
        %dma_start3A_400 = tpu.memref_squeeze %dma_start3A_399 : memref<1x1x128xi32, #tpu.memory_space<vmem>> -> memref<128xi32, #tpu.memory_space<vmem>>
        %dma_start3A_401 = arith.constant 0 : i32
        %dma_start3A_402 = arith.constant 0 : i32
        %dma_start3A_403 = tpu.memref_slice %arg10[%dma_start3A_401, %dma_start3A_402] : memref<10000x128xf32, #tpu.memory_space<vmem_shared>> -> memref<10000x128xf32, #tpu.memory_space<vmem_shared>>
        tpu.enqueue_indirect_dma source(%dma_start3A_398 : memref<128x128xf32, #tpu.memory_space<vmem>>) target(%dma_start3A_403 : memref<10000x128xf32, #tpu.memory_space<vmem_shared>>) offsets(%dma_start3A_400 : memref<128xi32, #tpu.memory_space<vmem>>) semaphore(%run_scoped3A_394 : memref<!tpu.dma_semaphore, #tpu.memory_space<semaphore_mem>>) {add = true}
        %dma_wait3A_404 = arith.constant 0 : i32
        %dma_wait3A_405 = arith.constant 0 : i32
        %dma_wait3A_406 = tpu.memref_slice %arg7[%select_n3A_390, %dma_wait3A_404, %dma_wait3A_405] : memref<2x128x128xf32, #tpu.memory_space<vmem>> -> memref<1x128x128xf32, #tpu.memory_space<vmem>>
        %dma_wait3A_407 = tpu.memref_squeeze %dma_wait3A_406 : memref<1x128x128xf32, #tpu.memory_space<vmem>> -> memref<128x128xf32, #tpu.memory_space<vmem>>
        %dma_wait3A_408 = tpu.memref_slice %arg6[%run_scoped3A, %run_scoped3A_393, %mul3A_392] : memref<2x2x1664xi32, #tpu.memory_space<vmem>> -> memref<1x1x128xi32, #tpu.memory_space<vmem>>
        %dma_wait3A_409 = tpu.memref_squeeze %dma_wait3A_408 : memref<1x1x128xi32, #tpu.memory_space<vmem>> -> memref<128xi32, #tpu.memory_space<vmem>>
        %dma_wait3A_410 = arith.constant 0 : i32
        %dma_wait3A_411 = arith.constant 0 : i32
        %dma_wait3A_412 = tpu.memref_slice %arg10[%dma_wait3A_410, %dma_wait3A_411] : memref<10000x128xf32, #tpu.memory_space<vmem_shared>> -> memref<10000x128xf32, #tpu.memory_space<vmem_shared>>
        tpu.wait_indirect_dma semaphore(%run_scoped3A_394 : memref<!tpu.dma_semaphore, #tpu.memory_space<semaphore_mem>>) src(%dma_wait3A_407 : memref<128x128xf32, #tpu.memory_space<vmem>>) dst(%dma_wait3A_412 : memref<10000x128xf32, #tpu.memory_space<vmem_shared>>)
        tpu.yield
      }) : () -> ()
    }
    %scan3A_177 = arith.constant 13 : i32
    %add3A_178 = arith.constant 4992 : i32
    %add3A_179 = arith.addi %mul3A_6, %add3A_178 : i32
    %dma_start3A_180 = arith.constant 0 : i32
    %dma_start3A_181 = arith.constant 1 : i32
    %dma_start3A_182 = arith.constant 0 : i32
    %dma_start3A_183 = arith.constant 1 : i32
    %dma_start3A_184 = arith.constant 0 : i32
    %dma_start3A_185 = tpu.memref_slice %arg6[%dma_start3A_181, %dma_start3A_182, %dma_start3A_184] : memref<2x2x1664xi32, #tpu.memory_space<vmem>> -> memref<1x1x1664xi32, #tpu.memory_space<vmem>>
    %dma_start3A_186 = tpu.memref_squeeze %dma_start3A_185 : memref<1x1x1664xi32, #tpu.memory_space<vmem>> -> memref<1664xi32, #tpu.memory_space<vmem>>
    %dma_start3A_187 = tpu.memref_slice %arg2[%dma_start3A_180, %add3A_179] : memref<2x320000xi32, #tpu.memory_space<hbm>> -> memref<1x1664xi32, #tpu.memory_space<hbm>>
    %dma_start3A_188 = tpu.memref_squeeze %dma_start3A_187 : memref<1x1664xi32, #tpu.memory_space<hbm>> -> memref<1664xi32, #tpu.memory_space<hbm>>
    %dma_start3A_189 = tpu.memref_slice %arg9[%dma_start3A_183] : memref<2x!tpu.dma_semaphore, #tpu.memory_space<semaphore_mem>> -> memref<1x!tpu.dma_semaphore, #tpu.memory_space<semaphore_mem>>
    %dma_start3A_190 = tpu.memref_squeeze %dma_start3A_189 : memref<1x!tpu.dma_semaphore, #tpu.memory_space<semaphore_mem>> -> memref<!tpu.dma_semaphore, #tpu.memory_space<semaphore_mem>>
    %dma_start3A_191 = arith.constant 0 : i32
    %dma_start3A_192 = tpu.memref_slice %arg6[%dma_start3A_181, %dma_start3A_182, %dma_start3A_191] : memref<2x2x1664xi32, #tpu.memory_space<vmem>> -> memref<1x1x1664xi32, #tpu.memory_space<vmem>>
    %dma_start3A_193 = tpu.memref_squeeze %dma_start3A_192 : memref<1x1x1664xi32, #tpu.memory_space<vmem>> -> memref<1664xi32, #tpu.memory_space<vmem>>
    %dma_start3A_194 = tpu.memref_slice %arg2[%dma_start3A_180, %add3A_179] : memref<2x320000xi32, #tpu.memory_space<hbm>> -> memref<1x1664xi32, #tpu.memory_space<hbm>>
    %dma_start3A_195 = tpu.memref_squeeze %dma_start3A_194 : memref<1x1664xi32, #tpu.memory_space<hbm>> -> memref<1664xi32, #tpu.memory_space<hbm>>
    tpu.enqueue_dma source(%dma_start3A_195 : memref<1664xi32, #tpu.memory_space<hbm>>) target(%dma_start3A_193 : memref<1664xi32, #tpu.memory_space<vmem>>) target_semaphore(%dma_start3A_190 : memref<!tpu.dma_semaphore, #tpu.memory_space<semaphore_mem>>)
    %add3A_196 = arith.constant 4992 : i32
    %add3A_197 = arith.addi %mul3A_6, %add3A_196 : i32
    %dma_start3A_198 = arith.constant 1 : i32
    %dma_start3A_199 = arith.constant 1 : i32
    %dma_start3A_200 = arith.constant 1 : i32
    %dma_start3A_201 = arith.constant 1 : i32
    %dma_start3A_202 = arith.constant 0 : i32
    %dma_start3A_203 = tpu.memref_slice %arg6[%dma_start3A_199, %dma_start3A_200, %dma_start3A_202] : memref<2x2x1664xi32, #tpu.memory_space<vmem>> -> memref<1x1x1664xi32, #tpu.memory_space<vmem>>
    %dma_start3A_204 = tpu.memref_squeeze %dma_start3A_203 : memref<1x1x1664xi32, #tpu.memory_space<vmem>> -> memref<1664xi32, #tpu.memory_space<vmem>>
    %dma_start3A_205 = tpu.memref_slice %arg2[%dma_start3A_198, %add3A_197] : memref<2x320000xi32, #tpu.memory_space<hbm>> -> memref<1x1664xi32, #tpu.memory_space<hbm>>
    %dma_start3A_206 = tpu.memref_squeeze %dma_start3A_205 : memref<1x1664xi32, #tpu.memory_space<hbm>> -> memref<1664xi32, #tpu.memory_space<hbm>>
    %dma_start3A_207 = tpu.memref_slice %arg9[%dma_start3A_201] : memref<2x!tpu.dma_semaphore, #tpu.memory_space<semaphore_mem>> -> memref<1x!tpu.dma_semaphore, #tpu.memory_space<semaphore_mem>>
    %dma_start3A_208 = tpu.memref_squeeze %dma_start3A_207 : memref<1x!tpu.dma_semaphore, #tpu.memory_space<semaphore_mem>> -> memref<!tpu.dma_semaphore, #tpu.memory_space<semaphore_mem>>
    %dma_start3A_209 = arith.constant 0 : i32
    %dma_start3A_210 = tpu.memref_slice %arg6[%dma_start3A_199, %dma_start3A_200, %dma_start3A_209] : memref<2x2x1664xi32, #tpu.memory_space<vmem>> -> memref<1x1x1664xi32, #tpu.memory_space<vmem>>
    %dma_start3A_211 = tpu.memref_squeeze %dma_start3A_210 : memref<1x1x1664xi32, #tpu.memory_space<vmem>> -> memref<1664xi32, #tpu.memory_space<vmem>>
    %dma_start3A_212 = tpu.memref_slice %arg2[%dma_start3A_198, %add3A_197] : memref<2x320000xi32, #tpu.memory_space<hbm>> -> memref<1x1664xi32, #tpu.memory_space<hbm>>
    %dma_start3A_213 = tpu.memref_squeeze %dma_start3A_212 : memref<1x1664xi32, #tpu.memory_space<hbm>> -> memref<1664xi32, #tpu.memory_space<hbm>>
    tpu.enqueue_dma source(%dma_start3A_213 : memref<1664xi32, #tpu.memory_space<hbm>>) target(%dma_start3A_211 : memref<1664xi32, #tpu.memory_space<vmem>>) target_semaphore(%dma_start3A_208 : memref<!tpu.dma_semaphore, #tpu.memory_space<semaphore_mem>>)
    %scan3A_214 = arith.constant 0 : i32
    %scan3A_215 = arith.constant 0 : i32
    %scan3A_216 = arith.constant 13 : i32
    %scan3A_217 = arith.addi %scan3A_215, %scan3A_216 : i32
    %scan3A_218 = arith.constant 1 : i32
    scf.for %scan3A_320 = %scan3A_215 to %scan3A_217 step %scan3A_218  : i32 {
      %add3A_321 = arith.constant 26 : i32
      %add3A_322 = arith.addi %add3A_321, %scan3A_320 : i32
      %lt3A_323 = arith.constant 12 : i32
      %lt3A_324 = arith.cmpi slt, %scan3A_320, %lt3A_323 : i32
      %convert_element_type3A_325 = arith.extui %lt3A_324 : i1 to i32
      %cond3A_326 = arith.constant 0 : i32
      %cond3A_327 = arith.cmpi ne, %convert_element_type3A_325, %cond3A_326 : i32
      scf.if %cond3A_327 {
        %add3A_394 = arith.constant 1 : i32
        %add3A_395 = arith.addi %scan3A_320, %add3A_394 : i32
        %add3A_396 = arith.constant 1 : i32
        %add3A_397 = arith.addi %add3A_322, %add3A_396 : i32
        %mul3A_398 = arith.constant 128 : i32
        %mul3A_399 = arith.muli %add3A_395, %mul3A_398 : i32
        %jit3A_400 = arith.constant 2 : i32
        %eq3A_401 = arith.constant 0 : i32
        %eq3A_402 = arith.cmpi eq, %jit3A_400, %eq3A_401 : i32
        %jit3A_403 = arith.constant 1 : i32
        %select_n3A_404 = arith.select %eq3A_402, %jit3A_403, %jit3A_400 : i32
        %rem3A_405 = arith.remsi %add3A_397, %select_n3A_404 : i32
        %ne3A_406 = arith.constant 0 : i32
        %ne3A_407 = arith.cmpi ne, %rem3A_405, %ne3A_406 : i32
        %lt3A_408 = arith.constant 0 : i32
        %lt3A_409 = arith.cmpi slt, %rem3A_405, %lt3A_408 : i32
        %lt3A_410 = arith.constant 0 : i32
        %lt3A_411 = arith.cmpi slt, %select_n3A_404, %lt3A_410 : i32
        %ne3A_412 = arith.xori %lt3A_409, %lt3A_411 : i1
        %and3A_413 = arith.andi %ne3A_412, %ne3A_407 : i1
        %add3A_414 = arith.addi %rem3A_405, %select_n3A_404 : i32
        %select_n3A_415 = arith.select %and3A_413, %add3A_414, %rem3A_405 : i32
        %jit3A_416 = arith.constant 2 : i32
        %eq3A_417 = arith.constant 0 : i32
        %eq3A_418 = arith.cmpi eq, %jit3A_416, %eq3A_417 : i32
        %jit3A_419 = arith.constant 1 : i32
        %select_n3A_420 = arith.select %eq3A_418, %jit3A_419, %jit3A_416 : i32
        %rem3A_421 = arith.remsi %add3A_397, %select_n3A_420 : i32
        %ne3A_422 = arith.constant 0 : i32
        %ne3A_423 = arith.cmpi ne, %rem3A_421, %ne3A_422 : i32
        %lt3A_424 = arith.constant 0 : i32
        %lt3A_425 = arith.cmpi slt, %rem3A_421, %lt3A_424 : i32
        %lt3A_426 = arith.constant 0 : i32
        %lt3A_427 = arith.cmpi slt, %select_n3A_420, %lt3A_426 : i32
        %ne3A_428 = arith.xori %lt3A_425, %lt3A_427 : i1
        %and3A_429 = arith.andi %ne3A_428, %ne3A_423 : i1
        %add3A_430 = arith.addi %rem3A_421, %select_n3A_420 : i32
        %select_n3A_431 = arith.select %and3A_429, %add3A_430, %rem3A_421 : i32
        %dma_start3A_432 = arith.constant 0 : i32
        %dma_start3A_433 = arith.constant 0 : i32
        %dma_start3A_434 = arith.constant 0 : i32
        %dma_start3A_435 = arith.constant 0 : i32
        %dma_start3A_436 = tpu.memref_slice %arg7[%select_n3A_415, %dma_start3A_434, %dma_start3A_435] : memref<2x128x128xf32, #tpu.memory_space<vmem>> -> memref<1x128x128xf32, #tpu.memory_space<vmem>>
        %dma_start3A_437 = tpu.memref_squeeze %dma_start3A_436 : memref<1x128x128xf32, #tpu.memory_space<vmem>> -> memref<128x128xf32, #tpu.memory_space<vmem>>
        %dma_start3A_438 = tpu.memref_slice %arg6[%dma_start3A_432, %dma_start3A_433, %mul3A_399] : memref<2x2x1664xi32, #tpu.memory_space<vmem>> -> memref<1x1x128xi32, #tpu.memory_space<vmem>>
        %dma_start3A_439 = tpu.memref_squeeze %dma_start3A_438 : memref<1x1x128xi32, #tpu.memory_space<vmem>> -> memref<128xi32, #tpu.memory_space<vmem>>
        %dma_start3A_440 = arith.constant 0 : i32
        %dma_start3A_441 = arith.constant 0 : i32
        %dma_start3A_442 = tpu.memref_slice %arg3[%dma_start3A_440, %dma_start3A_441] : memref<10000x128xf32, #tpu.memory_space<hbm>> -> memref<10000x128xf32, #tpu.memory_space<hbm>>
        %dma_start3A_443 = tpu.memref_slice %arg8[%select_n3A_431] : memref<2x!tpu.dma_semaphore, #tpu.memory_space<semaphore_mem>> -> memref<1x!tpu.dma_semaphore, #tpu.memory_space<semaphore_mem>>
        %dma_start3A_444 = tpu.memref_squeeze %dma_start3A_443 : memref<1x!tpu.dma_semaphore, #tpu.memory_space<semaphore_mem>> -> memref<!tpu.dma_semaphore, #tpu.memory_space<semaphore_mem>>
        tpu.enqueue_indirect_dma source(%dma_start3A_442 : memref<10000x128xf32, #tpu.memory_space<hbm>>) target(%dma_start3A_437 : memref<128x128xf32, #tpu.memory_space<vmem>>) offsets(%dma_start3A_439 : memref<128xi32, #tpu.memory_space<vmem>>) semaphore(%dma_start3A_444 : memref<!tpu.dma_semaphore, #tpu.memory_space<semaphore_mem>>)
      } else {
      }
      %eq3A_328 = arith.constant 12 : i32
      %eq3A_329 = arith.cmpi eq, %scan3A_320, %eq3A_328 : i32
      %convert_element_type3A_330 = arith.extui %eq3A_329 : i1 to i32
      %cond3A_331 = arith.constant 0 : i32
      %cond3A_332 = arith.cmpi ne, %convert_element_type3A_330, %cond3A_331 : i32
      scf.if %cond3A_332 {
        %add3A_394 = arith.constant 4992 : i32
        %add3A_395 = arith.addi %mul3A_6, %add3A_394 : i32
        %dma_wait3A_396 = arith.constant 0 : i32
        %dma_wait3A_397 = arith.constant 1 : i32
        %dma_wait3A_398 = arith.constant 0 : i32
        %dma_wait3A_399 = arith.constant 1 : i32
        %dma_wait3A_400 = arith.constant 0 : i32
        %dma_wait3A_401 = tpu.memref_slice %arg6[%dma_wait3A_397, %dma_wait3A_398, %dma_wait3A_400] : memref<2x2x1664xi32, #tpu.memory_space<vmem>> -> memref<1x1x1664xi32, #tpu.memory_space<vmem>>
        %dma_wait3A_402 = tpu.memref_squeeze %dma_wait3A_401 : memref<1x1x1664xi32, #tpu.memory_space<vmem>> -> memref<1664xi32, #tpu.memory_space<vmem>>
        %dma_wait3A_403 = tpu.memref_slice %arg2[%dma_wait3A_396, %add3A_395] : memref<2x320000xi32, #tpu.memory_space<hbm>> -> memref<1x1664xi32, #tpu.memory_space<hbm>>
        %dma_wait3A_404 = tpu.memref_squeeze %dma_wait3A_403 : memref<1x1664xi32, #tpu.memory_space<hbm>> -> memref<1664xi32, #tpu.memory_space<hbm>>
        %dma_wait3A_405 = tpu.memref_slice %arg9[%dma_wait3A_399] : memref<2x!tpu.dma_semaphore, #tpu.memory_space<semaphore_mem>> -> memref<1x!tpu.dma_semaphore, #tpu.memory_space<semaphore_mem>>
        %dma_wait3A_406 = tpu.memref_squeeze %dma_wait3A_405 : memref<1x!tpu.dma_semaphore, #tpu.memory_space<semaphore_mem>> -> memref<!tpu.dma_semaphore, #tpu.memory_space<semaphore_mem>>
        %dma_wait3A_407 = arith.constant 0 : i32
        %dma_wait3A_408 = tpu.memref_slice %arg6[%dma_wait3A_397, %dma_wait3A_398, %dma_wait3A_407] : memref<2x2x1664xi32, #tpu.memory_space<vmem>> -> memref<1x1x1664xi32, #tpu.memory_space<vmem>>
        %dma_wait3A_409 = tpu.memref_squeeze %dma_wait3A_408 : memref<1x1x1664xi32, #tpu.memory_space<vmem>> -> memref<1664xi32, #tpu.memory_space<vmem>>
        %dma_wait3A_410 = tpu.memref_slice %arg2[%dma_wait3A_396, %add3A_395] : memref<2x320000xi32, #tpu.memory_space<hbm>> -> memref<1x1664xi32, #tpu.memory_space<hbm>>
        %dma_wait3A_411 = tpu.memref_squeeze %dma_wait3A_410 : memref<1x1664xi32, #tpu.memory_space<hbm>> -> memref<1664xi32, #tpu.memory_space<hbm>>
        tpu.wait_dma2 semaphore(%dma_wait3A_406 : memref<!tpu.dma_semaphore, #tpu.memory_space<semaphore_mem>>) src(%dma_wait3A_411 : memref<1664xi32, #tpu.memory_space<hbm>>) dst(%dma_wait3A_409 : memref<1664xi32, #tpu.memory_space<vmem>>)
        %add3A_412 = arith.constant 4992 : i32
        %add3A_413 = arith.addi %mul3A_6, %add3A_412 : i32
        %dma_wait3A_414 = arith.constant 1 : i32
        %dma_wait3A_415 = arith.constant 1 : i32
        %dma_wait3A_416 = arith.constant 1 : i32
        %dma_wait3A_417 = arith.constant 1 : i32
        %dma_wait3A_418 = arith.constant 0 : i32
        %dma_wait3A_419 = tpu.memref_slice %arg6[%dma_wait3A_415, %dma_wait3A_416, %dma_wait3A_418] : memref<2x2x1664xi32, #tpu.memory_space<vmem>> -> memref<1x1x1664xi32, #tpu.memory_space<vmem>>
        %dma_wait3A_420 = tpu.memref_squeeze %dma_wait3A_419 : memref<1x1x1664xi32, #tpu.memory_space<vmem>> -> memref<1664xi32, #tpu.memory_space<vmem>>
        %dma_wait3A_421 = tpu.memref_slice %arg2[%dma_wait3A_414, %add3A_413] : memref<2x320000xi32, #tpu.memory_space<hbm>> -> memref<1x1664xi32, #tpu.memory_space<hbm>>
        %dma_wait3A_422 = tpu.memref_squeeze %dma_wait3A_421 : memref<1x1664xi32, #tpu.memory_space<hbm>> -> memref<1664xi32, #tpu.memory_space<hbm>>
        %dma_wait3A_423 = tpu.memref_slice %arg9[%dma_wait3A_417] : memref<2x!tpu.dma_semaphore, #tpu.memory_space<semaphore_mem>> -> memref<1x!tpu.dma_semaphore, #tpu.memory_space<semaphore_mem>>
        %dma_wait3A_424 = tpu.memref_squeeze %dma_wait3A_423 : memref<1x!tpu.dma_semaphore, #tpu.memory_space<semaphore_mem>> -> memref<!tpu.dma_semaphore, #tpu.memory_space<semaphore_mem>>
        %dma_wait3A_425 = arith.constant 0 : i32
        %dma_wait3A_426 = tpu.memref_slice %arg6[%dma_wait3A_415, %dma_wait3A_416, %dma_wait3A_425] : memref<2x2x1664xi32, #tpu.memory_space<vmem>> -> memref<1x1x1664xi32, #tpu.memory_space<vmem>>
        %dma_wait3A_427 = tpu.memref_squeeze %dma_wait3A_426 : memref<1x1x1664xi32, #tpu.memory_space<vmem>> -> memref<1664xi32, #tpu.memory_space<vmem>>
        %dma_wait3A_428 = tpu.memref_slice %arg2[%dma_wait3A_414, %add3A_413] : memref<2x320000xi32, #tpu.memory_space<hbm>> -> memref<1x1664xi32, #tpu.memory_space<hbm>>
        %dma_wait3A_429 = tpu.memref_squeeze %dma_wait3A_428 : memref<1x1664xi32, #tpu.memory_space<hbm>> -> memref<1664xi32, #tpu.memory_space<hbm>>
        tpu.wait_dma2 semaphore(%dma_wait3A_424 : memref<!tpu.dma_semaphore, #tpu.memory_space<semaphore_mem>>) src(%dma_wait3A_429 : memref<1664xi32, #tpu.memory_space<hbm>>) dst(%dma_wait3A_427 : memref<1664xi32, #tpu.memory_space<vmem>>)
        %add3A_430 = arith.constant 1 : i32
        %add3A_431 = arith.addi %add3A_322, %add3A_430 : i32
        %jit3A_432 = arith.constant 2 : i32
        %eq3A_433 = arith.constant 0 : i32
        %eq3A_434 = arith.cmpi eq, %jit3A_432, %eq3A_433 : i32
        %jit3A_435 = arith.constant 1 : i32
        %select_n3A_436 = arith.select %eq3A_434, %jit3A_435, %jit3A_432 : i32
        %rem3A_437 = arith.remsi %add3A_431, %select_n3A_436 : i32
        %ne3A_438 = arith.constant 0 : i32
        %ne3A_439 = arith.cmpi ne, %rem3A_437, %ne3A_438 : i32
        %lt3A_440 = arith.constant 0 : i32
        %lt3A_441 = arith.cmpi slt, %rem3A_437, %lt3A_440 : i32
        %lt3A_442 = arith.constant 0 : i32
        %lt3A_443 = arith.cmpi slt, %select_n3A_436, %lt3A_442 : i32
        %ne3A_444 = arith.xori %lt3A_441, %lt3A_443 : i1
        %and3A_445 = arith.andi %ne3A_444, %ne3A_439 : i1
        %add3A_446 = arith.addi %rem3A_437, %select_n3A_436 : i32
        %select_n3A_447 = arith.select %and3A_445, %add3A_446, %rem3A_437 : i32
        %jit3A_448 = arith.constant 2 : i32
        %eq3A_449 = arith.constant 0 : i32
        %eq3A_450 = arith.cmpi eq, %jit3A_448, %eq3A_449 : i32
        %jit3A_451 = arith.constant 1 : i32
        %select_n3A_452 = arith.select %eq3A_450, %jit3A_451, %jit3A_448 : i32
        %rem3A_453 = arith.remsi %add3A_431, %select_n3A_452 : i32
        %ne3A_454 = arith.constant 0 : i32
        %ne3A_455 = arith.cmpi ne, %rem3A_453, %ne3A_454 : i32
        %lt3A_456 = arith.constant 0 : i32
        %lt3A_457 = arith.cmpi slt, %rem3A_453, %lt3A_456 : i32
        %lt3A_458 = arith.constant 0 : i32
        %lt3A_459 = arith.cmpi slt, %select_n3A_452, %lt3A_458 : i32
        %ne3A_460 = arith.xori %lt3A_457, %lt3A_459 : i1
        %and3A_461 = arith.andi %ne3A_460, %ne3A_455 : i1
        %add3A_462 = arith.addi %rem3A_453, %select_n3A_452 : i32
        %select_n3A_463 = arith.select %and3A_461, %add3A_462, %rem3A_453 : i32
        %dma_start3A_464 = arith.constant 1 : i32
        %dma_start3A_465 = arith.constant 0 : i32
        %dma_start3A_466 = arith.constant 0 : i32
        %dma_start3A_467 = arith.constant 0 : i32
        %dma_start3A_468 = tpu.memref_slice %arg7[%select_n3A_447, %dma_start3A_466, %dma_start3A_467] : memref<2x128x128xf32, #tpu.memory_space<vmem>> -> memref<1x128x128xf32, #tpu.memory_space<vmem>>
        %dma_start3A_469 = tpu.memref_squeeze %dma_start3A_468 : memref<1x128x128xf32, #tpu.memory_space<vmem>> -> memref<128x128xf32, #tpu.memory_space<vmem>>
        %dma_start3A_470 = arith.constant 0 : i32
        %dma_start3A_471 = tpu.memref_slice %arg6[%dma_start3A_464, %dma_start3A_465, %dma_start3A_470] : memref<2x2x1664xi32, #tpu.memory_space<vmem>> -> memref<1x1x128xi32, #tpu.memory_space<vmem>>
        %dma_start3A_472 = tpu.memref_squeeze %dma_start3A_471 : memref<1x1x128xi32, #tpu.memory_space<vmem>> -> memref<128xi32, #tpu.memory_space<vmem>>
        %dma_start3A_473 = arith.constant 0 : i32
        %dma_start3A_474 = arith.constant 0 : i32
        %dma_start3A_475 = tpu.memref_slice %arg3[%dma_start3A_473, %dma_start3A_474] : memref<10000x128xf32, #tpu.memory_space<hbm>> -> memref<10000x128xf32, #tpu.memory_space<hbm>>
        %dma_start3A_476 = tpu.memref_slice %arg8[%select_n3A_463] : memref<2x!tpu.dma_semaphore, #tpu.memory_space<semaphore_mem>> -> memref<1x!tpu.dma_semaphore, #tpu.memory_space<semaphore_mem>>
        %dma_start3A_477 = tpu.memref_squeeze %dma_start3A_476 : memref<1x!tpu.dma_semaphore, #tpu.memory_space<semaphore_mem>> -> memref<!tpu.dma_semaphore, #tpu.memory_space<semaphore_mem>>
        tpu.enqueue_indirect_dma source(%dma_start3A_475 : memref<10000x128xf32, #tpu.memory_space<hbm>>) target(%dma_start3A_469 : memref<128x128xf32, #tpu.memory_space<vmem>>) offsets(%dma_start3A_472 : memref<128xi32, #tpu.memory_space<vmem>>) semaphore(%dma_start3A_477 : memref<!tpu.dma_semaphore, #tpu.memory_space<semaphore_mem>>)
      } else {
      }
      %mul3A_333 = arith.constant 128 : i32
      %mul3A_334 = arith.muli %scan3A_320, %mul3A_333 : i32
      %jit3A = arith.constant 2 : i32
      %eq3A_335 = arith.constant 0 : i32
      %eq3A_336 = arith.cmpi eq, %jit3A, %eq3A_335 : i32
      %jit3A_337 = arith.constant 1 : i32
      %select_n3A = arith.select %eq3A_336, %jit3A_337, %jit3A : i32
      %rem3A = arith.remsi %add3A_322, %select_n3A : i32
      %ne3A = arith.constant 0 : i32
      %ne3A_338 = arith.cmpi ne, %rem3A, %ne3A : i32
      %lt3A_339 = arith.constant 0 : i32
      %lt3A_340 = arith.cmpi slt, %rem3A, %lt3A_339 : i32
      %lt3A_341 = arith.constant 0 : i32
      %lt3A_342 = arith.cmpi slt, %select_n3A, %lt3A_341 : i32
      %ne3A_343 = arith.xori %lt3A_340, %lt3A_342 : i1
      %and3A = arith.andi %ne3A_343, %ne3A_338 : i1
      %add3A_344 = arith.addi %rem3A, %select_n3A : i32
      %select_n3A_345 = arith.select %and3A, %add3A_344, %rem3A : i32
      %jit3A_346 = arith.constant 2 : i32
      %eq3A_347 = arith.constant 0 : i32
      %eq3A_348 = arith.cmpi eq, %jit3A_346, %eq3A_347 : i32
      %jit3A_349 = arith.constant 1 : i32
      %select_n3A_350 = arith.select %eq3A_348, %jit3A_349, %jit3A_346 : i32
      %rem3A_351 = arith.remsi %add3A_322, %select_n3A_350 : i32
      %ne3A_352 = arith.constant 0 : i32
      %ne3A_353 = arith.cmpi ne, %rem3A_351, %ne3A_352 : i32
      %lt3A_354 = arith.constant 0 : i32
      %lt3A_355 = arith.cmpi slt, %rem3A_351, %lt3A_354 : i32
      %lt3A_356 = arith.constant 0 : i32
      %lt3A_357 = arith.cmpi slt, %select_n3A_350, %lt3A_356 : i32
      %ne3A_358 = arith.xori %lt3A_355, %lt3A_357 : i1
      %and3A_359 = arith.andi %ne3A_358, %ne3A_353 : i1
      %add3A_360 = arith.addi %rem3A_351, %select_n3A_350 : i32
      %select_n3A_361 = arith.select %and3A_359, %add3A_360, %rem3A_351 : i32
      %dma_wait3A_362 = arith.constant 0 : i32
      %dma_wait3A_363 = arith.constant 0 : i32
      %dma_wait3A_364 = arith.constant 0 : i32
      %dma_wait3A_365 = arith.constant 0 : i32
      %dma_wait3A_366 = tpu.memref_slice %arg7[%select_n3A_345, %dma_wait3A_364, %dma_wait3A_365] : memref<2x128x128xf32, #tpu.memory_space<vmem>> -> memref<1x128x128xf32, #tpu.memory_space<vmem>>
      %dma_wait3A_367 = tpu.memref_squeeze %dma_wait3A_366 : memref<1x128x128xf32, #tpu.memory_space<vmem>> -> memref<128x128xf32, #tpu.memory_space<vmem>>
      %dma_wait3A_368 = tpu.memref_slice %arg6[%dma_wait3A_362, %dma_wait3A_363, %mul3A_334] : memref<2x2x1664xi32, #tpu.memory_space<vmem>> -> memref<1x1x128xi32, #tpu.memory_space<vmem>>
      %dma_wait3A_369 = tpu.memref_squeeze %dma_wait3A_368 : memref<1x1x128xi32, #tpu.memory_space<vmem>> -> memref<128xi32, #tpu.memory_space<vmem>>
      %dma_wait3A_370 = arith.constant 0 : i32
      %dma_wait3A_371 = arith.constant 0 : i32
      %dma_wait3A_372 = tpu.memref_slice %arg3[%dma_wait3A_370, %dma_wait3A_371] : memref<10000x128xf32, #tpu.memory_space<hbm>> -> memref<10000x128xf32, #tpu.memory_space<hbm>>
      %dma_wait3A_373 = tpu.memref_slice %arg8[%select_n3A_361] : memref<2x!tpu.dma_semaphore, #tpu.memory_space<semaphore_mem>> -> memref<1x!tpu.dma_semaphore, #tpu.memory_space<semaphore_mem>>
      %dma_wait3A_374 = tpu.memref_squeeze %dma_wait3A_373 : memref<1x!tpu.dma_semaphore, #tpu.memory_space<semaphore_mem>> -> memref<!tpu.dma_semaphore, #tpu.memory_space<semaphore_mem>>
      tpu.wait_indirect_dma semaphore(%dma_wait3A_374 : memref<!tpu.dma_semaphore, #tpu.memory_space<semaphore_mem>>) src(%dma_wait3A_372 : memref<10000x128xf32, #tpu.memory_space<hbm>>) dst(%dma_wait3A_367 : memref<128x128xf32, #tpu.memory_space<vmem>>)
      %jit3A_375 = arith.constant 2 : i32
      %eq3A_376 = arith.constant 0 : i32
      %eq3A_377 = arith.cmpi eq, %jit3A_375, %eq3A_376 : i32
      %jit3A_378 = arith.constant 1 : i32
      %select_n3A_379 = arith.select %eq3A_377, %jit3A_378, %jit3A_375 : i32
      %rem3A_380 = arith.remsi %add3A_322, %select_n3A_379 : i32
      %ne3A_381 = arith.constant 0 : i32
      %ne3A_382 = arith.cmpi ne, %rem3A_380, %ne3A_381 : i32
      %lt3A_383 = arith.constant 0 : i32
      %lt3A_384 = arith.cmpi slt, %rem3A_380, %lt3A_383 : i32
      %lt3A_385 = arith.constant 0 : i32
      %lt3A_386 = arith.cmpi slt, %select_n3A_379, %lt3A_385 : i32
      %ne3A_387 = arith.xori %lt3A_384, %lt3A_386 : i1
      %and3A_388 = arith.andi %ne3A_387, %ne3A_382 : i1
      %add3A_389 = arith.addi %rem3A_380, %select_n3A_379 : i32
      %select_n3A_390 = arith.select %and3A_388, %add3A_389, %rem3A_380 : i32
      %mul3A_391 = arith.constant 128 : i32
      %mul3A_392 = arith.muli %scan3A_320, %mul3A_391 : i32
      %run_scoped3A = arith.constant 0 : i32
      %run_scoped3A_393 = arith.constant 1 : i32
      "tpu.region"() ({
        %run_scoped3A_394 = tpu.sem_alloc : memref<!tpu.dma_semaphore, #tpu.memory_space<semaphore_mem>>
        %dma_start3A_395 = arith.constant 0 : i32
        %dma_start3A_396 = arith.constant 0 : i32
        %dma_start3A_397 = tpu.memref_slice %arg7[%select_n3A_390, %dma_start3A_395, %dma_start3A_396] : memref<2x128x128xf32, #tpu.memory_space<vmem>> -> memref<1x128x128xf32, #tpu.memory_space<vmem>>
        %dma_start3A_398 = tpu.memref_squeeze %dma_start3A_397 : memref<1x128x128xf32, #tpu.memory_space<vmem>> -> memref<128x128xf32, #tpu.memory_space<vmem>>
        %dma_start3A_399 = tpu.memref_slice %arg6[%run_scoped3A, %run_scoped3A_393, %mul3A_392] : memref<2x2x1664xi32, #tpu.memory_space<vmem>> -> memref<1x1x128xi32, #tpu.memory_space<vmem>>
        %dma_start3A_400 = tpu.memref_squeeze %dma_start3A_399 : memref<1x1x128xi32, #tpu.memory_space<vmem>> -> memref<128xi32, #tpu.memory_space<vmem>>
        %dma_start3A_401 = arith.constant 0 : i32
        %dma_start3A_402 = arith.constant 0 : i32
        %dma_start3A_403 = tpu.memref_slice %arg10[%dma_start3A_401, %dma_start3A_402] : memref<10000x128xf32, #tpu.memory_space<vmem_shared>> -> memref<10000x128xf32, #tpu.memory_space<vmem_shared>>
        tpu.enqueue_indirect_dma source(%dma_start3A_398 : memref<128x128xf32, #tpu.memory_space<vmem>>) target(%dma_start3A_403 : memref<10000x128xf32, #tpu.memory_space<vmem_shared>>) offsets(%dma_start3A_400 : memref<128xi32, #tpu.memory_space<vmem>>) semaphore(%run_scoped3A_394 : memref<!tpu.dma_semaphore, #tpu.memory_space<semaphore_mem>>) {add = true}
        %dma_wait3A_404 = arith.constant 0 : i32
        %dma_wait3A_405 = arith.constant 0 : i32
        %dma_wait3A_406 = tpu.memref_slice %arg7[%select_n3A_390, %dma_wait3A_404, %dma_wait3A_405] : memref<2x128x128xf32, #tpu.memory_space<vmem>> -> memref<1x128x128xf32, #tpu.memory_space<vmem>>
        %dma_wait3A_407 = tpu.memref_squeeze %dma_wait3A_406 : memref<1x128x128xf32, #tpu.memory_space<vmem>> -> memref<128x128xf32, #tpu.memory_space<vmem>>
        %dma_wait3A_408 = tpu.memref_slice %arg6[%run_scoped3A, %run_scoped3A_393, %mul3A_392] : memref<2x2x1664xi32, #tpu.memory_space<vmem>> -> memref<1x1x128xi32, #tpu.memory_space<vmem>>
        %dma_wait3A_409 = tpu.memref_squeeze %dma_wait3A_408 : memref<1x1x128xi32, #tpu.memory_space<vmem>> -> memref<128xi32, #tpu.memory_space<vmem>>
        %dma_wait3A_410 = arith.constant 0 : i32
        %dma_wait3A_411 = arith.constant 0 : i32
        %dma_wait3A_412 = tpu.memref_slice %arg10[%dma_wait3A_410, %dma_wait3A_411] : memref<10000x128xf32, #tpu.memory_space<vmem_shared>> -> memref<10000x128xf32, #tpu.memory_space<vmem_shared>>
        tpu.wait_indirect_dma semaphore(%run_scoped3A_394 : memref<!tpu.dma_semaphore, #tpu.memory_space<semaphore_mem>>) src(%dma_wait3A_407 : memref<128x128xf32, #tpu.memory_space<vmem>>) dst(%dma_wait3A_412 : memref<10000x128xf32, #tpu.memory_space<vmem_shared>>)
        tpu.yield
      }) : () -> ()
    }
    %scan3A_219 = arith.constant 13 : i32
    %add3A_220 = arith.constant 6656 : i32
    %add3A_221 = arith.addi %mul3A_6, %add3A_220 : i32
    %dma_start3A_222 = arith.constant 0 : i32
    %dma_start3A_223 = arith.constant 0 : i32
    %dma_start3A_224 = arith.constant 0 : i32
    %dma_start3A_225 = arith.constant 0 : i32
    %dma_start3A_226 = arith.constant 0 : i32
    %dma_start3A_227 = tpu.memref_slice %arg6[%dma_start3A_223, %dma_start3A_224, %dma_start3A_226] : memref<2x2x1664xi32, #tpu.memory_space<vmem>> -> memref<1x1x1664xi32, #tpu.memory_space<vmem>>
    %dma_start3A_228 = tpu.memref_squeeze %dma_start3A_227 : memref<1x1x1664xi32, #tpu.memory_space<vmem>> -> memref<1664xi32, #tpu.memory_space<vmem>>
    %dma_start3A_229 = tpu.memref_slice %arg2[%dma_start3A_222, %add3A_221] : memref<2x320000xi32, #tpu.memory_space<hbm>> -> memref<1x1664xi32, #tpu.memory_space<hbm>>
    %dma_start3A_230 = tpu.memref_squeeze %dma_start3A_229 : memref<1x1664xi32, #tpu.memory_space<hbm>> -> memref<1664xi32, #tpu.memory_space<hbm>>
    %dma_start3A_231 = tpu.memref_slice %arg9[%dma_start3A_225] : memref<2x!tpu.dma_semaphore, #tpu.memory_space<semaphore_mem>> -> memref<1x!tpu.dma_semaphore, #tpu.memory_space<semaphore_mem>>
    %dma_start3A_232 = tpu.memref_squeeze %dma_start3A_231 : memref<1x!tpu.dma_semaphore, #tpu.memory_space<semaphore_mem>> -> memref<!tpu.dma_semaphore, #tpu.memory_space<semaphore_mem>>
    %dma_start3A_233 = arith.constant 0 : i32
    %dma_start3A_234 = tpu.memref_slice %arg6[%dma_start3A_223, %dma_start3A_224, %dma_start3A_233] : memref<2x2x1664xi32, #tpu.memory_space<vmem>> -> memref<1x1x1664xi32, #tpu.memory_space<vmem>>
    %dma_start3A_235 = tpu.memref_squeeze %dma_start3A_234 : memref<1x1x1664xi32, #tpu.memory_space<vmem>> -> memref<1664xi32, #tpu.memory_space<vmem>>
    %dma_start3A_236 = tpu.memref_slice %arg2[%dma_start3A_222, %add3A_221] : memref<2x320000xi32, #tpu.memory_space<hbm>> -> memref<1x1664xi32, #tpu.memory_space<hbm>>
    %dma_start3A_237 = tpu.memref_squeeze %dma_start3A_236 : memref<1x1664xi32, #tpu.memory_space<hbm>> -> memref<1664xi32, #tpu.memory_space<hbm>>
    tpu.enqueue_dma source(%dma_start3A_237 : memref<1664xi32, #tpu.memory_space<hbm>>) target(%dma_start3A_235 : memref<1664xi32, #tpu.memory_space<vmem>>) target_semaphore(%dma_start3A_232 : memref<!tpu.dma_semaphore, #tpu.memory_space<semaphore_mem>>)
    %add3A_238 = arith.constant 6656 : i32
    %add3A_239 = arith.addi %mul3A_6, %add3A_238 : i32
    %dma_start3A_240 = arith.constant 1 : i32
    %dma_start3A_241 = arith.constant 0 : i32
    %dma_start3A_242 = arith.constant 1 : i32
    %dma_start3A_243 = arith.constant 0 : i32
    %dma_start3A_244 = arith.constant 0 : i32
    %dma_start3A_245 = tpu.memref_slice %arg6[%dma_start3A_241, %dma_start3A_242, %dma_start3A_244] : memref<2x2x1664xi32, #tpu.memory_space<vmem>> -> memref<1x1x1664xi32, #tpu.memory_space<vmem>>
    %dma_start3A_246 = tpu.memref_squeeze %dma_start3A_245 : memref<1x1x1664xi32, #tpu.memory_space<vmem>> -> memref<1664xi32, #tpu.memory_space<vmem>>
    %dma_start3A_247 = tpu.memref_slice %arg2[%dma_start3A_240, %add3A_239] : memref<2x320000xi32, #tpu.memory_space<hbm>> -> memref<1x1664xi32, #tpu.memory_space<hbm>>
    %dma_start3A_248 = tpu.memref_squeeze %dma_start3A_247 : memref<1x1664xi32, #tpu.memory_space<hbm>> -> memref<1664xi32, #tpu.memory_space<hbm>>
    %dma_start3A_249 = tpu.memref_slice %arg9[%dma_start3A_243] : memref<2x!tpu.dma_semaphore, #tpu.memory_space<semaphore_mem>> -> memref<1x!tpu.dma_semaphore, #tpu.memory_space<semaphore_mem>>
    %dma_start3A_250 = tpu.memref_squeeze %dma_start3A_249 : memref<1x!tpu.dma_semaphore, #tpu.memory_space<semaphore_mem>> -> memref<!tpu.dma_semaphore, #tpu.memory_space<semaphore_mem>>
    %dma_start3A_251 = arith.constant 0 : i32
    %dma_start3A_252 = tpu.memref_slice %arg6[%dma_start3A_241, %dma_start3A_242, %dma_start3A_251] : memref<2x2x1664xi32, #tpu.memory_space<vmem>> -> memref<1x1x1664xi32, #tpu.memory_space<vmem>>
    %dma_start3A_253 = tpu.memref_squeeze %dma_start3A_252 : memref<1x1x1664xi32, #tpu.memory_space<vmem>> -> memref<1664xi32, #tpu.memory_space<vmem>>
    %dma_start3A_254 = tpu.memref_slice %arg2[%dma_start3A_240, %add3A_239] : memref<2x320000xi32, #tpu.memory_space<hbm>> -> memref<1x1664xi32, #tpu.memory_space<hbm>>
    %dma_start3A_255 = tpu.memref_squeeze %dma_start3A_254 : memref<1x1664xi32, #tpu.memory_space<hbm>> -> memref<1664xi32, #tpu.memory_space<hbm>>
    tpu.enqueue_dma source(%dma_start3A_255 : memref<1664xi32, #tpu.memory_space<hbm>>) target(%dma_start3A_253 : memref<1664xi32, #tpu.memory_space<vmem>>) target_semaphore(%dma_start3A_250 : memref<!tpu.dma_semaphore, #tpu.memory_space<semaphore_mem>>)
    %scan3A_256 = arith.constant 0 : i32
    %scan3A_257 = arith.constant 0 : i32
    %scan3A_258 = arith.constant 13 : i32
    %scan3A_259 = arith.addi %scan3A_257, %scan3A_258 : i32
    %scan3A_260 = arith.constant 1 : i32
    scf.for %scan3A_320 = %scan3A_257 to %scan3A_259 step %scan3A_260  : i32 {
      %add3A_321 = arith.constant 39 : i32
      %add3A_322 = arith.addi %add3A_321, %scan3A_320 : i32
      %lt3A_323 = arith.constant 12 : i32
      %lt3A_324 = arith.cmpi slt, %scan3A_320, %lt3A_323 : i32
      %convert_element_type3A_325 = arith.extui %lt3A_324 : i1 to i32
      %cond3A_326 = arith.constant 0 : i32
      %cond3A_327 = arith.cmpi ne, %convert_element_type3A_325, %cond3A_326 : i32
      scf.if %cond3A_327 {
        %add3A_394 = arith.constant 1 : i32
        %add3A_395 = arith.addi %scan3A_320, %add3A_394 : i32
        %add3A_396 = arith.constant 1 : i32
        %add3A_397 = arith.addi %add3A_322, %add3A_396 : i32
        %mul3A_398 = arith.constant 128 : i32
        %mul3A_399 = arith.muli %add3A_395, %mul3A_398 : i32
        %jit3A_400 = arith.constant 2 : i32
        %eq3A_401 = arith.constant 0 : i32
        %eq3A_402 = arith.cmpi eq, %jit3A_400, %eq3A_401 : i32
        %jit3A_403 = arith.constant 1 : i32
        %select_n3A_404 = arith.select %eq3A_402, %jit3A_403, %jit3A_400 : i32
        %rem3A_405 = arith.remsi %add3A_397, %select_n3A_404 : i32
        %ne3A_406 = arith.constant 0 : i32
        %ne3A_407 = arith.cmpi ne, %rem3A_405, %ne3A_406 : i32
        %lt3A_408 = arith.constant 0 : i32
        %lt3A_409 = arith.cmpi slt, %rem3A_405, %lt3A_408 : i32
        %lt3A_410 = arith.constant 0 : i32
        %lt3A_411 = arith.cmpi slt, %select_n3A_404, %lt3A_410 : i32
        %ne3A_412 = arith.xori %lt3A_409, %lt3A_411 : i1
        %and3A_413 = arith.andi %ne3A_412, %ne3A_407 : i1
        %add3A_414 = arith.addi %rem3A_405, %select_n3A_404 : i32
        %select_n3A_415 = arith.select %and3A_413, %add3A_414, %rem3A_405 : i32
        %jit3A_416 = arith.constant 2 : i32
        %eq3A_417 = arith.constant 0 : i32
        %eq3A_418 = arith.cmpi eq, %jit3A_416, %eq3A_417 : i32
        %jit3A_419 = arith.constant 1 : i32
        %select_n3A_420 = arith.select %eq3A_418, %jit3A_419, %jit3A_416 : i32
        %rem3A_421 = arith.remsi %add3A_397, %select_n3A_420 : i32
        %ne3A_422 = arith.constant 0 : i32
        %ne3A_423 = arith.cmpi ne, %rem3A_421, %ne3A_422 : i32
        %lt3A_424 = arith.constant 0 : i32
        %lt3A_425 = arith.cmpi slt, %rem3A_421, %lt3A_424 : i32
        %lt3A_426 = arith.constant 0 : i32
        %lt3A_427 = arith.cmpi slt, %select_n3A_420, %lt3A_426 : i32
        %ne3A_428 = arith.xori %lt3A_425, %lt3A_427 : i1
        %and3A_429 = arith.andi %ne3A_428, %ne3A_423 : i1
        %add3A_430 = arith.addi %rem3A_421, %select_n3A_420 : i32
        %select_n3A_431 = arith.select %and3A_429, %add3A_430, %rem3A_421 : i32
        %dma_start3A_432 = arith.constant 1 : i32
        %dma_start3A_433 = arith.constant 0 : i32
        %dma_start3A_434 = arith.constant 0 : i32
        %dma_start3A_435 = arith.constant 0 : i32
        %dma_start3A_436 = tpu.memref_slice %arg7[%select_n3A_415, %dma_start3A_434, %dma_start3A_435] : memref<2x128x128xf32, #tpu.memory_space<vmem>> -> memref<1x128x128xf32, #tpu.memory_space<vmem>>
        %dma_start3A_437 = tpu.memref_squeeze %dma_start3A_436 : memref<1x128x128xf32, #tpu.memory_space<vmem>> -> memref<128x128xf32, #tpu.memory_space<vmem>>
        %dma_start3A_438 = tpu.memref_slice %arg6[%dma_start3A_432, %dma_start3A_433, %mul3A_399] : memref<2x2x1664xi32, #tpu.memory_space<vmem>> -> memref<1x1x128xi32, #tpu.memory_space<vmem>>
        %dma_start3A_439 = tpu.memref_squeeze %dma_start3A_438 : memref<1x1x128xi32, #tpu.memory_space<vmem>> -> memref<128xi32, #tpu.memory_space<vmem>>
        %dma_start3A_440 = arith.constant 0 : i32
        %dma_start3A_441 = arith.constant 0 : i32
        %dma_start3A_442 = tpu.memref_slice %arg3[%dma_start3A_440, %dma_start3A_441] : memref<10000x128xf32, #tpu.memory_space<hbm>> -> memref<10000x128xf32, #tpu.memory_space<hbm>>
        %dma_start3A_443 = tpu.memref_slice %arg8[%select_n3A_431] : memref<2x!tpu.dma_semaphore, #tpu.memory_space<semaphore_mem>> -> memref<1x!tpu.dma_semaphore, #tpu.memory_space<semaphore_mem>>
        %dma_start3A_444 = tpu.memref_squeeze %dma_start3A_443 : memref<1x!tpu.dma_semaphore, #tpu.memory_space<semaphore_mem>> -> memref<!tpu.dma_semaphore, #tpu.memory_space<semaphore_mem>>
        tpu.enqueue_indirect_dma source(%dma_start3A_442 : memref<10000x128xf32, #tpu.memory_space<hbm>>) target(%dma_start3A_437 : memref<128x128xf32, #tpu.memory_space<vmem>>) offsets(%dma_start3A_439 : memref<128xi32, #tpu.memory_space<vmem>>) semaphore(%dma_start3A_444 : memref<!tpu.dma_semaphore, #tpu.memory_space<semaphore_mem>>)
      } else {
      }
      %eq3A_328 = arith.constant 12 : i32
      %eq3A_329 = arith.cmpi eq, %scan3A_320, %eq3A_328 : i32
      %convert_element_type3A_330 = arith.extui %eq3A_329 : i1 to i32
      %cond3A_331 = arith.constant 0 : i32
      %cond3A_332 = arith.cmpi ne, %convert_element_type3A_330, %cond3A_331 : i32
      scf.if %cond3A_332 {
        %add3A_394 = arith.constant 6656 : i32
        %add3A_395 = arith.addi %mul3A_6, %add3A_394 : i32
        %dma_wait3A_396 = arith.constant 0 : i32
        %dma_wait3A_397 = arith.constant 0 : i32
        %dma_wait3A_398 = arith.constant 0 : i32
        %dma_wait3A_399 = arith.constant 0 : i32
        %dma_wait3A_400 = arith.constant 0 : i32
        %dma_wait3A_401 = tpu.memref_slice %arg6[%dma_wait3A_397, %dma_wait3A_398, %dma_wait3A_400] : memref<2x2x1664xi32, #tpu.memory_space<vmem>> -> memref<1x1x1664xi32, #tpu.memory_space<vmem>>
        %dma_wait3A_402 = tpu.memref_squeeze %dma_wait3A_401 : memref<1x1x1664xi32, #tpu.memory_space<vmem>> -> memref<1664xi32, #tpu.memory_space<vmem>>
        %dma_wait3A_403 = tpu.memref_slice %arg2[%dma_wait3A_396, %add3A_395] : memref<2x320000xi32, #tpu.memory_space<hbm>> -> memref<1x1664xi32, #tpu.memory_space<hbm>>
        %dma_wait3A_404 = tpu.memref_squeeze %dma_wait3A_403 : memref<1x1664xi32, #tpu.memory_space<hbm>> -> memref<1664xi32, #tpu.memory_space<hbm>>
        %dma_wait3A_405 = tpu.memref_slice %arg9[%dma_wait3A_399] : memref<2x!tpu.dma_semaphore, #tpu.memory_space<semaphore_mem>> -> memref<1x!tpu.dma_semaphore, #tpu.memory_space<semaphore_mem>>
        %dma_wait3A_406 = tpu.memref_squeeze %dma_wait3A_405 : memref<1x!tpu.dma_semaphore, #tpu.memory_space<semaphore_mem>> -> memref<!tpu.dma_semaphore, #tpu.memory_space<semaphore_mem>>
        %dma_wait3A_407 = arith.constant 0 : i32
        %dma_wait3A_408 = tpu.memref_slice %arg6[%dma_wait3A_397, %dma_wait3A_398, %dma_wait3A_407] : memref<2x2x1664xi32, #tpu.memory_space<vmem>> -> memref<1x1x1664xi32, #tpu.memory_space<vmem>>
        %dma_wait3A_409 = tpu.memref_squeeze %dma_wait3A_408 : memref<1x1x1664xi32, #tpu.memory_space<vmem>> -> memref<1664xi32, #tpu.memory_space<vmem>>
        %dma_wait3A_410 = tpu.memref_slice %arg2[%dma_wait3A_396, %add3A_395] : memref<2x320000xi32, #tpu.memory_space<hbm>> -> memref<1x1664xi32, #tpu.memory_space<hbm>>
        %dma_wait3A_411 = tpu.memref_squeeze %dma_wait3A_410 : memref<1x1664xi32, #tpu.memory_space<hbm>> -> memref<1664xi32, #tpu.memory_space<hbm>>
        tpu.wait_dma2 semaphore(%dma_wait3A_406 : memref<!tpu.dma_semaphore, #tpu.memory_space<semaphore_mem>>) src(%dma_wait3A_411 : memref<1664xi32, #tpu.memory_space<hbm>>) dst(%dma_wait3A_409 : memref<1664xi32, #tpu.memory_space<vmem>>)
        %add3A_412 = arith.constant 6656 : i32
        %add3A_413 = arith.addi %mul3A_6, %add3A_412 : i32
        %dma_wait3A_414 = arith.constant 1 : i32
        %dma_wait3A_415 = arith.constant 0 : i32
        %dma_wait3A_416 = arith.constant 1 : i32
        %dma_wait3A_417 = arith.constant 0 : i32
        %dma_wait3A_418 = arith.constant 0 : i32
        %dma_wait3A_419 = tpu.memref_slice %arg6[%dma_wait3A_415, %dma_wait3A_416, %dma_wait3A_418] : memref<2x2x1664xi32, #tpu.memory_space<vmem>> -> memref<1x1x1664xi32, #tpu.memory_space<vmem>>
        %dma_wait3A_420 = tpu.memref_squeeze %dma_wait3A_419 : memref<1x1x1664xi32, #tpu.memory_space<vmem>> -> memref<1664xi32, #tpu.memory_space<vmem>>
        %dma_wait3A_421 = tpu.memref_slice %arg2[%dma_wait3A_414, %add3A_413] : memref<2x320000xi32, #tpu.memory_space<hbm>> -> memref<1x1664xi32, #tpu.memory_space<hbm>>
        %dma_wait3A_422 = tpu.memref_squeeze %dma_wait3A_421 : memref<1x1664xi32, #tpu.memory_space<hbm>> -> memref<1664xi32, #tpu.memory_space<hbm>>
        %dma_wait3A_423 = tpu.memref_slice %arg9[%dma_wait3A_417] : memref<2x!tpu.dma_semaphore, #tpu.memory_space<semaphore_mem>> -> memref<1x!tpu.dma_semaphore, #tpu.memory_space<semaphore_mem>>
        %dma_wait3A_424 = tpu.memref_squeeze %dma_wait3A_423 : memref<1x!tpu.dma_semaphore, #tpu.memory_space<semaphore_mem>> -> memref<!tpu.dma_semaphore, #tpu.memory_space<semaphore_mem>>
        %dma_wait3A_425 = arith.constant 0 : i32
        %dma_wait3A_426 = tpu.memref_slice %arg6[%dma_wait3A_415, %dma_wait3A_416, %dma_wait3A_425] : memref<2x2x1664xi32, #tpu.memory_space<vmem>> -> memref<1x1x1664xi32, #tpu.memory_space<vmem>>
        %dma_wait3A_427 = tpu.memref_squeeze %dma_wait3A_426 : memref<1x1x1664xi32, #tpu.memory_space<vmem>> -> memref<1664xi32, #tpu.memory_space<vmem>>
        %dma_wait3A_428 = tpu.memref_slice %arg2[%dma_wait3A_414, %add3A_413] : memref<2x320000xi32, #tpu.memory_space<hbm>> -> memref<1x1664xi32, #tpu.memory_space<hbm>>
        %dma_wait3A_429 = tpu.memref_squeeze %dma_wait3A_428 : memref<1x1664xi32, #tpu.memory_space<hbm>> -> memref<1664xi32, #tpu.memory_space<hbm>>
        tpu.wait_dma2 semaphore(%dma_wait3A_424 : memref<!tpu.dma_semaphore, #tpu.memory_space<semaphore_mem>>) src(%dma_wait3A_429 : memref<1664xi32, #tpu.memory_space<hbm>>) dst(%dma_wait3A_427 : memref<1664xi32, #tpu.memory_space<vmem>>)
        %add3A_430 = arith.constant 1 : i32
        %add3A_431 = arith.addi %add3A_322, %add3A_430 : i32
        %jit3A_432 = arith.constant 2 : i32
        %eq3A_433 = arith.constant 0 : i32
        %eq3A_434 = arith.cmpi eq, %jit3A_432, %eq3A_433 : i32
        %jit3A_435 = arith.constant 1 : i32
        %select_n3A_436 = arith.select %eq3A_434, %jit3A_435, %jit3A_432 : i32
        %rem3A_437 = arith.remsi %add3A_431, %select_n3A_436 : i32
        %ne3A_438 = arith.constant 0 : i32
        %ne3A_439 = arith.cmpi ne, %rem3A_437, %ne3A_438 : i32
        %lt3A_440 = arith.constant 0 : i32
        %lt3A_441 = arith.cmpi slt, %rem3A_437, %lt3A_440 : i32
        %lt3A_442 = arith.constant 0 : i32
        %lt3A_443 = arith.cmpi slt, %select_n3A_436, %lt3A_442 : i32
        %ne3A_444 = arith.xori %lt3A_441, %lt3A_443 : i1
        %and3A_445 = arith.andi %ne3A_444, %ne3A_439 : i1
        %add3A_446 = arith.addi %rem3A_437, %select_n3A_436 : i32
        %select_n3A_447 = arith.select %and3A_445, %add3A_446, %rem3A_437 : i32
        %jit3A_448 = arith.constant 2 : i32
        %eq3A_449 = arith.constant 0 : i32
        %eq3A_450 = arith.cmpi eq, %jit3A_448, %eq3A_449 : i32
        %jit3A_451 = arith.constant 1 : i32
        %select_n3A_452 = arith.select %eq3A_450, %jit3A_451, %jit3A_448 : i32
        %rem3A_453 = arith.remsi %add3A_431, %select_n3A_452 : i32
        %ne3A_454 = arith.constant 0 : i32
        %ne3A_455 = arith.cmpi ne, %rem3A_453, %ne3A_454 : i32
        %lt3A_456 = arith.constant 0 : i32
        %lt3A_457 = arith.cmpi slt, %rem3A_453, %lt3A_456 : i32
        %lt3A_458 = arith.constant 0 : i32
        %lt3A_459 = arith.cmpi slt, %select_n3A_452, %lt3A_458 : i32
        %ne3A_460 = arith.xori %lt3A_457, %lt3A_459 : i1
        %and3A_461 = arith.andi %ne3A_460, %ne3A_455 : i1
        %add3A_462 = arith.addi %rem3A_453, %select_n3A_452 : i32
        %select_n3A_463 = arith.select %and3A_461, %add3A_462, %rem3A_453 : i32
        %dma_start3A_464 = arith.constant 0 : i32
        %dma_start3A_465 = arith.constant 0 : i32
        %dma_start3A_466 = arith.constant 0 : i32
        %dma_start3A_467 = arith.constant 0 : i32
        %dma_start3A_468 = tpu.memref_slice %arg7[%select_n3A_447, %dma_start3A_466, %dma_start3A_467] : memref<2x128x128xf32, #tpu.memory_space<vmem>> -> memref<1x128x128xf32, #tpu.memory_space<vmem>>
        %dma_start3A_469 = tpu.memref_squeeze %dma_start3A_468 : memref<1x128x128xf32, #tpu.memory_space<vmem>> -> memref<128x128xf32, #tpu.memory_space<vmem>>
        %dma_start3A_470 = arith.constant 0 : i32
        %dma_start3A_471 = tpu.memref_slice %arg6[%dma_start3A_464, %dma_start3A_465, %dma_start3A_470] : memref<2x2x1664xi32, #tpu.memory_space<vmem>> -> memref<1x1x128xi32, #tpu.memory_space<vmem>>
        %dma_start3A_472 = tpu.memref_squeeze %dma_start3A_471 : memref<1x1x128xi32, #tpu.memory_space<vmem>> -> memref<128xi32, #tpu.memory_space<vmem>>
        %dma_start3A_473 = arith.constant 0 : i32
        %dma_start3A_474 = arith.constant 0 : i32
        %dma_start3A_475 = tpu.memref_slice %arg3[%dma_start3A_473, %dma_start3A_474] : memref<10000x128xf32, #tpu.memory_space<hbm>> -> memref<10000x128xf32, #tpu.memory_space<hbm>>
        %dma_start3A_476 = tpu.memref_slice %arg8[%select_n3A_463] : memref<2x!tpu.dma_semaphore, #tpu.memory_space<semaphore_mem>> -> memref<1x!tpu.dma_semaphore, #tpu.memory_space<semaphore_mem>>
        %dma_start3A_477 = tpu.memref_squeeze %dma_start3A_476 : memref<1x!tpu.dma_semaphore, #tpu.memory_space<semaphore_mem>> -> memref<!tpu.dma_semaphore, #tpu.memory_space<semaphore_mem>>
        tpu.enqueue_indirect_dma source(%dma_start3A_475 : memref<10000x128xf32, #tpu.memory_space<hbm>>) target(%dma_start3A_469 : memref<128x128xf32, #tpu.memory_space<vmem>>) offsets(%dma_start3A_472 : memref<128xi32, #tpu.memory_space<vmem>>) semaphore(%dma_start3A_477 : memref<!tpu.dma_semaphore, #tpu.memory_space<semaphore_mem>>)
      } else {
      }
      %mul3A_333 = arith.constant 128 : i32
      %mul3A_334 = arith.muli %scan3A_320, %mul3A_333 : i32
      %jit3A = arith.constant 2 : i32
      %eq3A_335 = arith.constant 0 : i32
      %eq3A_336 = arith.cmpi eq, %jit3A, %eq3A_335 : i32
      %jit3A_337 = arith.constant 1 : i32
      %select_n3A = arith.select %eq3A_336, %jit3A_337, %jit3A : i32
      %rem3A = arith.remsi %add3A_322, %select_n3A : i32
      %ne3A = arith.constant 0 : i32
      %ne3A_338 = arith.cmpi ne, %rem3A, %ne3A : i32
      %lt3A_339 = arith.constant 0 : i32
      %lt3A_340 = arith.cmpi slt, %rem3A, %lt3A_339 : i32
      %lt3A_341 = arith.constant 0 : i32
      %lt3A_342 = arith.cmpi slt, %select_n3A, %lt3A_341 : i32
      %ne3A_343 = arith.xori %lt3A_340, %lt3A_342 : i1
      %and3A = arith.andi %ne3A_343, %ne3A_338 : i1
      %add3A_344 = arith.addi %rem3A, %select_n3A : i32
      %select_n3A_345 = arith.select %and3A, %add3A_344, %rem3A : i32
      %jit3A_346 = arith.constant 2 : i32
      %eq3A_347 = arith.constant 0 : i32
      %eq3A_348 = arith.cmpi eq, %jit3A_346, %eq3A_347 : i32
      %jit3A_349 = arith.constant 1 : i32
      %select_n3A_350 = arith.select %eq3A_348, %jit3A_349, %jit3A_346 : i32
      %rem3A_351 = arith.remsi %add3A_322, %select_n3A_350 : i32
      %ne3A_352 = arith.constant 0 : i32
      %ne3A_353 = arith.cmpi ne, %rem3A_351, %ne3A_352 : i32
      %lt3A_354 = arith.constant 0 : i32
      %lt3A_355 = arith.cmpi slt, %rem3A_351, %lt3A_354 : i32
      %lt3A_356 = arith.constant 0 : i32
      %lt3A_357 = arith.cmpi slt, %select_n3A_350, %lt3A_356 : i32
      %ne3A_358 = arith.xori %lt3A_355, %lt3A_357 : i1
      %and3A_359 = arith.andi %ne3A_358, %ne3A_353 : i1
      %add3A_360 = arith.addi %rem3A_351, %select_n3A_350 : i32
      %select_n3A_361 = arith.select %and3A_359, %add3A_360, %rem3A_351 : i32
      %dma_wait3A_362 = arith.constant 1 : i32
      %dma_wait3A_363 = arith.constant 0 : i32
      %dma_wait3A_364 = arith.constant 0 : i32
      %dma_wait3A_365 = arith.constant 0 : i32
      %dma_wait3A_366 = tpu.memref_slice %arg7[%select_n3A_345, %dma_wait3A_364, %dma_wait3A_365] : memref<2x128x128xf32, #tpu.memory_space<vmem>> -> memref<1x128x128xf32, #tpu.memory_space<vmem>>
      %dma_wait3A_367 = tpu.memref_squeeze %dma_wait3A_366 : memref<1x128x128xf32, #tpu.memory_space<vmem>> -> memref<128x128xf32, #tpu.memory_space<vmem>>
      %dma_wait3A_368 = tpu.memref_slice %arg6[%dma_wait3A_362, %dma_wait3A_363, %mul3A_334] : memref<2x2x1664xi32, #tpu.memory_space<vmem>> -> memref<1x1x128xi32, #tpu.memory_space<vmem>>
      %dma_wait3A_369 = tpu.memref_squeeze %dma_wait3A_368 : memref<1x1x128xi32, #tpu.memory_space<vmem>> -> memref<128xi32, #tpu.memory_space<vmem>>
      %dma_wait3A_370 = arith.constant 0 : i32
      %dma_wait3A_371 = arith.constant 0 : i32
      %dma_wait3A_372 = tpu.memref_slice %arg3[%dma_wait3A_370, %dma_wait3A_371] : memref<10000x128xf32, #tpu.memory_space<hbm>> -> memref<10000x128xf32, #tpu.memory_space<hbm>>
      %dma_wait3A_373 = tpu.memref_slice %arg8[%select_n3A_361] : memref<2x!tpu.dma_semaphore, #tpu.memory_space<semaphore_mem>> -> memref<1x!tpu.dma_semaphore, #tpu.memory_space<semaphore_mem>>
      %dma_wait3A_374 = tpu.memref_squeeze %dma_wait3A_373 : memref<1x!tpu.dma_semaphore, #tpu.memory_space<semaphore_mem>> -> memref<!tpu.dma_semaphore, #tpu.memory_space<semaphore_mem>>
      tpu.wait_indirect_dma semaphore(%dma_wait3A_374 : memref<!tpu.dma_semaphore, #tpu.memory_space<semaphore_mem>>) src(%dma_wait3A_372 : memref<10000x128xf32, #tpu.memory_space<hbm>>) dst(%dma_wait3A_367 : memref<128x128xf32, #tpu.memory_space<vmem>>)
      %jit3A_375 = arith.constant 2 : i32
      %eq3A_376 = arith.constant 0 : i32
      %eq3A_377 = arith.cmpi eq, %jit3A_375, %eq3A_376 : i32
      %jit3A_378 = arith.constant 1 : i32
      %select_n3A_379 = arith.select %eq3A_377, %jit3A_378, %jit3A_375 : i32
      %rem3A_380 = arith.remsi %add3A_322, %select_n3A_379 : i32
      %ne3A_381 = arith.constant 0 : i32
      %ne3A_382 = arith.cmpi ne, %rem3A_380, %ne3A_381 : i32
      %lt3A_383 = arith.constant 0 : i32
      %lt3A_384 = arith.cmpi slt, %rem3A_380, %lt3A_383 : i32
      %lt3A_385 = arith.constant 0 : i32
      %lt3A_386 = arith.cmpi slt, %select_n3A_379, %lt3A_385 : i32
      %ne3A_387 = arith.xori %lt3A_384, %lt3A_386 : i1
      %and3A_388 = arith.andi %ne3A_387, %ne3A_382 : i1
      %add3A_389 = arith.addi %rem3A_380, %select_n3A_379 : i32
      %select_n3A_390 = arith.select %and3A_388, %add3A_389, %rem3A_380 : i32
      %mul3A_391 = arith.constant 128 : i32
      %mul3A_392 = arith.muli %scan3A_320, %mul3A_391 : i32
      %run_scoped3A = arith.constant 1 : i32
      %run_scoped3A_393 = arith.constant 1 : i32
      "tpu.region"() ({
        %run_scoped3A_394 = tpu.sem_alloc : memref<!tpu.dma_semaphore, #tpu.memory_space<semaphore_mem>>
        %dma_start3A_395 = arith.constant 0 : i32
        %dma_start3A_396 = arith.constant 0 : i32
        %dma_start3A_397 = tpu.memref_slice %arg7[%select_n3A_390, %dma_start3A_395, %dma_start3A_396] : memref<2x128x128xf32, #tpu.memory_space<vmem>> -> memref<1x128x128xf32, #tpu.memory_space<vmem>>
        %dma_start3A_398 = tpu.memref_squeeze %dma_start3A_397 : memref<1x128x128xf32, #tpu.memory_space<vmem>> -> memref<128x128xf32, #tpu.memory_space<vmem>>
        %dma_start3A_399 = tpu.memref_slice %arg6[%run_scoped3A, %run_scoped3A_393, %mul3A_392] : memref<2x2x1664xi32, #tpu.memory_space<vmem>> -> memref<1x1x128xi32, #tpu.memory_space<vmem>>
        %dma_start3A_400 = tpu.memref_squeeze %dma_start3A_399 : memref<1x1x128xi32, #tpu.memory_space<vmem>> -> memref<128xi32, #tpu.memory_space<vmem>>
        %dma_start3A_401 = arith.constant 0 : i32
        %dma_start3A_402 = arith.constant 0 : i32
        %dma_start3A_403 = tpu.memref_slice %arg10[%dma_start3A_401, %dma_start3A_402] : memref<10000x128xf32, #tpu.memory_space<vmem_shared>> -> memref<10000x128xf32, #tpu.memory_space<vmem_shared>>
        tpu.enqueue_indirect_dma source(%dma_start3A_398 : memref<128x128xf32, #tpu.memory_space<vmem>>) target(%dma_start3A_403 : memref<10000x128xf32, #tpu.memory_space<vmem_shared>>) offsets(%dma_start3A_400 : memref<128xi32, #tpu.memory_space<vmem>>) semaphore(%run_scoped3A_394 : memref<!tpu.dma_semaphore, #tpu.memory_space<semaphore_mem>>) {add = true}
        %dma_wait3A_404 = arith.constant 0 : i32
        %dma_wait3A_405 = arith.constant 0 : i32
        %dma_wait3A_406 = tpu.memref_slice %arg7[%select_n3A_390, %dma_wait3A_404, %dma_wait3A_405] : memref<2x128x128xf32, #tpu.memory_space<vmem>> -> memref<1x128x128xf32, #tpu.memory_space<vmem>>
        %dma_wait3A_407 = tpu.memref_squeeze %dma_wait3A_406 : memref<1x128x128xf32, #tpu.memory_space<vmem>> -> memref<128x128xf32, #tpu.memory_space<vmem>>
        %dma_wait3A_408 = tpu.memref_slice %arg6[%run_scoped3A, %run_scoped3A_393, %mul3A_392] : memref<2x2x1664xi32, #tpu.memory_space<vmem>> -> memref<1x1x128xi32, #tpu.memory_space<vmem>>
        %dma_wait3A_409 = tpu.memref_squeeze %dma_wait3A_408 : memref<1x1x128xi32, #tpu.memory_space<vmem>> -> memref<128xi32, #tpu.memory_space<vmem>>
        %dma_wait3A_410 = arith.constant 0 : i32
        %dma_wait3A_411 = arith.constant 0 : i32
        %dma_wait3A_412 = tpu.memref_slice %arg10[%dma_wait3A_410, %dma_wait3A_411] : memref<10000x128xf32, #tpu.memory_space<vmem_shared>> -> memref<10000x128xf32, #tpu.memory_space<vmem_shared>>
        tpu.wait_indirect_dma semaphore(%run_scoped3A_394 : memref<!tpu.dma_semaphore, #tpu.memory_space<semaphore_mem>>) src(%dma_wait3A_407 : memref<128x128xf32, #tpu.memory_space<vmem>>) dst(%dma_wait3A_412 : memref<10000x128xf32, #tpu.memory_space<vmem_shared>>)
        tpu.yield
      }) : () -> ()
    }
    %scan3A_261 = arith.constant 13 : i32
    %add3A_262 = arith.constant 8320 : i32
    %add3A_263 = arith.addi %mul3A_6, %add3A_262 : i32
    %dma_start3A_264 = arith.constant 0 : i32
    %dma_start3A_265 = arith.constant 1 : i32
    %dma_start3A_266 = arith.constant 0 : i32
    %dma_start3A_267 = arith.constant 1 : i32
    %dma_start3A_268 = arith.constant 0 : i32
    %dma_start3A_269 = tpu.memref_slice %arg6[%dma_start3A_265, %dma_start3A_266, %dma_start3A_268] : memref<2x2x1664xi32, #tpu.memory_space<vmem>> -> memref<1x1x1664xi32, #tpu.memory_space<vmem>>
    %dma_start3A_270 = tpu.memref_squeeze %dma_start3A_269 : memref<1x1x1664xi32, #tpu.memory_space<vmem>> -> memref<1664xi32, #tpu.memory_space<vmem>>
    %dma_start3A_271 = tpu.memref_slice %arg2[%dma_start3A_264, %add3A_263] : memref<2x320000xi32, #tpu.memory_space<hbm>> -> memref<1x1664xi32, #tpu.memory_space<hbm>>
    %dma_start3A_272 = tpu.memref_squeeze %dma_start3A_271 : memref<1x1664xi32, #tpu.memory_space<hbm>> -> memref<1664xi32, #tpu.memory_space<hbm>>
    %dma_start3A_273 = tpu.memref_slice %arg9[%dma_start3A_267] : memref<2x!tpu.dma_semaphore, #tpu.memory_space<semaphore_mem>> -> memref<1x!tpu.dma_semaphore, #tpu.memory_space<semaphore_mem>>
    %dma_start3A_274 = tpu.memref_squeeze %dma_start3A_273 : memref<1x!tpu.dma_semaphore, #tpu.memory_space<semaphore_mem>> -> memref<!tpu.dma_semaphore, #tpu.memory_space<semaphore_mem>>
    %dma_start3A_275 = arith.constant 0 : i32
    %dma_start3A_276 = tpu.memref_slice %arg6[%dma_start3A_265, %dma_start3A_266, %dma_start3A_275] : memref<2x2x1664xi32, #tpu.memory_space<vmem>> -> memref<1x1x1664xi32, #tpu.memory_space<vmem>>
    %dma_start3A_277 = tpu.memref_squeeze %dma_start3A_276 : memref<1x1x1664xi32, #tpu.memory_space<vmem>> -> memref<1664xi32, #tpu.memory_space<vmem>>
    %dma_start3A_278 = tpu.memref_slice %arg2[%dma_start3A_264, %add3A_263] : memref<2x320000xi32, #tpu.memory_space<hbm>> -> memref<1x1664xi32, #tpu.memory_space<hbm>>
    %dma_start3A_279 = tpu.memref_squeeze %dma_start3A_278 : memref<1x1664xi32, #tpu.memory_space<hbm>> -> memref<1664xi32, #tpu.memory_space<hbm>>
    tpu.enqueue_dma source(%dma_start3A_279 : memref<1664xi32, #tpu.memory_space<hbm>>) target(%dma_start3A_277 : memref<1664xi32, #tpu.memory_space<vmem>>) target_semaphore(%dma_start3A_274 : memref<!tpu.dma_semaphore, #tpu.memory_space<semaphore_mem>>)
    %add3A_280 = arith.constant 8320 : i32
    %add3A_281 = arith.addi %mul3A_6, %add3A_280 : i32
    %dma_start3A_282 = arith.constant 1 : i32
    %dma_start3A_283 = arith.constant 1 : i32
    %dma_start3A_284 = arith.constant 1 : i32
    %dma_start3A_285 = arith.constant 1 : i32
    %dma_start3A_286 = arith.constant 0 : i32
    %dma_start3A_287 = tpu.memref_slice %arg6[%dma_start3A_283, %dma_start3A_284, %dma_start3A_286] : memref<2x2x1664xi32, #tpu.memory_space<vmem>> -> memref<1x1x1664xi32, #tpu.memory_space<vmem>>
    %dma_start3A_288 = tpu.memref_squeeze %dma_start3A_287 : memref<1x1x1664xi32, #tpu.memory_space<vmem>> -> memref<1664xi32, #tpu.memory_space<vmem>>
    %dma_start3A_289 = tpu.memref_slice %arg2[%dma_start3A_282, %add3A_281] : memref<2x320000xi32, #tpu.memory_space<hbm>> -> memref<1x1664xi32, #tpu.memory_space<hbm>>
    %dma_start3A_290 = tpu.memref_squeeze %dma_start3A_289 : memref<1x1664xi32, #tpu.memory_space<hbm>> -> memref<1664xi32, #tpu.memory_space<hbm>>
    %dma_start3A_291 = tpu.memref_slice %arg9[%dma_start3A_285] : memref<2x!tpu.dma_semaphore, #tpu.memory_space<semaphore_mem>> -> memref<1x!tpu.dma_semaphore, #tpu.memory_space<semaphore_mem>>
    %dma_start3A_292 = tpu.memref_squeeze %dma_start3A_291 : memref<1x!tpu.dma_semaphore, #tpu.memory_space<semaphore_mem>> -> memref<!tpu.dma_semaphore, #tpu.memory_space<semaphore_mem>>
    %dma_start3A_293 = arith.constant 0 : i32
    %dma_start3A_294 = tpu.memref_slice %arg6[%dma_start3A_283, %dma_start3A_284, %dma_start3A_293] : memref<2x2x1664xi32, #tpu.memory_space<vmem>> -> memref<1x1x1664xi32, #tpu.memory_space<vmem>>
    %dma_start3A_295 = tpu.memref_squeeze %dma_start3A_294 : memref<1x1x1664xi32, #tpu.memory_space<vmem>> -> memref<1664xi32, #tpu.memory_space<vmem>>
    %dma_start3A_296 = tpu.memref_slice %arg2[%dma_start3A_282, %add3A_281] : memref<2x320000xi32, #tpu.memory_space<hbm>> -> memref<1x1664xi32, #tpu.memory_space<hbm>>
    %dma_start3A_297 = tpu.memref_squeeze %dma_start3A_296 : memref<1x1664xi32, #tpu.memory_space<hbm>> -> memref<1664xi32, #tpu.memory_space<hbm>>
    tpu.enqueue_dma source(%dma_start3A_297 : memref<1664xi32, #tpu.memory_space<hbm>>) target(%dma_start3A_295 : memref<1664xi32, #tpu.memory_space<vmem>>) target_semaphore(%dma_start3A_292 : memref<!tpu.dma_semaphore, #tpu.memory_space<semaphore_mem>>)
    %scan3A_298 = arith.constant 0 : i32
    %scan3A_299 = arith.constant 0 : i32
    %scan3A_300 = arith.constant 13 : i32
    %scan3A_301 = arith.addi %scan3A_299, %scan3A_300 : i32
    %scan3A_302 = arith.constant 1 : i32
    scf.for %scan3A_320 = %scan3A_299 to %scan3A_301 step %scan3A_302  : i32 {
      %add3A_321 = arith.constant 52 : i32
      %add3A_322 = arith.addi %add3A_321, %scan3A_320 : i32
      %lt3A_323 = arith.constant 12 : i32
      %lt3A_324 = arith.cmpi slt, %scan3A_320, %lt3A_323 : i32
      %convert_element_type3A_325 = arith.extui %lt3A_324 : i1 to i32
      %cond3A_326 = arith.constant 0 : i32
      %cond3A_327 = arith.cmpi ne, %convert_element_type3A_325, %cond3A_326 : i32
      scf.if %cond3A_327 {
        %add3A_394 = arith.constant 1 : i32
        %add3A_395 = arith.addi %scan3A_320, %add3A_394 : i32
        %add3A_396 = arith.constant 1 : i32
        %add3A_397 = arith.addi %add3A_322, %add3A_396 : i32
        %mul3A_398 = arith.constant 128 : i32
        %mul3A_399 = arith.muli %add3A_395, %mul3A_398 : i32
        %jit3A_400 = arith.constant 2 : i32
        %eq3A_401 = arith.constant 0 : i32
        %eq3A_402 = arith.cmpi eq, %jit3A_400, %eq3A_401 : i32
        %jit3A_403 = arith.constant 1 : i32
        %select_n3A_404 = arith.select %eq3A_402, %jit3A_403, %jit3A_400 : i32
        %rem3A_405 = arith.remsi %add3A_397, %select_n3A_404 : i32
        %ne3A_406 = arith.constant 0 : i32
        %ne3A_407 = arith.cmpi ne, %rem3A_405, %ne3A_406 : i32
        %lt3A_408 = arith.constant 0 : i32
        %lt3A_409 = arith.cmpi slt, %rem3A_405, %lt3A_408 : i32
        %lt3A_410 = arith.constant 0 : i32
        %lt3A_411 = arith.cmpi slt, %select_n3A_404, %lt3A_410 : i32
        %ne3A_412 = arith.xori %lt3A_409, %lt3A_411 : i1
        %and3A_413 = arith.andi %ne3A_412, %ne3A_407 : i1
        %add3A_414 = arith.addi %rem3A_405, %select_n3A_404 : i32
        %select_n3A_415 = arith.select %and3A_413, %add3A_414, %rem3A_405 : i32
        %jit3A_416 = arith.constant 2 : i32
        %eq3A_417 = arith.constant 0 : i32
        %eq3A_418 = arith.cmpi eq, %jit3A_416, %eq3A_417 : i32
        %jit3A_419 = arith.constant 1 : i32
        %select_n3A_420 = arith.select %eq3A_418, %jit3A_419, %jit3A_416 : i32
        %rem3A_421 = arith.remsi %add3A_397, %select_n3A_420 : i32
        %ne3A_422 = arith.constant 0 : i32
        %ne3A_423 = arith.cmpi ne, %rem3A_421, %ne3A_422 : i32
        %lt3A_424 = arith.constant 0 : i32
        %lt3A_425 = arith.cmpi slt, %rem3A_421, %lt3A_424 : i32
        %lt3A_426 = arith.constant 0 : i32
        %lt3A_427 = arith.cmpi slt, %select_n3A_420, %lt3A_426 : i32
        %ne3A_428 = arith.xori %lt3A_425, %lt3A_427 : i1
        %and3A_429 = arith.andi %ne3A_428, %ne3A_423 : i1
        %add3A_430 = arith.addi %rem3A_421, %select_n3A_420 : i32
        %select_n3A_431 = arith.select %and3A_429, %add3A_430, %rem3A_421 : i32
        %dma_start3A_432 = arith.constant 0 : i32
        %dma_start3A_433 = arith.constant 0 : i32
        %dma_start3A_434 = arith.constant 0 : i32
        %dma_start3A_435 = arith.constant 0 : i32
        %dma_start3A_436 = tpu.memref_slice %arg7[%select_n3A_415, %dma_start3A_434, %dma_start3A_435] : memref<2x128x128xf32, #tpu.memory_space<vmem>> -> memref<1x128x128xf32, #tpu.memory_space<vmem>>
        %dma_start3A_437 = tpu.memref_squeeze %dma_start3A_436 : memref<1x128x128xf32, #tpu.memory_space<vmem>> -> memref<128x128xf32, #tpu.memory_space<vmem>>
        %dma_start3A_438 = tpu.memref_slice %arg6[%dma_start3A_432, %dma_start3A_433, %mul3A_399] : memref<2x2x1664xi32, #tpu.memory_space<vmem>> -> memref<1x1x128xi32, #tpu.memory_space<vmem>>
        %dma_start3A_439 = tpu.memref_squeeze %dma_start3A_438 : memref<1x1x128xi32, #tpu.memory_space<vmem>> -> memref<128xi32, #tpu.memory_space<vmem>>
        %dma_start3A_440 = arith.constant 0 : i32
        %dma_start3A_441 = arith.constant 0 : i32
        %dma_start3A_442 = tpu.memref_slice %arg3[%dma_start3A_440, %dma_start3A_441] : memref<10000x128xf32, #tpu.memory_space<hbm>> -> memref<10000x128xf32, #tpu.memory_space<hbm>>
        %dma_start3A_443 = tpu.memref_slice %arg8[%select_n3A_431] : memref<2x!tpu.dma_semaphore, #tpu.memory_space<semaphore_mem>> -> memref<1x!tpu.dma_semaphore, #tpu.memory_space<semaphore_mem>>
        %dma_start3A_444 = tpu.memref_squeeze %dma_start3A_443 : memref<1x!tpu.dma_semaphore, #tpu.memory_space<semaphore_mem>> -> memref<!tpu.dma_semaphore, #tpu.memory_space<semaphore_mem>>
        tpu.enqueue_indirect_dma source(%dma_start3A_442 : memref<10000x128xf32, #tpu.memory_space<hbm>>) target(%dma_start3A_437 : memref<128x128xf32, #tpu.memory_space<vmem>>) offsets(%dma_start3A_439 : memref<128xi32, #tpu.memory_space<vmem>>) semaphore(%dma_start3A_444 : memref<!tpu.dma_semaphore, #tpu.memory_space<semaphore_mem>>)
      } else {
      }
      %eq3A_328 = arith.constant 12 : i32
      %eq3A_329 = arith.cmpi eq, %scan3A_320, %eq3A_328 : i32
      %convert_element_type3A_330 = arith.extui %eq3A_329 : i1 to i32
      %cond3A_331 = arith.constant 0 : i32
      %cond3A_332 = arith.cmpi ne, %convert_element_type3A_330, %cond3A_331 : i32
      scf.if %cond3A_332 {
        %add3A_394 = arith.constant 8320 : i32
        %add3A_395 = arith.addi %mul3A_6, %add3A_394 : i32
        %dma_wait3A_396 = arith.constant 0 : i32
        %dma_wait3A_397 = arith.constant 1 : i32
        %dma_wait3A_398 = arith.constant 0 : i32
        %dma_wait3A_399 = arith.constant 1 : i32
        %dma_wait3A_400 = arith.constant 0 : i32
        %dma_wait3A_401 = tpu.memref_slice %arg6[%dma_wait3A_397, %dma_wait3A_398, %dma_wait3A_400] : memref<2x2x1664xi32, #tpu.memory_space<vmem>> -> memref<1x1x1664xi32, #tpu.memory_space<vmem>>
        %dma_wait3A_402 = tpu.memref_squeeze %dma_wait3A_401 : memref<1x1x1664xi32, #tpu.memory_space<vmem>> -> memref<1664xi32, #tpu.memory_space<vmem>>
        %dma_wait3A_403 = tpu.memref_slice %arg2[%dma_wait3A_396, %add3A_395] : memref<2x320000xi32, #tpu.memory_space<hbm>> -> memref<1x1664xi32, #tpu.memory_space<hbm>>
        %dma_wait3A_404 = tpu.memref_squeeze %dma_wait3A_403 : memref<1x1664xi32, #tpu.memory_space<hbm>> -> memref<1664xi32, #tpu.memory_space<hbm>>
        %dma_wait3A_405 = tpu.memref_slice %arg9[%dma_wait3A_399] : memref<2x!tpu.dma_semaphore, #tpu.memory_space<semaphore_mem>> -> memref<1x!tpu.dma_semaphore, #tpu.memory_space<semaphore_mem>>
        %dma_wait3A_406 = tpu.memref_squeeze %dma_wait3A_405 : memref<1x!tpu.dma_semaphore, #tpu.memory_space<semaphore_mem>> -> memref<!tpu.dma_semaphore, #tpu.memory_space<semaphore_mem>>
        %dma_wait3A_407 = arith.constant 0 : i32
        %dma_wait3A_408 = tpu.memref_slice %arg6[%dma_wait3A_397, %dma_wait3A_398, %dma_wait3A_407] : memref<2x2x1664xi32, #tpu.memory_space<vmem>> -> memref<1x1x1664xi32, #tpu.memory_space<vmem>>
        %dma_wait3A_409 = tpu.memref_squeeze %dma_wait3A_408 : memref<1x1x1664xi32, #tpu.memory_space<vmem>> -> memref<1664xi32, #tpu.memory_space<vmem>>
        %dma_wait3A_410 = tpu.memref_slice %arg2[%dma_wait3A_396, %add3A_395] : memref<2x320000xi32, #tpu.memory_space<hbm>> -> memref<1x1664xi32, #tpu.memory_space<hbm>>
        %dma_wait3A_411 = tpu.memref_squeeze %dma_wait3A_410 : memref<1x1664xi32, #tpu.memory_space<hbm>> -> memref<1664xi32, #tpu.memory_space<hbm>>
        tpu.wait_dma2 semaphore(%dma_wait3A_406 : memref<!tpu.dma_semaphore, #tpu.memory_space<semaphore_mem>>) src(%dma_wait3A_411 : memref<1664xi32, #tpu.memory_space<hbm>>) dst(%dma_wait3A_409 : memref<1664xi32, #tpu.memory_space<vmem>>)
        %add3A_412 = arith.constant 8320 : i32
        %add3A_413 = arith.addi %mul3A_6, %add3A_412 : i32
        %dma_wait3A_414 = arith.constant 1 : i32
        %dma_wait3A_415 = arith.constant 1 : i32
        %dma_wait3A_416 = arith.constant 1 : i32
        %dma_wait3A_417 = arith.constant 1 : i32
        %dma_wait3A_418 = arith.constant 0 : i32
        %dma_wait3A_419 = tpu.memref_slice %arg6[%dma_wait3A_415, %dma_wait3A_416, %dma_wait3A_418] : memref<2x2x1664xi32, #tpu.memory_space<vmem>> -> memref<1x1x1664xi32, #tpu.memory_space<vmem>>
        %dma_wait3A_420 = tpu.memref_squeeze %dma_wait3A_419 : memref<1x1x1664xi32, #tpu.memory_space<vmem>> -> memref<1664xi32, #tpu.memory_space<vmem>>
        %dma_wait3A_421 = tpu.memref_slice %arg2[%dma_wait3A_414, %add3A_413] : memref<2x320000xi32, #tpu.memory_space<hbm>> -> memref<1x1664xi32, #tpu.memory_space<hbm>>
        %dma_wait3A_422 = tpu.memref_squeeze %dma_wait3A_421 : memref<1x1664xi32, #tpu.memory_space<hbm>> -> memref<1664xi32, #tpu.memory_space<hbm>>
        %dma_wait3A_423 = tpu.memref_slice %arg9[%dma_wait3A_417] : memref<2x!tpu.dma_semaphore, #tpu.memory_space<semaphore_mem>> -> memref<1x!tpu.dma_semaphore, #tpu.memory_space<semaphore_mem>>
        %dma_wait3A_424 = tpu.memref_squeeze %dma_wait3A_423 : memref<1x!tpu.dma_semaphore, #tpu.memory_space<semaphore_mem>> -> memref<!tpu.dma_semaphore, #tpu.memory_space<semaphore_mem>>
        %dma_wait3A_425 = arith.constant 0 : i32
        %dma_wait3A_426 = tpu.memref_slice %arg6[%dma_wait3A_415, %dma_wait3A_416, %dma_wait3A_425] : memref<2x2x1664xi32, #tpu.memory_space<vmem>> -> memref<1x1x1664xi32, #tpu.memory_space<vmem>>
        %dma_wait3A_427 = tpu.memref_squeeze %dma_wait3A_426 : memref<1x1x1664xi32, #tpu.memory_space<vmem>> -> memref<1664xi32, #tpu.memory_space<vmem>>
        %dma_wait3A_428 = tpu.memref_slice %arg2[%dma_wait3A_414, %add3A_413] : memref<2x320000xi32, #tpu.memory_space<hbm>> -> memref<1x1664xi32, #tpu.memory_space<hbm>>
        %dma_wait3A_429 = tpu.memref_squeeze %dma_wait3A_428 : memref<1x1664xi32, #tpu.memory_space<hbm>> -> memref<1664xi32, #tpu.memory_space<hbm>>
        tpu.wait_dma2 semaphore(%dma_wait3A_424 : memref<!tpu.dma_semaphore, #tpu.memory_space<semaphore_mem>>) src(%dma_wait3A_429 : memref<1664xi32, #tpu.memory_space<hbm>>) dst(%dma_wait3A_427 : memref<1664xi32, #tpu.memory_space<vmem>>)
        %add3A_430 = arith.constant 1 : i32
        %add3A_431 = arith.addi %add3A_322, %add3A_430 : i32
        %jit3A_432 = arith.constant 2 : i32
        %eq3A_433 = arith.constant 0 : i32
        %eq3A_434 = arith.cmpi eq, %jit3A_432, %eq3A_433 : i32
        %jit3A_435 = arith.constant 1 : i32
        %select_n3A_436 = arith.select %eq3A_434, %jit3A_435, %jit3A_432 : i32
        %rem3A_437 = arith.remsi %add3A_431, %select_n3A_436 : i32
        %ne3A_438 = arith.constant 0 : i32
        %ne3A_439 = arith.cmpi ne, %rem3A_437, %ne3A_438 : i32
        %lt3A_440 = arith.constant 0 : i32
        %lt3A_441 = arith.cmpi slt, %rem3A_437, %lt3A_440 : i32
        %lt3A_442 = arith.constant 0 : i32
        %lt3A_443 = arith.cmpi slt, %select_n3A_436, %lt3A_442 : i32
        %ne3A_444 = arith.xori %lt3A_441, %lt3A_443 : i1
        %and3A_445 = arith.andi %ne3A_444, %ne3A_439 : i1
        %add3A_446 = arith.addi %rem3A_437, %select_n3A_436 : i32
        %select_n3A_447 = arith.select %and3A_445, %add3A_446, %rem3A_437 : i32
        %jit3A_448 = arith.constant 2 : i32
        %eq3A_449 = arith.constant 0 : i32
        %eq3A_450 = arith.cmpi eq, %jit3A_448, %eq3A_449 : i32
        %jit3A_451 = arith.constant 1 : i32
        %select_n3A_452 = arith.select %eq3A_450, %jit3A_451, %jit3A_448 : i32
        %rem3A_453 = arith.remsi %add3A_431, %select_n3A_452 : i32
        %ne3A_454 = arith.constant 0 : i32
        %ne3A_455 = arith.cmpi ne, %rem3A_453, %ne3A_454 : i32
        %lt3A_456 = arith.constant 0 : i32
        %lt3A_457 = arith.cmpi slt, %rem3A_453, %lt3A_456 : i32
        %lt3A_458 = arith.constant 0 : i32
        %lt3A_459 = arith.cmpi slt, %select_n3A_452, %lt3A_458 : i32
        %ne3A_460 = arith.xori %lt3A_457, %lt3A_459 : i1
        %and3A_461 = arith.andi %ne3A_460, %ne3A_455 : i1
        %add3A_462 = arith.addi %rem3A_453, %select_n3A_452 : i32
        %select_n3A_463 = arith.select %and3A_461, %add3A_462, %rem3A_453 : i32
        %dma_start3A_464 = arith.constant 1 : i32
        %dma_start3A_465 = arith.constant 0 : i32
        %dma_start3A_466 = arith.constant 0 : i32
        %dma_start3A_467 = arith.constant 0 : i32
        %dma_start3A_468 = tpu.memref_slice %arg7[%select_n3A_447, %dma_start3A_466, %dma_start3A_467] : memref<2x128x128xf32, #tpu.memory_space<vmem>> -> memref<1x128x128xf32, #tpu.memory_space<vmem>>
        %dma_start3A_469 = tpu.memref_squeeze %dma_start3A_468 : memref<1x128x128xf32, #tpu.memory_space<vmem>> -> memref<128x128xf32, #tpu.memory_space<vmem>>
        %dma_start3A_470 = arith.constant 0 : i32
        %dma_start3A_471 = tpu.memref_slice %arg6[%dma_start3A_464, %dma_start3A_465, %dma_start3A_470] : memref<2x2x1664xi32, #tpu.memory_space<vmem>> -> memref<1x1x128xi32, #tpu.memory_space<vmem>>
        %dma_start3A_472 = tpu.memref_squeeze %dma_start3A_471 : memref<1x1x128xi32, #tpu.memory_space<vmem>> -> memref<128xi32, #tpu.memory_space<vmem>>
        %dma_start3A_473 = arith.constant 0 : i32
        %dma_start3A_474 = arith.constant 0 : i32
        %dma_start3A_475 = tpu.memref_slice %arg3[%dma_start3A_473, %dma_start3A_474] : memref<10000x128xf32, #tpu.memory_space<hbm>> -> memref<10000x128xf32, #tpu.memory_space<hbm>>
        %dma_start3A_476 = tpu.memref_slice %arg8[%select_n3A_463] : memref<2x!tpu.dma_semaphore, #tpu.memory_space<semaphore_mem>> -> memref<1x!tpu.dma_semaphore, #tpu.memory_space<semaphore_mem>>
        %dma_start3A_477 = tpu.memref_squeeze %dma_start3A_476 : memref<1x!tpu.dma_semaphore, #tpu.memory_space<semaphore_mem>> -> memref<!tpu.dma_semaphore, #tpu.memory_space<semaphore_mem>>
        tpu.enqueue_indirect_dma source(%dma_start3A_475 : memref<10000x128xf32, #tpu.memory_space<hbm>>) target(%dma_start3A_469 : memref<128x128xf32, #tpu.memory_space<vmem>>) offsets(%dma_start3A_472 : memref<128xi32, #tpu.memory_space<vmem>>) semaphore(%dma_start3A_477 : memref<!tpu.dma_semaphore, #tpu.memory_space<semaphore_mem>>)
      } else {
      }
      %mul3A_333 = arith.constant 128 : i32
      %mul3A_334 = arith.muli %scan3A_320, %mul3A_333 : i32
      %jit3A = arith.constant 2 : i32
      %eq3A_335 = arith.constant 0 : i32
      %eq3A_336 = arith.cmpi eq, %jit3A, %eq3A_335 : i32
      %jit3A_337 = arith.constant 1 : i32
      %select_n3A = arith.select %eq3A_336, %jit3A_337, %jit3A : i32
      %rem3A = arith.remsi %add3A_322, %select_n3A : i32
      %ne3A = arith.constant 0 : i32
      %ne3A_338 = arith.cmpi ne, %rem3A, %ne3A : i32
      %lt3A_339 = arith.constant 0 : i32
      %lt3A_340 = arith.cmpi slt, %rem3A, %lt3A_339 : i32
      %lt3A_341 = arith.constant 0 : i32
      %lt3A_342 = arith.cmpi slt, %select_n3A, %lt3A_341 : i32
      %ne3A_343 = arith.xori %lt3A_340, %lt3A_342 : i1
      %and3A = arith.andi %ne3A_343, %ne3A_338 : i1
      %add3A_344 = arith.addi %rem3A, %select_n3A : i32
      %select_n3A_345 = arith.select %and3A, %add3A_344, %rem3A : i32
      %jit3A_346 = arith.constant 2 : i32
      %eq3A_347 = arith.constant 0 : i32
      %eq3A_348 = arith.cmpi eq, %jit3A_346, %eq3A_347 : i32
      %jit3A_349 = arith.constant 1 : i32
      %select_n3A_350 = arith.select %eq3A_348, %jit3A_349, %jit3A_346 : i32
      %rem3A_351 = arith.remsi %add3A_322, %select_n3A_350 : i32
      %ne3A_352 = arith.constant 0 : i32
      %ne3A_353 = arith.cmpi ne, %rem3A_351, %ne3A_352 : i32
      %lt3A_354 = arith.constant 0 : i32
      %lt3A_355 = arith.cmpi slt, %rem3A_351, %lt3A_354 : i32
      %lt3A_356 = arith.constant 0 : i32
      %lt3A_357 = arith.cmpi slt, %select_n3A_350, %lt3A_356 : i32
      %ne3A_358 = arith.xori %lt3A_355, %lt3A_357 : i1
      %and3A_359 = arith.andi %ne3A_358, %ne3A_353 : i1
      %add3A_360 = arith.addi %rem3A_351, %select_n3A_350 : i32
      %select_n3A_361 = arith.select %and3A_359, %add3A_360, %rem3A_351 : i32
      %dma_wait3A_362 = arith.constant 0 : i32
      %dma_wait3A_363 = arith.constant 0 : i32
      %dma_wait3A_364 = arith.constant 0 : i32
      %dma_wait3A_365 = arith.constant 0 : i32
      %dma_wait3A_366 = tpu.memref_slice %arg7[%select_n3A_345, %dma_wait3A_364, %dma_wait3A_365] : memref<2x128x128xf32, #tpu.memory_space<vmem>> -> memref<1x128x128xf32, #tpu.memory_space<vmem>>
      %dma_wait3A_367 = tpu.memref_squeeze %dma_wait3A_366 : memref<1x128x128xf32, #tpu.memory_space<vmem>> -> memref<128x128xf32, #tpu.memory_space<vmem>>
      %dma_wait3A_368 = tpu.memref_slice %arg6[%dma_wait3A_362, %dma_wait3A_363, %mul3A_334] : memref<2x2x1664xi32, #tpu.memory_space<vmem>> -> memref<1x1x128xi32, #tpu.memory_space<vmem>>
      %dma_wait3A_369 = tpu.memref_squeeze %dma_wait3A_368 : memref<1x1x128xi32, #tpu.memory_space<vmem>> -> memref<128xi32, #tpu.memory_space<vmem>>
      %dma_wait3A_370 = arith.constant 0 : i32
      %dma_wait3A_371 = arith.constant 0 : i32
      %dma_wait3A_372 = tpu.memref_slice %arg3[%dma_wait3A_370, %dma_wait3A_371] : memref<10000x128xf32, #tpu.memory_space<hbm>> -> memref<10000x128xf32, #tpu.memory_space<hbm>>
      %dma_wait3A_373 = tpu.memref_slice %arg8[%select_n3A_361] : memref<2x!tpu.dma_semaphore, #tpu.memory_space<semaphore_mem>> -> memref<1x!tpu.dma_semaphore, #tpu.memory_space<semaphore_mem>>
      %dma_wait3A_374 = tpu.memref_squeeze %dma_wait3A_373 : memref<1x!tpu.dma_semaphore, #tpu.memory_space<semaphore_mem>> -> memref<!tpu.dma_semaphore, #tpu.memory_space<semaphore_mem>>
      tpu.wait_indirect_dma semaphore(%dma_wait3A_374 : memref<!tpu.dma_semaphore, #tpu.memory_space<semaphore_mem>>) src(%dma_wait3A_372 : memref<10000x128xf32, #tpu.memory_space<hbm>>) dst(%dma_wait3A_367 : memref<128x128xf32, #tpu.memory_space<vmem>>)
      %jit3A_375 = arith.constant 2 : i32
      %eq3A_376 = arith.constant 0 : i32
      %eq3A_377 = arith.cmpi eq, %jit3A_375, %eq3A_376 : i32
      %jit3A_378 = arith.constant 1 : i32
      %select_n3A_379 = arith.select %eq3A_377, %jit3A_378, %jit3A_375 : i32
      %rem3A_380 = arith.remsi %add3A_322, %select_n3A_379 : i32
      %ne3A_381 = arith.constant 0 : i32
      %ne3A_382 = arith.cmpi ne, %rem3A_380, %ne3A_381 : i32
      %lt3A_383 = arith.constant 0 : i32
      %lt3A_384 = arith.cmpi slt, %rem3A_380, %lt3A_383 : i32
      %lt3A_385 = arith.constant 0 : i32
      %lt3A_386 = arith.cmpi slt, %select_n3A_379, %lt3A_385 : i32
      %ne3A_387 = arith.xori %lt3A_384, %lt3A_386 : i1
      %and3A_388 = arith.andi %ne3A_387, %ne3A_382 : i1
      %add3A_389 = arith.addi %rem3A_380, %select_n3A_379 : i32
      %select_n3A_390 = arith.select %and3A_388, %add3A_389, %rem3A_380 : i32
      %mul3A_391 = arith.constant 128 : i32
      %mul3A_392 = arith.muli %scan3A_320, %mul3A_391 : i32
      %run_scoped3A = arith.constant 0 : i32
      %run_scoped3A_393 = arith.constant 1 : i32
      "tpu.region"() ({
        %run_scoped3A_394 = tpu.sem_alloc : memref<!tpu.dma_semaphore, #tpu.memory_space<semaphore_mem>>
        %dma_start3A_395 = arith.constant 0 : i32
        %dma_start3A_396 = arith.constant 0 : i32
        %dma_start3A_397 = tpu.memref_slice %arg7[%select_n3A_390, %dma_start3A_395, %dma_start3A_396] : memref<2x128x128xf32, #tpu.memory_space<vmem>> -> memref<1x128x128xf32, #tpu.memory_space<vmem>>
        %dma_start3A_398 = tpu.memref_squeeze %dma_start3A_397 : memref<1x128x128xf32, #tpu.memory_space<vmem>> -> memref<128x128xf32, #tpu.memory_space<vmem>>
        %dma_start3A_399 = tpu.memref_slice %arg6[%run_scoped3A, %run_scoped3A_393, %mul3A_392] : memref<2x2x1664xi32, #tpu.memory_space<vmem>> -> memref<1x1x128xi32, #tpu.memory_space<vmem>>
        %dma_start3A_400 = tpu.memref_squeeze %dma_start3A_399 : memref<1x1x128xi32, #tpu.memory_space<vmem>> -> memref<128xi32, #tpu.memory_space<vmem>>
        %dma_start3A_401 = arith.constant 0 : i32
        %dma_start3A_402 = arith.constant 0 : i32
        %dma_start3A_403 = tpu.memref_slice %arg10[%dma_start3A_401, %dma_start3A_402] : memref<10000x128xf32, #tpu.memory_space<vmem_shared>> -> memref<10000x128xf32, #tpu.memory_space<vmem_shared>>
        tpu.enqueue_indirect_dma source(%dma_start3A_398 : memref<128x128xf32, #tpu.memory_space<vmem>>) target(%dma_start3A_403 : memref<10000x128xf32, #tpu.memory_space<vmem_shared>>) offsets(%dma_start3A_400 : memref<128xi32, #tpu.memory_space<vmem>>) semaphore(%run_scoped3A_394 : memref<!tpu.dma_semaphore, #tpu.memory_space<semaphore_mem>>) {add = true}
        %dma_wait3A_404 = arith.constant 0 : i32
        %dma_wait3A_405 = arith.constant 0 : i32
        %dma_wait3A_406 = tpu.memref_slice %arg7[%select_n3A_390, %dma_wait3A_404, %dma_wait3A_405] : memref<2x128x128xf32, #tpu.memory_space<vmem>> -> memref<1x128x128xf32, #tpu.memory_space<vmem>>
        %dma_wait3A_407 = tpu.memref_squeeze %dma_wait3A_406 : memref<1x128x128xf32, #tpu.memory_space<vmem>> -> memref<128x128xf32, #tpu.memory_space<vmem>>
        %dma_wait3A_408 = tpu.memref_slice %arg6[%run_scoped3A, %run_scoped3A_393, %mul3A_392] : memref<2x2x1664xi32, #tpu.memory_space<vmem>> -> memref<1x1x128xi32, #tpu.memory_space<vmem>>
        %dma_wait3A_409 = tpu.memref_squeeze %dma_wait3A_408 : memref<1x1x128xi32, #tpu.memory_space<vmem>> -> memref<128xi32, #tpu.memory_space<vmem>>
        %dma_wait3A_410 = arith.constant 0 : i32
        %dma_wait3A_411 = arith.constant 0 : i32
        %dma_wait3A_412 = tpu.memref_slice %arg10[%dma_wait3A_410, %dma_wait3A_411] : memref<10000x128xf32, #tpu.memory_space<vmem_shared>> -> memref<10000x128xf32, #tpu.memory_space<vmem_shared>>
        tpu.wait_indirect_dma semaphore(%run_scoped3A_394 : memref<!tpu.dma_semaphore, #tpu.memory_space<semaphore_mem>>) src(%dma_wait3A_407 : memref<128x128xf32, #tpu.memory_space<vmem>>) dst(%dma_wait3A_412 : memref<10000x128xf32, #tpu.memory_space<vmem_shared>>)
        tpu.yield
      }) : () -> ()
    }
    %scan3A_303 = arith.constant 13 : i32
    %scan3A_304 = arith.constant 0 : i32
    %scan3A_305 = arith.constant 0 : i32
    %scan3A_306 = arith.constant 13 : i32
    %scan3A_307 = arith.addi %scan3A_305, %scan3A_306 : i32
    %scan3A_308 = arith.constant 1 : i32
    scf.for %scan3A_320 = %scan3A_305 to %scan3A_307 step %scan3A_308  : i32 {
      %add3A_321 = arith.constant 65 : i32
      %add3A_322 = arith.addi %add3A_321, %scan3A_320 : i32
      %lt3A_323 = arith.constant 12 : i32
      %lt3A_324 = arith.cmpi slt, %scan3A_320, %lt3A_323 : i32
      %convert_element_type3A_325 = arith.extui %lt3A_324 : i1 to i32
      %cond3A_326 = arith.constant 0 : i32
      %cond3A_327 = arith.cmpi ne, %convert_element_type3A_325, %cond3A_326 : i32
      scf.if %cond3A_327 {
        %add3A_389 = arith.constant 1 : i32
        %add3A_390 = arith.addi %scan3A_320, %add3A_389 : i32
        %add3A_391 = arith.constant 1 : i32
        %add3A_392 = arith.addi %add3A_322, %add3A_391 : i32
        %mul3A_393 = arith.constant 128 : i32
        %mul3A_394 = arith.muli %add3A_390, %mul3A_393 : i32
        %jit3A_395 = arith.constant 2 : i32
        %eq3A_396 = arith.constant 0 : i32
        %eq3A_397 = arith.cmpi eq, %jit3A_395, %eq3A_396 : i32
        %jit3A_398 = arith.constant 1 : i32
        %select_n3A_399 = arith.select %eq3A_397, %jit3A_398, %jit3A_395 : i32
        %rem3A_400 = arith.remsi %add3A_392, %select_n3A_399 : i32
        %ne3A_401 = arith.constant 0 : i32
        %ne3A_402 = arith.cmpi ne, %rem3A_400, %ne3A_401 : i32
        %lt3A_403 = arith.constant 0 : i32
        %lt3A_404 = arith.cmpi slt, %rem3A_400, %lt3A_403 : i32
        %lt3A_405 = arith.constant 0 : i32
        %lt3A_406 = arith.cmpi slt, %select_n3A_399, %lt3A_405 : i32
        %ne3A_407 = arith.xori %lt3A_404, %lt3A_406 : i1
        %and3A_408 = arith.andi %ne3A_407, %ne3A_402 : i1
        %add3A_409 = arith.addi %rem3A_400, %select_n3A_399 : i32
        %select_n3A_410 = arith.select %and3A_408, %add3A_409, %rem3A_400 : i32
        %jit3A_411 = arith.constant 2 : i32
        %eq3A_412 = arith.constant 0 : i32
        %eq3A_413 = arith.cmpi eq, %jit3A_411, %eq3A_412 : i32
        %jit3A_414 = arith.constant 1 : i32
        %select_n3A_415 = arith.select %eq3A_413, %jit3A_414, %jit3A_411 : i32
        %rem3A_416 = arith.remsi %add3A_392, %select_n3A_415 : i32
        %ne3A_417 = arith.constant 0 : i32
        %ne3A_418 = arith.cmpi ne, %rem3A_416, %ne3A_417 : i32
        %lt3A_419 = arith.constant 0 : i32
        %lt3A_420 = arith.cmpi slt, %rem3A_416, %lt3A_419 : i32
        %lt3A_421 = arith.constant 0 : i32
        %lt3A_422 = arith.cmpi slt, %select_n3A_415, %lt3A_421 : i32
        %ne3A_423 = arith.xori %lt3A_420, %lt3A_422 : i1
        %and3A_424 = arith.andi %ne3A_423, %ne3A_418 : i1
        %add3A_425 = arith.addi %rem3A_416, %select_n3A_415 : i32
        %select_n3A_426 = arith.select %and3A_424, %add3A_425, %rem3A_416 : i32
        %dma_start3A_427 = arith.constant 1 : i32
        %dma_start3A_428 = arith.constant 0 : i32
        %dma_start3A_429 = arith.constant 0 : i32
        %dma_start3A_430 = arith.constant 0 : i32
        %dma_start3A_431 = tpu.memref_slice %arg7[%select_n3A_410, %dma_start3A_429, %dma_start3A_430] : memref<2x128x128xf32, #tpu.memory_space<vmem>> -> memref<1x128x128xf32, #tpu.memory_space<vmem>>
        %dma_start3A_432 = tpu.memref_squeeze %dma_start3A_431 : memref<1x128x128xf32, #tpu.memory_space<vmem>> -> memref<128x128xf32, #tpu.memory_space<vmem>>
        %dma_start3A_433 = tpu.memref_slice %arg6[%dma_start3A_427, %dma_start3A_428, %mul3A_394] : memref<2x2x1664xi32, #tpu.memory_space<vmem>> -> memref<1x1x128xi32, #tpu.memory_space<vmem>>
        %dma_start3A_434 = tpu.memref_squeeze %dma_start3A_433 : memref<1x1x128xi32, #tpu.memory_space<vmem>> -> memref<128xi32, #tpu.memory_space<vmem>>
        %dma_start3A_435 = arith.constant 0 : i32
        %dma_start3A_436 = arith.constant 0 : i32
        %dma_start3A_437 = tpu.memref_slice %arg3[%dma_start3A_435, %dma_start3A_436] : memref<10000x128xf32, #tpu.memory_space<hbm>> -> memref<10000x128xf32, #tpu.memory_space<hbm>>
        %dma_start3A_438 = tpu.memref_slice %arg8[%select_n3A_426] : memref<2x!tpu.dma_semaphore, #tpu.memory_space<semaphore_mem>> -> memref<1x!tpu.dma_semaphore, #tpu.memory_space<semaphore_mem>>
        %dma_start3A_439 = tpu.memref_squeeze %dma_start3A_438 : memref<1x!tpu.dma_semaphore, #tpu.memory_space<semaphore_mem>> -> memref<!tpu.dma_semaphore, #tpu.memory_space<semaphore_mem>>
        tpu.enqueue_indirect_dma source(%dma_start3A_437 : memref<10000x128xf32, #tpu.memory_space<hbm>>) target(%dma_start3A_432 : memref<128x128xf32, #tpu.memory_space<vmem>>) offsets(%dma_start3A_434 : memref<128xi32, #tpu.memory_space<vmem>>) semaphore(%dma_start3A_439 : memref<!tpu.dma_semaphore, #tpu.memory_space<semaphore_mem>>)
      } else {
      }
      %mul3A_328 = arith.constant 128 : i32
      %mul3A_329 = arith.muli %scan3A_320, %mul3A_328 : i32
      %jit3A = arith.constant 2 : i32
      %eq3A_330 = arith.constant 0 : i32
      %eq3A_331 = arith.cmpi eq, %jit3A, %eq3A_330 : i32
      %jit3A_332 = arith.constant 1 : i32
      %select_n3A = arith.select %eq3A_331, %jit3A_332, %jit3A : i32
      %rem3A = arith.remsi %add3A_322, %select_n3A : i32
      %ne3A = arith.constant 0 : i32
      %ne3A_333 = arith.cmpi ne, %rem3A, %ne3A : i32
      %lt3A_334 = arith.constant 0 : i32
      %lt3A_335 = arith.cmpi slt, %rem3A, %lt3A_334 : i32
      %lt3A_336 = arith.constant 0 : i32
      %lt3A_337 = arith.cmpi slt, %select_n3A, %lt3A_336 : i32
      %ne3A_338 = arith.xori %lt3A_335, %lt3A_337 : i1
      %and3A = arith.andi %ne3A_338, %ne3A_333 : i1
      %add3A_339 = arith.addi %rem3A, %select_n3A : i32
      %select_n3A_340 = arith.select %and3A, %add3A_339, %rem3A : i32
      %jit3A_341 = arith.constant 2 : i32
      %eq3A_342 = arith.constant 0 : i32
      %eq3A_343 = arith.cmpi eq, %jit3A_341, %eq3A_342 : i32
      %jit3A_344 = arith.constant 1 : i32
      %select_n3A_345 = arith.select %eq3A_343, %jit3A_344, %jit3A_341 : i32
      %rem3A_346 = arith.remsi %add3A_322, %select_n3A_345 : i32
      %ne3A_347 = arith.constant 0 : i32
      %ne3A_348 = arith.cmpi ne, %rem3A_346, %ne3A_347 : i32
      %lt3A_349 = arith.constant 0 : i32
      %lt3A_350 = arith.cmpi slt, %rem3A_346, %lt3A_349 : i32
      %lt3A_351 = arith.constant 0 : i32
      %lt3A_352 = arith.cmpi slt, %select_n3A_345, %lt3A_351 : i32
      %ne3A_353 = arith.xori %lt3A_350, %lt3A_352 : i1
      %and3A_354 = arith.andi %ne3A_353, %ne3A_348 : i1
      %add3A_355 = arith.addi %rem3A_346, %select_n3A_345 : i32
      %select_n3A_356 = arith.select %and3A_354, %add3A_355, %rem3A_346 : i32
      %dma_wait3A_357 = arith.constant 1 : i32
      %dma_wait3A_358 = arith.constant 0 : i32
      %dma_wait3A_359 = arith.constant 0 : i32
      %dma_wait3A_360 = arith.constant 0 : i32
      %dma_wait3A_361 = tpu.memref_slice %arg7[%select_n3A_340, %dma_wait3A_359, %dma_wait3A_360] : memref<2x128x128xf32, #tpu.memory_space<vmem>> -> memref<1x128x128xf32, #tpu.memory_space<vmem>>
      %dma_wait3A_362 = tpu.memref_squeeze %dma_wait3A_361 : memref<1x128x128xf32, #tpu.memory_space<vmem>> -> memref<128x128xf32, #tpu.memory_space<vmem>>
      %dma_wait3A_363 = tpu.memref_slice %arg6[%dma_wait3A_357, %dma_wait3A_358, %mul3A_329] : memref<2x2x1664xi32, #tpu.memory_space<vmem>> -> memref<1x1x128xi32, #tpu.memory_space<vmem>>
      %dma_wait3A_364 = tpu.memref_squeeze %dma_wait3A_363 : memref<1x1x128xi32, #tpu.memory_space<vmem>> -> memref<128xi32, #tpu.memory_space<vmem>>
      %dma_wait3A_365 = arith.constant 0 : i32
      %dma_wait3A_366 = arith.constant 0 : i32
      %dma_wait3A_367 = tpu.memref_slice %arg3[%dma_wait3A_365, %dma_wait3A_366] : memref<10000x128xf32, #tpu.memory_space<hbm>> -> memref<10000x128xf32, #tpu.memory_space<hbm>>
      %dma_wait3A_368 = tpu.memref_slice %arg8[%select_n3A_356] : memref<2x!tpu.dma_semaphore, #tpu.memory_space<semaphore_mem>> -> memref<1x!tpu.dma_semaphore, #tpu.memory_space<semaphore_mem>>
      %dma_wait3A_369 = tpu.memref_squeeze %dma_wait3A_368 : memref<1x!tpu.dma_semaphore, #tpu.memory_space<semaphore_mem>> -> memref<!tpu.dma_semaphore, #tpu.memory_space<semaphore_mem>>
      tpu.wait_indirect_dma semaphore(%dma_wait3A_369 : memref<!tpu.dma_semaphore, #tpu.memory_space<semaphore_mem>>) src(%dma_wait3A_367 : memref<10000x128xf32, #tpu.memory_space<hbm>>) dst(%dma_wait3A_362 : memref<128x128xf32, #tpu.memory_space<vmem>>)
      %jit3A_370 = arith.constant 2 : i32
      %eq3A_371 = arith.constant 0 : i32
      %eq3A_372 = arith.cmpi eq, %jit3A_370, %eq3A_371 : i32
      %jit3A_373 = arith.constant 1 : i32
      %select_n3A_374 = arith.select %eq3A_372, %jit3A_373, %jit3A_370 : i32
      %rem3A_375 = arith.remsi %add3A_322, %select_n3A_374 : i32
      %ne3A_376 = arith.constant 0 : i32
      %ne3A_377 = arith.cmpi ne, %rem3A_375, %ne3A_376 : i32
      %lt3A_378 = arith.constant 0 : i32
      %lt3A_379 = arith.cmpi slt, %rem3A_375, %lt3A_378 : i32
      %lt3A_380 = arith.constant 0 : i32
      %lt3A_381 = arith.cmpi slt, %select_n3A_374, %lt3A_380 : i32
      %ne3A_382 = arith.xori %lt3A_379, %lt3A_381 : i1
      %and3A_383 = arith.andi %ne3A_382, %ne3A_377 : i1
      %add3A_384 = arith.addi %rem3A_375, %select_n3A_374 : i32
      %select_n3A_385 = arith.select %and3A_383, %add3A_384, %rem3A_375 : i32
      %mul3A_386 = arith.constant 128 : i32
      %mul3A_387 = arith.muli %scan3A_320, %mul3A_386 : i32
      %run_scoped3A = arith.constant 1 : i32
      %run_scoped3A_388 = arith.constant 1 : i32
      "tpu.region"() ({
        %run_scoped3A_389 = tpu.sem_alloc : memref<!tpu.dma_semaphore, #tpu.memory_space<semaphore_mem>>
        %dma_start3A_390 = arith.constant 0 : i32
        %dma_start3A_391 = arith.constant 0 : i32
        %dma_start3A_392 = tpu.memref_slice %arg7[%select_n3A_385, %dma_start3A_390, %dma_start3A_391] : memref<2x128x128xf32, #tpu.memory_space<vmem>> -> memref<1x128x128xf32, #tpu.memory_space<vmem>>
        %dma_start3A_393 = tpu.memref_squeeze %dma_start3A_392 : memref<1x128x128xf32, #tpu.memory_space<vmem>> -> memref<128x128xf32, #tpu.memory_space<vmem>>
        %dma_start3A_394 = tpu.memref_slice %arg6[%run_scoped3A, %run_scoped3A_388, %mul3A_387] : memref<2x2x1664xi32, #tpu.memory_space<vmem>> -> memref<1x1x128xi32, #tpu.memory_space<vmem>>
        %dma_start3A_395 = tpu.memref_squeeze %dma_start3A_394 : memref<1x1x128xi32, #tpu.memory_space<vmem>> -> memref<128xi32, #tpu.memory_space<vmem>>
        %dma_start3A_396 = arith.constant 0 : i32
        %dma_start3A_397 = arith.constant 0 : i32
        %dma_start3A_398 = tpu.memref_slice %arg10[%dma_start3A_396, %dma_start3A_397] : memref<10000x128xf32, #tpu.memory_space<vmem_shared>> -> memref<10000x128xf32, #tpu.memory_space<vmem_shared>>
        tpu.enqueue_indirect_dma source(%dma_start3A_393 : memref<128x128xf32, #tpu.memory_space<vmem>>) target(%dma_start3A_398 : memref<10000x128xf32, #tpu.memory_space<vmem_shared>>) offsets(%dma_start3A_395 : memref<128xi32, #tpu.memory_space<vmem>>) semaphore(%run_scoped3A_389 : memref<!tpu.dma_semaphore, #tpu.memory_space<semaphore_mem>>) {add = true}
        %dma_wait3A_399 = arith.constant 0 : i32
        %dma_wait3A_400 = arith.constant 0 : i32
        %dma_wait3A_401 = tpu.memref_slice %arg7[%select_n3A_385, %dma_wait3A_399, %dma_wait3A_400] : memref<2x128x128xf32, #tpu.memory_space<vmem>> -> memref<1x128x128xf32, #tpu.memory_space<vmem>>
        %dma_wait3A_402 = tpu.memref_squeeze %dma_wait3A_401 : memref<1x128x128xf32, #tpu.memory_space<vmem>> -> memref<128x128xf32, #tpu.memory_space<vmem>>
        %dma_wait3A_403 = tpu.memref_slice %arg6[%run_scoped3A, %run_scoped3A_388, %mul3A_387] : memref<2x2x1664xi32, #tpu.memory_space<vmem>> -> memref<1x1x128xi32, #tpu.memory_space<vmem>>
        %dma_wait3A_404 = tpu.memref_squeeze %dma_wait3A_403 : memref<1x1x128xi32, #tpu.memory_space<vmem>> -> memref<128xi32, #tpu.memory_space<vmem>>
        %dma_wait3A_405 = arith.constant 0 : i32
        %dma_wait3A_406 = arith.constant 0 : i32
        %dma_wait3A_407 = tpu.memref_slice %arg10[%dma_wait3A_405, %dma_wait3A_406] : memref<10000x128xf32, #tpu.memory_space<vmem_shared>> -> memref<10000x128xf32, #tpu.memory_space<vmem_shared>>
        tpu.wait_indirect_dma semaphore(%run_scoped3A_389 : memref<!tpu.dma_semaphore, #tpu.memory_space<semaphore_mem>>) src(%dma_wait3A_402 : memref<128x128xf32, #tpu.memory_space<vmem>>) dst(%dma_wait3A_407 : memref<10000x128xf32, #tpu.memory_space<vmem_shared>>)
        tpu.yield
      }) : () -> ()
    }
    %scan3A_309 = arith.constant 13 : i32
    %lt3A = arith.constant 4 : i32
    %lt3A_310 = arith.cmpi slt, %add3A, %lt3A : i32
    %convert_element_type3A_311 = arith.extui %lt3A_310 : i1 to i32
    %cond3A_312 = arith.constant 0 : i32
    %cond3A_313 = arith.cmpi ne, %convert_element_type3A_311, %cond3A_312 : i32
    scf.if %cond3A_313 {
      %mul3A_320 = arith.constant 128 : i32
      %mul3A_321 = arith.muli %add3A, %mul3A_320 : i32
      %add3A_322 = arith.constant 319488 : i32
      %add3A_323 = arith.addi %add3A_322, %mul3A_321 : i32
      %run_scoped3A = arith.constant 0 : i32
      %run_scoped3A_324 = arith.constant 0 : i32
      %run_scoped3A_325 = arith.constant 0 : i32
      "tpu.region"() ({
        %run_scoped3A_364 = tpu.sem_alloc : memref<!tpu.dma_semaphore, #tpu.memory_space<semaphore_mem>>
        %dma_start3A_365 = arith.constant 0 : i32
        %dma_start3A_366 = tpu.memref_slice %arg6[%run_scoped3A_324, %run_scoped3A_325, %dma_start3A_365] : memref<2x2x1664xi32, #tpu.memory_space<vmem>> -> memref<1x1x128xi32, #tpu.memory_space<vmem>>
        %dma_start3A_367 = tpu.memref_squeeze %dma_start3A_366 : memref<1x1x128xi32, #tpu.memory_space<vmem>> -> memref<128xi32, #tpu.memory_space<vmem>>
        %dma_start3A_368 = tpu.memref_slice %arg2[%run_scoped3A, %add3A_323] : memref<2x320000xi32, #tpu.memory_space<hbm>> -> memref<1x128xi32, #tpu.memory_space<hbm>>
        %dma_start3A_369 = tpu.memref_squeeze %dma_start3A_368 : memref<1x128xi32, #tpu.memory_space<hbm>> -> memref<128xi32, #tpu.memory_space<hbm>>
        %dma_start3A_370 = arith.constant 0 : i32
        %dma_start3A_371 = tpu.memref_slice %arg6[%run_scoped3A_324, %run_scoped3A_325, %dma_start3A_370] : memref<2x2x1664xi32, #tpu.memory_space<vmem>> -> memref<1x1x128xi32, #tpu.memory_space<vmem>>
        %dma_start3A_372 = tpu.memref_squeeze %dma_start3A_371 : memref<1x1x128xi32, #tpu.memory_space<vmem>> -> memref<128xi32, #tpu.memory_space<vmem>>
        %dma_start3A_373 = tpu.memref_slice %arg2[%run_scoped3A, %add3A_323] : memref<2x320000xi32, #tpu.memory_space<hbm>> -> memref<1x128xi32, #tpu.memory_space<hbm>>
        %dma_start3A_374 = tpu.memref_squeeze %dma_start3A_373 : memref<1x128xi32, #tpu.memory_space<hbm>> -> memref<128xi32, #tpu.memory_space<hbm>>
        tpu.enqueue_dma source(%dma_start3A_374 : memref<128xi32, #tpu.memory_space<hbm>>) target(%dma_start3A_372 : memref<128xi32, #tpu.memory_space<vmem>>) target_semaphore(%run_scoped3A_364 : memref<!tpu.dma_semaphore, #tpu.memory_space<semaphore_mem>>)
        %dma_wait3A_375 = arith.constant 0 : i32
        %dma_wait3A_376 = tpu.memref_slice %arg6[%run_scoped3A_324, %run_scoped3A_325, %dma_wait3A_375] : memref<2x2x1664xi32, #tpu.memory_space<vmem>> -> memref<1x1x128xi32, #tpu.memory_space<vmem>>
        %dma_wait3A_377 = tpu.memref_squeeze %dma_wait3A_376 : memref<1x1x128xi32, #tpu.memory_space<vmem>> -> memref<128xi32, #tpu.memory_space<vmem>>
        %dma_wait3A_378 = tpu.memref_slice %arg2[%run_scoped3A, %add3A_323] : memref<2x320000xi32, #tpu.memory_space<hbm>> -> memref<1x128xi32, #tpu.memory_space<hbm>>
        %dma_wait3A_379 = tpu.memref_squeeze %dma_wait3A_378 : memref<1x128xi32, #tpu.memory_space<hbm>> -> memref<128xi32, #tpu.memory_space<hbm>>
        %dma_wait3A_380 = arith.constant 0 : i32
        %dma_wait3A_381 = tpu.memref_slice %arg6[%run_scoped3A_324, %run_scoped3A_325, %dma_wait3A_380] : memref<2x2x1664xi32, #tpu.memory_space<vmem>> -> memref<1x1x128xi32, #tpu.memory_space<vmem>>
        %dma_wait3A_382 = tpu.memref_squeeze %dma_wait3A_381 : memref<1x1x128xi32, #tpu.memory_space<vmem>> -> memref<128xi32, #tpu.memory_space<vmem>>
        %dma_wait3A_383 = tpu.memref_slice %arg2[%run_scoped3A, %add3A_323] : memref<2x320000xi32, #tpu.memory_space<hbm>> -> memref<1x128xi32, #tpu.memory_space<hbm>>
        %dma_wait3A_384 = tpu.memref_squeeze %dma_wait3A_383 : memref<1x128xi32, #tpu.memory_space<hbm>> -> memref<128xi32, #tpu.memory_space<hbm>>
        tpu.wait_dma2 semaphore(%run_scoped3A_364 : memref<!tpu.dma_semaphore, #tpu.memory_space<semaphore_mem>>) src(%dma_wait3A_384 : memref<128xi32, #tpu.memory_space<hbm>>) dst(%dma_wait3A_382 : memref<128xi32, #tpu.memory_space<vmem>>)
        tpu.yield
      }) : () -> ()
      %run_scoped3A_326 = arith.constant 1 : i32
      %run_scoped3A_327 = arith.constant 0 : i32
      %run_scoped3A_328 = arith.constant 1 : i32
      "tpu.region"() ({
        %run_scoped3A_364 = tpu.sem_alloc : memref<!tpu.dma_semaphore, #tpu.memory_space<semaphore_mem>>
        %dma_start3A_365 = arith.constant 0 : i32
        %dma_start3A_366 = tpu.memref_slice %arg6[%run_scoped3A_327, %run_scoped3A_328, %dma_start3A_365] : memref<2x2x1664xi32, #tpu.memory_space<vmem>> -> memref<1x1x128xi32, #tpu.memory_space<vmem>>
        %dma_start3A_367 = tpu.memref_squeeze %dma_start3A_366 : memref<1x1x128xi32, #tpu.memory_space<vmem>> -> memref<128xi32, #tpu.memory_space<vmem>>
        %dma_start3A_368 = tpu.memref_slice %arg2[%run_scoped3A_326, %add3A_323] : memref<2x320000xi32, #tpu.memory_space<hbm>> -> memref<1x128xi32, #tpu.memory_space<hbm>>
        %dma_start3A_369 = tpu.memref_squeeze %dma_start3A_368 : memref<1x128xi32, #tpu.memory_space<hbm>> -> memref<128xi32, #tpu.memory_space<hbm>>
        %dma_start3A_370 = arith.constant 0 : i32
        %dma_start3A_371 = tpu.memref_slice %arg6[%run_scoped3A_327, %run_scoped3A_328, %dma_start3A_370] : memref<2x2x1664xi32, #tpu.memory_space<vmem>> -> memref<1x1x128xi32, #tpu.memory_space<vmem>>
        %dma_start3A_372 = tpu.memref_squeeze %dma_start3A_371 : memref<1x1x128xi32, #tpu.memory_space<vmem>> -> memref<128xi32, #tpu.memory_space<vmem>>
        %dma_start3A_373 = tpu.memref_slice %arg2[%run_scoped3A_326, %add3A_323] : memref<2x320000xi32, #tpu.memory_space<hbm>> -> memref<1x128xi32, #tpu.memory_space<hbm>>
        %dma_start3A_374 = tpu.memref_squeeze %dma_start3A_373 : memref<1x128xi32, #tpu.memory_space<hbm>> -> memref<128xi32, #tpu.memory_space<hbm>>
        tpu.enqueue_dma source(%dma_start3A_374 : memref<128xi32, #tpu.memory_space<hbm>>) target(%dma_start3A_372 : memref<128xi32, #tpu.memory_space<vmem>>) target_semaphore(%run_scoped3A_364 : memref<!tpu.dma_semaphore, #tpu.memory_space<semaphore_mem>>)
        %dma_wait3A_375 = arith.constant 0 : i32
        %dma_wait3A_376 = tpu.memref_slice %arg6[%run_scoped3A_327, %run_scoped3A_328, %dma_wait3A_375] : memref<2x2x1664xi32, #tpu.memory_space<vmem>> -> memref<1x1x128xi32, #tpu.memory_space<vmem>>
        %dma_wait3A_377 = tpu.memref_squeeze %dma_wait3A_376 : memref<1x1x128xi32, #tpu.memory_space<vmem>> -> memref<128xi32, #tpu.memory_space<vmem>>
        %dma_wait3A_378 = tpu.memref_slice %arg2[%run_scoped3A_326, %add3A_323] : memref<2x320000xi32, #tpu.memory_space<hbm>> -> memref<1x128xi32, #tpu.memory_space<hbm>>
        %dma_wait3A_379 = tpu.memref_squeeze %dma_wait3A_378 : memref<1x128xi32, #tpu.memory_space<hbm>> -> memref<128xi32, #tpu.memory_space<hbm>>
        %dma_wait3A_380 = arith.constant 0 : i32
        %dma_wait3A_381 = tpu.memref_slice %arg6[%run_scoped3A_327, %run_scoped3A_328, %dma_wait3A_380] : memref<2x2x1664xi32, #tpu.memory_space<vmem>> -> memref<1x1x128xi32, #tpu.memory_space<vmem>>
        %dma_wait3A_382 = tpu.memref_squeeze %dma_wait3A_381 : memref<1x1x128xi32, #tpu.memory_space<vmem>> -> memref<128xi32, #tpu.memory_space<vmem>>
        %dma_wait3A_383 = tpu.memref_slice %arg2[%run_scoped3A_326, %add3A_323] : memref<2x320000xi32, #tpu.memory_space<hbm>> -> memref<1x128xi32, #tpu.memory_space<hbm>>
        %dma_wait3A_384 = tpu.memref_squeeze %dma_wait3A_383 : memref<1x128xi32, #tpu.memory_space<hbm>> -> memref<128xi32, #tpu.memory_space<hbm>>
        tpu.wait_dma2 semaphore(%run_scoped3A_364 : memref<!tpu.dma_semaphore, #tpu.memory_space<semaphore_mem>>) src(%dma_wait3A_384 : memref<128xi32, #tpu.memory_space<hbm>>) dst(%dma_wait3A_382 : memref<128xi32, #tpu.memory_space<vmem>>)
        tpu.yield
      }) : () -> ()
      %dma_start3A_329 = arith.constant 0 : i32
      %dma_start3A_330 = arith.constant 0 : i32
      %dma_start3A_331 = arith.constant 0 : i32
      %dma_start3A_332 = arith.constant 0 : i32
      %dma_start3A_333 = arith.constant 0 : i32
      %dma_start3A_334 = arith.constant 0 : i32
      %dma_start3A_335 = tpu.memref_slice %arg7[%dma_start3A_331, %dma_start3A_333, %dma_start3A_334] : memref<2x128x128xf32, #tpu.memory_space<vmem>> -> memref<1x128x128xf32, #tpu.memory_space<vmem>>
      %dma_start3A_336 = tpu.memref_squeeze %dma_start3A_335 : memref<1x128x128xf32, #tpu.memory_space<vmem>> -> memref<128x128xf32, #tpu.memory_space<vmem>>
      %dma_start3A_337 = arith.constant 0 : i32
      %dma_start3A_338 = tpu.memref_slice %arg6[%dma_start3A_329, %dma_start3A_330, %dma_start3A_337] : memref<2x2x1664xi32, #tpu.memory_space<vmem>> -> memref<1x1x128xi32, #tpu.memory_space<vmem>>
      %dma_start3A_339 = tpu.memref_squeeze %dma_start3A_338 : memref<1x1x128xi32, #tpu.memory_space<vmem>> -> memref<128xi32, #tpu.memory_space<vmem>>
      %dma_start3A_340 = arith.constant 0 : i32
      %dma_start3A_341 = arith.constant 0 : i32
      %dma_start3A_342 = tpu.memref_slice %arg3[%dma_start3A_340, %dma_start3A_341] : memref<10000x128xf32, #tpu.memory_space<hbm>> -> memref<10000x128xf32, #tpu.memory_space<hbm>>
      %dma_start3A_343 = tpu.memref_slice %arg8[%dma_start3A_332] : memref<2x!tpu.dma_semaphore, #tpu.memory_space<semaphore_mem>> -> memref<1x!tpu.dma_semaphore, #tpu.memory_space<semaphore_mem>>
      %dma_start3A_344 = tpu.memref_squeeze %dma_start3A_343 : memref<1x!tpu.dma_semaphore, #tpu.memory_space<semaphore_mem>> -> memref<!tpu.dma_semaphore, #tpu.memory_space<semaphore_mem>>
      tpu.enqueue_indirect_dma source(%dma_start3A_342 : memref<10000x128xf32, #tpu.memory_space<hbm>>) target(%dma_start3A_336 : memref<128x128xf32, #tpu.memory_space<vmem>>) offsets(%dma_start3A_339 : memref<128xi32, #tpu.memory_space<vmem>>) semaphore(%dma_start3A_344 : memref<!tpu.dma_semaphore, #tpu.memory_space<semaphore_mem>>)
      %dma_wait3A_345 = arith.constant 0 : i32
      %dma_wait3A_346 = arith.constant 0 : i32
      %dma_wait3A_347 = arith.constant 0 : i32
      %dma_wait3A_348 = arith.constant 0 : i32
      %dma_wait3A_349 = arith.constant 0 : i32
      %dma_wait3A_350 = arith.constant 0 : i32
      %dma_wait3A_351 = tpu.memref_slice %arg7[%dma_wait3A_347, %dma_wait3A_349, %dma_wait3A_350] : memref<2x128x128xf32, #tpu.memory_space<vmem>> -> memref<1x128x128xf32, #tpu.memory_space<vmem>>
      %dma_wait3A_352 = tpu.memref_squeeze %dma_wait3A_351 : memref<1x128x128xf32, #tpu.memory_space<vmem>> -> memref<128x128xf32, #tpu.memory_space<vmem>>
      %dma_wait3A_353 = arith.constant 0 : i32
      %dma_wait3A_354 = tpu.memref_slice %arg6[%dma_wait3A_345, %dma_wait3A_346, %dma_wait3A_353] : memref<2x2x1664xi32, #tpu.memory_space<vmem>> -> memref<1x1x128xi32, #tpu.memory_space<vmem>>
      %dma_wait3A_355 = tpu.memref_squeeze %dma_wait3A_354 : memref<1x1x128xi32, #tpu.memory_space<vmem>> -> memref<128xi32, #tpu.memory_space<vmem>>
      %dma_wait3A_356 = arith.constant 0 : i32
      %dma_wait3A_357 = arith.constant 0 : i32
      %dma_wait3A_358 = tpu.memref_slice %arg3[%dma_wait3A_356, %dma_wait3A_357] : memref<10000x128xf32, #tpu.memory_space<hbm>> -> memref<10000x128xf32, #tpu.memory_space<hbm>>
      %dma_wait3A_359 = tpu.memref_slice %arg8[%dma_wait3A_348] : memref<2x!tpu.dma_semaphore, #tpu.memory_space<semaphore_mem>> -> memref<1x!tpu.dma_semaphore, #tpu.memory_space<semaphore_mem>>
      %dma_wait3A_360 = tpu.memref_squeeze %dma_wait3A_359 : memref<1x!tpu.dma_semaphore, #tpu.memory_space<semaphore_mem>> -> memref<!tpu.dma_semaphore, #tpu.memory_space<semaphore_mem>>
      tpu.wait_indirect_dma semaphore(%dma_wait3A_360 : memref<!tpu.dma_semaphore, #tpu.memory_space<semaphore_mem>>) src(%dma_wait3A_358 : memref<10000x128xf32, #tpu.memory_space<hbm>>) dst(%dma_wait3A_352 : memref<128x128xf32, #tpu.memory_space<vmem>>)
      %run_scoped3A_361 = arith.constant 0 : i32
      %run_scoped3A_362 = arith.constant 0 : i32
      %run_scoped3A_363 = arith.constant 1 : i32
      "tpu.region"() ({
        %run_scoped3A_364 = tpu.sem_alloc : memref<!tpu.dma_semaphore, #tpu.memory_space<semaphore_mem>>
        %dma_start3A_365 = arith.constant 0 : i32
        %dma_start3A_366 = arith.constant 0 : i32
        %dma_start3A_367 = tpu.memref_slice %arg7[%run_scoped3A_361, %dma_start3A_365, %dma_start3A_366] : memref<2x128x128xf32, #tpu.memory_space<vmem>> -> memref<1x128x128xf32, #tpu.memory_space<vmem>>
        %dma_start3A_368 = tpu.memref_squeeze %dma_start3A_367 : memref<1x128x128xf32, #tpu.memory_space<vmem>> -> memref<128x128xf32, #tpu.memory_space<vmem>>
        %dma_start3A_369 = arith.constant 0 : i32
        %dma_start3A_370 = tpu.memref_slice %arg6[%run_scoped3A_362, %run_scoped3A_363, %dma_start3A_369] : memref<2x2x1664xi32, #tpu.memory_space<vmem>> -> memref<1x1x128xi32, #tpu.memory_space<vmem>>
        %dma_start3A_371 = tpu.memref_squeeze %dma_start3A_370 : memref<1x1x128xi32, #tpu.memory_space<vmem>> -> memref<128xi32, #tpu.memory_space<vmem>>
        %dma_start3A_372 = arith.constant 0 : i32
        %dma_start3A_373 = arith.constant 0 : i32
        %dma_start3A_374 = tpu.memref_slice %arg10[%dma_start3A_372, %dma_start3A_373] : memref<10000x128xf32, #tpu.memory_space<vmem_shared>> -> memref<10000x128xf32, #tpu.memory_space<vmem_shared>>
        tpu.enqueue_indirect_dma source(%dma_start3A_368 : memref<128x128xf32, #tpu.memory_space<vmem>>) target(%dma_start3A_374 : memref<10000x128xf32, #tpu.memory_space<vmem_shared>>) offsets(%dma_start3A_371 : memref<128xi32, #tpu.memory_space<vmem>>) semaphore(%run_scoped3A_364 : memref<!tpu.dma_semaphore, #tpu.memory_space<semaphore_mem>>) {add = true}
        %dma_wait3A_375 = arith.constant 0 : i32
        %dma_wait3A_376 = arith.constant 0 : i32
        %dma_wait3A_377 = tpu.memref_slice %arg7[%run_scoped3A_361, %dma_wait3A_375, %dma_wait3A_376] : memref<2x128x128xf32, #tpu.memory_space<vmem>> -> memref<1x128x128xf32, #tpu.memory_space<vmem>>
        %dma_wait3A_378 = tpu.memref_squeeze %dma_wait3A_377 : memref<1x128x128xf32, #tpu.memory_space<vmem>> -> memref<128x128xf32, #tpu.memory_space<vmem>>
        %dma_wait3A_379 = arith.constant 0 : i32
        %dma_wait3A_380 = tpu.memref_slice %arg6[%run_scoped3A_362, %run_scoped3A_363, %dma_wait3A_379] : memref<2x2x1664xi32, #tpu.memory_space<vmem>> -> memref<1x1x128xi32, #tpu.memory_space<vmem>>
        %dma_wait3A_381 = tpu.memref_squeeze %dma_wait3A_380 : memref<1x1x128xi32, #tpu.memory_space<vmem>> -> memref<128xi32, #tpu.memory_space<vmem>>
        %dma_wait3A_382 = arith.constant 0 : i32
        %dma_wait3A_383 = arith.constant 0 : i32
        %dma_wait3A_384 = tpu.memref_slice %arg10[%dma_wait3A_382, %dma_wait3A_383] : memref<10000x128xf32, #tpu.memory_space<vmem_shared>> -> memref<10000x128xf32, #tpu.memory_space<vmem_shared>>
        tpu.wait_indirect_dma semaphore(%run_scoped3A_364 : memref<!tpu.dma_semaphore, #tpu.memory_space<semaphore_mem>>) src(%dma_wait3A_378 : memref<128x128xf32, #tpu.memory_space<vmem>>) dst(%dma_wait3A_384 : memref<10000x128xf32, #tpu.memory_space<vmem_shared>>)
        tpu.yield
      }) : () -> ()
    } else {
    }
    %barrier3A_314 = arith.constant 0 : index
    tpu.barrier barrier_id(%barrier3A_314)
    "tpu.region"() ({
      %run_scoped3A = tpu.sem_alloc : memref<!tpu.dma_semaphore, #tpu.memory_space<semaphore_mem>>
      %dma_start3A_320 = arith.constant 0 : i32
      %dma_start3A_321 = tpu.memref_slice %arg5[%arg0, %mul3A_2, %dma_start3A_320] : memref<2x10000x128xf32, #tpu.memory_space<hbm>> -> memref<1x624x128xf32, #tpu.memory_space<hbm>>
      %dma_start3A_322 = tpu.memref_squeeze %dma_start3A_321 : memref<1x624x128xf32, #tpu.memory_space<hbm>> -> memref<624x128xf32, #tpu.memory_space<hbm>>
      %dma_start3A_323 = arith.constant 0 : i32
      %dma_start3A_324 = tpu.memref_slice %arg10[%mul3A_2, %dma_start3A_323] : memref<10000x128xf32, #tpu.memory_space<vmem_shared>> -> memref<624x128xf32, #tpu.memory_space<vmem_shared>>
      tpu.enqueue_dma source(%dma_start3A_324 : memref<624x128xf32, #tpu.memory_space<vmem_shared>>) target(%dma_start3A_322 : memref<624x128xf32, #tpu.memory_space<hbm>>) target_semaphore(%run_scoped3A : memref<!tpu.dma_semaphore, #tpu.memory_space<semaphore_mem>>)
      %dma_wait3A_325 = arith.constant 0 : i32
      %dma_wait3A_326 = tpu.memref_slice %arg5[%arg0, %mul3A_2, %dma_wait3A_325] : memref<2x10000x128xf32, #tpu.memory_space<hbm>> -> memref<1x624x128xf32, #tpu.memory_space<hbm>>
      %dma_wait3A_327 = tpu.memref_squeeze %dma_wait3A_326 : memref<1x624x128xf32, #tpu.memory_space<hbm>> -> memref<624x128xf32, #tpu.memory_space<hbm>>
      %dma_wait3A_328 = arith.constant 0 : i32
      %dma_wait3A_329 = tpu.memref_slice %arg10[%mul3A_2, %dma_wait3A_328] : memref<10000x128xf32, #tpu.memory_space<vmem_shared>> -> memref<624x128xf32, #tpu.memory_space<vmem_shared>>
      tpu.wait_dma2 semaphore(%run_scoped3A : memref<!tpu.dma_semaphore, #tpu.memory_space<semaphore_mem>>) src(%dma_wait3A_329 : memref<624x128xf32, #tpu.memory_space<vmem_shared>>) dst(%dma_wait3A_327 : memref<624x128xf32, #tpu.memory_space<hbm>>)
      tpu.yield
    }) : () -> ()
    %eq3A_315 = arith.constant 15 : i32
    %eq3A_316 = arith.cmpi eq, %arg1, %eq3A_315 : i32
    %convert_element_type3A_317 = arith.extui %eq3A_316 : i1 to i32
    %cond3A_318 = arith.constant 0 : i32
    %cond3A_319 = arith.cmpi ne, %convert_element_type3A_317, %cond3A_318 : i32
    scf.if %cond3A_319 {
      "tpu.region"() ({
        %run_scoped3A = tpu.sem_alloc : memref<!tpu.dma_semaphore, #tpu.memory_space<semaphore_mem>>
        %dma_start3A_320 = arith.constant 9984 : i32
        %dma_start3A_321 = arith.constant 0 : i32
        %dma_start3A_322 = tpu.memref_slice %arg5[%arg0, %dma_start3A_320, %dma_start3A_321] : memref<2x10000x128xf32, #tpu.memory_space<hbm>> -> memref<1x16x128xf32, #tpu.memory_space<hbm>>
        %dma_start3A_323 = tpu.memref_squeeze %dma_start3A_322 : memref<1x16x128xf32, #tpu.memory_space<hbm>> -> memref<16x128xf32, #tpu.memory_space<hbm>>
        %dma_start3A_324 = arith.constant 9984 : i32
        %dma_start3A_325 = arith.constant 0 : i32
        %dma_start3A_326 = tpu.memref_slice %arg10[%dma_start3A_324, %dma_start3A_325] : memref<10000x128xf32, #tpu.memory_space<vmem_shared>> -> memref<16x128xf32, #tpu.memory_space<vmem_shared>>
        tpu.enqueue_dma source(%dma_start3A_326 : memref<16x128xf32, #tpu.memory_space<vmem_shared>>) target(%dma_start3A_323 : memref<16x128xf32, #tpu.memory_space<hbm>>) target_semaphore(%run_scoped3A : memref<!tpu.dma_semaphore, #tpu.memory_space<semaphore_mem>>)
        %dma_wait3A_327 = arith.constant 9984 : i32
        %dma_wait3A_328 = arith.constant 0 : i32
        %dma_wait3A_329 = tpu.memref_slice %arg5[%arg0, %dma_wait3A_327, %dma_wait3A_328] : memref<2x10000x128xf32, #tpu.memory_space<hbm>> -> memref<1x16x128xf32, #tpu.memory_space<hbm>>
        %dma_wait3A_330 = tpu.memref_squeeze %dma_wait3A_329 : memref<1x16x128xf32, #tpu.memory_space<hbm>> -> memref<16x128xf32, #tpu.memory_space<hbm>>
        %dma_wait3A_331 = arith.constant 9984 : i32
        %dma_wait3A_332 = arith.constant 0 : i32
        %dma_wait3A_333 = tpu.memref_slice %arg10[%dma_wait3A_331, %dma_wait3A_332] : memref<10000x128xf32, #tpu.memory_space<vmem_shared>> -> memref<16x128xf32, #tpu.memory_space<vmem_shared>>
        tpu.wait_dma2 semaphore(%run_scoped3A : memref<!tpu.dma_semaphore, #tpu.memory_space<semaphore_mem>>) src(%dma_wait3A_333 : memref<16x128xf32, #tpu.memory_space<vmem_shared>>) dst(%dma_wait3A_330 : memref<16x128xf32, #tpu.memory_space<hbm>>)
        tpu.yield
      }) : () -> ()
    } else {
    }
    return
  }
}

#map = affine_map<(d0, d1) -> (0, 0)>
#map1 = affine_map<(d0, d1) -> (0, 0, 0)>
module attributes {stable_mosaic.version = 14 : i64} {
  func.func @seg(%arg0: i32, %arg1: i32, %arg2: memref<2x320000xi32, #tpu.memory_space<hbm>>, %arg3: memref<10000x64xf32, #tpu.memory_space<hbm>>, %arg4: memref<10000x64xf32, #tpu.memory_space<hbm>>, %arg5: memref<2x10000x64xf32, #tpu.memory_space<hbm>>, %arg6: memref<10000xi32, #tpu.memory_space<vmem>>, %arg7: memref<10000xi32, #tpu.memory_space<vmem>>, %arg8: memref<2x400x64xf32, #tpu.memory_space<vmem>>, %arg9: memref<2x!tpu.dma_semaphore, #tpu.memory_space<semaphore_mem>>, %arg10: memref<10000x64xf32, #tpu.memory_space<vmem_shared>>) attributes {dimension_semantics = [#tpu.dimension_semantics<core_parallel>, #tpu.dimension_semantics<subcore_parallel>], iteration_bounds = array<i64: 2, 16>, scalar_prefetch = 0 : i64, scratch_operands = 5 : i64, tpu.core_type = #tpu.core_type<sc_vector_subcore>, window_params = [{transform_indices = #map}, {transform_indices = #map}, {transform_indices = #map}, {transform_indices = #map1}]} {
    %mul3A = arith.constant 2 : i32
    %mul3A_0 = arith.muli %arg1, %mul3A : i32
    %add3A = arith.addi %mul3A_0, %arg0 : i32
    %mul3A_1 = arith.constant 624 : i32
    %mul3A_2 = arith.muli %arg1, %mul3A_1 : i32
    "tpu.region"() ({
      %run_scoped3A_33 = tpu.sem_alloc : memref<!tpu.dma_semaphore, #tpu.memory_space<semaphore_mem>>
      %dma_start3A_34 = arith.constant 0 : i32
      %dma_start3A_35 = tpu.memref_slice %arg10[%mul3A_2, %dma_start3A_34] : memref<10000x64xf32, #tpu.memory_space<vmem_shared>> -> memref<624x64xf32, #tpu.memory_space<vmem_shared>>
      %dma_start3A_36 = arith.constant 0 : i32
      %dma_start3A_37 = tpu.memref_slice %arg4[%mul3A_2, %dma_start3A_36] : memref<10000x64xf32, #tpu.memory_space<hbm>> -> memref<624x64xf32, #tpu.memory_space<hbm>>
      tpu.enqueue_dma source(%dma_start3A_37 : memref<624x64xf32, #tpu.memory_space<hbm>>) target(%dma_start3A_35 : memref<624x64xf32, #tpu.memory_space<vmem_shared>>) target_semaphore(%run_scoped3A_33 : memref<!tpu.dma_semaphore, #tpu.memory_space<semaphore_mem>>)
      %dma_wait3A = arith.constant 0 : i32
      %dma_wait3A_38 = tpu.memref_slice %arg10[%mul3A_2, %dma_wait3A] : memref<10000x64xf32, #tpu.memory_space<vmem_shared>> -> memref<624x64xf32, #tpu.memory_space<vmem_shared>>
      %dma_wait3A_39 = arith.constant 0 : i32
      %dma_wait3A_40 = tpu.memref_slice %arg4[%mul3A_2, %dma_wait3A_39] : memref<10000x64xf32, #tpu.memory_space<hbm>> -> memref<624x64xf32, #tpu.memory_space<hbm>>
      tpu.wait_dma2 semaphore(%run_scoped3A_33 : memref<!tpu.dma_semaphore, #tpu.memory_space<semaphore_mem>>) src(%dma_wait3A_40 : memref<624x64xf32, #tpu.memory_space<hbm>>) dst(%dma_wait3A_38 : memref<624x64xf32, #tpu.memory_space<vmem_shared>>)
      tpu.yield
    }) : () -> ()
    %eq3A = arith.constant 15 : i32
    %eq3A_3 = arith.cmpi eq, %arg1, %eq3A : i32
    %convert_element_type3A = arith.extui %eq3A_3 : i1 to i32
    %cond3A = arith.constant 0 : i32
    %cond3A_4 = arith.cmpi ne, %convert_element_type3A, %cond3A : i32
    scf.if %cond3A_4 {
      "tpu.region"() ({
        %run_scoped3A_33 = tpu.sem_alloc : memref<!tpu.dma_semaphore, #tpu.memory_space<semaphore_mem>>
        %dma_start3A_34 = arith.constant 9984 : i32
        %dma_start3A_35 = arith.constant 0 : i32
        %dma_start3A_36 = tpu.memref_slice %arg10[%dma_start3A_34, %dma_start3A_35] : memref<10000x64xf32, #tpu.memory_space<vmem_shared>> -> memref<16x64xf32, #tpu.memory_space<vmem_shared>>
        %dma_start3A_37 = arith.constant 9984 : i32
        %dma_start3A_38 = arith.constant 0 : i32
        %dma_start3A_39 = tpu.memref_slice %arg4[%dma_start3A_37, %dma_start3A_38] : memref<10000x64xf32, #tpu.memory_space<hbm>> -> memref<16x64xf32, #tpu.memory_space<hbm>>
        tpu.enqueue_dma source(%dma_start3A_39 : memref<16x64xf32, #tpu.memory_space<hbm>>) target(%dma_start3A_36 : memref<16x64xf32, #tpu.memory_space<vmem_shared>>) target_semaphore(%run_scoped3A_33 : memref<!tpu.dma_semaphore, #tpu.memory_space<semaphore_mem>>)
        %dma_wait3A = arith.constant 9984 : i32
        %dma_wait3A_40 = arith.constant 0 : i32
        %dma_wait3A_41 = tpu.memref_slice %arg10[%dma_wait3A, %dma_wait3A_40] : memref<10000x64xf32, #tpu.memory_space<vmem_shared>> -> memref<16x64xf32, #tpu.memory_space<vmem_shared>>
        %dma_wait3A_42 = arith.constant 9984 : i32
        %dma_wait3A_43 = arith.constant 0 : i32
        %dma_wait3A_44 = tpu.memref_slice %arg4[%dma_wait3A_42, %dma_wait3A_43] : memref<10000x64xf32, #tpu.memory_space<hbm>> -> memref<16x64xf32, #tpu.memory_space<hbm>>
        tpu.wait_dma2 semaphore(%run_scoped3A_33 : memref<!tpu.dma_semaphore, #tpu.memory_space<semaphore_mem>>) src(%dma_wait3A_44 : memref<16x64xf32, #tpu.memory_space<hbm>>) dst(%dma_wait3A_41 : memref<16x64xf32, #tpu.memory_space<vmem_shared>>)
        tpu.yield
      }) : () -> ()
    } else {
    }
    %mul3A_5 = arith.constant 10000 : i32
    %mul3A_6 = arith.muli %add3A, %mul3A_5 : i32
    %run_scoped3A = arith.constant 0 : i32
    "tpu.region"() ({
      %run_scoped3A_33 = tpu.sem_alloc : memref<!tpu.dma_semaphore, #tpu.memory_space<semaphore_mem>>
      %dma_start3A_34 = tpu.memref_slice %arg2[%run_scoped3A, %mul3A_6] : memref<2x320000xi32, #tpu.memory_space<hbm>> -> memref<1x10000xi32, #tpu.memory_space<hbm>>
      %dma_start3A_35 = tpu.memref_squeeze %dma_start3A_34 : memref<1x10000xi32, #tpu.memory_space<hbm>> -> memref<10000xi32, #tpu.memory_space<hbm>>
      %dma_start3A_36 = tpu.memref_slice %arg2[%run_scoped3A, %mul3A_6] : memref<2x320000xi32, #tpu.memory_space<hbm>> -> memref<1x10000xi32, #tpu.memory_space<hbm>>
      %dma_start3A_37 = tpu.memref_squeeze %dma_start3A_36 : memref<1x10000xi32, #tpu.memory_space<hbm>> -> memref<10000xi32, #tpu.memory_space<hbm>>
      tpu.enqueue_dma source(%dma_start3A_37 : memref<10000xi32, #tpu.memory_space<hbm>>) target(%arg6 : memref<10000xi32, #tpu.memory_space<vmem>>) target_semaphore(%run_scoped3A_33 : memref<!tpu.dma_semaphore, #tpu.memory_space<semaphore_mem>>)
      %dma_wait3A = tpu.memref_slice %arg2[%run_scoped3A, %mul3A_6] : memref<2x320000xi32, #tpu.memory_space<hbm>> -> memref<1x10000xi32, #tpu.memory_space<hbm>>
      %dma_wait3A_38 = tpu.memref_squeeze %dma_wait3A : memref<1x10000xi32, #tpu.memory_space<hbm>> -> memref<10000xi32, #tpu.memory_space<hbm>>
      %dma_wait3A_39 = tpu.memref_slice %arg2[%run_scoped3A, %mul3A_6] : memref<2x320000xi32, #tpu.memory_space<hbm>> -> memref<1x10000xi32, #tpu.memory_space<hbm>>
      %dma_wait3A_40 = tpu.memref_squeeze %dma_wait3A_39 : memref<1x10000xi32, #tpu.memory_space<hbm>> -> memref<10000xi32, #tpu.memory_space<hbm>>
      tpu.wait_dma2 semaphore(%run_scoped3A_33 : memref<!tpu.dma_semaphore, #tpu.memory_space<semaphore_mem>>) src(%dma_wait3A_40 : memref<10000xi32, #tpu.memory_space<hbm>>) dst(%arg6 : memref<10000xi32, #tpu.memory_space<vmem>>)
      tpu.yield
    }) : () -> ()
    %mul3A_7 = arith.constant 10000 : i32
    %mul3A_8 = arith.muli %add3A, %mul3A_7 : i32
    %run_scoped3A_9 = arith.constant 1 : i32
    "tpu.region"() ({
      %run_scoped3A_33 = tpu.sem_alloc : memref<!tpu.dma_semaphore, #tpu.memory_space<semaphore_mem>>
      %dma_start3A_34 = tpu.memref_slice %arg2[%run_scoped3A_9, %mul3A_8] : memref<2x320000xi32, #tpu.memory_space<hbm>> -> memref<1x10000xi32, #tpu.memory_space<hbm>>
      %dma_start3A_35 = tpu.memref_squeeze %dma_start3A_34 : memref<1x10000xi32, #tpu.memory_space<hbm>> -> memref<10000xi32, #tpu.memory_space<hbm>>
      %dma_start3A_36 = tpu.memref_slice %arg2[%run_scoped3A_9, %mul3A_8] : memref<2x320000xi32, #tpu.memory_space<hbm>> -> memref<1x10000xi32, #tpu.memory_space<hbm>>
      %dma_start3A_37 = tpu.memref_squeeze %dma_start3A_36 : memref<1x10000xi32, #tpu.memory_space<hbm>> -> memref<10000xi32, #tpu.memory_space<hbm>>
      tpu.enqueue_dma source(%dma_start3A_37 : memref<10000xi32, #tpu.memory_space<hbm>>) target(%arg7 : memref<10000xi32, #tpu.memory_space<vmem>>) target_semaphore(%run_scoped3A_33 : memref<!tpu.dma_semaphore, #tpu.memory_space<semaphore_mem>>)
      %dma_wait3A = tpu.memref_slice %arg2[%run_scoped3A_9, %mul3A_8] : memref<2x320000xi32, #tpu.memory_space<hbm>> -> memref<1x10000xi32, #tpu.memory_space<hbm>>
      %dma_wait3A_38 = tpu.memref_squeeze %dma_wait3A : memref<1x10000xi32, #tpu.memory_space<hbm>> -> memref<10000xi32, #tpu.memory_space<hbm>>
      %dma_wait3A_39 = tpu.memref_slice %arg2[%run_scoped3A_9, %mul3A_8] : memref<2x320000xi32, #tpu.memory_space<hbm>> -> memref<1x10000xi32, #tpu.memory_space<hbm>>
      %dma_wait3A_40 = tpu.memref_squeeze %dma_wait3A_39 : memref<1x10000xi32, #tpu.memory_space<hbm>> -> memref<10000xi32, #tpu.memory_space<hbm>>
      tpu.wait_dma2 semaphore(%run_scoped3A_33 : memref<!tpu.dma_semaphore, #tpu.memory_space<semaphore_mem>>) src(%dma_wait3A_40 : memref<10000xi32, #tpu.memory_space<hbm>>) dst(%arg7 : memref<10000xi32, #tpu.memory_space<vmem>>)
      tpu.yield
    }) : () -> ()
    %barrier3A = arith.constant 0 : index
    tpu.barrier barrier_id(%barrier3A)
    %dma_start3A = arith.constant 0 : i32
    %dma_start3A_10 = arith.constant 0 : i32
    %dma_start3A_11 = arith.constant 0 : i32
    %dma_start3A_12 = arith.constant 0 : i32
    %dma_start3A_13 = tpu.memref_slice %arg8[%dma_start3A, %dma_start3A_11, %dma_start3A_12] : memref<2x400x64xf32, #tpu.memory_space<vmem>> -> memref<1x400x64xf32, #tpu.memory_space<vmem>>
    %dma_start3A_14 = tpu.memref_squeeze %dma_start3A_13 : memref<1x400x64xf32, #tpu.memory_space<vmem>> -> memref<400x64xf32, #tpu.memory_space<vmem>>
    %dma_start3A_15 = arith.constant 0 : i32
    %dma_start3A_16 = tpu.memref_slice %arg6[%dma_start3A_15] : memref<10000xi32, #tpu.memory_space<vmem>> -> memref<400xi32, #tpu.memory_space<vmem>>
    %dma_start3A_17 = arith.constant 0 : i32
    %dma_start3A_18 = arith.constant 0 : i32
    %dma_start3A_19 = tpu.memref_slice %arg3[%dma_start3A_17, %dma_start3A_18] : memref<10000x64xf32, #tpu.memory_space<hbm>> -> memref<10000x64xf32, #tpu.memory_space<hbm>>
    %dma_start3A_20 = tpu.memref_slice %arg9[%dma_start3A_10] : memref<2x!tpu.dma_semaphore, #tpu.memory_space<semaphore_mem>> -> memref<1x!tpu.dma_semaphore, #tpu.memory_space<semaphore_mem>>
    %dma_start3A_21 = tpu.memref_squeeze %dma_start3A_20 : memref<1x!tpu.dma_semaphore, #tpu.memory_space<semaphore_mem>> -> memref<!tpu.dma_semaphore, #tpu.memory_space<semaphore_mem>>
    tpu.enqueue_indirect_dma source(%dma_start3A_19 : memref<10000x64xf32, #tpu.memory_space<hbm>>) target(%dma_start3A_14 : memref<400x64xf32, #tpu.memory_space<vmem>>) offsets(%dma_start3A_16 : memref<400xi32, #tpu.memory_space<vmem>>) semaphore(%dma_start3A_21 : memref<!tpu.dma_semaphore, #tpu.memory_space<semaphore_mem>>)
    %scan3A = arith.constant 0 : i32
    %scan3A_22 = arith.constant 0 : i32
    %scan3A_23 = arith.constant 25 : i32
    %scan3A_24 = arith.addi %scan3A_22, %scan3A_23 : i32
    %scan3A_25 = arith.constant 1 : i32
    scf.for %scan3A_33 = %scan3A_22 to %scan3A_24 step %scan3A_25  : i32 {
      %add3A_34 = arith.constant 1 : i32
      %add3A_35 = arith.addi %scan3A_33, %add3A_34 : i32
      %lt3A = arith.constant 25 : i32
      %lt3A_36 = arith.cmpi slt, %add3A_35, %lt3A : i32
      %convert_element_type3A_37 = arith.extui %lt3A_36 : i1 to i32
      %cond3A_38 = arith.constant 0 : i32
      %cond3A_39 = arith.cmpi ne, %convert_element_type3A_37, %cond3A_38 : i32
      scf.if %cond3A_39 {
        %mul3A_96 = arith.constant 400 : i32
        %mul3A_97 = arith.muli %add3A_35, %mul3A_96 : i32
        %jit3A_98 = arith.constant 2 : i32
        %eq3A_99 = arith.constant 0 : i32
        %eq3A_100 = arith.cmpi eq, %jit3A_98, %eq3A_99 : i32
        %jit3A_101 = arith.constant 1 : i32
        %select_n3A_102 = arith.select %eq3A_100, %jit3A_101, %jit3A_98 : i32
        %rem3A_103 = arith.remsi %add3A_35, %select_n3A_102 : i32
        %ne3A_104 = arith.constant 0 : i32
        %ne3A_105 = arith.cmpi ne, %rem3A_103, %ne3A_104 : i32
        %lt3A_106 = arith.constant 0 : i32
        %lt3A_107 = arith.cmpi slt, %rem3A_103, %lt3A_106 : i32
        %lt3A_108 = arith.constant 0 : i32
        %lt3A_109 = arith.cmpi slt, %select_n3A_102, %lt3A_108 : i32
        %ne3A_110 = arith.xori %lt3A_107, %lt3A_109 : i1
        %and3A_111 = arith.andi %ne3A_110, %ne3A_105 : i1
        %add3A_112 = arith.addi %rem3A_103, %select_n3A_102 : i32
        %select_n3A_113 = arith.select %and3A_111, %add3A_112, %rem3A_103 : i32
        %jit3A_114 = arith.constant 2 : i32
        %eq3A_115 = arith.constant 0 : i32
        %eq3A_116 = arith.cmpi eq, %jit3A_114, %eq3A_115 : i32
        %jit3A_117 = arith.constant 1 : i32
        %select_n3A_118 = arith.select %eq3A_116, %jit3A_117, %jit3A_114 : i32
        %rem3A_119 = arith.remsi %add3A_35, %select_n3A_118 : i32
        %ne3A_120 = arith.constant 0 : i32
        %ne3A_121 = arith.cmpi ne, %rem3A_119, %ne3A_120 : i32
        %lt3A_122 = arith.constant 0 : i32
        %lt3A_123 = arith.cmpi slt, %rem3A_119, %lt3A_122 : i32
        %lt3A_124 = arith.constant 0 : i32
        %lt3A_125 = arith.cmpi slt, %select_n3A_118, %lt3A_124 : i32
        %ne3A_126 = arith.xori %lt3A_123, %lt3A_125 : i1
        %and3A_127 = arith.andi %ne3A_126, %ne3A_121 : i1
        %add3A_128 = arith.addi %rem3A_119, %select_n3A_118 : i32
        %select_n3A_129 = arith.select %and3A_127, %add3A_128, %rem3A_119 : i32
        %dma_start3A_130 = arith.constant 0 : i32
        %dma_start3A_131 = arith.constant 0 : i32
        %dma_start3A_132 = tpu.memref_slice %arg8[%select_n3A_113, %dma_start3A_130, %dma_start3A_131] : memref<2x400x64xf32, #tpu.memory_space<vmem>> -> memref<1x400x64xf32, #tpu.memory_space<vmem>>
        %dma_start3A_133 = tpu.memref_squeeze %dma_start3A_132 : memref<1x400x64xf32, #tpu.memory_space<vmem>> -> memref<400x64xf32, #tpu.memory_space<vmem>>
        %dma_start3A_134 = tpu.memref_slice %arg6[%mul3A_97] : memref<10000xi32, #tpu.memory_space<vmem>> -> memref<400xi32, #tpu.memory_space<vmem>>
        %dma_start3A_135 = arith.constant 0 : i32
        %dma_start3A_136 = arith.constant 0 : i32
        %dma_start3A_137 = tpu.memref_slice %arg3[%dma_start3A_135, %dma_start3A_136] : memref<10000x64xf32, #tpu.memory_space<hbm>> -> memref<10000x64xf32, #tpu.memory_space<hbm>>
        %dma_start3A_138 = tpu.memref_slice %arg9[%select_n3A_129] : memref<2x!tpu.dma_semaphore, #tpu.memory_space<semaphore_mem>> -> memref<1x!tpu.dma_semaphore, #tpu.memory_space<semaphore_mem>>
        %dma_start3A_139 = tpu.memref_squeeze %dma_start3A_138 : memref<1x!tpu.dma_semaphore, #tpu.memory_space<semaphore_mem>> -> memref<!tpu.dma_semaphore, #tpu.memory_space<semaphore_mem>>
        tpu.enqueue_indirect_dma source(%dma_start3A_137 : memref<10000x64xf32, #tpu.memory_space<hbm>>) target(%dma_start3A_133 : memref<400x64xf32, #tpu.memory_space<vmem>>) offsets(%dma_start3A_134 : memref<400xi32, #tpu.memory_space<vmem>>) semaphore(%dma_start3A_139 : memref<!tpu.dma_semaphore, #tpu.memory_space<semaphore_mem>>)
      } else {
      }
      %mul3A_40 = arith.constant 400 : i32
      %mul3A_41 = arith.muli %scan3A_33, %mul3A_40 : i32
      %jit3A = arith.constant 2 : i32
      %eq3A_42 = arith.constant 0 : i32
      %eq3A_43 = arith.cmpi eq, %jit3A, %eq3A_42 : i32
      %jit3A_44 = arith.constant 1 : i32
      %select_n3A = arith.select %eq3A_43, %jit3A_44, %jit3A : i32
      %rem3A = arith.remsi %scan3A_33, %select_n3A : i32
      %ne3A = arith.constant 0 : i32
      %ne3A_45 = arith.cmpi ne, %rem3A, %ne3A : i32
      %lt3A_46 = arith.constant 0 : i32
      %lt3A_47 = arith.cmpi slt, %rem3A, %lt3A_46 : i32
      %lt3A_48 = arith.constant 0 : i32
      %lt3A_49 = arith.cmpi slt, %select_n3A, %lt3A_48 : i32
      %ne3A_50 = arith.xori %lt3A_47, %lt3A_49 : i1
      %and3A = arith.andi %ne3A_50, %ne3A_45 : i1
      %add3A_51 = arith.addi %rem3A, %select_n3A : i32
      %select_n3A_52 = arith.select %and3A, %add3A_51, %rem3A : i32
      %jit3A_53 = arith.constant 2 : i32
      %eq3A_54 = arith.constant 0 : i32
      %eq3A_55 = arith.cmpi eq, %jit3A_53, %eq3A_54 : i32
      %jit3A_56 = arith.constant 1 : i32
      %select_n3A_57 = arith.select %eq3A_55, %jit3A_56, %jit3A_53 : i32
      %rem3A_58 = arith.remsi %scan3A_33, %select_n3A_57 : i32
      %ne3A_59 = arith.constant 0 : i32
      %ne3A_60 = arith.cmpi ne, %rem3A_58, %ne3A_59 : i32
      %lt3A_61 = arith.constant 0 : i32
      %lt3A_62 = arith.cmpi slt, %rem3A_58, %lt3A_61 : i32
      %lt3A_63 = arith.constant 0 : i32
      %lt3A_64 = arith.cmpi slt, %select_n3A_57, %lt3A_63 : i32
      %ne3A_65 = arith.xori %lt3A_62, %lt3A_64 : i1
      %and3A_66 = arith.andi %ne3A_65, %ne3A_60 : i1
      %add3A_67 = arith.addi %rem3A_58, %select_n3A_57 : i32
      %select_n3A_68 = arith.select %and3A_66, %add3A_67, %rem3A_58 : i32
      %dma_wait3A = arith.constant 0 : i32
      %dma_wait3A_69 = arith.constant 0 : i32
      %dma_wait3A_70 = tpu.memref_slice %arg8[%select_n3A_52, %dma_wait3A, %dma_wait3A_69] : memref<2x400x64xf32, #tpu.memory_space<vmem>> -> memref<1x400x64xf32, #tpu.memory_space<vmem>>
      %dma_wait3A_71 = tpu.memref_squeeze %dma_wait3A_70 : memref<1x400x64xf32, #tpu.memory_space<vmem>> -> memref<400x64xf32, #tpu.memory_space<vmem>>
      %dma_wait3A_72 = tpu.memref_slice %arg6[%mul3A_41] : memref<10000xi32, #tpu.memory_space<vmem>> -> memref<400xi32, #tpu.memory_space<vmem>>
      %dma_wait3A_73 = arith.constant 0 : i32
      %dma_wait3A_74 = arith.constant 0 : i32
      %dma_wait3A_75 = tpu.memref_slice %arg3[%dma_wait3A_73, %dma_wait3A_74] : memref<10000x64xf32, #tpu.memory_space<hbm>> -> memref<10000x64xf32, #tpu.memory_space<hbm>>
      %dma_wait3A_76 = tpu.memref_slice %arg9[%select_n3A_68] : memref<2x!tpu.dma_semaphore, #tpu.memory_space<semaphore_mem>> -> memref<1x!tpu.dma_semaphore, #tpu.memory_space<semaphore_mem>>
      %dma_wait3A_77 = tpu.memref_squeeze %dma_wait3A_76 : memref<1x!tpu.dma_semaphore, #tpu.memory_space<semaphore_mem>> -> memref<!tpu.dma_semaphore, #tpu.memory_space<semaphore_mem>>
      tpu.wait_indirect_dma semaphore(%dma_wait3A_77 : memref<!tpu.dma_semaphore, #tpu.memory_space<semaphore_mem>>) src(%dma_wait3A_75 : memref<10000x64xf32, #tpu.memory_space<hbm>>) dst(%dma_wait3A_71 : memref<400x64xf32, #tpu.memory_space<vmem>>)
      %jit3A_78 = arith.constant 2 : i32
      %eq3A_79 = arith.constant 0 : i32
      %eq3A_80 = arith.cmpi eq, %jit3A_78, %eq3A_79 : i32
      %jit3A_81 = arith.constant 1 : i32
      %select_n3A_82 = arith.select %eq3A_80, %jit3A_81, %jit3A_78 : i32
      %rem3A_83 = arith.remsi %scan3A_33, %select_n3A_82 : i32
      %ne3A_84 = arith.constant 0 : i32
      %ne3A_85 = arith.cmpi ne, %rem3A_83, %ne3A_84 : i32
      %lt3A_86 = arith.constant 0 : i32
      %lt3A_87 = arith.cmpi slt, %rem3A_83, %lt3A_86 : i32
      %lt3A_88 = arith.constant 0 : i32
      %lt3A_89 = arith.cmpi slt, %select_n3A_82, %lt3A_88 : i32
      %ne3A_90 = arith.xori %lt3A_87, %lt3A_89 : i1
      %and3A_91 = arith.andi %ne3A_90, %ne3A_85 : i1
      %add3A_92 = arith.addi %rem3A_83, %select_n3A_82 : i32
      %select_n3A_93 = arith.select %and3A_91, %add3A_92, %rem3A_83 : i32
      %mul3A_94 = arith.constant 400 : i32
      %mul3A_95 = arith.muli %scan3A_33, %mul3A_94 : i32
      "tpu.region"() ({
        %run_scoped3A_96 = tpu.sem_alloc : memref<!tpu.dma_semaphore, #tpu.memory_space<semaphore_mem>>
        %dma_start3A_97 = arith.constant 0 : i32
        %dma_start3A_98 = arith.constant 0 : i32
        %dma_start3A_99 = tpu.memref_slice %arg8[%select_n3A_93, %dma_start3A_97, %dma_start3A_98] : memref<2x400x64xf32, #tpu.memory_space<vmem>> -> memref<1x400x64xf32, #tpu.memory_space<vmem>>
        %dma_start3A_100 = tpu.memref_squeeze %dma_start3A_99 : memref<1x400x64xf32, #tpu.memory_space<vmem>> -> memref<400x64xf32, #tpu.memory_space<vmem>>
        %dma_start3A_101 = tpu.memref_slice %arg7[%mul3A_95] : memref<10000xi32, #tpu.memory_space<vmem>> -> memref<400xi32, #tpu.memory_space<vmem>>
        %dma_start3A_102 = arith.constant 0 : i32
        %dma_start3A_103 = arith.constant 0 : i32
        %dma_start3A_104 = tpu.memref_slice %arg10[%dma_start3A_102, %dma_start3A_103] : memref<10000x64xf32, #tpu.memory_space<vmem_shared>> -> memref<10000x64xf32, #tpu.memory_space<vmem_shared>>
        tpu.enqueue_indirect_dma source(%dma_start3A_100 : memref<400x64xf32, #tpu.memory_space<vmem>>) target(%dma_start3A_104 : memref<10000x64xf32, #tpu.memory_space<vmem_shared>>) offsets(%dma_start3A_101 : memref<400xi32, #tpu.memory_space<vmem>>) semaphore(%run_scoped3A_96 : memref<!tpu.dma_semaphore, #tpu.memory_space<semaphore_mem>>) {add = true}
        %dma_wait3A_105 = arith.constant 0 : i32
        %dma_wait3A_106 = arith.constant 0 : i32
        %dma_wait3A_107 = tpu.memref_slice %arg8[%select_n3A_93, %dma_wait3A_105, %dma_wait3A_106] : memref<2x400x64xf32, #tpu.memory_space<vmem>> -> memref<1x400x64xf32, #tpu.memory_space<vmem>>
        %dma_wait3A_108 = tpu.memref_squeeze %dma_wait3A_107 : memref<1x400x64xf32, #tpu.memory_space<vmem>> -> memref<400x64xf32, #tpu.memory_space<vmem>>
        %dma_wait3A_109 = tpu.memref_slice %arg7[%mul3A_95] : memref<10000xi32, #tpu.memory_space<vmem>> -> memref<400xi32, #tpu.memory_space<vmem>>
        %dma_wait3A_110 = arith.constant 0 : i32
        %dma_wait3A_111 = arith.constant 0 : i32
        %dma_wait3A_112 = tpu.memref_slice %arg10[%dma_wait3A_110, %dma_wait3A_111] : memref<10000x64xf32, #tpu.memory_space<vmem_shared>> -> memref<10000x64xf32, #tpu.memory_space<vmem_shared>>
        tpu.wait_indirect_dma semaphore(%run_scoped3A_96 : memref<!tpu.dma_semaphore, #tpu.memory_space<semaphore_mem>>) src(%dma_wait3A_108 : memref<400x64xf32, #tpu.memory_space<vmem>>) dst(%dma_wait3A_112 : memref<10000x64xf32, #tpu.memory_space<vmem_shared>>)
        tpu.yield
      }) : () -> ()
    }
    %scan3A_26 = arith.constant 25 : i32
    %barrier3A_27 = arith.constant 0 : index
    tpu.barrier barrier_id(%barrier3A_27)
    "tpu.region"() ({
      %run_scoped3A_33 = tpu.sem_alloc : memref<!tpu.dma_semaphore, #tpu.memory_space<semaphore_mem>>
      %dma_start3A_34 = arith.constant 0 : i32
      %dma_start3A_35 = tpu.memref_slice %arg5[%arg0, %mul3A_2, %dma_start3A_34] : memref<2x10000x64xf32, #tpu.memory_space<hbm>> -> memref<1x624x64xf32, #tpu.memory_space<hbm>>
      %dma_start3A_36 = tpu.memref_squeeze %dma_start3A_35 : memref<1x624x64xf32, #tpu.memory_space<hbm>> -> memref<624x64xf32, #tpu.memory_space<hbm>>
      %dma_start3A_37 = arith.constant 0 : i32
      %dma_start3A_38 = tpu.memref_slice %arg10[%mul3A_2, %dma_start3A_37] : memref<10000x64xf32, #tpu.memory_space<vmem_shared>> -> memref<624x64xf32, #tpu.memory_space<vmem_shared>>
      tpu.enqueue_dma source(%dma_start3A_38 : memref<624x64xf32, #tpu.memory_space<vmem_shared>>) target(%dma_start3A_36 : memref<624x64xf32, #tpu.memory_space<hbm>>) target_semaphore(%run_scoped3A_33 : memref<!tpu.dma_semaphore, #tpu.memory_space<semaphore_mem>>)
      %dma_wait3A = arith.constant 0 : i32
      %dma_wait3A_39 = tpu.memref_slice %arg5[%arg0, %mul3A_2, %dma_wait3A] : memref<2x10000x64xf32, #tpu.memory_space<hbm>> -> memref<1x624x64xf32, #tpu.memory_space<hbm>>
      %dma_wait3A_40 = tpu.memref_squeeze %dma_wait3A_39 : memref<1x624x64xf32, #tpu.memory_space<hbm>> -> memref<624x64xf32, #tpu.memory_space<hbm>>
      %dma_wait3A_41 = arith.constant 0 : i32
      %dma_wait3A_42 = tpu.memref_slice %arg10[%mul3A_2, %dma_wait3A_41] : memref<10000x64xf32, #tpu.memory_space<vmem_shared>> -> memref<624x64xf32, #tpu.memory_space<vmem_shared>>
      tpu.wait_dma2 semaphore(%run_scoped3A_33 : memref<!tpu.dma_semaphore, #tpu.memory_space<semaphore_mem>>) src(%dma_wait3A_42 : memref<624x64xf32, #tpu.memory_space<vmem_shared>>) dst(%dma_wait3A_40 : memref<624x64xf32, #tpu.memory_space<hbm>>)
      tpu.yield
    }) : () -> ()
    %eq3A_28 = arith.constant 15 : i32
    %eq3A_29 = arith.cmpi eq, %arg1, %eq3A_28 : i32
    %convert_element_type3A_30 = arith.extui %eq3A_29 : i1 to i32
    %cond3A_31 = arith.constant 0 : i32
    %cond3A_32 = arith.cmpi ne, %convert_element_type3A_30, %cond3A_31 : i32
    scf.if %cond3A_32 {
      "tpu.region"() ({
        %run_scoped3A_33 = tpu.sem_alloc : memref<!tpu.dma_semaphore, #tpu.memory_space<semaphore_mem>>
        %dma_start3A_34 = arith.constant 9984 : i32
        %dma_start3A_35 = arith.constant 0 : i32
        %dma_start3A_36 = tpu.memref_slice %arg5[%arg0, %dma_start3A_34, %dma_start3A_35] : memref<2x10000x64xf32, #tpu.memory_space<hbm>> -> memref<1x16x64xf32, #tpu.memory_space<hbm>>
        %dma_start3A_37 = tpu.memref_squeeze %dma_start3A_36 : memref<1x16x64xf32, #tpu.memory_space<hbm>> -> memref<16x64xf32, #tpu.memory_space<hbm>>
        %dma_start3A_38 = arith.constant 9984 : i32
        %dma_start3A_39 = arith.constant 0 : i32
        %dma_start3A_40 = tpu.memref_slice %arg10[%dma_start3A_38, %dma_start3A_39] : memref<10000x64xf32, #tpu.memory_space<vmem_shared>> -> memref<16x64xf32, #tpu.memory_space<vmem_shared>>
        tpu.enqueue_dma source(%dma_start3A_40 : memref<16x64xf32, #tpu.memory_space<vmem_shared>>) target(%dma_start3A_37 : memref<16x64xf32, #tpu.memory_space<hbm>>) target_semaphore(%run_scoped3A_33 : memref<!tpu.dma_semaphore, #tpu.memory_space<semaphore_mem>>)
        %dma_wait3A = arith.constant 9984 : i32
        %dma_wait3A_41 = arith.constant 0 : i32
        %dma_wait3A_42 = tpu.memref_slice %arg5[%arg0, %dma_wait3A, %dma_wait3A_41] : memref<2x10000x64xf32, #tpu.memory_space<hbm>> -> memref<1x16x64xf32, #tpu.memory_space<hbm>>
        %dma_wait3A_43 = tpu.memref_squeeze %dma_wait3A_42 : memref<1x16x64xf32, #tpu.memory_space<hbm>> -> memref<16x64xf32, #tpu.memory_space<hbm>>
        %dma_wait3A_44 = arith.constant 9984 : i32
        %dma_wait3A_45 = arith.constant 0 : i32
        %dma_wait3A_46 = tpu.memref_slice %arg10[%dma_wait3A_44, %dma_wait3A_45] : memref<10000x64xf32, #tpu.memory_space<vmem_shared>> -> memref<16x64xf32, #tpu.memory_space<vmem_shared>>
        tpu.wait_dma2 semaphore(%run_scoped3A_33 : memref<!tpu.dma_semaphore, #tpu.memory_space<semaphore_mem>>) src(%dma_wait3A_46 : memref<16x64xf32, #tpu.memory_space<vmem_shared>>) dst(%dma_wait3A_43 : memref<16x64xf32, #tpu.memory_space<hbm>>)
        tpu.yield
      }) : () -> ()
    } else {
    }
    return
  }
}

#map = affine_map<(d0, d1) -> (0, 0)>
#map1 = affine_map<(d0, d1) -> (0, 0, 0)>
module attributes {stable_mosaic.version = 14 : i64} {
  func.func @seg(%arg0: i32, %arg1: i32, %arg2: memref<2x320000xi32, #tpu.memory_space<hbm>>, %arg3: memref<10000x136xf32, #tpu.memory_space<hbm>>, %arg4: memref<10000x136xf32, #tpu.memory_space<hbm>>, %arg5: memref<2x10000x128xf32, #tpu.memory_space<hbm>>, %arg6: memref<2x10000x8xf32, #tpu.memory_space<hbm>>, %arg7: memref<2x2x1664xi32, #tpu.memory_space<vmem>>, %arg8: memref<2x128x136xf32, #tpu.memory_space<vmem>>, %arg9: memref<2x!tpu.dma_semaphore, #tpu.memory_space<semaphore_mem>>, %arg10: memref<2x!tpu.dma_semaphore, #tpu.memory_space<semaphore_mem>>, %arg11: memref<10000x136xf32, #tpu.memory_space<vmem_shared>>) attributes {dimension_semantics = [#tpu.dimension_semantics<core_parallel>, #tpu.dimension_semantics<subcore_parallel>], iteration_bounds = array<i64: 2, 16>, scalar_prefetch = 0 : i64, scratch_operands = 5 : i64, tpu.core_type = #tpu.core_type<sc_vector_subcore>, window_params = [{transform_indices = #map}, {transform_indices = #map}, {transform_indices = #map}, {transform_indices = #map1}, {transform_indices = #map1}]} {
    %mul3A = arith.constant 2 : i32
    %mul3A_0 = arith.muli %arg1, %mul3A : i32
    %add3A = arith.addi %mul3A_0, %arg0 : i32
    %mul3A_1 = arith.constant 624 : i32
    %mul3A_2 = arith.muli %arg1, %mul3A_1 : i32
    %mul3A_3 = arith.constant 78 : i32
    %mul3A_4 = arith.muli %add3A, %mul3A_3 : i32
    %mul3A_5 = arith.constant 128 : i32
    %mul3A_6 = arith.muli %mul3A_4, %mul3A_5 : i32
    "tpu.region"() ({
      %run_scoped3A = tpu.sem_alloc : memref<!tpu.dma_semaphore, #tpu.memory_space<semaphore_mem>>
      %dma_start3A_320 = arith.constant 0 : i32
      %dma_start3A_321 = tpu.memref_slice %arg11[%mul3A_2, %dma_start3A_320] : memref<10000x136xf32, #tpu.memory_space<vmem_shared>> -> memref<624x136xf32, #tpu.memory_space<vmem_shared>>
      %dma_start3A_322 = arith.constant 0 : i32
      %dma_start3A_323 = tpu.memref_slice %arg4[%mul3A_2, %dma_start3A_322] : memref<10000x136xf32, #tpu.memory_space<hbm>> -> memref<624x136xf32, #tpu.memory_space<hbm>>
      tpu.enqueue_dma source(%dma_start3A_323 : memref<624x136xf32, #tpu.memory_space<hbm>>) target(%dma_start3A_321 : memref<624x136xf32, #tpu.memory_space<vmem_shared>>) target_semaphore(%run_scoped3A : memref<!tpu.dma_semaphore, #tpu.memory_space<semaphore_mem>>)
      %dma_wait3A_324 = arith.constant 0 : i32
      %dma_wait3A_325 = tpu.memref_slice %arg11[%mul3A_2, %dma_wait3A_324] : memref<10000x136xf32, #tpu.memory_space<vmem_shared>> -> memref<624x136xf32, #tpu.memory_space<vmem_shared>>
      %dma_wait3A_326 = arith.constant 0 : i32
      %dma_wait3A_327 = tpu.memref_slice %arg4[%mul3A_2, %dma_wait3A_326] : memref<10000x136xf32, #tpu.memory_space<hbm>> -> memref<624x136xf32, #tpu.memory_space<hbm>>
      tpu.wait_dma2 semaphore(%run_scoped3A : memref<!tpu.dma_semaphore, #tpu.memory_space<semaphore_mem>>) src(%dma_wait3A_327 : memref<624x136xf32, #tpu.memory_space<hbm>>) dst(%dma_wait3A_325 : memref<624x136xf32, #tpu.memory_space<vmem_shared>>)
      tpu.yield
    }) : () -> ()
    %eq3A = arith.constant 15 : i32
    %eq3A_7 = arith.cmpi eq, %arg1, %eq3A : i32
    %convert_element_type3A = arith.extui %eq3A_7 : i1 to i32
    %cond3A = arith.constant 0 : i32
    %cond3A_8 = arith.cmpi ne, %convert_element_type3A, %cond3A : i32
    scf.if %cond3A_8 {
      "tpu.region"() ({
        %run_scoped3A = tpu.sem_alloc : memref<!tpu.dma_semaphore, #tpu.memory_space<semaphore_mem>>
        %dma_start3A_320 = arith.constant 9984 : i32
        %dma_start3A_321 = arith.constant 0 : i32
        %dma_start3A_322 = tpu.memref_slice %arg11[%dma_start3A_320, %dma_start3A_321] : memref<10000x136xf32, #tpu.memory_space<vmem_shared>> -> memref<16x136xf32, #tpu.memory_space<vmem_shared>>
        %dma_start3A_323 = arith.constant 9984 : i32
        %dma_start3A_324 = arith.constant 0 : i32
        %dma_start3A_325 = tpu.memref_slice %arg4[%dma_start3A_323, %dma_start3A_324] : memref<10000x136xf32, #tpu.memory_space<hbm>> -> memref<16x136xf32, #tpu.memory_space<hbm>>
        tpu.enqueue_dma source(%dma_start3A_325 : memref<16x136xf32, #tpu.memory_space<hbm>>) target(%dma_start3A_322 : memref<16x136xf32, #tpu.memory_space<vmem_shared>>) target_semaphore(%run_scoped3A : memref<!tpu.dma_semaphore, #tpu.memory_space<semaphore_mem>>)
        %dma_wait3A_326 = arith.constant 9984 : i32
        %dma_wait3A_327 = arith.constant 0 : i32
        %dma_wait3A_328 = tpu.memref_slice %arg11[%dma_wait3A_326, %dma_wait3A_327] : memref<10000x136xf32, #tpu.memory_space<vmem_shared>> -> memref<16x136xf32, #tpu.memory_space<vmem_shared>>
        %dma_wait3A_329 = arith.constant 9984 : i32
        %dma_wait3A_330 = arith.constant 0 : i32
        %dma_wait3A_331 = tpu.memref_slice %arg4[%dma_wait3A_329, %dma_wait3A_330] : memref<10000x136xf32, #tpu.memory_space<hbm>> -> memref<16x136xf32, #tpu.memory_space<hbm>>
        tpu.wait_dma2 semaphore(%run_scoped3A : memref<!tpu.dma_semaphore, #tpu.memory_space<semaphore_mem>>) src(%dma_wait3A_331 : memref<16x136xf32, #tpu.memory_space<hbm>>) dst(%dma_wait3A_328 : memref<16x136xf32, #tpu.memory_space<vmem_shared>>)
        tpu.yield
      }) : () -> ()
    } else {
    }
    %add3A_9 = arith.constant 0 : i32
    %add3A_10 = arith.addi %mul3A_6, %add3A_9 : i32
    %dma_start3A = arith.constant 0 : i32
    %dma_start3A_11 = arith.constant 0 : i32
    %dma_start3A_12 = arith.constant 0 : i32
    %dma_start3A_13 = arith.constant 0 : i32
    %dma_start3A_14 = arith.constant 0 : i32
    %dma_start3A_15 = tpu.memref_slice %arg7[%dma_start3A_11, %dma_start3A_12, %dma_start3A_14] : memref<2x2x1664xi32, #tpu.memory_space<vmem>> -> memref<1x1x1664xi32, #tpu.memory_space<vmem>>
    %dma_start3A_16 = tpu.memref_squeeze %dma_start3A_15 : memref<1x1x1664xi32, #tpu.memory_space<vmem>> -> memref<1664xi32, #tpu.memory_space<vmem>>
    %dma_start3A_17 = tpu.memref_slice %arg2[%dma_start3A, %add3A_10] : memref<2x320000xi32, #tpu.memory_space<hbm>> -> memref<1x1664xi32, #tpu.memory_space<hbm>>
    %dma_start3A_18 = tpu.memref_squeeze %dma_start3A_17 : memref<1x1664xi32, #tpu.memory_space<hbm>> -> memref<1664xi32, #tpu.memory_space<hbm>>
    %dma_start3A_19 = tpu.memref_slice %arg10[%dma_start3A_13] : memref<2x!tpu.dma_semaphore, #tpu.memory_space<semaphore_mem>> -> memref<1x!tpu.dma_semaphore, #tpu.memory_space<semaphore_mem>>
    %dma_start3A_20 = tpu.memref_squeeze %dma_start3A_19 : memref<1x!tpu.dma_semaphore, #tpu.memory_space<semaphore_mem>> -> memref<!tpu.dma_semaphore, #tpu.memory_space<semaphore_mem>>
    %dma_start3A_21 = arith.constant 0 : i32
    %dma_start3A_22 = tpu.memref_slice %arg7[%dma_start3A_11, %dma_start3A_12, %dma_start3A_21] : memref<2x2x1664xi32, #tpu.memory_space<vmem>> -> memref<1x1x1664xi32, #tpu.memory_space<vmem>>
    %dma_start3A_23 = tpu.memref_squeeze %dma_start3A_22 : memref<1x1x1664xi32, #tpu.memory_space<vmem>> -> memref<1664xi32, #tpu.memory_space<vmem>>
    %dma_start3A_24 = tpu.memref_slice %arg2[%dma_start3A, %add3A_10] : memref<2x320000xi32, #tpu.memory_space<hbm>> -> memref<1x1664xi32, #tpu.memory_space<hbm>>
    %dma_start3A_25 = tpu.memref_squeeze %dma_start3A_24 : memref<1x1664xi32, #tpu.memory_space<hbm>> -> memref<1664xi32, #tpu.memory_space<hbm>>
    tpu.enqueue_dma source(%dma_start3A_25 : memref<1664xi32, #tpu.memory_space<hbm>>) target(%dma_start3A_23 : memref<1664xi32, #tpu.memory_space<vmem>>) target_semaphore(%dma_start3A_20 : memref<!tpu.dma_semaphore, #tpu.memory_space<semaphore_mem>>)
    %add3A_26 = arith.constant 0 : i32
    %add3A_27 = arith.addi %mul3A_6, %add3A_26 : i32
    %dma_start3A_28 = arith.constant 1 : i32
    %dma_start3A_29 = arith.constant 0 : i32
    %dma_start3A_30 = arith.constant 1 : i32
    %dma_start3A_31 = arith.constant 0 : i32
    %dma_start3A_32 = arith.constant 0 : i32
    %dma_start3A_33 = tpu.memref_slice %arg7[%dma_start3A_29, %dma_start3A_30, %dma_start3A_32] : memref<2x2x1664xi32, #tpu.memory_space<vmem>> -> memref<1x1x1664xi32, #tpu.memory_space<vmem>>
    %dma_start3A_34 = tpu.memref_squeeze %dma_start3A_33 : memref<1x1x1664xi32, #tpu.memory_space<vmem>> -> memref<1664xi32, #tpu.memory_space<vmem>>
    %dma_start3A_35 = tpu.memref_slice %arg2[%dma_start3A_28, %add3A_27] : memref<2x320000xi32, #tpu.memory_space<hbm>> -> memref<1x1664xi32, #tpu.memory_space<hbm>>
    %dma_start3A_36 = tpu.memref_squeeze %dma_start3A_35 : memref<1x1664xi32, #tpu.memory_space<hbm>> -> memref<1664xi32, #tpu.memory_space<hbm>>
    %dma_start3A_37 = tpu.memref_slice %arg10[%dma_start3A_31] : memref<2x!tpu.dma_semaphore, #tpu.memory_space<semaphore_mem>> -> memref<1x!tpu.dma_semaphore, #tpu.memory_space<semaphore_mem>>
    %dma_start3A_38 = tpu.memref_squeeze %dma_start3A_37 : memref<1x!tpu.dma_semaphore, #tpu.memory_space<semaphore_mem>> -> memref<!tpu.dma_semaphore, #tpu.memory_space<semaphore_mem>>
    %dma_start3A_39 = arith.constant 0 : i32
    %dma_start3A_40 = tpu.memref_slice %arg7[%dma_start3A_29, %dma_start3A_30, %dma_start3A_39] : memref<2x2x1664xi32, #tpu.memory_space<vmem>> -> memref<1x1x1664xi32, #tpu.memory_space<vmem>>
    %dma_start3A_41 = tpu.memref_squeeze %dma_start3A_40 : memref<1x1x1664xi32, #tpu.memory_space<vmem>> -> memref<1664xi32, #tpu.memory_space<vmem>>
    %dma_start3A_42 = tpu.memref_slice %arg2[%dma_start3A_28, %add3A_27] : memref<2x320000xi32, #tpu.memory_space<hbm>> -> memref<1x1664xi32, #tpu.memory_space<hbm>>
    %dma_start3A_43 = tpu.memref_squeeze %dma_start3A_42 : memref<1x1664xi32, #tpu.memory_space<hbm>> -> memref<1664xi32, #tpu.memory_space<hbm>>
    tpu.enqueue_dma source(%dma_start3A_43 : memref<1664xi32, #tpu.memory_space<hbm>>) target(%dma_start3A_41 : memref<1664xi32, #tpu.memory_space<vmem>>) target_semaphore(%dma_start3A_38 : memref<!tpu.dma_semaphore, #tpu.memory_space<semaphore_mem>>)
    %add3A_44 = arith.constant 0 : i32
    %add3A_45 = arith.addi %mul3A_6, %add3A_44 : i32
    %dma_wait3A = arith.constant 0 : i32
    %dma_wait3A_46 = arith.constant 0 : i32
    %dma_wait3A_47 = arith.constant 0 : i32
    %dma_wait3A_48 = arith.constant 0 : i32
    %dma_wait3A_49 = arith.constant 0 : i32
    %dma_wait3A_50 = tpu.memref_slice %arg7[%dma_wait3A_46, %dma_wait3A_47, %dma_wait3A_49] : memref<2x2x1664xi32, #tpu.memory_space<vmem>> -> memref<1x1x1664xi32, #tpu.memory_space<vmem>>
    %dma_wait3A_51 = tpu.memref_squeeze %dma_wait3A_50 : memref<1x1x1664xi32, #tpu.memory_space<vmem>> -> memref<1664xi32, #tpu.memory_space<vmem>>
    %dma_wait3A_52 = tpu.memref_slice %arg2[%dma_wait3A, %add3A_45] : memref<2x320000xi32, #tpu.memory_space<hbm>> -> memref<1x1664xi32, #tpu.memory_space<hbm>>
    %dma_wait3A_53 = tpu.memref_squeeze %dma_wait3A_52 : memref<1x1664xi32, #tpu.memory_space<hbm>> -> memref<1664xi32, #tpu.memory_space<hbm>>
    %dma_wait3A_54 = tpu.memref_slice %arg10[%dma_wait3A_48] : memref<2x!tpu.dma_semaphore, #tpu.memory_space<semaphore_mem>> -> memref<1x!tpu.dma_semaphore, #tpu.memory_space<semaphore_mem>>
    %dma_wait3A_55 = tpu.memref_squeeze %dma_wait3A_54 : memref<1x!tpu.dma_semaphore, #tpu.memory_space<semaphore_mem>> -> memref<!tpu.dma_semaphore, #tpu.memory_space<semaphore_mem>>
    %dma_wait3A_56 = arith.constant 0 : i32
    %dma_wait3A_57 = tpu.memref_slice %arg7[%dma_wait3A_46, %dma_wait3A_47, %dma_wait3A_56] : memref<2x2x1664xi32, #tpu.memory_space<vmem>> -> memref<1x1x1664xi32, #tpu.memory_space<vmem>>
    %dma_wait3A_58 = tpu.memref_squeeze %dma_wait3A_57 : memref<1x1x1664xi32, #tpu.memory_space<vmem>> -> memref<1664xi32, #tpu.memory_space<vmem>>
    %dma_wait3A_59 = tpu.memref_slice %arg2[%dma_wait3A, %add3A_45] : memref<2x320000xi32, #tpu.memory_space<hbm>> -> memref<1x1664xi32, #tpu.memory_space<hbm>>
    %dma_wait3A_60 = tpu.memref_squeeze %dma_wait3A_59 : memref<1x1664xi32, #tpu.memory_space<hbm>> -> memref<1664xi32, #tpu.memory_space<hbm>>
    tpu.wait_dma2 semaphore(%dma_wait3A_55 : memref<!tpu.dma_semaphore, #tpu.memory_space<semaphore_mem>>) src(%dma_wait3A_60 : memref<1664xi32, #tpu.memory_space<hbm>>) dst(%dma_wait3A_58 : memref<1664xi32, #tpu.memory_space<vmem>>)
    %add3A_61 = arith.constant 0 : i32
    %add3A_62 = arith.addi %mul3A_6, %add3A_61 : i32
    %dma_wait3A_63 = arith.constant 1 : i32
    %dma_wait3A_64 = arith.constant 0 : i32
    %dma_wait3A_65 = arith.constant 1 : i32
    %dma_wait3A_66 = arith.constant 0 : i32
    %dma_wait3A_67 = arith.constant 0 : i32
    %dma_wait3A_68 = tpu.memref_slice %arg7[%dma_wait3A_64, %dma_wait3A_65, %dma_wait3A_67] : memref<2x2x1664xi32, #tpu.memory_space<vmem>> -> memref<1x1x1664xi32, #tpu.memory_space<vmem>>
    %dma_wait3A_69 = tpu.memref_squeeze %dma_wait3A_68 : memref<1x1x1664xi32, #tpu.memory_space<vmem>> -> memref<1664xi32, #tpu.memory_space<vmem>>
    %dma_wait3A_70 = tpu.memref_slice %arg2[%dma_wait3A_63, %add3A_62] : memref<2x320000xi32, #tpu.memory_space<hbm>> -> memref<1x1664xi32, #tpu.memory_space<hbm>>
    %dma_wait3A_71 = tpu.memref_squeeze %dma_wait3A_70 : memref<1x1664xi32, #tpu.memory_space<hbm>> -> memref<1664xi32, #tpu.memory_space<hbm>>
    %dma_wait3A_72 = tpu.memref_slice %arg10[%dma_wait3A_66] : memref<2x!tpu.dma_semaphore, #tpu.memory_space<semaphore_mem>> -> memref<1x!tpu.dma_semaphore, #tpu.memory_space<semaphore_mem>>
    %dma_wait3A_73 = tpu.memref_squeeze %dma_wait3A_72 : memref<1x!tpu.dma_semaphore, #tpu.memory_space<semaphore_mem>> -> memref<!tpu.dma_semaphore, #tpu.memory_space<semaphore_mem>>
    %dma_wait3A_74 = arith.constant 0 : i32
    %dma_wait3A_75 = tpu.memref_slice %arg7[%dma_wait3A_64, %dma_wait3A_65, %dma_wait3A_74] : memref<2x2x1664xi32, #tpu.memory_space<vmem>> -> memref<1x1x1664xi32, #tpu.memory_space<vmem>>
    %dma_wait3A_76 = tpu.memref_squeeze %dma_wait3A_75 : memref<1x1x1664xi32, #tpu.memory_space<vmem>> -> memref<1664xi32, #tpu.memory_space<vmem>>
    %dma_wait3A_77 = tpu.memref_slice %arg2[%dma_wait3A_63, %add3A_62] : memref<2x320000xi32, #tpu.memory_space<hbm>> -> memref<1x1664xi32, #tpu.memory_space<hbm>>
    %dma_wait3A_78 = tpu.memref_squeeze %dma_wait3A_77 : memref<1x1664xi32, #tpu.memory_space<hbm>> -> memref<1664xi32, #tpu.memory_space<hbm>>
    tpu.wait_dma2 semaphore(%dma_wait3A_73 : memref<!tpu.dma_semaphore, #tpu.memory_space<semaphore_mem>>) src(%dma_wait3A_78 : memref<1664xi32, #tpu.memory_space<hbm>>) dst(%dma_wait3A_76 : memref<1664xi32, #tpu.memory_space<vmem>>)
    %dma_start3A_79 = arith.constant 0 : i32
    %dma_start3A_80 = arith.constant 0 : i32
    %dma_start3A_81 = arith.constant 0 : i32
    %dma_start3A_82 = arith.constant 0 : i32
    %dma_start3A_83 = arith.constant 0 : i32
    %dma_start3A_84 = arith.constant 0 : i32
    %dma_start3A_85 = tpu.memref_slice %arg8[%dma_start3A_81, %dma_start3A_83, %dma_start3A_84] : memref<2x128x136xf32, #tpu.memory_space<vmem>> -> memref<1x128x136xf32, #tpu.memory_space<vmem>>
    %dma_start3A_86 = tpu.memref_squeeze %dma_start3A_85 : memref<1x128x136xf32, #tpu.memory_space<vmem>> -> memref<128x136xf32, #tpu.memory_space<vmem>>
    %dma_start3A_87 = arith.constant 0 : i32
    %dma_start3A_88 = tpu.memref_slice %arg7[%dma_start3A_79, %dma_start3A_80, %dma_start3A_87] : memref<2x2x1664xi32, #tpu.memory_space<vmem>> -> memref<1x1x128xi32, #tpu.memory_space<vmem>>
    %dma_start3A_89 = tpu.memref_squeeze %dma_start3A_88 : memref<1x1x128xi32, #tpu.memory_space<vmem>> -> memref<128xi32, #tpu.memory_space<vmem>>
    %dma_start3A_90 = arith.constant 0 : i32
    %dma_start3A_91 = arith.constant 0 : i32
    %dma_start3A_92 = tpu.memref_slice %arg3[%dma_start3A_90, %dma_start3A_91] : memref<10000x136xf32, #tpu.memory_space<hbm>> -> memref<10000x136xf32, #tpu.memory_space<hbm>>
    %dma_start3A_93 = tpu.memref_slice %arg9[%dma_start3A_82] : memref<2x!tpu.dma_semaphore, #tpu.memory_space<semaphore_mem>> -> memref<1x!tpu.dma_semaphore, #tpu.memory_space<semaphore_mem>>
    %dma_start3A_94 = tpu.memref_squeeze %dma_start3A_93 : memref<1x!tpu.dma_semaphore, #tpu.memory_space<semaphore_mem>> -> memref<!tpu.dma_semaphore, #tpu.memory_space<semaphore_mem>>
    tpu.enqueue_indirect_dma source(%dma_start3A_92 : memref<10000x136xf32, #tpu.memory_space<hbm>>) target(%dma_start3A_86 : memref<128x136xf32, #tpu.memory_space<vmem>>) offsets(%dma_start3A_89 : memref<128xi32, #tpu.memory_space<vmem>>) semaphore(%dma_start3A_94 : memref<!tpu.dma_semaphore, #tpu.memory_space<semaphore_mem>>)
    %add3A_95 = arith.constant 1664 : i32
    %add3A_96 = arith.addi %mul3A_6, %add3A_95 : i32
    %dma_start3A_97 = arith.constant 0 : i32
    %dma_start3A_98 = arith.constant 1 : i32
    %dma_start3A_99 = arith.constant 0 : i32
    %dma_start3A_100 = arith.constant 1 : i32
    %dma_start3A_101 = arith.constant 0 : i32
    %dma_start3A_102 = tpu.memref_slice %arg7[%dma_start3A_98, %dma_start3A_99, %dma_start3A_101] : memref<2x2x1664xi32, #tpu.memory_space<vmem>> -> memref<1x1x1664xi32, #tpu.memory_space<vmem>>
    %dma_start3A_103 = tpu.memref_squeeze %dma_start3A_102 : memref<1x1x1664xi32, #tpu.memory_space<vmem>> -> memref<1664xi32, #tpu.memory_space<vmem>>
    %dma_start3A_104 = tpu.memref_slice %arg2[%dma_start3A_97, %add3A_96] : memref<2x320000xi32, #tpu.memory_space<hbm>> -> memref<1x1664xi32, #tpu.memory_space<hbm>>
    %dma_start3A_105 = tpu.memref_squeeze %dma_start3A_104 : memref<1x1664xi32, #tpu.memory_space<hbm>> -> memref<1664xi32, #tpu.memory_space<hbm>>
    %dma_start3A_106 = tpu.memref_slice %arg10[%dma_start3A_100] : memref<2x!tpu.dma_semaphore, #tpu.memory_space<semaphore_mem>> -> memref<1x!tpu.dma_semaphore, #tpu.memory_space<semaphore_mem>>
    %dma_start3A_107 = tpu.memref_squeeze %dma_start3A_106 : memref<1x!tpu.dma_semaphore, #tpu.memory_space<semaphore_mem>> -> memref<!tpu.dma_semaphore, #tpu.memory_space<semaphore_mem>>
    %dma_start3A_108 = arith.constant 0 : i32
    %dma_start3A_109 = tpu.memref_slice %arg7[%dma_start3A_98, %dma_start3A_99, %dma_start3A_108] : memref<2x2x1664xi32, #tpu.memory_space<vmem>> -> memref<1x1x1664xi32, #tpu.memory_space<vmem>>
    %dma_start3A_110 = tpu.memref_squeeze %dma_start3A_109 : memref<1x1x1664xi32, #tpu.memory_space<vmem>> -> memref<1664xi32, #tpu.memory_space<vmem>>
    %dma_start3A_111 = tpu.memref_slice %arg2[%dma_start3A_97, %add3A_96] : memref<2x320000xi32, #tpu.memory_space<hbm>> -> memref<1x1664xi32, #tpu.memory_space<hbm>>
    %dma_start3A_112 = tpu.memref_squeeze %dma_start3A_111 : memref<1x1664xi32, #tpu.memory_space<hbm>> -> memref<1664xi32, #tpu.memory_space<hbm>>
    tpu.enqueue_dma source(%dma_start3A_112 : memref<1664xi32, #tpu.memory_space<hbm>>) target(%dma_start3A_110 : memref<1664xi32, #tpu.memory_space<vmem>>) target_semaphore(%dma_start3A_107 : memref<!tpu.dma_semaphore, #tpu.memory_space<semaphore_mem>>)
    %add3A_113 = arith.constant 1664 : i32
    %add3A_114 = arith.addi %mul3A_6, %add3A_113 : i32
    %dma_start3A_115 = arith.constant 1 : i32
    %dma_start3A_116 = arith.constant 1 : i32
    %dma_start3A_117 = arith.constant 1 : i32
    %dma_start3A_118 = arith.constant 1 : i32
    %dma_start3A_119 = arith.constant 0 : i32
    %dma_start3A_120 = tpu.memref_slice %arg7[%dma_start3A_116, %dma_start3A_117, %dma_start3A_119] : memref<2x2x1664xi32, #tpu.memory_space<vmem>> -> memref<1x1x1664xi32, #tpu.memory_space<vmem>>
    %dma_start3A_121 = tpu.memref_squeeze %dma_start3A_120 : memref<1x1x1664xi32, #tpu.memory_space<vmem>> -> memref<1664xi32, #tpu.memory_space<vmem>>
    %dma_start3A_122 = tpu.memref_slice %arg2[%dma_start3A_115, %add3A_114] : memref<2x320000xi32, #tpu.memory_space<hbm>> -> memref<1x1664xi32, #tpu.memory_space<hbm>>
    %dma_start3A_123 = tpu.memref_squeeze %dma_start3A_122 : memref<1x1664xi32, #tpu.memory_space<hbm>> -> memref<1664xi32, #tpu.memory_space<hbm>>
    %dma_start3A_124 = tpu.memref_slice %arg10[%dma_start3A_118] : memref<2x!tpu.dma_semaphore, #tpu.memory_space<semaphore_mem>> -> memref<1x!tpu.dma_semaphore, #tpu.memory_space<semaphore_mem>>
    %dma_start3A_125 = tpu.memref_squeeze %dma_start3A_124 : memref<1x!tpu.dma_semaphore, #tpu.memory_space<semaphore_mem>> -> memref<!tpu.dma_semaphore, #tpu.memory_space<semaphore_mem>>
    %dma_start3A_126 = arith.constant 0 : i32
    %dma_start3A_127 = tpu.memref_slice %arg7[%dma_start3A_116, %dma_start3A_117, %dma_start3A_126] : memref<2x2x1664xi32, #tpu.memory_space<vmem>> -> memref<1x1x1664xi32, #tpu.memory_space<vmem>>
    %dma_start3A_128 = tpu.memref_squeeze %dma_start3A_127 : memref<1x1x1664xi32, #tpu.memory_space<vmem>> -> memref<1664xi32, #tpu.memory_space<vmem>>
    %dma_start3A_129 = tpu.memref_slice %arg2[%dma_start3A_115, %add3A_114] : memref<2x320000xi32, #tpu.memory_space<hbm>> -> memref<1x1664xi32, #tpu.memory_space<hbm>>
    %dma_start3A_130 = tpu.memref_squeeze %dma_start3A_129 : memref<1x1664xi32, #tpu.memory_space<hbm>> -> memref<1664xi32, #tpu.memory_space<hbm>>
    tpu.enqueue_dma source(%dma_start3A_130 : memref<1664xi32, #tpu.memory_space<hbm>>) target(%dma_start3A_128 : memref<1664xi32, #tpu.memory_space<vmem>>) target_semaphore(%dma_start3A_125 : memref<!tpu.dma_semaphore, #tpu.memory_space<semaphore_mem>>)
    %barrier3A = arith.constant 0 : index
    tpu.barrier barrier_id(%barrier3A)
    %scan3A = arith.constant 0 : i32
    %scan3A_131 = arith.constant 0 : i32
    %scan3A_132 = arith.constant 13 : i32
    %scan3A_133 = arith.addi %scan3A_131, %scan3A_132 : i32
    %scan3A_134 = arith.constant 1 : i32
    scf.for %scan3A_320 = %scan3A_131 to %scan3A_133 step %scan3A_134  : i32 {
      %add3A_321 = arith.constant 0 : i32
      %add3A_322 = arith.addi %add3A_321, %scan3A_320 : i32
      %lt3A_323 = arith.constant 12 : i32
      %lt3A_324 = arith.cmpi slt, %scan3A_320, %lt3A_323 : i32
      %convert_element_type3A_325 = arith.extui %lt3A_324 : i1 to i32
      %cond3A_326 = arith.constant 0 : i32
      %cond3A_327 = arith.cmpi ne, %convert_element_type3A_325, %cond3A_326 : i32
      scf.if %cond3A_327 {
        %add3A_394 = arith.constant 1 : i32
        %add3A_395 = arith.addi %scan3A_320, %add3A_394 : i32
        %add3A_396 = arith.constant 1 : i32
        %add3A_397 = arith.addi %add3A_322, %add3A_396 : i32
        %mul3A_398 = arith.constant 128 : i32
        %mul3A_399 = arith.muli %add3A_395, %mul3A_398 : i32
        %jit3A_400 = arith.constant 2 : i32
        %eq3A_401 = arith.constant 0 : i32
        %eq3A_402 = arith.cmpi eq, %jit3A_400, %eq3A_401 : i32
        %jit3A_403 = arith.constant 1 : i32
        %select_n3A_404 = arith.select %eq3A_402, %jit3A_403, %jit3A_400 : i32
        %rem3A_405 = arith.remsi %add3A_397, %select_n3A_404 : i32
        %ne3A_406 = arith.constant 0 : i32
        %ne3A_407 = arith.cmpi ne, %rem3A_405, %ne3A_406 : i32
        %lt3A_408 = arith.constant 0 : i32
        %lt3A_409 = arith.cmpi slt, %rem3A_405, %lt3A_408 : i32
        %lt3A_410 = arith.constant 0 : i32
        %lt3A_411 = arith.cmpi slt, %select_n3A_404, %lt3A_410 : i32
        %ne3A_412 = arith.xori %lt3A_409, %lt3A_411 : i1
        %and3A_413 = arith.andi %ne3A_412, %ne3A_407 : i1
        %add3A_414 = arith.addi %rem3A_405, %select_n3A_404 : i32
        %select_n3A_415 = arith.select %and3A_413, %add3A_414, %rem3A_405 : i32
        %jit3A_416 = arith.constant 2 : i32
        %eq3A_417 = arith.constant 0 : i32
        %eq3A_418 = arith.cmpi eq, %jit3A_416, %eq3A_417 : i32
        %jit3A_419 = arith.constant 1 : i32
        %select_n3A_420 = arith.select %eq3A_418, %jit3A_419, %jit3A_416 : i32
        %rem3A_421 = arith.remsi %add3A_397, %select_n3A_420 : i32
        %ne3A_422 = arith.constant 0 : i32
        %ne3A_423 = arith.cmpi ne, %rem3A_421, %ne3A_422 : i32
        %lt3A_424 = arith.constant 0 : i32
        %lt3A_425 = arith.cmpi slt, %rem3A_421, %lt3A_424 : i32
        %lt3A_426 = arith.constant 0 : i32
        %lt3A_427 = arith.cmpi slt, %select_n3A_420, %lt3A_426 : i32
        %ne3A_428 = arith.xori %lt3A_425, %lt3A_427 : i1
        %and3A_429 = arith.andi %ne3A_428, %ne3A_423 : i1
        %add3A_430 = arith.addi %rem3A_421, %select_n3A_420 : i32
        %select_n3A_431 = arith.select %and3A_429, %add3A_430, %rem3A_421 : i32
        %dma_start3A_432 = arith.constant 0 : i32
        %dma_start3A_433 = arith.constant 0 : i32
        %dma_start3A_434 = arith.constant 0 : i32
        %dma_start3A_435 = arith.constant 0 : i32
        %dma_start3A_436 = tpu.memref_slice %arg8[%select_n3A_415, %dma_start3A_434, %dma_start3A_435] : memref<2x128x136xf32, #tpu.memory_space<vmem>> -> memref<1x128x136xf32, #tpu.memory_space<vmem>>
        %dma_start3A_437 = tpu.memref_squeeze %dma_start3A_436 : memref<1x128x136xf32, #tpu.memory_space<vmem>> -> memref<128x136xf32, #tpu.memory_space<vmem>>
        %dma_start3A_438 = tpu.memref_slice %arg7[%dma_start3A_432, %dma_start3A_433, %mul3A_399] : memref<2x2x1664xi32, #tpu.memory_space<vmem>> -> memref<1x1x128xi32, #tpu.memory_space<vmem>>
        %dma_start3A_439 = tpu.memref_squeeze %dma_start3A_438 : memref<1x1x128xi32, #tpu.memory_space<vmem>> -> memref<128xi32, #tpu.memory_space<vmem>>
        %dma_start3A_440 = arith.constant 0 : i32
        %dma_start3A_441 = arith.constant 0 : i32
        %dma_start3A_442 = tpu.memref_slice %arg3[%dma_start3A_440, %dma_start3A_441] : memref<10000x136xf32, #tpu.memory_space<hbm>> -> memref<10000x136xf32, #tpu.memory_space<hbm>>
        %dma_start3A_443 = tpu.memref_slice %arg9[%select_n3A_431] : memref<2x!tpu.dma_semaphore, #tpu.memory_space<semaphore_mem>> -> memref<1x!tpu.dma_semaphore, #tpu.memory_space<semaphore_mem>>
        %dma_start3A_444 = tpu.memref_squeeze %dma_start3A_443 : memref<1x!tpu.dma_semaphore, #tpu.memory_space<semaphore_mem>> -> memref<!tpu.dma_semaphore, #tpu.memory_space<semaphore_mem>>
        tpu.enqueue_indirect_dma source(%dma_start3A_442 : memref<10000x136xf32, #tpu.memory_space<hbm>>) target(%dma_start3A_437 : memref<128x136xf32, #tpu.memory_space<vmem>>) offsets(%dma_start3A_439 : memref<128xi32, #tpu.memory_space<vmem>>) semaphore(%dma_start3A_444 : memref<!tpu.dma_semaphore, #tpu.memory_space<semaphore_mem>>)
      } else {
      }
      %eq3A_328 = arith.constant 12 : i32
      %eq3A_329 = arith.cmpi eq, %scan3A_320, %eq3A_328 : i32
      %convert_element_type3A_330 = arith.extui %eq3A_329 : i1 to i32
      %cond3A_331 = arith.constant 0 : i32
      %cond3A_332 = arith.cmpi ne, %convert_element_type3A_330, %cond3A_331 : i32
      scf.if %cond3A_332 {
        %add3A_394 = arith.constant 1664 : i32
        %add3A_395 = arith.addi %mul3A_6, %add3A_394 : i32
        %dma_wait3A_396 = arith.constant 0 : i32
        %dma_wait3A_397 = arith.constant 1 : i32
        %dma_wait3A_398 = arith.constant 0 : i32
        %dma_wait3A_399 = arith.constant 1 : i32
        %dma_wait3A_400 = arith.constant 0 : i32
        %dma_wait3A_401 = tpu.memref_slice %arg7[%dma_wait3A_397, %dma_wait3A_398, %dma_wait3A_400] : memref<2x2x1664xi32, #tpu.memory_space<vmem>> -> memref<1x1x1664xi32, #tpu.memory_space<vmem>>
        %dma_wait3A_402 = tpu.memref_squeeze %dma_wait3A_401 : memref<1x1x1664xi32, #tpu.memory_space<vmem>> -> memref<1664xi32, #tpu.memory_space<vmem>>
        %dma_wait3A_403 = tpu.memref_slice %arg2[%dma_wait3A_396, %add3A_395] : memref<2x320000xi32, #tpu.memory_space<hbm>> -> memref<1x1664xi32, #tpu.memory_space<hbm>>
        %dma_wait3A_404 = tpu.memref_squeeze %dma_wait3A_403 : memref<1x1664xi32, #tpu.memory_space<hbm>> -> memref<1664xi32, #tpu.memory_space<hbm>>
        %dma_wait3A_405 = tpu.memref_slice %arg10[%dma_wait3A_399] : memref<2x!tpu.dma_semaphore, #tpu.memory_space<semaphore_mem>> -> memref<1x!tpu.dma_semaphore, #tpu.memory_space<semaphore_mem>>
        %dma_wait3A_406 = tpu.memref_squeeze %dma_wait3A_405 : memref<1x!tpu.dma_semaphore, #tpu.memory_space<semaphore_mem>> -> memref<!tpu.dma_semaphore, #tpu.memory_space<semaphore_mem>>
        %dma_wait3A_407 = arith.constant 0 : i32
        %dma_wait3A_408 = tpu.memref_slice %arg7[%dma_wait3A_397, %dma_wait3A_398, %dma_wait3A_407] : memref<2x2x1664xi32, #tpu.memory_space<vmem>> -> memref<1x1x1664xi32, #tpu.memory_space<vmem>>
        %dma_wait3A_409 = tpu.memref_squeeze %dma_wait3A_408 : memref<1x1x1664xi32, #tpu.memory_space<vmem>> -> memref<1664xi32, #tpu.memory_space<vmem>>
        %dma_wait3A_410 = tpu.memref_slice %arg2[%dma_wait3A_396, %add3A_395] : memref<2x320000xi32, #tpu.memory_space<hbm>> -> memref<1x1664xi32, #tpu.memory_space<hbm>>
        %dma_wait3A_411 = tpu.memref_squeeze %dma_wait3A_410 : memref<1x1664xi32, #tpu.memory_space<hbm>> -> memref<1664xi32, #tpu.memory_space<hbm>>
        tpu.wait_dma2 semaphore(%dma_wait3A_406 : memref<!tpu.dma_semaphore, #tpu.memory_space<semaphore_mem>>) src(%dma_wait3A_411 : memref<1664xi32, #tpu.memory_space<hbm>>) dst(%dma_wait3A_409 : memref<1664xi32, #tpu.memory_space<vmem>>)
        %add3A_412 = arith.constant 1664 : i32
        %add3A_413 = arith.addi %mul3A_6, %add3A_412 : i32
        %dma_wait3A_414 = arith.constant 1 : i32
        %dma_wait3A_415 = arith.constant 1 : i32
        %dma_wait3A_416 = arith.constant 1 : i32
        %dma_wait3A_417 = arith.constant 1 : i32
        %dma_wait3A_418 = arith.constant 0 : i32
        %dma_wait3A_419 = tpu.memref_slice %arg7[%dma_wait3A_415, %dma_wait3A_416, %dma_wait3A_418] : memref<2x2x1664xi32, #tpu.memory_space<vmem>> -> memref<1x1x1664xi32, #tpu.memory_space<vmem>>
        %dma_wait3A_420 = tpu.memref_squeeze %dma_wait3A_419 : memref<1x1x1664xi32, #tpu.memory_space<vmem>> -> memref<1664xi32, #tpu.memory_space<vmem>>
        %dma_wait3A_421 = tpu.memref_slice %arg2[%dma_wait3A_414, %add3A_413] : memref<2x320000xi32, #tpu.memory_space<hbm>> -> memref<1x1664xi32, #tpu.memory_space<hbm>>
        %dma_wait3A_422 = tpu.memref_squeeze %dma_wait3A_421 : memref<1x1664xi32, #tpu.memory_space<hbm>> -> memref<1664xi32, #tpu.memory_space<hbm>>
        %dma_wait3A_423 = tpu.memref_slice %arg10[%dma_wait3A_417] : memref<2x!tpu.dma_semaphore, #tpu.memory_space<semaphore_mem>> -> memref<1x!tpu.dma_semaphore, #tpu.memory_space<semaphore_mem>>
        %dma_wait3A_424 = tpu.memref_squeeze %dma_wait3A_423 : memref<1x!tpu.dma_semaphore, #tpu.memory_space<semaphore_mem>> -> memref<!tpu.dma_semaphore, #tpu.memory_space<semaphore_mem>>
        %dma_wait3A_425 = arith.constant 0 : i32
        %dma_wait3A_426 = tpu.memref_slice %arg7[%dma_wait3A_415, %dma_wait3A_416, %dma_wait3A_425] : memref<2x2x1664xi32, #tpu.memory_space<vmem>> -> memref<1x1x1664xi32, #tpu.memory_space<vmem>>
        %dma_wait3A_427 = tpu.memref_squeeze %dma_wait3A_426 : memref<1x1x1664xi32, #tpu.memory_space<vmem>> -> memref<1664xi32, #tpu.memory_space<vmem>>
        %dma_wait3A_428 = tpu.memref_slice %arg2[%dma_wait3A_414, %add3A_413] : memref<2x320000xi32, #tpu.memory_space<hbm>> -> memref<1x1664xi32, #tpu.memory_space<hbm>>
        %dma_wait3A_429 = tpu.memref_squeeze %dma_wait3A_428 : memref<1x1664xi32, #tpu.memory_space<hbm>> -> memref<1664xi32, #tpu.memory_space<hbm>>
        tpu.wait_dma2 semaphore(%dma_wait3A_424 : memref<!tpu.dma_semaphore, #tpu.memory_space<semaphore_mem>>) src(%dma_wait3A_429 : memref<1664xi32, #tpu.memory_space<hbm>>) dst(%dma_wait3A_427 : memref<1664xi32, #tpu.memory_space<vmem>>)
        %add3A_430 = arith.constant 1 : i32
        %add3A_431 = arith.addi %add3A_322, %add3A_430 : i32
        %jit3A_432 = arith.constant 2 : i32
        %eq3A_433 = arith.constant 0 : i32
        %eq3A_434 = arith.cmpi eq, %jit3A_432, %eq3A_433 : i32
        %jit3A_435 = arith.constant 1 : i32
        %select_n3A_436 = arith.select %eq3A_434, %jit3A_435, %jit3A_432 : i32
        %rem3A_437 = arith.remsi %add3A_431, %select_n3A_436 : i32
        %ne3A_438 = arith.constant 0 : i32
        %ne3A_439 = arith.cmpi ne, %rem3A_437, %ne3A_438 : i32
        %lt3A_440 = arith.constant 0 : i32
        %lt3A_441 = arith.cmpi slt, %rem3A_437, %lt3A_440 : i32
        %lt3A_442 = arith.constant 0 : i32
        %lt3A_443 = arith.cmpi slt, %select_n3A_436, %lt3A_442 : i32
        %ne3A_444 = arith.xori %lt3A_441, %lt3A_443 : i1
        %and3A_445 = arith.andi %ne3A_444, %ne3A_439 : i1
        %add3A_446 = arith.addi %rem3A_437, %select_n3A_436 : i32
        %select_n3A_447 = arith.select %and3A_445, %add3A_446, %rem3A_437 : i32
        %jit3A_448 = arith.constant 2 : i32
        %eq3A_449 = arith.constant 0 : i32
        %eq3A_450 = arith.cmpi eq, %jit3A_448, %eq3A_449 : i32
        %jit3A_451 = arith.constant 1 : i32
        %select_n3A_452 = arith.select %eq3A_450, %jit3A_451, %jit3A_448 : i32
        %rem3A_453 = arith.remsi %add3A_431, %select_n3A_452 : i32
        %ne3A_454 = arith.constant 0 : i32
        %ne3A_455 = arith.cmpi ne, %rem3A_453, %ne3A_454 : i32
        %lt3A_456 = arith.constant 0 : i32
        %lt3A_457 = arith.cmpi slt, %rem3A_453, %lt3A_456 : i32
        %lt3A_458 = arith.constant 0 : i32
        %lt3A_459 = arith.cmpi slt, %select_n3A_452, %lt3A_458 : i32
        %ne3A_460 = arith.xori %lt3A_457, %lt3A_459 : i1
        %and3A_461 = arith.andi %ne3A_460, %ne3A_455 : i1
        %add3A_462 = arith.addi %rem3A_453, %select_n3A_452 : i32
        %select_n3A_463 = arith.select %and3A_461, %add3A_462, %rem3A_453 : i32
        %dma_start3A_464 = arith.constant 1 : i32
        %dma_start3A_465 = arith.constant 0 : i32
        %dma_start3A_466 = arith.constant 0 : i32
        %dma_start3A_467 = arith.constant 0 : i32
        %dma_start3A_468 = tpu.memref_slice %arg8[%select_n3A_447, %dma_start3A_466, %dma_start3A_467] : memref<2x128x136xf32, #tpu.memory_space<vmem>> -> memref<1x128x136xf32, #tpu.memory_space<vmem>>
        %dma_start3A_469 = tpu.memref_squeeze %dma_start3A_468 : memref<1x128x136xf32, #tpu.memory_space<vmem>> -> memref<128x136xf32, #tpu.memory_space<vmem>>
        %dma_start3A_470 = arith.constant 0 : i32
        %dma_start3A_471 = tpu.memref_slice %arg7[%dma_start3A_464, %dma_start3A_465, %dma_start3A_470] : memref<2x2x1664xi32, #tpu.memory_space<vmem>> -> memref<1x1x128xi32, #tpu.memory_space<vmem>>
        %dma_start3A_472 = tpu.memref_squeeze %dma_start3A_471 : memref<1x1x128xi32, #tpu.memory_space<vmem>> -> memref<128xi32, #tpu.memory_space<vmem>>
        %dma_start3A_473 = arith.constant 0 : i32
        %dma_start3A_474 = arith.constant 0 : i32
        %dma_start3A_475 = tpu.memref_slice %arg3[%dma_start3A_473, %dma_start3A_474] : memref<10000x136xf32, #tpu.memory_space<hbm>> -> memref<10000x136xf32, #tpu.memory_space<hbm>>
        %dma_start3A_476 = tpu.memref_slice %arg9[%select_n3A_463] : memref<2x!tpu.dma_semaphore, #tpu.memory_space<semaphore_mem>> -> memref<1x!tpu.dma_semaphore, #tpu.memory_space<semaphore_mem>>
        %dma_start3A_477 = tpu.memref_squeeze %dma_start3A_476 : memref<1x!tpu.dma_semaphore, #tpu.memory_space<semaphore_mem>> -> memref<!tpu.dma_semaphore, #tpu.memory_space<semaphore_mem>>
        tpu.enqueue_indirect_dma source(%dma_start3A_475 : memref<10000x136xf32, #tpu.memory_space<hbm>>) target(%dma_start3A_469 : memref<128x136xf32, #tpu.memory_space<vmem>>) offsets(%dma_start3A_472 : memref<128xi32, #tpu.memory_space<vmem>>) semaphore(%dma_start3A_477 : memref<!tpu.dma_semaphore, #tpu.memory_space<semaphore_mem>>)
      } else {
      }
      %mul3A_333 = arith.constant 128 : i32
      %mul3A_334 = arith.muli %scan3A_320, %mul3A_333 : i32
      %jit3A = arith.constant 2 : i32
      %eq3A_335 = arith.constant 0 : i32
      %eq3A_336 = arith.cmpi eq, %jit3A, %eq3A_335 : i32
      %jit3A_337 = arith.constant 1 : i32
      %select_n3A = arith.select %eq3A_336, %jit3A_337, %jit3A : i32
      %rem3A = arith.remsi %add3A_322, %select_n3A : i32
      %ne3A = arith.constant 0 : i32
      %ne3A_338 = arith.cmpi ne, %rem3A, %ne3A : i32
      %lt3A_339 = arith.constant 0 : i32
      %lt3A_340 = arith.cmpi slt, %rem3A, %lt3A_339 : i32
      %lt3A_341 = arith.constant 0 : i32
      %lt3A_342 = arith.cmpi slt, %select_n3A, %lt3A_341 : i32
      %ne3A_343 = arith.xori %lt3A_340, %lt3A_342 : i1
      %and3A = arith.andi %ne3A_343, %ne3A_338 : i1
      %add3A_344 = arith.addi %rem3A, %select_n3A : i32
      %select_n3A_345 = arith.select %and3A, %add3A_344, %rem3A : i32
      %jit3A_346 = arith.constant 2 : i32
      %eq3A_347 = arith.constant 0 : i32
      %eq3A_348 = arith.cmpi eq, %jit3A_346, %eq3A_347 : i32
      %jit3A_349 = arith.constant 1 : i32
      %select_n3A_350 = arith.select %eq3A_348, %jit3A_349, %jit3A_346 : i32
      %rem3A_351 = arith.remsi %add3A_322, %select_n3A_350 : i32
      %ne3A_352 = arith.constant 0 : i32
      %ne3A_353 = arith.cmpi ne, %rem3A_351, %ne3A_352 : i32
      %lt3A_354 = arith.constant 0 : i32
      %lt3A_355 = arith.cmpi slt, %rem3A_351, %lt3A_354 : i32
      %lt3A_356 = arith.constant 0 : i32
      %lt3A_357 = arith.cmpi slt, %select_n3A_350, %lt3A_356 : i32
      %ne3A_358 = arith.xori %lt3A_355, %lt3A_357 : i1
      %and3A_359 = arith.andi %ne3A_358, %ne3A_353 : i1
      %add3A_360 = arith.addi %rem3A_351, %select_n3A_350 : i32
      %select_n3A_361 = arith.select %and3A_359, %add3A_360, %rem3A_351 : i32
      %dma_wait3A_362 = arith.constant 0 : i32
      %dma_wait3A_363 = arith.constant 0 : i32
      %dma_wait3A_364 = arith.constant 0 : i32
      %dma_wait3A_365 = arith.constant 0 : i32
      %dma_wait3A_366 = tpu.memref_slice %arg8[%select_n3A_345, %dma_wait3A_364, %dma_wait3A_365] : memref<2x128x136xf32, #tpu.memory_space<vmem>> -> memref<1x128x136xf32, #tpu.memory_space<vmem>>
      %dma_wait3A_367 = tpu.memref_squeeze %dma_wait3A_366 : memref<1x128x136xf32, #tpu.memory_space<vmem>> -> memref<128x136xf32, #tpu.memory_space<vmem>>
      %dma_wait3A_368 = tpu.memref_slice %arg7[%dma_wait3A_362, %dma_wait3A_363, %mul3A_334] : memref<2x2x1664xi32, #tpu.memory_space<vmem>> -> memref<1x1x128xi32, #tpu.memory_space<vmem>>
      %dma_wait3A_369 = tpu.memref_squeeze %dma_wait3A_368 : memref<1x1x128xi32, #tpu.memory_space<vmem>> -> memref<128xi32, #tpu.memory_space<vmem>>
      %dma_wait3A_370 = arith.constant 0 : i32
      %dma_wait3A_371 = arith.constant 0 : i32
      %dma_wait3A_372 = tpu.memref_slice %arg3[%dma_wait3A_370, %dma_wait3A_371] : memref<10000x136xf32, #tpu.memory_space<hbm>> -> memref<10000x136xf32, #tpu.memory_space<hbm>>
      %dma_wait3A_373 = tpu.memref_slice %arg9[%select_n3A_361] : memref<2x!tpu.dma_semaphore, #tpu.memory_space<semaphore_mem>> -> memref<1x!tpu.dma_semaphore, #tpu.memory_space<semaphore_mem>>
      %dma_wait3A_374 = tpu.memref_squeeze %dma_wait3A_373 : memref<1x!tpu.dma_semaphore, #tpu.memory_space<semaphore_mem>> -> memref<!tpu.dma_semaphore, #tpu.memory_space<semaphore_mem>>
      tpu.wait_indirect_dma semaphore(%dma_wait3A_374 : memref<!tpu.dma_semaphore, #tpu.memory_space<semaphore_mem>>) src(%dma_wait3A_372 : memref<10000x136xf32, #tpu.memory_space<hbm>>) dst(%dma_wait3A_367 : memref<128x136xf32, #tpu.memory_space<vmem>>)
      %jit3A_375 = arith.constant 2 : i32
      %eq3A_376 = arith.constant 0 : i32
      %eq3A_377 = arith.cmpi eq, %jit3A_375, %eq3A_376 : i32
      %jit3A_378 = arith.constant 1 : i32
      %select_n3A_379 = arith.select %eq3A_377, %jit3A_378, %jit3A_375 : i32
      %rem3A_380 = arith.remsi %add3A_322, %select_n3A_379 : i32
      %ne3A_381 = arith.constant 0 : i32
      %ne3A_382 = arith.cmpi ne, %rem3A_380, %ne3A_381 : i32
      %lt3A_383 = arith.constant 0 : i32
      %lt3A_384 = arith.cmpi slt, %rem3A_380, %lt3A_383 : i32
      %lt3A_385 = arith.constant 0 : i32
      %lt3A_386 = arith.cmpi slt, %select_n3A_379, %lt3A_385 : i32
      %ne3A_387 = arith.xori %lt3A_384, %lt3A_386 : i1
      %and3A_388 = arith.andi %ne3A_387, %ne3A_382 : i1
      %add3A_389 = arith.addi %rem3A_380, %select_n3A_379 : i32
      %select_n3A_390 = arith.select %and3A_388, %add3A_389, %rem3A_380 : i32
      %mul3A_391 = arith.constant 128 : i32
      %mul3A_392 = arith.muli %scan3A_320, %mul3A_391 : i32
      %run_scoped3A = arith.constant 0 : i32
      %run_scoped3A_393 = arith.constant 1 : i32
      "tpu.region"() ({
        %run_scoped3A_394 = tpu.sem_alloc : memref<!tpu.dma_semaphore, #tpu.memory_space<semaphore_mem>>
        %dma_start3A_395 = arith.constant 0 : i32
        %dma_start3A_396 = arith.constant 0 : i32
        %dma_start3A_397 = tpu.memref_slice %arg8[%select_n3A_390, %dma_start3A_395, %dma_start3A_396] : memref<2x128x136xf32, #tpu.memory_space<vmem>> -> memref<1x128x136xf32, #tpu.memory_space<vmem>>
        %dma_start3A_398 = tpu.memref_squeeze %dma_start3A_397 : memref<1x128x136xf32, #tpu.memory_space<vmem>> -> memref<128x136xf32, #tpu.memory_space<vmem>>
        %dma_start3A_399 = tpu.memref_slice %arg7[%run_scoped3A, %run_scoped3A_393, %mul3A_392] : memref<2x2x1664xi32, #tpu.memory_space<vmem>> -> memref<1x1x128xi32, #tpu.memory_space<vmem>>
        %dma_start3A_400 = tpu.memref_squeeze %dma_start3A_399 : memref<1x1x128xi32, #tpu.memory_space<vmem>> -> memref<128xi32, #tpu.memory_space<vmem>>
        %dma_start3A_401 = arith.constant 0 : i32
        %dma_start3A_402 = arith.constant 0 : i32
        %dma_start3A_403 = tpu.memref_slice %arg11[%dma_start3A_401, %dma_start3A_402] : memref<10000x136xf32, #tpu.memory_space<vmem_shared>> -> memref<10000x136xf32, #tpu.memory_space<vmem_shared>>
        tpu.enqueue_indirect_dma source(%dma_start3A_398 : memref<128x136xf32, #tpu.memory_space<vmem>>) target(%dma_start3A_403 : memref<10000x136xf32, #tpu.memory_space<vmem_shared>>) offsets(%dma_start3A_400 : memref<128xi32, #tpu.memory_space<vmem>>) semaphore(%run_scoped3A_394 : memref<!tpu.dma_semaphore, #tpu.memory_space<semaphore_mem>>) {add = true}
        %dma_wait3A_404 = arith.constant 0 : i32
        %dma_wait3A_405 = arith.constant 0 : i32
        %dma_wait3A_406 = tpu.memref_slice %arg8[%select_n3A_390, %dma_wait3A_404, %dma_wait3A_405] : memref<2x128x136xf32, #tpu.memory_space<vmem>> -> memref<1x128x136xf32, #tpu.memory_space<vmem>>
        %dma_wait3A_407 = tpu.memref_squeeze %dma_wait3A_406 : memref<1x128x136xf32, #tpu.memory_space<vmem>> -> memref<128x136xf32, #tpu.memory_space<vmem>>
        %dma_wait3A_408 = tpu.memref_slice %arg7[%run_scoped3A, %run_scoped3A_393, %mul3A_392] : memref<2x2x1664xi32, #tpu.memory_space<vmem>> -> memref<1x1x128xi32, #tpu.memory_space<vmem>>
        %dma_wait3A_409 = tpu.memref_squeeze %dma_wait3A_408 : memref<1x1x128xi32, #tpu.memory_space<vmem>> -> memref<128xi32, #tpu.memory_space<vmem>>
        %dma_wait3A_410 = arith.constant 0 : i32
        %dma_wait3A_411 = arith.constant 0 : i32
        %dma_wait3A_412 = tpu.memref_slice %arg11[%dma_wait3A_410, %dma_wait3A_411] : memref<10000x136xf32, #tpu.memory_space<vmem_shared>> -> memref<10000x136xf32, #tpu.memory_space<vmem_shared>>
        tpu.wait_indirect_dma semaphore(%run_scoped3A_394 : memref<!tpu.dma_semaphore, #tpu.memory_space<semaphore_mem>>) src(%dma_wait3A_407 : memref<128x136xf32, #tpu.memory_space<vmem>>) dst(%dma_wait3A_412 : memref<10000x136xf32, #tpu.memory_space<vmem_shared>>)
        tpu.yield
      }) : () -> ()
    }
    %scan3A_135 = arith.constant 13 : i32
    %add3A_136 = arith.constant 3328 : i32
    %add3A_137 = arith.addi %mul3A_6, %add3A_136 : i32
    %dma_start3A_138 = arith.constant 0 : i32
    %dma_start3A_139 = arith.constant 0 : i32
    %dma_start3A_140 = arith.constant 0 : i32
    %dma_start3A_141 = arith.constant 0 : i32
    %dma_start3A_142 = arith.constant 0 : i32
    %dma_start3A_143 = tpu.memref_slice %arg7[%dma_start3A_139, %dma_start3A_140, %dma_start3A_142] : memref<2x2x1664xi32, #tpu.memory_space<vmem>> -> memref<1x1x1664xi32, #tpu.memory_space<vmem>>
    %dma_start3A_144 = tpu.memref_squeeze %dma_start3A_143 : memref<1x1x1664xi32, #tpu.memory_space<vmem>> -> memref<1664xi32, #tpu.memory_space<vmem>>
    %dma_start3A_145 = tpu.memref_slice %arg2[%dma_start3A_138, %add3A_137] : memref<2x320000xi32, #tpu.memory_space<hbm>> -> memref<1x1664xi32, #tpu.memory_space<hbm>>
    %dma_start3A_146 = tpu.memref_squeeze %dma_start3A_145 : memref<1x1664xi32, #tpu.memory_space<hbm>> -> memref<1664xi32, #tpu.memory_space<hbm>>
    %dma_start3A_147 = tpu.memref_slice %arg10[%dma_start3A_141] : memref<2x!tpu.dma_semaphore, #tpu.memory_space<semaphore_mem>> -> memref<1x!tpu.dma_semaphore, #tpu.memory_space<semaphore_mem>>
    %dma_start3A_148 = tpu.memref_squeeze %dma_start3A_147 : memref<1x!tpu.dma_semaphore, #tpu.memory_space<semaphore_mem>> -> memref<!tpu.dma_semaphore, #tpu.memory_space<semaphore_mem>>
    %dma_start3A_149 = arith.constant 0 : i32
    %dma_start3A_150 = tpu.memref_slice %arg7[%dma_start3A_139, %dma_start3A_140, %dma_start3A_149] : memref<2x2x1664xi32, #tpu.memory_space<vmem>> -> memref<1x1x1664xi32, #tpu.memory_space<vmem>>
    %dma_start3A_151 = tpu.memref_squeeze %dma_start3A_150 : memref<1x1x1664xi32, #tpu.memory_space<vmem>> -> memref<1664xi32, #tpu.memory_space<vmem>>
    %dma_start3A_152 = tpu.memref_slice %arg2[%dma_start3A_138, %add3A_137] : memref<2x320000xi32, #tpu.memory_space<hbm>> -> memref<1x1664xi32, #tpu.memory_space<hbm>>
    %dma_start3A_153 = tpu.memref_squeeze %dma_start3A_152 : memref<1x1664xi32, #tpu.memory_space<hbm>> -> memref<1664xi32, #tpu.memory_space<hbm>>
    tpu.enqueue_dma source(%dma_start3A_153 : memref<1664xi32, #tpu.memory_space<hbm>>) target(%dma_start3A_151 : memref<1664xi32, #tpu.memory_space<vmem>>) target_semaphore(%dma_start3A_148 : memref<!tpu.dma_semaphore, #tpu.memory_space<semaphore_mem>>)
    %add3A_154 = arith.constant 3328 : i32
    %add3A_155 = arith.addi %mul3A_6, %add3A_154 : i32
    %dma_start3A_156 = arith.constant 1 : i32
    %dma_start3A_157 = arith.constant 0 : i32
    %dma_start3A_158 = arith.constant 1 : i32
    %dma_start3A_159 = arith.constant 0 : i32
    %dma_start3A_160 = arith.constant 0 : i32
    %dma_start3A_161 = tpu.memref_slice %arg7[%dma_start3A_157, %dma_start3A_158, %dma_start3A_160] : memref<2x2x1664xi32, #tpu.memory_space<vmem>> -> memref<1x1x1664xi32, #tpu.memory_space<vmem>>
    %dma_start3A_162 = tpu.memref_squeeze %dma_start3A_161 : memref<1x1x1664xi32, #tpu.memory_space<vmem>> -> memref<1664xi32, #tpu.memory_space<vmem>>
    %dma_start3A_163 = tpu.memref_slice %arg2[%dma_start3A_156, %add3A_155] : memref<2x320000xi32, #tpu.memory_space<hbm>> -> memref<1x1664xi32, #tpu.memory_space<hbm>>
    %dma_start3A_164 = tpu.memref_squeeze %dma_start3A_163 : memref<1x1664xi32, #tpu.memory_space<hbm>> -> memref<1664xi32, #tpu.memory_space<hbm>>
    %dma_start3A_165 = tpu.memref_slice %arg10[%dma_start3A_159] : memref<2x!tpu.dma_semaphore, #tpu.memory_space<semaphore_mem>> -> memref<1x!tpu.dma_semaphore, #tpu.memory_space<semaphore_mem>>
    %dma_start3A_166 = tpu.memref_squeeze %dma_start3A_165 : memref<1x!tpu.dma_semaphore, #tpu.memory_space<semaphore_mem>> -> memref<!tpu.dma_semaphore, #tpu.memory_space<semaphore_mem>>
    %dma_start3A_167 = arith.constant 0 : i32
    %dma_start3A_168 = tpu.memref_slice %arg7[%dma_start3A_157, %dma_start3A_158, %dma_start3A_167] : memref<2x2x1664xi32, #tpu.memory_space<vmem>> -> memref<1x1x1664xi32, #tpu.memory_space<vmem>>
    %dma_start3A_169 = tpu.memref_squeeze %dma_start3A_168 : memref<1x1x1664xi32, #tpu.memory_space<vmem>> -> memref<1664xi32, #tpu.memory_space<vmem>>
    %dma_start3A_170 = tpu.memref_slice %arg2[%dma_start3A_156, %add3A_155] : memref<2x320000xi32, #tpu.memory_space<hbm>> -> memref<1x1664xi32, #tpu.memory_space<hbm>>
    %dma_start3A_171 = tpu.memref_squeeze %dma_start3A_170 : memref<1x1664xi32, #tpu.memory_space<hbm>> -> memref<1664xi32, #tpu.memory_space<hbm>>
    tpu.enqueue_dma source(%dma_start3A_171 : memref<1664xi32, #tpu.memory_space<hbm>>) target(%dma_start3A_169 : memref<1664xi32, #tpu.memory_space<vmem>>) target_semaphore(%dma_start3A_166 : memref<!tpu.dma_semaphore, #tpu.memory_space<semaphore_mem>>)
    %scan3A_172 = arith.constant 0 : i32
    %scan3A_173 = arith.constant 0 : i32
    %scan3A_174 = arith.constant 13 : i32
    %scan3A_175 = arith.addi %scan3A_173, %scan3A_174 : i32
    %scan3A_176 = arith.constant 1 : i32
    scf.for %scan3A_320 = %scan3A_173 to %scan3A_175 step %scan3A_176  : i32 {
      %add3A_321 = arith.constant 13 : i32
      %add3A_322 = arith.addi %add3A_321, %scan3A_320 : i32
      %lt3A_323 = arith.constant 12 : i32
      %lt3A_324 = arith.cmpi slt, %scan3A_320, %lt3A_323 : i32
      %convert_element_type3A_325 = arith.extui %lt3A_324 : i1 to i32
      %cond3A_326 = arith.constant 0 : i32
      %cond3A_327 = arith.cmpi ne, %convert_element_type3A_325, %cond3A_326 : i32
      scf.if %cond3A_327 {
        %add3A_394 = arith.constant 1 : i32
        %add3A_395 = arith.addi %scan3A_320, %add3A_394 : i32
        %add3A_396 = arith.constant 1 : i32
        %add3A_397 = arith.addi %add3A_322, %add3A_396 : i32
        %mul3A_398 = arith.constant 128 : i32
        %mul3A_399 = arith.muli %add3A_395, %mul3A_398 : i32
        %jit3A_400 = arith.constant 2 : i32
        %eq3A_401 = arith.constant 0 : i32
        %eq3A_402 = arith.cmpi eq, %jit3A_400, %eq3A_401 : i32
        %jit3A_403 = arith.constant 1 : i32
        %select_n3A_404 = arith.select %eq3A_402, %jit3A_403, %jit3A_400 : i32
        %rem3A_405 = arith.remsi %add3A_397, %select_n3A_404 : i32
        %ne3A_406 = arith.constant 0 : i32
        %ne3A_407 = arith.cmpi ne, %rem3A_405, %ne3A_406 : i32
        %lt3A_408 = arith.constant 0 : i32
        %lt3A_409 = arith.cmpi slt, %rem3A_405, %lt3A_408 : i32
        %lt3A_410 = arith.constant 0 : i32
        %lt3A_411 = arith.cmpi slt, %select_n3A_404, %lt3A_410 : i32
        %ne3A_412 = arith.xori %lt3A_409, %lt3A_411 : i1
        %and3A_413 = arith.andi %ne3A_412, %ne3A_407 : i1
        %add3A_414 = arith.addi %rem3A_405, %select_n3A_404 : i32
        %select_n3A_415 = arith.select %and3A_413, %add3A_414, %rem3A_405 : i32
        %jit3A_416 = arith.constant 2 : i32
        %eq3A_417 = arith.constant 0 : i32
        %eq3A_418 = arith.cmpi eq, %jit3A_416, %eq3A_417 : i32
        %jit3A_419 = arith.constant 1 : i32
        %select_n3A_420 = arith.select %eq3A_418, %jit3A_419, %jit3A_416 : i32
        %rem3A_421 = arith.remsi %add3A_397, %select_n3A_420 : i32
        %ne3A_422 = arith.constant 0 : i32
        %ne3A_423 = arith.cmpi ne, %rem3A_421, %ne3A_422 : i32
        %lt3A_424 = arith.constant 0 : i32
        %lt3A_425 = arith.cmpi slt, %rem3A_421, %lt3A_424 : i32
        %lt3A_426 = arith.constant 0 : i32
        %lt3A_427 = arith.cmpi slt, %select_n3A_420, %lt3A_426 : i32
        %ne3A_428 = arith.xori %lt3A_425, %lt3A_427 : i1
        %and3A_429 = arith.andi %ne3A_428, %ne3A_423 : i1
        %add3A_430 = arith.addi %rem3A_421, %select_n3A_420 : i32
        %select_n3A_431 = arith.select %and3A_429, %add3A_430, %rem3A_421 : i32
        %dma_start3A_432 = arith.constant 1 : i32
        %dma_start3A_433 = arith.constant 0 : i32
        %dma_start3A_434 = arith.constant 0 : i32
        %dma_start3A_435 = arith.constant 0 : i32
        %dma_start3A_436 = tpu.memref_slice %arg8[%select_n3A_415, %dma_start3A_434, %dma_start3A_435] : memref<2x128x136xf32, #tpu.memory_space<vmem>> -> memref<1x128x136xf32, #tpu.memory_space<vmem>>
        %dma_start3A_437 = tpu.memref_squeeze %dma_start3A_436 : memref<1x128x136xf32, #tpu.memory_space<vmem>> -> memref<128x136xf32, #tpu.memory_space<vmem>>
        %dma_start3A_438 = tpu.memref_slice %arg7[%dma_start3A_432, %dma_start3A_433, %mul3A_399] : memref<2x2x1664xi32, #tpu.memory_space<vmem>> -> memref<1x1x128xi32, #tpu.memory_space<vmem>>
        %dma_start3A_439 = tpu.memref_squeeze %dma_start3A_438 : memref<1x1x128xi32, #tpu.memory_space<vmem>> -> memref<128xi32, #tpu.memory_space<vmem>>
        %dma_start3A_440 = arith.constant 0 : i32
        %dma_start3A_441 = arith.constant 0 : i32
        %dma_start3A_442 = tpu.memref_slice %arg3[%dma_start3A_440, %dma_start3A_441] : memref<10000x136xf32, #tpu.memory_space<hbm>> -> memref<10000x136xf32, #tpu.memory_space<hbm>>
        %dma_start3A_443 = tpu.memref_slice %arg9[%select_n3A_431] : memref<2x!tpu.dma_semaphore, #tpu.memory_space<semaphore_mem>> -> memref<1x!tpu.dma_semaphore, #tpu.memory_space<semaphore_mem>>
        %dma_start3A_444 = tpu.memref_squeeze %dma_start3A_443 : memref<1x!tpu.dma_semaphore, #tpu.memory_space<semaphore_mem>> -> memref<!tpu.dma_semaphore, #tpu.memory_space<semaphore_mem>>
        tpu.enqueue_indirect_dma source(%dma_start3A_442 : memref<10000x136xf32, #tpu.memory_space<hbm>>) target(%dma_start3A_437 : memref<128x136xf32, #tpu.memory_space<vmem>>) offsets(%dma_start3A_439 : memref<128xi32, #tpu.memory_space<vmem>>) semaphore(%dma_start3A_444 : memref<!tpu.dma_semaphore, #tpu.memory_space<semaphore_mem>>)
      } else {
      }
      %eq3A_328 = arith.constant 12 : i32
      %eq3A_329 = arith.cmpi eq, %scan3A_320, %eq3A_328 : i32
      %convert_element_type3A_330 = arith.extui %eq3A_329 : i1 to i32
      %cond3A_331 = arith.constant 0 : i32
      %cond3A_332 = arith.cmpi ne, %convert_element_type3A_330, %cond3A_331 : i32
      scf.if %cond3A_332 {
        %add3A_394 = arith.constant 3328 : i32
        %add3A_395 = arith.addi %mul3A_6, %add3A_394 : i32
        %dma_wait3A_396 = arith.constant 0 : i32
        %dma_wait3A_397 = arith.constant 0 : i32
        %dma_wait3A_398 = arith.constant 0 : i32
        %dma_wait3A_399 = arith.constant 0 : i32
        %dma_wait3A_400 = arith.constant 0 : i32
        %dma_wait3A_401 = tpu.memref_slice %arg7[%dma_wait3A_397, %dma_wait3A_398, %dma_wait3A_400] : memref<2x2x1664xi32, #tpu.memory_space<vmem>> -> memref<1x1x1664xi32, #tpu.memory_space<vmem>>
        %dma_wait3A_402 = tpu.memref_squeeze %dma_wait3A_401 : memref<1x1x1664xi32, #tpu.memory_space<vmem>> -> memref<1664xi32, #tpu.memory_space<vmem>>
        %dma_wait3A_403 = tpu.memref_slice %arg2[%dma_wait3A_396, %add3A_395] : memref<2x320000xi32, #tpu.memory_space<hbm>> -> memref<1x1664xi32, #tpu.memory_space<hbm>>
        %dma_wait3A_404 = tpu.memref_squeeze %dma_wait3A_403 : memref<1x1664xi32, #tpu.memory_space<hbm>> -> memref<1664xi32, #tpu.memory_space<hbm>>
        %dma_wait3A_405 = tpu.memref_slice %arg10[%dma_wait3A_399] : memref<2x!tpu.dma_semaphore, #tpu.memory_space<semaphore_mem>> -> memref<1x!tpu.dma_semaphore, #tpu.memory_space<semaphore_mem>>
        %dma_wait3A_406 = tpu.memref_squeeze %dma_wait3A_405 : memref<1x!tpu.dma_semaphore, #tpu.memory_space<semaphore_mem>> -> memref<!tpu.dma_semaphore, #tpu.memory_space<semaphore_mem>>
        %dma_wait3A_407 = arith.constant 0 : i32
        %dma_wait3A_408 = tpu.memref_slice %arg7[%dma_wait3A_397, %dma_wait3A_398, %dma_wait3A_407] : memref<2x2x1664xi32, #tpu.memory_space<vmem>> -> memref<1x1x1664xi32, #tpu.memory_space<vmem>>
        %dma_wait3A_409 = tpu.memref_squeeze %dma_wait3A_408 : memref<1x1x1664xi32, #tpu.memory_space<vmem>> -> memref<1664xi32, #tpu.memory_space<vmem>>
        %dma_wait3A_410 = tpu.memref_slice %arg2[%dma_wait3A_396, %add3A_395] : memref<2x320000xi32, #tpu.memory_space<hbm>> -> memref<1x1664xi32, #tpu.memory_space<hbm>>
        %dma_wait3A_411 = tpu.memref_squeeze %dma_wait3A_410 : memref<1x1664xi32, #tpu.memory_space<hbm>> -> memref<1664xi32, #tpu.memory_space<hbm>>
        tpu.wait_dma2 semaphore(%dma_wait3A_406 : memref<!tpu.dma_semaphore, #tpu.memory_space<semaphore_mem>>) src(%dma_wait3A_411 : memref<1664xi32, #tpu.memory_space<hbm>>) dst(%dma_wait3A_409 : memref<1664xi32, #tpu.memory_space<vmem>>)
        %add3A_412 = arith.constant 3328 : i32
        %add3A_413 = arith.addi %mul3A_6, %add3A_412 : i32
        %dma_wait3A_414 = arith.constant 1 : i32
        %dma_wait3A_415 = arith.constant 0 : i32
        %dma_wait3A_416 = arith.constant 1 : i32
        %dma_wait3A_417 = arith.constant 0 : i32
        %dma_wait3A_418 = arith.constant 0 : i32
        %dma_wait3A_419 = tpu.memref_slice %arg7[%dma_wait3A_415, %dma_wait3A_416, %dma_wait3A_418] : memref<2x2x1664xi32, #tpu.memory_space<vmem>> -> memref<1x1x1664xi32, #tpu.memory_space<vmem>>
        %dma_wait3A_420 = tpu.memref_squeeze %dma_wait3A_419 : memref<1x1x1664xi32, #tpu.memory_space<vmem>> -> memref<1664xi32, #tpu.memory_space<vmem>>
        %dma_wait3A_421 = tpu.memref_slice %arg2[%dma_wait3A_414, %add3A_413] : memref<2x320000xi32, #tpu.memory_space<hbm>> -> memref<1x1664xi32, #tpu.memory_space<hbm>>
        %dma_wait3A_422 = tpu.memref_squeeze %dma_wait3A_421 : memref<1x1664xi32, #tpu.memory_space<hbm>> -> memref<1664xi32, #tpu.memory_space<hbm>>
        %dma_wait3A_423 = tpu.memref_slice %arg10[%dma_wait3A_417] : memref<2x!tpu.dma_semaphore, #tpu.memory_space<semaphore_mem>> -> memref<1x!tpu.dma_semaphore, #tpu.memory_space<semaphore_mem>>
        %dma_wait3A_424 = tpu.memref_squeeze %dma_wait3A_423 : memref<1x!tpu.dma_semaphore, #tpu.memory_space<semaphore_mem>> -> memref<!tpu.dma_semaphore, #tpu.memory_space<semaphore_mem>>
        %dma_wait3A_425 = arith.constant 0 : i32
        %dma_wait3A_426 = tpu.memref_slice %arg7[%dma_wait3A_415, %dma_wait3A_416, %dma_wait3A_425] : memref<2x2x1664xi32, #tpu.memory_space<vmem>> -> memref<1x1x1664xi32, #tpu.memory_space<vmem>>
        %dma_wait3A_427 = tpu.memref_squeeze %dma_wait3A_426 : memref<1x1x1664xi32, #tpu.memory_space<vmem>> -> memref<1664xi32, #tpu.memory_space<vmem>>
        %dma_wait3A_428 = tpu.memref_slice %arg2[%dma_wait3A_414, %add3A_413] : memref<2x320000xi32, #tpu.memory_space<hbm>> -> memref<1x1664xi32, #tpu.memory_space<hbm>>
        %dma_wait3A_429 = tpu.memref_squeeze %dma_wait3A_428 : memref<1x1664xi32, #tpu.memory_space<hbm>> -> memref<1664xi32, #tpu.memory_space<hbm>>
        tpu.wait_dma2 semaphore(%dma_wait3A_424 : memref<!tpu.dma_semaphore, #tpu.memory_space<semaphore_mem>>) src(%dma_wait3A_429 : memref<1664xi32, #tpu.memory_space<hbm>>) dst(%dma_wait3A_427 : memref<1664xi32, #tpu.memory_space<vmem>>)
        %add3A_430 = arith.constant 1 : i32
        %add3A_431 = arith.addi %add3A_322, %add3A_430 : i32
        %jit3A_432 = arith.constant 2 : i32
        %eq3A_433 = arith.constant 0 : i32
        %eq3A_434 = arith.cmpi eq, %jit3A_432, %eq3A_433 : i32
        %jit3A_435 = arith.constant 1 : i32
        %select_n3A_436 = arith.select %eq3A_434, %jit3A_435, %jit3A_432 : i32
        %rem3A_437 = arith.remsi %add3A_431, %select_n3A_436 : i32
        %ne3A_438 = arith.constant 0 : i32
        %ne3A_439 = arith.cmpi ne, %rem3A_437, %ne3A_438 : i32
        %lt3A_440 = arith.constant 0 : i32
        %lt3A_441 = arith.cmpi slt, %rem3A_437, %lt3A_440 : i32
        %lt3A_442 = arith.constant 0 : i32
        %lt3A_443 = arith.cmpi slt, %select_n3A_436, %lt3A_442 : i32
        %ne3A_444 = arith.xori %lt3A_441, %lt3A_443 : i1
        %and3A_445 = arith.andi %ne3A_444, %ne3A_439 : i1
        %add3A_446 = arith.addi %rem3A_437, %select_n3A_436 : i32
        %select_n3A_447 = arith.select %and3A_445, %add3A_446, %rem3A_437 : i32
        %jit3A_448 = arith.constant 2 : i32
        %eq3A_449 = arith.constant 0 : i32
        %eq3A_450 = arith.cmpi eq, %jit3A_448, %eq3A_449 : i32
        %jit3A_451 = arith.constant 1 : i32
        %select_n3A_452 = arith.select %eq3A_450, %jit3A_451, %jit3A_448 : i32
        %rem3A_453 = arith.remsi %add3A_431, %select_n3A_452 : i32
        %ne3A_454 = arith.constant 0 : i32
        %ne3A_455 = arith.cmpi ne, %rem3A_453, %ne3A_454 : i32
        %lt3A_456 = arith.constant 0 : i32
        %lt3A_457 = arith.cmpi slt, %rem3A_453, %lt3A_456 : i32
        %lt3A_458 = arith.constant 0 : i32
        %lt3A_459 = arith.cmpi slt, %select_n3A_452, %lt3A_458 : i32
        %ne3A_460 = arith.xori %lt3A_457, %lt3A_459 : i1
        %and3A_461 = arith.andi %ne3A_460, %ne3A_455 : i1
        %add3A_462 = arith.addi %rem3A_453, %select_n3A_452 : i32
        %select_n3A_463 = arith.select %and3A_461, %add3A_462, %rem3A_453 : i32
        %dma_start3A_464 = arith.constant 0 : i32
        %dma_start3A_465 = arith.constant 0 : i32
        %dma_start3A_466 = arith.constant 0 : i32
        %dma_start3A_467 = arith.constant 0 : i32
        %dma_start3A_468 = tpu.memref_slice %arg8[%select_n3A_447, %dma_start3A_466, %dma_start3A_467] : memref<2x128x136xf32, #tpu.memory_space<vmem>> -> memref<1x128x136xf32, #tpu.memory_space<vmem>>
        %dma_start3A_469 = tpu.memref_squeeze %dma_start3A_468 : memref<1x128x136xf32, #tpu.memory_space<vmem>> -> memref<128x136xf32, #tpu.memory_space<vmem>>
        %dma_start3A_470 = arith.constant 0 : i32
        %dma_start3A_471 = tpu.memref_slice %arg7[%dma_start3A_464, %dma_start3A_465, %dma_start3A_470] : memref<2x2x1664xi32, #tpu.memory_space<vmem>> -> memref<1x1x128xi32, #tpu.memory_space<vmem>>
        %dma_start3A_472 = tpu.memref_squeeze %dma_start3A_471 : memref<1x1x128xi32, #tpu.memory_space<vmem>> -> memref<128xi32, #tpu.memory_space<vmem>>
        %dma_start3A_473 = arith.constant 0 : i32
        %dma_start3A_474 = arith.constant 0 : i32
        %dma_start3A_475 = tpu.memref_slice %arg3[%dma_start3A_473, %dma_start3A_474] : memref<10000x136xf32, #tpu.memory_space<hbm>> -> memref<10000x136xf32, #tpu.memory_space<hbm>>
        %dma_start3A_476 = tpu.memref_slice %arg9[%select_n3A_463] : memref<2x!tpu.dma_semaphore, #tpu.memory_space<semaphore_mem>> -> memref<1x!tpu.dma_semaphore, #tpu.memory_space<semaphore_mem>>
        %dma_start3A_477 = tpu.memref_squeeze %dma_start3A_476 : memref<1x!tpu.dma_semaphore, #tpu.memory_space<semaphore_mem>> -> memref<!tpu.dma_semaphore, #tpu.memory_space<semaphore_mem>>
        tpu.enqueue_indirect_dma source(%dma_start3A_475 : memref<10000x136xf32, #tpu.memory_space<hbm>>) target(%dma_start3A_469 : memref<128x136xf32, #tpu.memory_space<vmem>>) offsets(%dma_start3A_472 : memref<128xi32, #tpu.memory_space<vmem>>) semaphore(%dma_start3A_477 : memref<!tpu.dma_semaphore, #tpu.memory_space<semaphore_mem>>)
      } else {
      }
      %mul3A_333 = arith.constant 128 : i32
      %mul3A_334 = arith.muli %scan3A_320, %mul3A_333 : i32
      %jit3A = arith.constant 2 : i32
      %eq3A_335 = arith.constant 0 : i32
      %eq3A_336 = arith.cmpi eq, %jit3A, %eq3A_335 : i32
      %jit3A_337 = arith.constant 1 : i32
      %select_n3A = arith.select %eq3A_336, %jit3A_337, %jit3A : i32
      %rem3A = arith.remsi %add3A_322, %select_n3A : i32
      %ne3A = arith.constant 0 : i32
      %ne3A_338 = arith.cmpi ne, %rem3A, %ne3A : i32
      %lt3A_339 = arith.constant 0 : i32
      %lt3A_340 = arith.cmpi slt, %rem3A, %lt3A_339 : i32
      %lt3A_341 = arith.constant 0 : i32
      %lt3A_342 = arith.cmpi slt, %select_n3A, %lt3A_341 : i32
      %ne3A_343 = arith.xori %lt3A_340, %lt3A_342 : i1
      %and3A = arith.andi %ne3A_343, %ne3A_338 : i1
      %add3A_344 = arith.addi %rem3A, %select_n3A : i32
      %select_n3A_345 = arith.select %and3A, %add3A_344, %rem3A : i32
      %jit3A_346 = arith.constant 2 : i32
      %eq3A_347 = arith.constant 0 : i32
      %eq3A_348 = arith.cmpi eq, %jit3A_346, %eq3A_347 : i32
      %jit3A_349 = arith.constant 1 : i32
      %select_n3A_350 = arith.select %eq3A_348, %jit3A_349, %jit3A_346 : i32
      %rem3A_351 = arith.remsi %add3A_322, %select_n3A_350 : i32
      %ne3A_352 = arith.constant 0 : i32
      %ne3A_353 = arith.cmpi ne, %rem3A_351, %ne3A_352 : i32
      %lt3A_354 = arith.constant 0 : i32
      %lt3A_355 = arith.cmpi slt, %rem3A_351, %lt3A_354 : i32
      %lt3A_356 = arith.constant 0 : i32
      %lt3A_357 = arith.cmpi slt, %select_n3A_350, %lt3A_356 : i32
      %ne3A_358 = arith.xori %lt3A_355, %lt3A_357 : i1
      %and3A_359 = arith.andi %ne3A_358, %ne3A_353 : i1
      %add3A_360 = arith.addi %rem3A_351, %select_n3A_350 : i32
      %select_n3A_361 = arith.select %and3A_359, %add3A_360, %rem3A_351 : i32
      %dma_wait3A_362 = arith.constant 1 : i32
      %dma_wait3A_363 = arith.constant 0 : i32
      %dma_wait3A_364 = arith.constant 0 : i32
      %dma_wait3A_365 = arith.constant 0 : i32
      %dma_wait3A_366 = tpu.memref_slice %arg8[%select_n3A_345, %dma_wait3A_364, %dma_wait3A_365] : memref<2x128x136xf32, #tpu.memory_space<vmem>> -> memref<1x128x136xf32, #tpu.memory_space<vmem>>
      %dma_wait3A_367 = tpu.memref_squeeze %dma_wait3A_366 : memref<1x128x136xf32, #tpu.memory_space<vmem>> -> memref<128x136xf32, #tpu.memory_space<vmem>>
      %dma_wait3A_368 = tpu.memref_slice %arg7[%dma_wait3A_362, %dma_wait3A_363, %mul3A_334] : memref<2x2x1664xi32, #tpu.memory_space<vmem>> -> memref<1x1x128xi32, #tpu.memory_space<vmem>>
      %dma_wait3A_369 = tpu.memref_squeeze %dma_wait3A_368 : memref<1x1x128xi32, #tpu.memory_space<vmem>> -> memref<128xi32, #tpu.memory_space<vmem>>
      %dma_wait3A_370 = arith.constant 0 : i32
      %dma_wait3A_371 = arith.constant 0 : i32
      %dma_wait3A_372 = tpu.memref_slice %arg3[%dma_wait3A_370, %dma_wait3A_371] : memref<10000x136xf32, #tpu.memory_space<hbm>> -> memref<10000x136xf32, #tpu.memory_space<hbm>>
      %dma_wait3A_373 = tpu.memref_slice %arg9[%select_n3A_361] : memref<2x!tpu.dma_semaphore, #tpu.memory_space<semaphore_mem>> -> memref<1x!tpu.dma_semaphore, #tpu.memory_space<semaphore_mem>>
      %dma_wait3A_374 = tpu.memref_squeeze %dma_wait3A_373 : memref<1x!tpu.dma_semaphore, #tpu.memory_space<semaphore_mem>> -> memref<!tpu.dma_semaphore, #tpu.memory_space<semaphore_mem>>
      tpu.wait_indirect_dma semaphore(%dma_wait3A_374 : memref<!tpu.dma_semaphore, #tpu.memory_space<semaphore_mem>>) src(%dma_wait3A_372 : memref<10000x136xf32, #tpu.memory_space<hbm>>) dst(%dma_wait3A_367 : memref<128x136xf32, #tpu.memory_space<vmem>>)
      %jit3A_375 = arith.constant 2 : i32
      %eq3A_376 = arith.constant 0 : i32
      %eq3A_377 = arith.cmpi eq, %jit3A_375, %eq3A_376 : i32
      %jit3A_378 = arith.constant 1 : i32
      %select_n3A_379 = arith.select %eq3A_377, %jit3A_378, %jit3A_375 : i32
      %rem3A_380 = arith.remsi %add3A_322, %select_n3A_379 : i32
      %ne3A_381 = arith.constant 0 : i32
      %ne3A_382 = arith.cmpi ne, %rem3A_380, %ne3A_381 : i32
      %lt3A_383 = arith.constant 0 : i32
      %lt3A_384 = arith.cmpi slt, %rem3A_380, %lt3A_383 : i32
      %lt3A_385 = arith.constant 0 : i32
      %lt3A_386 = arith.cmpi slt, %select_n3A_379, %lt3A_385 : i32
      %ne3A_387 = arith.xori %lt3A_384, %lt3A_386 : i1
      %and3A_388 = arith.andi %ne3A_387, %ne3A_382 : i1
      %add3A_389 = arith.addi %rem3A_380, %select_n3A_379 : i32
      %select_n3A_390 = arith.select %and3A_388, %add3A_389, %rem3A_380 : i32
      %mul3A_391 = arith.constant 128 : i32
      %mul3A_392 = arith.muli %scan3A_320, %mul3A_391 : i32
      %run_scoped3A = arith.constant 1 : i32
      %run_scoped3A_393 = arith.constant 1 : i32
      "tpu.region"() ({
        %run_scoped3A_394 = tpu.sem_alloc : memref<!tpu.dma_semaphore, #tpu.memory_space<semaphore_mem>>
        %dma_start3A_395 = arith.constant 0 : i32
        %dma_start3A_396 = arith.constant 0 : i32
        %dma_start3A_397 = tpu.memref_slice %arg8[%select_n3A_390, %dma_start3A_395, %dma_start3A_396] : memref<2x128x136xf32, #tpu.memory_space<vmem>> -> memref<1x128x136xf32, #tpu.memory_space<vmem>>
        %dma_start3A_398 = tpu.memref_squeeze %dma_start3A_397 : memref<1x128x136xf32, #tpu.memory_space<vmem>> -> memref<128x136xf32, #tpu.memory_space<vmem>>
        %dma_start3A_399 = tpu.memref_slice %arg7[%run_scoped3A, %run_scoped3A_393, %mul3A_392] : memref<2x2x1664xi32, #tpu.memory_space<vmem>> -> memref<1x1x128xi32, #tpu.memory_space<vmem>>
        %dma_start3A_400 = tpu.memref_squeeze %dma_start3A_399 : memref<1x1x128xi32, #tpu.memory_space<vmem>> -> memref<128xi32, #tpu.memory_space<vmem>>
        %dma_start3A_401 = arith.constant 0 : i32
        %dma_start3A_402 = arith.constant 0 : i32
        %dma_start3A_403 = tpu.memref_slice %arg11[%dma_start3A_401, %dma_start3A_402] : memref<10000x136xf32, #tpu.memory_space<vmem_shared>> -> memref<10000x136xf32, #tpu.memory_space<vmem_shared>>
        tpu.enqueue_indirect_dma source(%dma_start3A_398 : memref<128x136xf32, #tpu.memory_space<vmem>>) target(%dma_start3A_403 : memref<10000x136xf32, #tpu.memory_space<vmem_shared>>) offsets(%dma_start3A_400 : memref<128xi32, #tpu.memory_space<vmem>>) semaphore(%run_scoped3A_394 : memref<!tpu.dma_semaphore, #tpu.memory_space<semaphore_mem>>) {add = true}
        %dma_wait3A_404 = arith.constant 0 : i32
        %dma_wait3A_405 = arith.constant 0 : i32
        %dma_wait3A_406 = tpu.memref_slice %arg8[%select_n3A_390, %dma_wait3A_404, %dma_wait3A_405] : memref<2x128x136xf32, #tpu.memory_space<vmem>> -> memref<1x128x136xf32, #tpu.memory_space<vmem>>
        %dma_wait3A_407 = tpu.memref_squeeze %dma_wait3A_406 : memref<1x128x136xf32, #tpu.memory_space<vmem>> -> memref<128x136xf32, #tpu.memory_space<vmem>>
        %dma_wait3A_408 = tpu.memref_slice %arg7[%run_scoped3A, %run_scoped3A_393, %mul3A_392] : memref<2x2x1664xi32, #tpu.memory_space<vmem>> -> memref<1x1x128xi32, #tpu.memory_space<vmem>>
        %dma_wait3A_409 = tpu.memref_squeeze %dma_wait3A_408 : memref<1x1x128xi32, #tpu.memory_space<vmem>> -> memref<128xi32, #tpu.memory_space<vmem>>
        %dma_wait3A_410 = arith.constant 0 : i32
        %dma_wait3A_411 = arith.constant 0 : i32
        %dma_wait3A_412 = tpu.memref_slice %arg11[%dma_wait3A_410, %dma_wait3A_411] : memref<10000x136xf32, #tpu.memory_space<vmem_shared>> -> memref<10000x136xf32, #tpu.memory_space<vmem_shared>>
        tpu.wait_indirect_dma semaphore(%run_scoped3A_394 : memref<!tpu.dma_semaphore, #tpu.memory_space<semaphore_mem>>) src(%dma_wait3A_407 : memref<128x136xf32, #tpu.memory_space<vmem>>) dst(%dma_wait3A_412 : memref<10000x136xf32, #tpu.memory_space<vmem_shared>>)
        tpu.yield
      }) : () -> ()
    }
    %scan3A_177 = arith.constant 13 : i32
    %add3A_178 = arith.constant 4992 : i32
    %add3A_179 = arith.addi %mul3A_6, %add3A_178 : i32
    %dma_start3A_180 = arith.constant 0 : i32
    %dma_start3A_181 = arith.constant 1 : i32
    %dma_start3A_182 = arith.constant 0 : i32
    %dma_start3A_183 = arith.constant 1 : i32
    %dma_start3A_184 = arith.constant 0 : i32
    %dma_start3A_185 = tpu.memref_slice %arg7[%dma_start3A_181, %dma_start3A_182, %dma_start3A_184] : memref<2x2x1664xi32, #tpu.memory_space<vmem>> -> memref<1x1x1664xi32, #tpu.memory_space<vmem>>
    %dma_start3A_186 = tpu.memref_squeeze %dma_start3A_185 : memref<1x1x1664xi32, #tpu.memory_space<vmem>> -> memref<1664xi32, #tpu.memory_space<vmem>>
    %dma_start3A_187 = tpu.memref_slice %arg2[%dma_start3A_180, %add3A_179] : memref<2x320000xi32, #tpu.memory_space<hbm>> -> memref<1x1664xi32, #tpu.memory_space<hbm>>
    %dma_start3A_188 = tpu.memref_squeeze %dma_start3A_187 : memref<1x1664xi32, #tpu.memory_space<hbm>> -> memref<1664xi32, #tpu.memory_space<hbm>>
    %dma_start3A_189 = tpu.memref_slice %arg10[%dma_start3A_183] : memref<2x!tpu.dma_semaphore, #tpu.memory_space<semaphore_mem>> -> memref<1x!tpu.dma_semaphore, #tpu.memory_space<semaphore_mem>>
    %dma_start3A_190 = tpu.memref_squeeze %dma_start3A_189 : memref<1x!tpu.dma_semaphore, #tpu.memory_space<semaphore_mem>> -> memref<!tpu.dma_semaphore, #tpu.memory_space<semaphore_mem>>
    %dma_start3A_191 = arith.constant 0 : i32
    %dma_start3A_192 = tpu.memref_slice %arg7[%dma_start3A_181, %dma_start3A_182, %dma_start3A_191] : memref<2x2x1664xi32, #tpu.memory_space<vmem>> -> memref<1x1x1664xi32, #tpu.memory_space<vmem>>
    %dma_start3A_193 = tpu.memref_squeeze %dma_start3A_192 : memref<1x1x1664xi32, #tpu.memory_space<vmem>> -> memref<1664xi32, #tpu.memory_space<vmem>>
    %dma_start3A_194 = tpu.memref_slice %arg2[%dma_start3A_180, %add3A_179] : memref<2x320000xi32, #tpu.memory_space<hbm>> -> memref<1x1664xi32, #tpu.memory_space<hbm>>
    %dma_start3A_195 = tpu.memref_squeeze %dma_start3A_194 : memref<1x1664xi32, #tpu.memory_space<hbm>> -> memref<1664xi32, #tpu.memory_space<hbm>>
    tpu.enqueue_dma source(%dma_start3A_195 : memref<1664xi32, #tpu.memory_space<hbm>>) target(%dma_start3A_193 : memref<1664xi32, #tpu.memory_space<vmem>>) target_semaphore(%dma_start3A_190 : memref<!tpu.dma_semaphore, #tpu.memory_space<semaphore_mem>>)
    %add3A_196 = arith.constant 4992 : i32
    %add3A_197 = arith.addi %mul3A_6, %add3A_196 : i32
    %dma_start3A_198 = arith.constant 1 : i32
    %dma_start3A_199 = arith.constant 1 : i32
    %dma_start3A_200 = arith.constant 1 : i32
    %dma_start3A_201 = arith.constant 1 : i32
    %dma_start3A_202 = arith.constant 0 : i32
    %dma_start3A_203 = tpu.memref_slice %arg7[%dma_start3A_199, %dma_start3A_200, %dma_start3A_202] : memref<2x2x1664xi32, #tpu.memory_space<vmem>> -> memref<1x1x1664xi32, #tpu.memory_space<vmem>>
    %dma_start3A_204 = tpu.memref_squeeze %dma_start3A_203 : memref<1x1x1664xi32, #tpu.memory_space<vmem>> -> memref<1664xi32, #tpu.memory_space<vmem>>
    %dma_start3A_205 = tpu.memref_slice %arg2[%dma_start3A_198, %add3A_197] : memref<2x320000xi32, #tpu.memory_space<hbm>> -> memref<1x1664xi32, #tpu.memory_space<hbm>>
    %dma_start3A_206 = tpu.memref_squeeze %dma_start3A_205 : memref<1x1664xi32, #tpu.memory_space<hbm>> -> memref<1664xi32, #tpu.memory_space<hbm>>
    %dma_start3A_207 = tpu.memref_slice %arg10[%dma_start3A_201] : memref<2x!tpu.dma_semaphore, #tpu.memory_space<semaphore_mem>> -> memref<1x!tpu.dma_semaphore, #tpu.memory_space<semaphore_mem>>
    %dma_start3A_208 = tpu.memref_squeeze %dma_start3A_207 : memref<1x!tpu.dma_semaphore, #tpu.memory_space<semaphore_mem>> -> memref<!tpu.dma_semaphore, #tpu.memory_space<semaphore_mem>>
    %dma_start3A_209 = arith.constant 0 : i32
    %dma_start3A_210 = tpu.memref_slice %arg7[%dma_start3A_199, %dma_start3A_200, %dma_start3A_209] : memref<2x2x1664xi32, #tpu.memory_space<vmem>> -> memref<1x1x1664xi32, #tpu.memory_space<vmem>>
    %dma_start3A_211 = tpu.memref_squeeze %dma_start3A_210 : memref<1x1x1664xi32, #tpu.memory_space<vmem>> -> memref<1664xi32, #tpu.memory_space<vmem>>
    %dma_start3A_212 = tpu.memref_slice %arg2[%dma_start3A_198, %add3A_197] : memref<2x320000xi32, #tpu.memory_space<hbm>> -> memref<1x1664xi32, #tpu.memory_space<hbm>>
    %dma_start3A_213 = tpu.memref_squeeze %dma_start3A_212 : memref<1x1664xi32, #tpu.memory_space<hbm>> -> memref<1664xi32, #tpu.memory_space<hbm>>
    tpu.enqueue_dma source(%dma_start3A_213 : memref<1664xi32, #tpu.memory_space<hbm>>) target(%dma_start3A_211 : memref<1664xi32, #tpu.memory_space<vmem>>) target_semaphore(%dma_start3A_208 : memref<!tpu.dma_semaphore, #tpu.memory_space<semaphore_mem>>)
    %scan3A_214 = arith.constant 0 : i32
    %scan3A_215 = arith.constant 0 : i32
    %scan3A_216 = arith.constant 13 : i32
    %scan3A_217 = arith.addi %scan3A_215, %scan3A_216 : i32
    %scan3A_218 = arith.constant 1 : i32
    scf.for %scan3A_320 = %scan3A_215 to %scan3A_217 step %scan3A_218  : i32 {
      %add3A_321 = arith.constant 26 : i32
      %add3A_322 = arith.addi %add3A_321, %scan3A_320 : i32
      %lt3A_323 = arith.constant 12 : i32
      %lt3A_324 = arith.cmpi slt, %scan3A_320, %lt3A_323 : i32
      %convert_element_type3A_325 = arith.extui %lt3A_324 : i1 to i32
      %cond3A_326 = arith.constant 0 : i32
      %cond3A_327 = arith.cmpi ne, %convert_element_type3A_325, %cond3A_326 : i32
      scf.if %cond3A_327 {
        %add3A_394 = arith.constant 1 : i32
        %add3A_395 = arith.addi %scan3A_320, %add3A_394 : i32
        %add3A_396 = arith.constant 1 : i32
        %add3A_397 = arith.addi %add3A_322, %add3A_396 : i32
        %mul3A_398 = arith.constant 128 : i32
        %mul3A_399 = arith.muli %add3A_395, %mul3A_398 : i32
        %jit3A_400 = arith.constant 2 : i32
        %eq3A_401 = arith.constant 0 : i32
        %eq3A_402 = arith.cmpi eq, %jit3A_400, %eq3A_401 : i32
        %jit3A_403 = arith.constant 1 : i32
        %select_n3A_404 = arith.select %eq3A_402, %jit3A_403, %jit3A_400 : i32
        %rem3A_405 = arith.remsi %add3A_397, %select_n3A_404 : i32
        %ne3A_406 = arith.constant 0 : i32
        %ne3A_407 = arith.cmpi ne, %rem3A_405, %ne3A_406 : i32
        %lt3A_408 = arith.constant 0 : i32
        %lt3A_409 = arith.cmpi slt, %rem3A_405, %lt3A_408 : i32
        %lt3A_410 = arith.constant 0 : i32
        %lt3A_411 = arith.cmpi slt, %select_n3A_404, %lt3A_410 : i32
        %ne3A_412 = arith.xori %lt3A_409, %lt3A_411 : i1
        %and3A_413 = arith.andi %ne3A_412, %ne3A_407 : i1
        %add3A_414 = arith.addi %rem3A_405, %select_n3A_404 : i32
        %select_n3A_415 = arith.select %and3A_413, %add3A_414, %rem3A_405 : i32
        %jit3A_416 = arith.constant 2 : i32
        %eq3A_417 = arith.constant 0 : i32
        %eq3A_418 = arith.cmpi eq, %jit3A_416, %eq3A_417 : i32
        %jit3A_419 = arith.constant 1 : i32
        %select_n3A_420 = arith.select %eq3A_418, %jit3A_419, %jit3A_416 : i32
        %rem3A_421 = arith.remsi %add3A_397, %select_n3A_420 : i32
        %ne3A_422 = arith.constant 0 : i32
        %ne3A_423 = arith.cmpi ne, %rem3A_421, %ne3A_422 : i32
        %lt3A_424 = arith.constant 0 : i32
        %lt3A_425 = arith.cmpi slt, %rem3A_421, %lt3A_424 : i32
        %lt3A_426 = arith.constant 0 : i32
        %lt3A_427 = arith.cmpi slt, %select_n3A_420, %lt3A_426 : i32
        %ne3A_428 = arith.xori %lt3A_425, %lt3A_427 : i1
        %and3A_429 = arith.andi %ne3A_428, %ne3A_423 : i1
        %add3A_430 = arith.addi %rem3A_421, %select_n3A_420 : i32
        %select_n3A_431 = arith.select %and3A_429, %add3A_430, %rem3A_421 : i32
        %dma_start3A_432 = arith.constant 0 : i32
        %dma_start3A_433 = arith.constant 0 : i32
        %dma_start3A_434 = arith.constant 0 : i32
        %dma_start3A_435 = arith.constant 0 : i32
        %dma_start3A_436 = tpu.memref_slice %arg8[%select_n3A_415, %dma_start3A_434, %dma_start3A_435] : memref<2x128x136xf32, #tpu.memory_space<vmem>> -> memref<1x128x136xf32, #tpu.memory_space<vmem>>
        %dma_start3A_437 = tpu.memref_squeeze %dma_start3A_436 : memref<1x128x136xf32, #tpu.memory_space<vmem>> -> memref<128x136xf32, #tpu.memory_space<vmem>>
        %dma_start3A_438 = tpu.memref_slice %arg7[%dma_start3A_432, %dma_start3A_433, %mul3A_399] : memref<2x2x1664xi32, #tpu.memory_space<vmem>> -> memref<1x1x128xi32, #tpu.memory_space<vmem>>
        %dma_start3A_439 = tpu.memref_squeeze %dma_start3A_438 : memref<1x1x128xi32, #tpu.memory_space<vmem>> -> memref<128xi32, #tpu.memory_space<vmem>>
        %dma_start3A_440 = arith.constant 0 : i32
        %dma_start3A_441 = arith.constant 0 : i32
        %dma_start3A_442 = tpu.memref_slice %arg3[%dma_start3A_440, %dma_start3A_441] : memref<10000x136xf32, #tpu.memory_space<hbm>> -> memref<10000x136xf32, #tpu.memory_space<hbm>>
        %dma_start3A_443 = tpu.memref_slice %arg9[%select_n3A_431] : memref<2x!tpu.dma_semaphore, #tpu.memory_space<semaphore_mem>> -> memref<1x!tpu.dma_semaphore, #tpu.memory_space<semaphore_mem>>
        %dma_start3A_444 = tpu.memref_squeeze %dma_start3A_443 : memref<1x!tpu.dma_semaphore, #tpu.memory_space<semaphore_mem>> -> memref<!tpu.dma_semaphore, #tpu.memory_space<semaphore_mem>>
        tpu.enqueue_indirect_dma source(%dma_start3A_442 : memref<10000x136xf32, #tpu.memory_space<hbm>>) target(%dma_start3A_437 : memref<128x136xf32, #tpu.memory_space<vmem>>) offsets(%dma_start3A_439 : memref<128xi32, #tpu.memory_space<vmem>>) semaphore(%dma_start3A_444 : memref<!tpu.dma_semaphore, #tpu.memory_space<semaphore_mem>>)
      } else {
      }
      %eq3A_328 = arith.constant 12 : i32
      %eq3A_329 = arith.cmpi eq, %scan3A_320, %eq3A_328 : i32
      %convert_element_type3A_330 = arith.extui %eq3A_329 : i1 to i32
      %cond3A_331 = arith.constant 0 : i32
      %cond3A_332 = arith.cmpi ne, %convert_element_type3A_330, %cond3A_331 : i32
      scf.if %cond3A_332 {
        %add3A_394 = arith.constant 4992 : i32
        %add3A_395 = arith.addi %mul3A_6, %add3A_394 : i32
        %dma_wait3A_396 = arith.constant 0 : i32
        %dma_wait3A_397 = arith.constant 1 : i32
        %dma_wait3A_398 = arith.constant 0 : i32
        %dma_wait3A_399 = arith.constant 1 : i32
        %dma_wait3A_400 = arith.constant 0 : i32
        %dma_wait3A_401 = tpu.memref_slice %arg7[%dma_wait3A_397, %dma_wait3A_398, %dma_wait3A_400] : memref<2x2x1664xi32, #tpu.memory_space<vmem>> -> memref<1x1x1664xi32, #tpu.memory_space<vmem>>
        %dma_wait3A_402 = tpu.memref_squeeze %dma_wait3A_401 : memref<1x1x1664xi32, #tpu.memory_space<vmem>> -> memref<1664xi32, #tpu.memory_space<vmem>>
        %dma_wait3A_403 = tpu.memref_slice %arg2[%dma_wait3A_396, %add3A_395] : memref<2x320000xi32, #tpu.memory_space<hbm>> -> memref<1x1664xi32, #tpu.memory_space<hbm>>
        %dma_wait3A_404 = tpu.memref_squeeze %dma_wait3A_403 : memref<1x1664xi32, #tpu.memory_space<hbm>> -> memref<1664xi32, #tpu.memory_space<hbm>>
        %dma_wait3A_405 = tpu.memref_slice %arg10[%dma_wait3A_399] : memref<2x!tpu.dma_semaphore, #tpu.memory_space<semaphore_mem>> -> memref<1x!tpu.dma_semaphore, #tpu.memory_space<semaphore_mem>>
        %dma_wait3A_406 = tpu.memref_squeeze %dma_wait3A_405 : memref<1x!tpu.dma_semaphore, #tpu.memory_space<semaphore_mem>> -> memref<!tpu.dma_semaphore, #tpu.memory_space<semaphore_mem>>
        %dma_wait3A_407 = arith.constant 0 : i32
        %dma_wait3A_408 = tpu.memref_slice %arg7[%dma_wait3A_397, %dma_wait3A_398, %dma_wait3A_407] : memref<2x2x1664xi32, #tpu.memory_space<vmem>> -> memref<1x1x1664xi32, #tpu.memory_space<vmem>>
        %dma_wait3A_409 = tpu.memref_squeeze %dma_wait3A_408 : memref<1x1x1664xi32, #tpu.memory_space<vmem>> -> memref<1664xi32, #tpu.memory_space<vmem>>
        %dma_wait3A_410 = tpu.memref_slice %arg2[%dma_wait3A_396, %add3A_395] : memref<2x320000xi32, #tpu.memory_space<hbm>> -> memref<1x1664xi32, #tpu.memory_space<hbm>>
        %dma_wait3A_411 = tpu.memref_squeeze %dma_wait3A_410 : memref<1x1664xi32, #tpu.memory_space<hbm>> -> memref<1664xi32, #tpu.memory_space<hbm>>
        tpu.wait_dma2 semaphore(%dma_wait3A_406 : memref<!tpu.dma_semaphore, #tpu.memory_space<semaphore_mem>>) src(%dma_wait3A_411 : memref<1664xi32, #tpu.memory_space<hbm>>) dst(%dma_wait3A_409 : memref<1664xi32, #tpu.memory_space<vmem>>)
        %add3A_412 = arith.constant 4992 : i32
        %add3A_413 = arith.addi %mul3A_6, %add3A_412 : i32
        %dma_wait3A_414 = arith.constant 1 : i32
        %dma_wait3A_415 = arith.constant 1 : i32
        %dma_wait3A_416 = arith.constant 1 : i32
        %dma_wait3A_417 = arith.constant 1 : i32
        %dma_wait3A_418 = arith.constant 0 : i32
        %dma_wait3A_419 = tpu.memref_slice %arg7[%dma_wait3A_415, %dma_wait3A_416, %dma_wait3A_418] : memref<2x2x1664xi32, #tpu.memory_space<vmem>> -> memref<1x1x1664xi32, #tpu.memory_space<vmem>>
        %dma_wait3A_420 = tpu.memref_squeeze %dma_wait3A_419 : memref<1x1x1664xi32, #tpu.memory_space<vmem>> -> memref<1664xi32, #tpu.memory_space<vmem>>
        %dma_wait3A_421 = tpu.memref_slice %arg2[%dma_wait3A_414, %add3A_413] : memref<2x320000xi32, #tpu.memory_space<hbm>> -> memref<1x1664xi32, #tpu.memory_space<hbm>>
        %dma_wait3A_422 = tpu.memref_squeeze %dma_wait3A_421 : memref<1x1664xi32, #tpu.memory_space<hbm>> -> memref<1664xi32, #tpu.memory_space<hbm>>
        %dma_wait3A_423 = tpu.memref_slice %arg10[%dma_wait3A_417] : memref<2x!tpu.dma_semaphore, #tpu.memory_space<semaphore_mem>> -> memref<1x!tpu.dma_semaphore, #tpu.memory_space<semaphore_mem>>
        %dma_wait3A_424 = tpu.memref_squeeze %dma_wait3A_423 : memref<1x!tpu.dma_semaphore, #tpu.memory_space<semaphore_mem>> -> memref<!tpu.dma_semaphore, #tpu.memory_space<semaphore_mem>>
        %dma_wait3A_425 = arith.constant 0 : i32
        %dma_wait3A_426 = tpu.memref_slice %arg7[%dma_wait3A_415, %dma_wait3A_416, %dma_wait3A_425] : memref<2x2x1664xi32, #tpu.memory_space<vmem>> -> memref<1x1x1664xi32, #tpu.memory_space<vmem>>
        %dma_wait3A_427 = tpu.memref_squeeze %dma_wait3A_426 : memref<1x1x1664xi32, #tpu.memory_space<vmem>> -> memref<1664xi32, #tpu.memory_space<vmem>>
        %dma_wait3A_428 = tpu.memref_slice %arg2[%dma_wait3A_414, %add3A_413] : memref<2x320000xi32, #tpu.memory_space<hbm>> -> memref<1x1664xi32, #tpu.memory_space<hbm>>
        %dma_wait3A_429 = tpu.memref_squeeze %dma_wait3A_428 : memref<1x1664xi32, #tpu.memory_space<hbm>> -> memref<1664xi32, #tpu.memory_space<hbm>>
        tpu.wait_dma2 semaphore(%dma_wait3A_424 : memref<!tpu.dma_semaphore, #tpu.memory_space<semaphore_mem>>) src(%dma_wait3A_429 : memref<1664xi32, #tpu.memory_space<hbm>>) dst(%dma_wait3A_427 : memref<1664xi32, #tpu.memory_space<vmem>>)
        %add3A_430 = arith.constant 1 : i32
        %add3A_431 = arith.addi %add3A_322, %add3A_430 : i32
        %jit3A_432 = arith.constant 2 : i32
        %eq3A_433 = arith.constant 0 : i32
        %eq3A_434 = arith.cmpi eq, %jit3A_432, %eq3A_433 : i32
        %jit3A_435 = arith.constant 1 : i32
        %select_n3A_436 = arith.select %eq3A_434, %jit3A_435, %jit3A_432 : i32
        %rem3A_437 = arith.remsi %add3A_431, %select_n3A_436 : i32
        %ne3A_438 = arith.constant 0 : i32
        %ne3A_439 = arith.cmpi ne, %rem3A_437, %ne3A_438 : i32
        %lt3A_440 = arith.constant 0 : i32
        %lt3A_441 = arith.cmpi slt, %rem3A_437, %lt3A_440 : i32
        %lt3A_442 = arith.constant 0 : i32
        %lt3A_443 = arith.cmpi slt, %select_n3A_436, %lt3A_442 : i32
        %ne3A_444 = arith.xori %lt3A_441, %lt3A_443 : i1
        %and3A_445 = arith.andi %ne3A_444, %ne3A_439 : i1
        %add3A_446 = arith.addi %rem3A_437, %select_n3A_436 : i32
        %select_n3A_447 = arith.select %and3A_445, %add3A_446, %rem3A_437 : i32
        %jit3A_448 = arith.constant 2 : i32
        %eq3A_449 = arith.constant 0 : i32
        %eq3A_450 = arith.cmpi eq, %jit3A_448, %eq3A_449 : i32
        %jit3A_451 = arith.constant 1 : i32
        %select_n3A_452 = arith.select %eq3A_450, %jit3A_451, %jit3A_448 : i32
        %rem3A_453 = arith.remsi %add3A_431, %select_n3A_452 : i32
        %ne3A_454 = arith.constant 0 : i32
        %ne3A_455 = arith.cmpi ne, %rem3A_453, %ne3A_454 : i32
        %lt3A_456 = arith.constant 0 : i32
        %lt3A_457 = arith.cmpi slt, %rem3A_453, %lt3A_456 : i32
        %lt3A_458 = arith.constant 0 : i32
        %lt3A_459 = arith.cmpi slt, %select_n3A_452, %lt3A_458 : i32
        %ne3A_460 = arith.xori %lt3A_457, %lt3A_459 : i1
        %and3A_461 = arith.andi %ne3A_460, %ne3A_455 : i1
        %add3A_462 = arith.addi %rem3A_453, %select_n3A_452 : i32
        %select_n3A_463 = arith.select %and3A_461, %add3A_462, %rem3A_453 : i32
        %dma_start3A_464 = arith.constant 1 : i32
        %dma_start3A_465 = arith.constant 0 : i32
        %dma_start3A_466 = arith.constant 0 : i32
        %dma_start3A_467 = arith.constant 0 : i32
        %dma_start3A_468 = tpu.memref_slice %arg8[%select_n3A_447, %dma_start3A_466, %dma_start3A_467] : memref<2x128x136xf32, #tpu.memory_space<vmem>> -> memref<1x128x136xf32, #tpu.memory_space<vmem>>
        %dma_start3A_469 = tpu.memref_squeeze %dma_start3A_468 : memref<1x128x136xf32, #tpu.memory_space<vmem>> -> memref<128x136xf32, #tpu.memory_space<vmem>>
        %dma_start3A_470 = arith.constant 0 : i32
        %dma_start3A_471 = tpu.memref_slice %arg7[%dma_start3A_464, %dma_start3A_465, %dma_start3A_470] : memref<2x2x1664xi32, #tpu.memory_space<vmem>> -> memref<1x1x128xi32, #tpu.memory_space<vmem>>
        %dma_start3A_472 = tpu.memref_squeeze %dma_start3A_471 : memref<1x1x128xi32, #tpu.memory_space<vmem>> -> memref<128xi32, #tpu.memory_space<vmem>>
        %dma_start3A_473 = arith.constant 0 : i32
        %dma_start3A_474 = arith.constant 0 : i32
        %dma_start3A_475 = tpu.memref_slice %arg3[%dma_start3A_473, %dma_start3A_474] : memref<10000x136xf32, #tpu.memory_space<hbm>> -> memref<10000x136xf32, #tpu.memory_space<hbm>>
        %dma_start3A_476 = tpu.memref_slice %arg9[%select_n3A_463] : memref<2x!tpu.dma_semaphore, #tpu.memory_space<semaphore_mem>> -> memref<1x!tpu.dma_semaphore, #tpu.memory_space<semaphore_mem>>
        %dma_start3A_477 = tpu.memref_squeeze %dma_start3A_476 : memref<1x!tpu.dma_semaphore, #tpu.memory_space<semaphore_mem>> -> memref<!tpu.dma_semaphore, #tpu.memory_space<semaphore_mem>>
        tpu.enqueue_indirect_dma source(%dma_start3A_475 : memref<10000x136xf32, #tpu.memory_space<hbm>>) target(%dma_start3A_469 : memref<128x136xf32, #tpu.memory_space<vmem>>) offsets(%dma_start3A_472 : memref<128xi32, #tpu.memory_space<vmem>>) semaphore(%dma_start3A_477 : memref<!tpu.dma_semaphore, #tpu.memory_space<semaphore_mem>>)
      } else {
      }
      %mul3A_333 = arith.constant 128 : i32
      %mul3A_334 = arith.muli %scan3A_320, %mul3A_333 : i32
      %jit3A = arith.constant 2 : i32
      %eq3A_335 = arith.constant 0 : i32
      %eq3A_336 = arith.cmpi eq, %jit3A, %eq3A_335 : i32
      %jit3A_337 = arith.constant 1 : i32
      %select_n3A = arith.select %eq3A_336, %jit3A_337, %jit3A : i32
      %rem3A = arith.remsi %add3A_322, %select_n3A : i32
      %ne3A = arith.constant 0 : i32
      %ne3A_338 = arith.cmpi ne, %rem3A, %ne3A : i32
      %lt3A_339 = arith.constant 0 : i32
      %lt3A_340 = arith.cmpi slt, %rem3A, %lt3A_339 : i32
      %lt3A_341 = arith.constant 0 : i32
      %lt3A_342 = arith.cmpi slt, %select_n3A, %lt3A_341 : i32
      %ne3A_343 = arith.xori %lt3A_340, %lt3A_342 : i1
      %and3A = arith.andi %ne3A_343, %ne3A_338 : i1
      %add3A_344 = arith.addi %rem3A, %select_n3A : i32
      %select_n3A_345 = arith.select %and3A, %add3A_344, %rem3A : i32
      %jit3A_346 = arith.constant 2 : i32
      %eq3A_347 = arith.constant 0 : i32
      %eq3A_348 = arith.cmpi eq, %jit3A_346, %eq3A_347 : i32
      %jit3A_349 = arith.constant 1 : i32
      %select_n3A_350 = arith.select %eq3A_348, %jit3A_349, %jit3A_346 : i32
      %rem3A_351 = arith.remsi %add3A_322, %select_n3A_350 : i32
      %ne3A_352 = arith.constant 0 : i32
      %ne3A_353 = arith.cmpi ne, %rem3A_351, %ne3A_352 : i32
      %lt3A_354 = arith.constant 0 : i32
      %lt3A_355 = arith.cmpi slt, %rem3A_351, %lt3A_354 : i32
      %lt3A_356 = arith.constant 0 : i32
      %lt3A_357 = arith.cmpi slt, %select_n3A_350, %lt3A_356 : i32
      %ne3A_358 = arith.xori %lt3A_355, %lt3A_357 : i1
      %and3A_359 = arith.andi %ne3A_358, %ne3A_353 : i1
      %add3A_360 = arith.addi %rem3A_351, %select_n3A_350 : i32
      %select_n3A_361 = arith.select %and3A_359, %add3A_360, %rem3A_351 : i32
      %dma_wait3A_362 = arith.constant 0 : i32
      %dma_wait3A_363 = arith.constant 0 : i32
      %dma_wait3A_364 = arith.constant 0 : i32
      %dma_wait3A_365 = arith.constant 0 : i32
      %dma_wait3A_366 = tpu.memref_slice %arg8[%select_n3A_345, %dma_wait3A_364, %dma_wait3A_365] : memref<2x128x136xf32, #tpu.memory_space<vmem>> -> memref<1x128x136xf32, #tpu.memory_space<vmem>>
      %dma_wait3A_367 = tpu.memref_squeeze %dma_wait3A_366 : memref<1x128x136xf32, #tpu.memory_space<vmem>> -> memref<128x136xf32, #tpu.memory_space<vmem>>
      %dma_wait3A_368 = tpu.memref_slice %arg7[%dma_wait3A_362, %dma_wait3A_363, %mul3A_334] : memref<2x2x1664xi32, #tpu.memory_space<vmem>> -> memref<1x1x128xi32, #tpu.memory_space<vmem>>
      %dma_wait3A_369 = tpu.memref_squeeze %dma_wait3A_368 : memref<1x1x128xi32, #tpu.memory_space<vmem>> -> memref<128xi32, #tpu.memory_space<vmem>>
      %dma_wait3A_370 = arith.constant 0 : i32
      %dma_wait3A_371 = arith.constant 0 : i32
      %dma_wait3A_372 = tpu.memref_slice %arg3[%dma_wait3A_370, %dma_wait3A_371] : memref<10000x136xf32, #tpu.memory_space<hbm>> -> memref<10000x136xf32, #tpu.memory_space<hbm>>
      %dma_wait3A_373 = tpu.memref_slice %arg9[%select_n3A_361] : memref<2x!tpu.dma_semaphore, #tpu.memory_space<semaphore_mem>> -> memref<1x!tpu.dma_semaphore, #tpu.memory_space<semaphore_mem>>
      %dma_wait3A_374 = tpu.memref_squeeze %dma_wait3A_373 : memref<1x!tpu.dma_semaphore, #tpu.memory_space<semaphore_mem>> -> memref<!tpu.dma_semaphore, #tpu.memory_space<semaphore_mem>>
      tpu.wait_indirect_dma semaphore(%dma_wait3A_374 : memref<!tpu.dma_semaphore, #tpu.memory_space<semaphore_mem>>) src(%dma_wait3A_372 : memref<10000x136xf32, #tpu.memory_space<hbm>>) dst(%dma_wait3A_367 : memref<128x136xf32, #tpu.memory_space<vmem>>)
      %jit3A_375 = arith.constant 2 : i32
      %eq3A_376 = arith.constant 0 : i32
      %eq3A_377 = arith.cmpi eq, %jit3A_375, %eq3A_376 : i32
      %jit3A_378 = arith.constant 1 : i32
      %select_n3A_379 = arith.select %eq3A_377, %jit3A_378, %jit3A_375 : i32
      %rem3A_380 = arith.remsi %add3A_322, %select_n3A_379 : i32
      %ne3A_381 = arith.constant 0 : i32
      %ne3A_382 = arith.cmpi ne, %rem3A_380, %ne3A_381 : i32
      %lt3A_383 = arith.constant 0 : i32
      %lt3A_384 = arith.cmpi slt, %rem3A_380, %lt3A_383 : i32
      %lt3A_385 = arith.constant 0 : i32
      %lt3A_386 = arith.cmpi slt, %select_n3A_379, %lt3A_385 : i32
      %ne3A_387 = arith.xori %lt3A_384, %lt3A_386 : i1
      %and3A_388 = arith.andi %ne3A_387, %ne3A_382 : i1
      %add3A_389 = arith.addi %rem3A_380, %select_n3A_379 : i32
      %select_n3A_390 = arith.select %and3A_388, %add3A_389, %rem3A_380 : i32
      %mul3A_391 = arith.constant 128 : i32
      %mul3A_392 = arith.muli %scan3A_320, %mul3A_391 : i32
      %run_scoped3A = arith.constant 0 : i32
      %run_scoped3A_393 = arith.constant 1 : i32
      "tpu.region"() ({
        %run_scoped3A_394 = tpu.sem_alloc : memref<!tpu.dma_semaphore, #tpu.memory_space<semaphore_mem>>
        %dma_start3A_395 = arith.constant 0 : i32
        %dma_start3A_396 = arith.constant 0 : i32
        %dma_start3A_397 = tpu.memref_slice %arg8[%select_n3A_390, %dma_start3A_395, %dma_start3A_396] : memref<2x128x136xf32, #tpu.memory_space<vmem>> -> memref<1x128x136xf32, #tpu.memory_space<vmem>>
        %dma_start3A_398 = tpu.memref_squeeze %dma_start3A_397 : memref<1x128x136xf32, #tpu.memory_space<vmem>> -> memref<128x136xf32, #tpu.memory_space<vmem>>
        %dma_start3A_399 = tpu.memref_slice %arg7[%run_scoped3A, %run_scoped3A_393, %mul3A_392] : memref<2x2x1664xi32, #tpu.memory_space<vmem>> -> memref<1x1x128xi32, #tpu.memory_space<vmem>>
        %dma_start3A_400 = tpu.memref_squeeze %dma_start3A_399 : memref<1x1x128xi32, #tpu.memory_space<vmem>> -> memref<128xi32, #tpu.memory_space<vmem>>
        %dma_start3A_401 = arith.constant 0 : i32
        %dma_start3A_402 = arith.constant 0 : i32
        %dma_start3A_403 = tpu.memref_slice %arg11[%dma_start3A_401, %dma_start3A_402] : memref<10000x136xf32, #tpu.memory_space<vmem_shared>> -> memref<10000x136xf32, #tpu.memory_space<vmem_shared>>
        tpu.enqueue_indirect_dma source(%dma_start3A_398 : memref<128x136xf32, #tpu.memory_space<vmem>>) target(%dma_start3A_403 : memref<10000x136xf32, #tpu.memory_space<vmem_shared>>) offsets(%dma_start3A_400 : memref<128xi32, #tpu.memory_space<vmem>>) semaphore(%run_scoped3A_394 : memref<!tpu.dma_semaphore, #tpu.memory_space<semaphore_mem>>) {add = true}
        %dma_wait3A_404 = arith.constant 0 : i32
        %dma_wait3A_405 = arith.constant 0 : i32
        %dma_wait3A_406 = tpu.memref_slice %arg8[%select_n3A_390, %dma_wait3A_404, %dma_wait3A_405] : memref<2x128x136xf32, #tpu.memory_space<vmem>> -> memref<1x128x136xf32, #tpu.memory_space<vmem>>
        %dma_wait3A_407 = tpu.memref_squeeze %dma_wait3A_406 : memref<1x128x136xf32, #tpu.memory_space<vmem>> -> memref<128x136xf32, #tpu.memory_space<vmem>>
        %dma_wait3A_408 = tpu.memref_slice %arg7[%run_scoped3A, %run_scoped3A_393, %mul3A_392] : memref<2x2x1664xi32, #tpu.memory_space<vmem>> -> memref<1x1x128xi32, #tpu.memory_space<vmem>>
        %dma_wait3A_409 = tpu.memref_squeeze %dma_wait3A_408 : memref<1x1x128xi32, #tpu.memory_space<vmem>> -> memref<128xi32, #tpu.memory_space<vmem>>
        %dma_wait3A_410 = arith.constant 0 : i32
        %dma_wait3A_411 = arith.constant 0 : i32
        %dma_wait3A_412 = tpu.memref_slice %arg11[%dma_wait3A_410, %dma_wait3A_411] : memref<10000x136xf32, #tpu.memory_space<vmem_shared>> -> memref<10000x136xf32, #tpu.memory_space<vmem_shared>>
        tpu.wait_indirect_dma semaphore(%run_scoped3A_394 : memref<!tpu.dma_semaphore, #tpu.memory_space<semaphore_mem>>) src(%dma_wait3A_407 : memref<128x136xf32, #tpu.memory_space<vmem>>) dst(%dma_wait3A_412 : memref<10000x136xf32, #tpu.memory_space<vmem_shared>>)
        tpu.yield
      }) : () -> ()
    }
    %scan3A_219 = arith.constant 13 : i32
    %add3A_220 = arith.constant 6656 : i32
    %add3A_221 = arith.addi %mul3A_6, %add3A_220 : i32
    %dma_start3A_222 = arith.constant 0 : i32
    %dma_start3A_223 = arith.constant 0 : i32
    %dma_start3A_224 = arith.constant 0 : i32
    %dma_start3A_225 = arith.constant 0 : i32
    %dma_start3A_226 = arith.constant 0 : i32
    %dma_start3A_227 = tpu.memref_slice %arg7[%dma_start3A_223, %dma_start3A_224, %dma_start3A_226] : memref<2x2x1664xi32, #tpu.memory_space<vmem>> -> memref<1x1x1664xi32, #tpu.memory_space<vmem>>
    %dma_start3A_228 = tpu.memref_squeeze %dma_start3A_227 : memref<1x1x1664xi32, #tpu.memory_space<vmem>> -> memref<1664xi32, #tpu.memory_space<vmem>>
    %dma_start3A_229 = tpu.memref_slice %arg2[%dma_start3A_222, %add3A_221] : memref<2x320000xi32, #tpu.memory_space<hbm>> -> memref<1x1664xi32, #tpu.memory_space<hbm>>
    %dma_start3A_230 = tpu.memref_squeeze %dma_start3A_229 : memref<1x1664xi32, #tpu.memory_space<hbm>> -> memref<1664xi32, #tpu.memory_space<hbm>>
    %dma_start3A_231 = tpu.memref_slice %arg10[%dma_start3A_225] : memref<2x!tpu.dma_semaphore, #tpu.memory_space<semaphore_mem>> -> memref<1x!tpu.dma_semaphore, #tpu.memory_space<semaphore_mem>>
    %dma_start3A_232 = tpu.memref_squeeze %dma_start3A_231 : memref<1x!tpu.dma_semaphore, #tpu.memory_space<semaphore_mem>> -> memref<!tpu.dma_semaphore, #tpu.memory_space<semaphore_mem>>
    %dma_start3A_233 = arith.constant 0 : i32
    %dma_start3A_234 = tpu.memref_slice %arg7[%dma_start3A_223, %dma_start3A_224, %dma_start3A_233] : memref<2x2x1664xi32, #tpu.memory_space<vmem>> -> memref<1x1x1664xi32, #tpu.memory_space<vmem>>
    %dma_start3A_235 = tpu.memref_squeeze %dma_start3A_234 : memref<1x1x1664xi32, #tpu.memory_space<vmem>> -> memref<1664xi32, #tpu.memory_space<vmem>>
    %dma_start3A_236 = tpu.memref_slice %arg2[%dma_start3A_222, %add3A_221] : memref<2x320000xi32, #tpu.memory_space<hbm>> -> memref<1x1664xi32, #tpu.memory_space<hbm>>
    %dma_start3A_237 = tpu.memref_squeeze %dma_start3A_236 : memref<1x1664xi32, #tpu.memory_space<hbm>> -> memref<1664xi32, #tpu.memory_space<hbm>>
    tpu.enqueue_dma source(%dma_start3A_237 : memref<1664xi32, #tpu.memory_space<hbm>>) target(%dma_start3A_235 : memref<1664xi32, #tpu.memory_space<vmem>>) target_semaphore(%dma_start3A_232 : memref<!tpu.dma_semaphore, #tpu.memory_space<semaphore_mem>>)
    %add3A_238 = arith.constant 6656 : i32
    %add3A_239 = arith.addi %mul3A_6, %add3A_238 : i32
    %dma_start3A_240 = arith.constant 1 : i32
    %dma_start3A_241 = arith.constant 0 : i32
    %dma_start3A_242 = arith.constant 1 : i32
    %dma_start3A_243 = arith.constant 0 : i32
    %dma_start3A_244 = arith.constant 0 : i32
    %dma_start3A_245 = tpu.memref_slice %arg7[%dma_start3A_241, %dma_start3A_242, %dma_start3A_244] : memref<2x2x1664xi32, #tpu.memory_space<vmem>> -> memref<1x1x1664xi32, #tpu.memory_space<vmem>>
    %dma_start3A_246 = tpu.memref_squeeze %dma_start3A_245 : memref<1x1x1664xi32, #tpu.memory_space<vmem>> -> memref<1664xi32, #tpu.memory_space<vmem>>
    %dma_start3A_247 = tpu.memref_slice %arg2[%dma_start3A_240, %add3A_239] : memref<2x320000xi32, #tpu.memory_space<hbm>> -> memref<1x1664xi32, #tpu.memory_space<hbm>>
    %dma_start3A_248 = tpu.memref_squeeze %dma_start3A_247 : memref<1x1664xi32, #tpu.memory_space<hbm>> -> memref<1664xi32, #tpu.memory_space<hbm>>
    %dma_start3A_249 = tpu.memref_slice %arg10[%dma_start3A_243] : memref<2x!tpu.dma_semaphore, #tpu.memory_space<semaphore_mem>> -> memref<1x!tpu.dma_semaphore, #tpu.memory_space<semaphore_mem>>
    %dma_start3A_250 = tpu.memref_squeeze %dma_start3A_249 : memref<1x!tpu.dma_semaphore, #tpu.memory_space<semaphore_mem>> -> memref<!tpu.dma_semaphore, #tpu.memory_space<semaphore_mem>>
    %dma_start3A_251 = arith.constant 0 : i32
    %dma_start3A_252 = tpu.memref_slice %arg7[%dma_start3A_241, %dma_start3A_242, %dma_start3A_251] : memref<2x2x1664xi32, #tpu.memory_space<vmem>> -> memref<1x1x1664xi32, #tpu.memory_space<vmem>>
    %dma_start3A_253 = tpu.memref_squeeze %dma_start3A_252 : memref<1x1x1664xi32, #tpu.memory_space<vmem>> -> memref<1664xi32, #tpu.memory_space<vmem>>
    %dma_start3A_254 = tpu.memref_slice %arg2[%dma_start3A_240, %add3A_239] : memref<2x320000xi32, #tpu.memory_space<hbm>> -> memref<1x1664xi32, #tpu.memory_space<hbm>>
    %dma_start3A_255 = tpu.memref_squeeze %dma_start3A_254 : memref<1x1664xi32, #tpu.memory_space<hbm>> -> memref<1664xi32, #tpu.memory_space<hbm>>
    tpu.enqueue_dma source(%dma_start3A_255 : memref<1664xi32, #tpu.memory_space<hbm>>) target(%dma_start3A_253 : memref<1664xi32, #tpu.memory_space<vmem>>) target_semaphore(%dma_start3A_250 : memref<!tpu.dma_semaphore, #tpu.memory_space<semaphore_mem>>)
    %scan3A_256 = arith.constant 0 : i32
    %scan3A_257 = arith.constant 0 : i32
    %scan3A_258 = arith.constant 13 : i32
    %scan3A_259 = arith.addi %scan3A_257, %scan3A_258 : i32
    %scan3A_260 = arith.constant 1 : i32
    scf.for %scan3A_320 = %scan3A_257 to %scan3A_259 step %scan3A_260  : i32 {
      %add3A_321 = arith.constant 39 : i32
      %add3A_322 = arith.addi %add3A_321, %scan3A_320 : i32
      %lt3A_323 = arith.constant 12 : i32
      %lt3A_324 = arith.cmpi slt, %scan3A_320, %lt3A_323 : i32
      %convert_element_type3A_325 = arith.extui %lt3A_324 : i1 to i32
      %cond3A_326 = arith.constant 0 : i32
      %cond3A_327 = arith.cmpi ne, %convert_element_type3A_325, %cond3A_326 : i32
      scf.if %cond3A_327 {
        %add3A_394 = arith.constant 1 : i32
        %add3A_395 = arith.addi %scan3A_320, %add3A_394 : i32
        %add3A_396 = arith.constant 1 : i32
        %add3A_397 = arith.addi %add3A_322, %add3A_396 : i32
        %mul3A_398 = arith.constant 128 : i32
        %mul3A_399 = arith.muli %add3A_395, %mul3A_398 : i32
        %jit3A_400 = arith.constant 2 : i32
        %eq3A_401 = arith.constant 0 : i32
        %eq3A_402 = arith.cmpi eq, %jit3A_400, %eq3A_401 : i32
        %jit3A_403 = arith.constant 1 : i32
        %select_n3A_404 = arith.select %eq3A_402, %jit3A_403, %jit3A_400 : i32
        %rem3A_405 = arith.remsi %add3A_397, %select_n3A_404 : i32
        %ne3A_406 = arith.constant 0 : i32
        %ne3A_407 = arith.cmpi ne, %rem3A_405, %ne3A_406 : i32
        %lt3A_408 = arith.constant 0 : i32
        %lt3A_409 = arith.cmpi slt, %rem3A_405, %lt3A_408 : i32
        %lt3A_410 = arith.constant 0 : i32
        %lt3A_411 = arith.cmpi slt, %select_n3A_404, %lt3A_410 : i32
        %ne3A_412 = arith.xori %lt3A_409, %lt3A_411 : i1
        %and3A_413 = arith.andi %ne3A_412, %ne3A_407 : i1
        %add3A_414 = arith.addi %rem3A_405, %select_n3A_404 : i32
        %select_n3A_415 = arith.select %and3A_413, %add3A_414, %rem3A_405 : i32
        %jit3A_416 = arith.constant 2 : i32
        %eq3A_417 = arith.constant 0 : i32
        %eq3A_418 = arith.cmpi eq, %jit3A_416, %eq3A_417 : i32
        %jit3A_419 = arith.constant 1 : i32
        %select_n3A_420 = arith.select %eq3A_418, %jit3A_419, %jit3A_416 : i32
        %rem3A_421 = arith.remsi %add3A_397, %select_n3A_420 : i32
        %ne3A_422 = arith.constant 0 : i32
        %ne3A_423 = arith.cmpi ne, %rem3A_421, %ne3A_422 : i32
        %lt3A_424 = arith.constant 0 : i32
        %lt3A_425 = arith.cmpi slt, %rem3A_421, %lt3A_424 : i32
        %lt3A_426 = arith.constant 0 : i32
        %lt3A_427 = arith.cmpi slt, %select_n3A_420, %lt3A_426 : i32
        %ne3A_428 = arith.xori %lt3A_425, %lt3A_427 : i1
        %and3A_429 = arith.andi %ne3A_428, %ne3A_423 : i1
        %add3A_430 = arith.addi %rem3A_421, %select_n3A_420 : i32
        %select_n3A_431 = arith.select %and3A_429, %add3A_430, %rem3A_421 : i32
        %dma_start3A_432 = arith.constant 1 : i32
        %dma_start3A_433 = arith.constant 0 : i32
        %dma_start3A_434 = arith.constant 0 : i32
        %dma_start3A_435 = arith.constant 0 : i32
        %dma_start3A_436 = tpu.memref_slice %arg8[%select_n3A_415, %dma_start3A_434, %dma_start3A_435] : memref<2x128x136xf32, #tpu.memory_space<vmem>> -> memref<1x128x136xf32, #tpu.memory_space<vmem>>
        %dma_start3A_437 = tpu.memref_squeeze %dma_start3A_436 : memref<1x128x136xf32, #tpu.memory_space<vmem>> -> memref<128x136xf32, #tpu.memory_space<vmem>>
        %dma_start3A_438 = tpu.memref_slice %arg7[%dma_start3A_432, %dma_start3A_433, %mul3A_399] : memref<2x2x1664xi32, #tpu.memory_space<vmem>> -> memref<1x1x128xi32, #tpu.memory_space<vmem>>
        %dma_start3A_439 = tpu.memref_squeeze %dma_start3A_438 : memref<1x1x128xi32, #tpu.memory_space<vmem>> -> memref<128xi32, #tpu.memory_space<vmem>>
        %dma_start3A_440 = arith.constant 0 : i32
        %dma_start3A_441 = arith.constant 0 : i32
        %dma_start3A_442 = tpu.memref_slice %arg3[%dma_start3A_440, %dma_start3A_441] : memref<10000x136xf32, #tpu.memory_space<hbm>> -> memref<10000x136xf32, #tpu.memory_space<hbm>>
        %dma_start3A_443 = tpu.memref_slice %arg9[%select_n3A_431] : memref<2x!tpu.dma_semaphore, #tpu.memory_space<semaphore_mem>> -> memref<1x!tpu.dma_semaphore, #tpu.memory_space<semaphore_mem>>
        %dma_start3A_444 = tpu.memref_squeeze %dma_start3A_443 : memref<1x!tpu.dma_semaphore, #tpu.memory_space<semaphore_mem>> -> memref<!tpu.dma_semaphore, #tpu.memory_space<semaphore_mem>>
        tpu.enqueue_indirect_dma source(%dma_start3A_442 : memref<10000x136xf32, #tpu.memory_space<hbm>>) target(%dma_start3A_437 : memref<128x136xf32, #tpu.memory_space<vmem>>) offsets(%dma_start3A_439 : memref<128xi32, #tpu.memory_space<vmem>>) semaphore(%dma_start3A_444 : memref<!tpu.dma_semaphore, #tpu.memory_space<semaphore_mem>>)
      } else {
      }
      %eq3A_328 = arith.constant 12 : i32
      %eq3A_329 = arith.cmpi eq, %scan3A_320, %eq3A_328 : i32
      %convert_element_type3A_330 = arith.extui %eq3A_329 : i1 to i32
      %cond3A_331 = arith.constant 0 : i32
      %cond3A_332 = arith.cmpi ne, %convert_element_type3A_330, %cond3A_331 : i32
      scf.if %cond3A_332 {
        %add3A_394 = arith.constant 6656 : i32
        %add3A_395 = arith.addi %mul3A_6, %add3A_394 : i32
        %dma_wait3A_396 = arith.constant 0 : i32
        %dma_wait3A_397 = arith.constant 0 : i32
        %dma_wait3A_398 = arith.constant 0 : i32
        %dma_wait3A_399 = arith.constant 0 : i32
        %dma_wait3A_400 = arith.constant 0 : i32
        %dma_wait3A_401 = tpu.memref_slice %arg7[%dma_wait3A_397, %dma_wait3A_398, %dma_wait3A_400] : memref<2x2x1664xi32, #tpu.memory_space<vmem>> -> memref<1x1x1664xi32, #tpu.memory_space<vmem>>
        %dma_wait3A_402 = tpu.memref_squeeze %dma_wait3A_401 : memref<1x1x1664xi32, #tpu.memory_space<vmem>> -> memref<1664xi32, #tpu.memory_space<vmem>>
        %dma_wait3A_403 = tpu.memref_slice %arg2[%dma_wait3A_396, %add3A_395] : memref<2x320000xi32, #tpu.memory_space<hbm>> -> memref<1x1664xi32, #tpu.memory_space<hbm>>
        %dma_wait3A_404 = tpu.memref_squeeze %dma_wait3A_403 : memref<1x1664xi32, #tpu.memory_space<hbm>> -> memref<1664xi32, #tpu.memory_space<hbm>>
        %dma_wait3A_405 = tpu.memref_slice %arg10[%dma_wait3A_399] : memref<2x!tpu.dma_semaphore, #tpu.memory_space<semaphore_mem>> -> memref<1x!tpu.dma_semaphore, #tpu.memory_space<semaphore_mem>>
        %dma_wait3A_406 = tpu.memref_squeeze %dma_wait3A_405 : memref<1x!tpu.dma_semaphore, #tpu.memory_space<semaphore_mem>> -> memref<!tpu.dma_semaphore, #tpu.memory_space<semaphore_mem>>
        %dma_wait3A_407 = arith.constant 0 : i32
        %dma_wait3A_408 = tpu.memref_slice %arg7[%dma_wait3A_397, %dma_wait3A_398, %dma_wait3A_407] : memref<2x2x1664xi32, #tpu.memory_space<vmem>> -> memref<1x1x1664xi32, #tpu.memory_space<vmem>>
        %dma_wait3A_409 = tpu.memref_squeeze %dma_wait3A_408 : memref<1x1x1664xi32, #tpu.memory_space<vmem>> -> memref<1664xi32, #tpu.memory_space<vmem>>
        %dma_wait3A_410 = tpu.memref_slice %arg2[%dma_wait3A_396, %add3A_395] : memref<2x320000xi32, #tpu.memory_space<hbm>> -> memref<1x1664xi32, #tpu.memory_space<hbm>>
        %dma_wait3A_411 = tpu.memref_squeeze %dma_wait3A_410 : memref<1x1664xi32, #tpu.memory_space<hbm>> -> memref<1664xi32, #tpu.memory_space<hbm>>
        tpu.wait_dma2 semaphore(%dma_wait3A_406 : memref<!tpu.dma_semaphore, #tpu.memory_space<semaphore_mem>>) src(%dma_wait3A_411 : memref<1664xi32, #tpu.memory_space<hbm>>) dst(%dma_wait3A_409 : memref<1664xi32, #tpu.memory_space<vmem>>)
        %add3A_412 = arith.constant 6656 : i32
        %add3A_413 = arith.addi %mul3A_6, %add3A_412 : i32
        %dma_wait3A_414 = arith.constant 1 : i32
        %dma_wait3A_415 = arith.constant 0 : i32
        %dma_wait3A_416 = arith.constant 1 : i32
        %dma_wait3A_417 = arith.constant 0 : i32
        %dma_wait3A_418 = arith.constant 0 : i32
        %dma_wait3A_419 = tpu.memref_slice %arg7[%dma_wait3A_415, %dma_wait3A_416, %dma_wait3A_418] : memref<2x2x1664xi32, #tpu.memory_space<vmem>> -> memref<1x1x1664xi32, #tpu.memory_space<vmem>>
        %dma_wait3A_420 = tpu.memref_squeeze %dma_wait3A_419 : memref<1x1x1664xi32, #tpu.memory_space<vmem>> -> memref<1664xi32, #tpu.memory_space<vmem>>
        %dma_wait3A_421 = tpu.memref_slice %arg2[%dma_wait3A_414, %add3A_413] : memref<2x320000xi32, #tpu.memory_space<hbm>> -> memref<1x1664xi32, #tpu.memory_space<hbm>>
        %dma_wait3A_422 = tpu.memref_squeeze %dma_wait3A_421 : memref<1x1664xi32, #tpu.memory_space<hbm>> -> memref<1664xi32, #tpu.memory_space<hbm>>
        %dma_wait3A_423 = tpu.memref_slice %arg10[%dma_wait3A_417] : memref<2x!tpu.dma_semaphore, #tpu.memory_space<semaphore_mem>> -> memref<1x!tpu.dma_semaphore, #tpu.memory_space<semaphore_mem>>
        %dma_wait3A_424 = tpu.memref_squeeze %dma_wait3A_423 : memref<1x!tpu.dma_semaphore, #tpu.memory_space<semaphore_mem>> -> memref<!tpu.dma_semaphore, #tpu.memory_space<semaphore_mem>>
        %dma_wait3A_425 = arith.constant 0 : i32
        %dma_wait3A_426 = tpu.memref_slice %arg7[%dma_wait3A_415, %dma_wait3A_416, %dma_wait3A_425] : memref<2x2x1664xi32, #tpu.memory_space<vmem>> -> memref<1x1x1664xi32, #tpu.memory_space<vmem>>
        %dma_wait3A_427 = tpu.memref_squeeze %dma_wait3A_426 : memref<1x1x1664xi32, #tpu.memory_space<vmem>> -> memref<1664xi32, #tpu.memory_space<vmem>>
        %dma_wait3A_428 = tpu.memref_slice %arg2[%dma_wait3A_414, %add3A_413] : memref<2x320000xi32, #tpu.memory_space<hbm>> -> memref<1x1664xi32, #tpu.memory_space<hbm>>
        %dma_wait3A_429 = tpu.memref_squeeze %dma_wait3A_428 : memref<1x1664xi32, #tpu.memory_space<hbm>> -> memref<1664xi32, #tpu.memory_space<hbm>>
        tpu.wait_dma2 semaphore(%dma_wait3A_424 : memref<!tpu.dma_semaphore, #tpu.memory_space<semaphore_mem>>) src(%dma_wait3A_429 : memref<1664xi32, #tpu.memory_space<hbm>>) dst(%dma_wait3A_427 : memref<1664xi32, #tpu.memory_space<vmem>>)
        %add3A_430 = arith.constant 1 : i32
        %add3A_431 = arith.addi %add3A_322, %add3A_430 : i32
        %jit3A_432 = arith.constant 2 : i32
        %eq3A_433 = arith.constant 0 : i32
        %eq3A_434 = arith.cmpi eq, %jit3A_432, %eq3A_433 : i32
        %jit3A_435 = arith.constant 1 : i32
        %select_n3A_436 = arith.select %eq3A_434, %jit3A_435, %jit3A_432 : i32
        %rem3A_437 = arith.remsi %add3A_431, %select_n3A_436 : i32
        %ne3A_438 = arith.constant 0 : i32
        %ne3A_439 = arith.cmpi ne, %rem3A_437, %ne3A_438 : i32
        %lt3A_440 = arith.constant 0 : i32
        %lt3A_441 = arith.cmpi slt, %rem3A_437, %lt3A_440 : i32
        %lt3A_442 = arith.constant 0 : i32
        %lt3A_443 = arith.cmpi slt, %select_n3A_436, %lt3A_442 : i32
        %ne3A_444 = arith.xori %lt3A_441, %lt3A_443 : i1
        %and3A_445 = arith.andi %ne3A_444, %ne3A_439 : i1
        %add3A_446 = arith.addi %rem3A_437, %select_n3A_436 : i32
        %select_n3A_447 = arith.select %and3A_445, %add3A_446, %rem3A_437 : i32
        %jit3A_448 = arith.constant 2 : i32
        %eq3A_449 = arith.constant 0 : i32
        %eq3A_450 = arith.cmpi eq, %jit3A_448, %eq3A_449 : i32
        %jit3A_451 = arith.constant 1 : i32
        %select_n3A_452 = arith.select %eq3A_450, %jit3A_451, %jit3A_448 : i32
        %rem3A_453 = arith.remsi %add3A_431, %select_n3A_452 : i32
        %ne3A_454 = arith.constant 0 : i32
        %ne3A_455 = arith.cmpi ne, %rem3A_453, %ne3A_454 : i32
        %lt3A_456 = arith.constant 0 : i32
        %lt3A_457 = arith.cmpi slt, %rem3A_453, %lt3A_456 : i32
        %lt3A_458 = arith.constant 0 : i32
        %lt3A_459 = arith.cmpi slt, %select_n3A_452, %lt3A_458 : i32
        %ne3A_460 = arith.xori %lt3A_457, %lt3A_459 : i1
        %and3A_461 = arith.andi %ne3A_460, %ne3A_455 : i1
        %add3A_462 = arith.addi %rem3A_453, %select_n3A_452 : i32
        %select_n3A_463 = arith.select %and3A_461, %add3A_462, %rem3A_453 : i32
        %dma_start3A_464 = arith.constant 0 : i32
        %dma_start3A_465 = arith.constant 0 : i32
        %dma_start3A_466 = arith.constant 0 : i32
        %dma_start3A_467 = arith.constant 0 : i32
        %dma_start3A_468 = tpu.memref_slice %arg8[%select_n3A_447, %dma_start3A_466, %dma_start3A_467] : memref<2x128x136xf32, #tpu.memory_space<vmem>> -> memref<1x128x136xf32, #tpu.memory_space<vmem>>
        %dma_start3A_469 = tpu.memref_squeeze %dma_start3A_468 : memref<1x128x136xf32, #tpu.memory_space<vmem>> -> memref<128x136xf32, #tpu.memory_space<vmem>>
        %dma_start3A_470 = arith.constant 0 : i32
        %dma_start3A_471 = tpu.memref_slice %arg7[%dma_start3A_464, %dma_start3A_465, %dma_start3A_470] : memref<2x2x1664xi32, #tpu.memory_space<vmem>> -> memref<1x1x128xi32, #tpu.memory_space<vmem>>
        %dma_start3A_472 = tpu.memref_squeeze %dma_start3A_471 : memref<1x1x128xi32, #tpu.memory_space<vmem>> -> memref<128xi32, #tpu.memory_space<vmem>>
        %dma_start3A_473 = arith.constant 0 : i32
        %dma_start3A_474 = arith.constant 0 : i32
        %dma_start3A_475 = tpu.memref_slice %arg3[%dma_start3A_473, %dma_start3A_474] : memref<10000x136xf32, #tpu.memory_space<hbm>> -> memref<10000x136xf32, #tpu.memory_space<hbm>>
        %dma_start3A_476 = tpu.memref_slice %arg9[%select_n3A_463] : memref<2x!tpu.dma_semaphore, #tpu.memory_space<semaphore_mem>> -> memref<1x!tpu.dma_semaphore, #tpu.memory_space<semaphore_mem>>
        %dma_start3A_477 = tpu.memref_squeeze %dma_start3A_476 : memref<1x!tpu.dma_semaphore, #tpu.memory_space<semaphore_mem>> -> memref<!tpu.dma_semaphore, #tpu.memory_space<semaphore_mem>>
        tpu.enqueue_indirect_dma source(%dma_start3A_475 : memref<10000x136xf32, #tpu.memory_space<hbm>>) target(%dma_start3A_469 : memref<128x136xf32, #tpu.memory_space<vmem>>) offsets(%dma_start3A_472 : memref<128xi32, #tpu.memory_space<vmem>>) semaphore(%dma_start3A_477 : memref<!tpu.dma_semaphore, #tpu.memory_space<semaphore_mem>>)
      } else {
      }
      %mul3A_333 = arith.constant 128 : i32
      %mul3A_334 = arith.muli %scan3A_320, %mul3A_333 : i32
      %jit3A = arith.constant 2 : i32
      %eq3A_335 = arith.constant 0 : i32
      %eq3A_336 = arith.cmpi eq, %jit3A, %eq3A_335 : i32
      %jit3A_337 = arith.constant 1 : i32
      %select_n3A = arith.select %eq3A_336, %jit3A_337, %jit3A : i32
      %rem3A = arith.remsi %add3A_322, %select_n3A : i32
      %ne3A = arith.constant 0 : i32
      %ne3A_338 = arith.cmpi ne, %rem3A, %ne3A : i32
      %lt3A_339 = arith.constant 0 : i32
      %lt3A_340 = arith.cmpi slt, %rem3A, %lt3A_339 : i32
      %lt3A_341 = arith.constant 0 : i32
      %lt3A_342 = arith.cmpi slt, %select_n3A, %lt3A_341 : i32
      %ne3A_343 = arith.xori %lt3A_340, %lt3A_342 : i1
      %and3A = arith.andi %ne3A_343, %ne3A_338 : i1
      %add3A_344 = arith.addi %rem3A, %select_n3A : i32
      %select_n3A_345 = arith.select %and3A, %add3A_344, %rem3A : i32
      %jit3A_346 = arith.constant 2 : i32
      %eq3A_347 = arith.constant 0 : i32
      %eq3A_348 = arith.cmpi eq, %jit3A_346, %eq3A_347 : i32
      %jit3A_349 = arith.constant 1 : i32
      %select_n3A_350 = arith.select %eq3A_348, %jit3A_349, %jit3A_346 : i32
      %rem3A_351 = arith.remsi %add3A_322, %select_n3A_350 : i32
      %ne3A_352 = arith.constant 0 : i32
      %ne3A_353 = arith.cmpi ne, %rem3A_351, %ne3A_352 : i32
      %lt3A_354 = arith.constant 0 : i32
      %lt3A_355 = arith.cmpi slt, %rem3A_351, %lt3A_354 : i32
      %lt3A_356 = arith.constant 0 : i32
      %lt3A_357 = arith.cmpi slt, %select_n3A_350, %lt3A_356 : i32
      %ne3A_358 = arith.xori %lt3A_355, %lt3A_357 : i1
      %and3A_359 = arith.andi %ne3A_358, %ne3A_353 : i1
      %add3A_360 = arith.addi %rem3A_351, %select_n3A_350 : i32
      %select_n3A_361 = arith.select %and3A_359, %add3A_360, %rem3A_351 : i32
      %dma_wait3A_362 = arith.constant 1 : i32
      %dma_wait3A_363 = arith.constant 0 : i32
      %dma_wait3A_364 = arith.constant 0 : i32
      %dma_wait3A_365 = arith.constant 0 : i32
      %dma_wait3A_366 = tpu.memref_slice %arg8[%select_n3A_345, %dma_wait3A_364, %dma_wait3A_365] : memref<2x128x136xf32, #tpu.memory_space<vmem>> -> memref<1x128x136xf32, #tpu.memory_space<vmem>>
      %dma_wait3A_367 = tpu.memref_squeeze %dma_wait3A_366 : memref<1x128x136xf32, #tpu.memory_space<vmem>> -> memref<128x136xf32, #tpu.memory_space<vmem>>
      %dma_wait3A_368 = tpu.memref_slice %arg7[%dma_wait3A_362, %dma_wait3A_363, %mul3A_334] : memref<2x2x1664xi32, #tpu.memory_space<vmem>> -> memref<1x1x128xi32, #tpu.memory_space<vmem>>
      %dma_wait3A_369 = tpu.memref_squeeze %dma_wait3A_368 : memref<1x1x128xi32, #tpu.memory_space<vmem>> -> memref<128xi32, #tpu.memory_space<vmem>>
      %dma_wait3A_370 = arith.constant 0 : i32
      %dma_wait3A_371 = arith.constant 0 : i32
      %dma_wait3A_372 = tpu.memref_slice %arg3[%dma_wait3A_370, %dma_wait3A_371] : memref<10000x136xf32, #tpu.memory_space<hbm>> -> memref<10000x136xf32, #tpu.memory_space<hbm>>
      %dma_wait3A_373 = tpu.memref_slice %arg9[%select_n3A_361] : memref<2x!tpu.dma_semaphore, #tpu.memory_space<semaphore_mem>> -> memref<1x!tpu.dma_semaphore, #tpu.memory_space<semaphore_mem>>
      %dma_wait3A_374 = tpu.memref_squeeze %dma_wait3A_373 : memref<1x!tpu.dma_semaphore, #tpu.memory_space<semaphore_mem>> -> memref<!tpu.dma_semaphore, #tpu.memory_space<semaphore_mem>>
      tpu.wait_indirect_dma semaphore(%dma_wait3A_374 : memref<!tpu.dma_semaphore, #tpu.memory_space<semaphore_mem>>) src(%dma_wait3A_372 : memref<10000x136xf32, #tpu.memory_space<hbm>>) dst(%dma_wait3A_367 : memref<128x136xf32, #tpu.memory_space<vmem>>)
      %jit3A_375 = arith.constant 2 : i32
      %eq3A_376 = arith.constant 0 : i32
      %eq3A_377 = arith.cmpi eq, %jit3A_375, %eq3A_376 : i32
      %jit3A_378 = arith.constant 1 : i32
      %select_n3A_379 = arith.select %eq3A_377, %jit3A_378, %jit3A_375 : i32
      %rem3A_380 = arith.remsi %add3A_322, %select_n3A_379 : i32
      %ne3A_381 = arith.constant 0 : i32
      %ne3A_382 = arith.cmpi ne, %rem3A_380, %ne3A_381 : i32
      %lt3A_383 = arith.constant 0 : i32
      %lt3A_384 = arith.cmpi slt, %rem3A_380, %lt3A_383 : i32
      %lt3A_385 = arith.constant 0 : i32
      %lt3A_386 = arith.cmpi slt, %select_n3A_379, %lt3A_385 : i32
      %ne3A_387 = arith.xori %lt3A_384, %lt3A_386 : i1
      %and3A_388 = arith.andi %ne3A_387, %ne3A_382 : i1
      %add3A_389 = arith.addi %rem3A_380, %select_n3A_379 : i32
      %select_n3A_390 = arith.select %and3A_388, %add3A_389, %rem3A_380 : i32
      %mul3A_391 = arith.constant 128 : i32
      %mul3A_392 = arith.muli %scan3A_320, %mul3A_391 : i32
      %run_scoped3A = arith.constant 1 : i32
      %run_scoped3A_393 = arith.constant 1 : i32
      "tpu.region"() ({
        %run_scoped3A_394 = tpu.sem_alloc : memref<!tpu.dma_semaphore, #tpu.memory_space<semaphore_mem>>
        %dma_start3A_395 = arith.constant 0 : i32
        %dma_start3A_396 = arith.constant 0 : i32
        %dma_start3A_397 = tpu.memref_slice %arg8[%select_n3A_390, %dma_start3A_395, %dma_start3A_396] : memref<2x128x136xf32, #tpu.memory_space<vmem>> -> memref<1x128x136xf32, #tpu.memory_space<vmem>>
        %dma_start3A_398 = tpu.memref_squeeze %dma_start3A_397 : memref<1x128x136xf32, #tpu.memory_space<vmem>> -> memref<128x136xf32, #tpu.memory_space<vmem>>
        %dma_start3A_399 = tpu.memref_slice %arg7[%run_scoped3A, %run_scoped3A_393, %mul3A_392] : memref<2x2x1664xi32, #tpu.memory_space<vmem>> -> memref<1x1x128xi32, #tpu.memory_space<vmem>>
        %dma_start3A_400 = tpu.memref_squeeze %dma_start3A_399 : memref<1x1x128xi32, #tpu.memory_space<vmem>> -> memref<128xi32, #tpu.memory_space<vmem>>
        %dma_start3A_401 = arith.constant 0 : i32
        %dma_start3A_402 = arith.constant 0 : i32
        %dma_start3A_403 = tpu.memref_slice %arg11[%dma_start3A_401, %dma_start3A_402] : memref<10000x136xf32, #tpu.memory_space<vmem_shared>> -> memref<10000x136xf32, #tpu.memory_space<vmem_shared>>
        tpu.enqueue_indirect_dma source(%dma_start3A_398 : memref<128x136xf32, #tpu.memory_space<vmem>>) target(%dma_start3A_403 : memref<10000x136xf32, #tpu.memory_space<vmem_shared>>) offsets(%dma_start3A_400 : memref<128xi32, #tpu.memory_space<vmem>>) semaphore(%run_scoped3A_394 : memref<!tpu.dma_semaphore, #tpu.memory_space<semaphore_mem>>) {add = true}
        %dma_wait3A_404 = arith.constant 0 : i32
        %dma_wait3A_405 = arith.constant 0 : i32
        %dma_wait3A_406 = tpu.memref_slice %arg8[%select_n3A_390, %dma_wait3A_404, %dma_wait3A_405] : memref<2x128x136xf32, #tpu.memory_space<vmem>> -> memref<1x128x136xf32, #tpu.memory_space<vmem>>
        %dma_wait3A_407 = tpu.memref_squeeze %dma_wait3A_406 : memref<1x128x136xf32, #tpu.memory_space<vmem>> -> memref<128x136xf32, #tpu.memory_space<vmem>>
        %dma_wait3A_408 = tpu.memref_slice %arg7[%run_scoped3A, %run_scoped3A_393, %mul3A_392] : memref<2x2x1664xi32, #tpu.memory_space<vmem>> -> memref<1x1x128xi32, #tpu.memory_space<vmem>>
        %dma_wait3A_409 = tpu.memref_squeeze %dma_wait3A_408 : memref<1x1x128xi32, #tpu.memory_space<vmem>> -> memref<128xi32, #tpu.memory_space<vmem>>
        %dma_wait3A_410 = arith.constant 0 : i32
        %dma_wait3A_411 = arith.constant 0 : i32
        %dma_wait3A_412 = tpu.memref_slice %arg11[%dma_wait3A_410, %dma_wait3A_411] : memref<10000x136xf32, #tpu.memory_space<vmem_shared>> -> memref<10000x136xf32, #tpu.memory_space<vmem_shared>>
        tpu.wait_indirect_dma semaphore(%run_scoped3A_394 : memref<!tpu.dma_semaphore, #tpu.memory_space<semaphore_mem>>) src(%dma_wait3A_407 : memref<128x136xf32, #tpu.memory_space<vmem>>) dst(%dma_wait3A_412 : memref<10000x136xf32, #tpu.memory_space<vmem_shared>>)
        tpu.yield
      }) : () -> ()
    }
    %scan3A_261 = arith.constant 13 : i32
    %add3A_262 = arith.constant 8320 : i32
    %add3A_263 = arith.addi %mul3A_6, %add3A_262 : i32
    %dma_start3A_264 = arith.constant 0 : i32
    %dma_start3A_265 = arith.constant 1 : i32
    %dma_start3A_266 = arith.constant 0 : i32
    %dma_start3A_267 = arith.constant 1 : i32
    %dma_start3A_268 = arith.constant 0 : i32
    %dma_start3A_269 = tpu.memref_slice %arg7[%dma_start3A_265, %dma_start3A_266, %dma_start3A_268] : memref<2x2x1664xi32, #tpu.memory_space<vmem>> -> memref<1x1x1664xi32, #tpu.memory_space<vmem>>
    %dma_start3A_270 = tpu.memref_squeeze %dma_start3A_269 : memref<1x1x1664xi32, #tpu.memory_space<vmem>> -> memref<1664xi32, #tpu.memory_space<vmem>>
    %dma_start3A_271 = tpu.memref_slice %arg2[%dma_start3A_264, %add3A_263] : memref<2x320000xi32, #tpu.memory_space<hbm>> -> memref<1x1664xi32, #tpu.memory_space<hbm>>
    %dma_start3A_272 = tpu.memref_squeeze %dma_start3A_271 : memref<1x1664xi32, #tpu.memory_space<hbm>> -> memref<1664xi32, #tpu.memory_space<hbm>>
    %dma_start3A_273 = tpu.memref_slice %arg10[%dma_start3A_267] : memref<2x!tpu.dma_semaphore, #tpu.memory_space<semaphore_mem>> -> memref<1x!tpu.dma_semaphore, #tpu.memory_space<semaphore_mem>>
    %dma_start3A_274 = tpu.memref_squeeze %dma_start3A_273 : memref<1x!tpu.dma_semaphore, #tpu.memory_space<semaphore_mem>> -> memref<!tpu.dma_semaphore, #tpu.memory_space<semaphore_mem>>
    %dma_start3A_275 = arith.constant 0 : i32
    %dma_start3A_276 = tpu.memref_slice %arg7[%dma_start3A_265, %dma_start3A_266, %dma_start3A_275] : memref<2x2x1664xi32, #tpu.memory_space<vmem>> -> memref<1x1x1664xi32, #tpu.memory_space<vmem>>
    %dma_start3A_277 = tpu.memref_squeeze %dma_start3A_276 : memref<1x1x1664xi32, #tpu.memory_space<vmem>> -> memref<1664xi32, #tpu.memory_space<vmem>>
    %dma_start3A_278 = tpu.memref_slice %arg2[%dma_start3A_264, %add3A_263] : memref<2x320000xi32, #tpu.memory_space<hbm>> -> memref<1x1664xi32, #tpu.memory_space<hbm>>
    %dma_start3A_279 = tpu.memref_squeeze %dma_start3A_278 : memref<1x1664xi32, #tpu.memory_space<hbm>> -> memref<1664xi32, #tpu.memory_space<hbm>>
    tpu.enqueue_dma source(%dma_start3A_279 : memref<1664xi32, #tpu.memory_space<hbm>>) target(%dma_start3A_277 : memref<1664xi32, #tpu.memory_space<vmem>>) target_semaphore(%dma_start3A_274 : memref<!tpu.dma_semaphore, #tpu.memory_space<semaphore_mem>>)
    %add3A_280 = arith.constant 8320 : i32
    %add3A_281 = arith.addi %mul3A_6, %add3A_280 : i32
    %dma_start3A_282 = arith.constant 1 : i32
    %dma_start3A_283 = arith.constant 1 : i32
    %dma_start3A_284 = arith.constant 1 : i32
    %dma_start3A_285 = arith.constant 1 : i32
    %dma_start3A_286 = arith.constant 0 : i32
    %dma_start3A_287 = tpu.memref_slice %arg7[%dma_start3A_283, %dma_start3A_284, %dma_start3A_286] : memref<2x2x1664xi32, #tpu.memory_space<vmem>> -> memref<1x1x1664xi32, #tpu.memory_space<vmem>>
    %dma_start3A_288 = tpu.memref_squeeze %dma_start3A_287 : memref<1x1x1664xi32, #tpu.memory_space<vmem>> -> memref<1664xi32, #tpu.memory_space<vmem>>
    %dma_start3A_289 = tpu.memref_slice %arg2[%dma_start3A_282, %add3A_281] : memref<2x320000xi32, #tpu.memory_space<hbm>> -> memref<1x1664xi32, #tpu.memory_space<hbm>>
    %dma_start3A_290 = tpu.memref_squeeze %dma_start3A_289 : memref<1x1664xi32, #tpu.memory_space<hbm>> -> memref<1664xi32, #tpu.memory_space<hbm>>
    %dma_start3A_291 = tpu.memref_slice %arg10[%dma_start3A_285] : memref<2x!tpu.dma_semaphore, #tpu.memory_space<semaphore_mem>> -> memref<1x!tpu.dma_semaphore, #tpu.memory_space<semaphore_mem>>
    %dma_start3A_292 = tpu.memref_squeeze %dma_start3A_291 : memref<1x!tpu.dma_semaphore, #tpu.memory_space<semaphore_mem>> -> memref<!tpu.dma_semaphore, #tpu.memory_space<semaphore_mem>>
    %dma_start3A_293 = arith.constant 0 : i32
    %dma_start3A_294 = tpu.memref_slice %arg7[%dma_start3A_283, %dma_start3A_284, %dma_start3A_293] : memref<2x2x1664xi32, #tpu.memory_space<vmem>> -> memref<1x1x1664xi32, #tpu.memory_space<vmem>>
    %dma_start3A_295 = tpu.memref_squeeze %dma_start3A_294 : memref<1x1x1664xi32, #tpu.memory_space<vmem>> -> memref<1664xi32, #tpu.memory_space<vmem>>
    %dma_start3A_296 = tpu.memref_slice %arg2[%dma_start3A_282, %add3A_281] : memref<2x320000xi32, #tpu.memory_space<hbm>> -> memref<1x1664xi32, #tpu.memory_space<hbm>>
    %dma_start3A_297 = tpu.memref_squeeze %dma_start3A_296 : memref<1x1664xi32, #tpu.memory_space<hbm>> -> memref<1664xi32, #tpu.memory_space<hbm>>
    tpu.enqueue_dma source(%dma_start3A_297 : memref<1664xi32, #tpu.memory_space<hbm>>) target(%dma_start3A_295 : memref<1664xi32, #tpu.memory_space<vmem>>) target_semaphore(%dma_start3A_292 : memref<!tpu.dma_semaphore, #tpu.memory_space<semaphore_mem>>)
    %scan3A_298 = arith.constant 0 : i32
    %scan3A_299 = arith.constant 0 : i32
    %scan3A_300 = arith.constant 13 : i32
    %scan3A_301 = arith.addi %scan3A_299, %scan3A_300 : i32
    %scan3A_302 = arith.constant 1 : i32
    scf.for %scan3A_320 = %scan3A_299 to %scan3A_301 step %scan3A_302  : i32 {
      %add3A_321 = arith.constant 52 : i32
      %add3A_322 = arith.addi %add3A_321, %scan3A_320 : i32
      %lt3A_323 = arith.constant 12 : i32
      %lt3A_324 = arith.cmpi slt, %scan3A_320, %lt3A_323 : i32
      %convert_element_type3A_325 = arith.extui %lt3A_324 : i1 to i32
      %cond3A_326 = arith.constant 0 : i32
      %cond3A_327 = arith.cmpi ne, %convert_element_type3A_325, %cond3A_326 : i32
      scf.if %cond3A_327 {
        %add3A_394 = arith.constant 1 : i32
        %add3A_395 = arith.addi %scan3A_320, %add3A_394 : i32
        %add3A_396 = arith.constant 1 : i32
        %add3A_397 = arith.addi %add3A_322, %add3A_396 : i32
        %mul3A_398 = arith.constant 128 : i32
        %mul3A_399 = arith.muli %add3A_395, %mul3A_398 : i32
        %jit3A_400 = arith.constant 2 : i32
        %eq3A_401 = arith.constant 0 : i32
        %eq3A_402 = arith.cmpi eq, %jit3A_400, %eq3A_401 : i32
        %jit3A_403 = arith.constant 1 : i32
        %select_n3A_404 = arith.select %eq3A_402, %jit3A_403, %jit3A_400 : i32
        %rem3A_405 = arith.remsi %add3A_397, %select_n3A_404 : i32
        %ne3A_406 = arith.constant 0 : i32
        %ne3A_407 = arith.cmpi ne, %rem3A_405, %ne3A_406 : i32
        %lt3A_408 = arith.constant 0 : i32
        %lt3A_409 = arith.cmpi slt, %rem3A_405, %lt3A_408 : i32
        %lt3A_410 = arith.constant 0 : i32
        %lt3A_411 = arith.cmpi slt, %select_n3A_404, %lt3A_410 : i32
        %ne3A_412 = arith.xori %lt3A_409, %lt3A_411 : i1
        %and3A_413 = arith.andi %ne3A_412, %ne3A_407 : i1
        %add3A_414 = arith.addi %rem3A_405, %select_n3A_404 : i32
        %select_n3A_415 = arith.select %and3A_413, %add3A_414, %rem3A_405 : i32
        %jit3A_416 = arith.constant 2 : i32
        %eq3A_417 = arith.constant 0 : i32
        %eq3A_418 = arith.cmpi eq, %jit3A_416, %eq3A_417 : i32
        %jit3A_419 = arith.constant 1 : i32
        %select_n3A_420 = arith.select %eq3A_418, %jit3A_419, %jit3A_416 : i32
        %rem3A_421 = arith.remsi %add3A_397, %select_n3A_420 : i32
        %ne3A_422 = arith.constant 0 : i32
        %ne3A_423 = arith.cmpi ne, %rem3A_421, %ne3A_422 : i32
        %lt3A_424 = arith.constant 0 : i32
        %lt3A_425 = arith.cmpi slt, %rem3A_421, %lt3A_424 : i32
        %lt3A_426 = arith.constant 0 : i32
        %lt3A_427 = arith.cmpi slt, %select_n3A_420, %lt3A_426 : i32
        %ne3A_428 = arith.xori %lt3A_425, %lt3A_427 : i1
        %and3A_429 = arith.andi %ne3A_428, %ne3A_423 : i1
        %add3A_430 = arith.addi %rem3A_421, %select_n3A_420 : i32
        %select_n3A_431 = arith.select %and3A_429, %add3A_430, %rem3A_421 : i32
        %dma_start3A_432 = arith.constant 0 : i32
        %dma_start3A_433 = arith.constant 0 : i32
        %dma_start3A_434 = arith.constant 0 : i32
        %dma_start3A_435 = arith.constant 0 : i32
        %dma_start3A_436 = tpu.memref_slice %arg8[%select_n3A_415, %dma_start3A_434, %dma_start3A_435] : memref<2x128x136xf32, #tpu.memory_space<vmem>> -> memref<1x128x136xf32, #tpu.memory_space<vmem>>
        %dma_start3A_437 = tpu.memref_squeeze %dma_start3A_436 : memref<1x128x136xf32, #tpu.memory_space<vmem>> -> memref<128x136xf32, #tpu.memory_space<vmem>>
        %dma_start3A_438 = tpu.memref_slice %arg7[%dma_start3A_432, %dma_start3A_433, %mul3A_399] : memref<2x2x1664xi32, #tpu.memory_space<vmem>> -> memref<1x1x128xi32, #tpu.memory_space<vmem>>
        %dma_start3A_439 = tpu.memref_squeeze %dma_start3A_438 : memref<1x1x128xi32, #tpu.memory_space<vmem>> -> memref<128xi32, #tpu.memory_space<vmem>>
        %dma_start3A_440 = arith.constant 0 : i32
        %dma_start3A_441 = arith.constant 0 : i32
        %dma_start3A_442 = tpu.memref_slice %arg3[%dma_start3A_440, %dma_start3A_441] : memref<10000x136xf32, #tpu.memory_space<hbm>> -> memref<10000x136xf32, #tpu.memory_space<hbm>>
        %dma_start3A_443 = tpu.memref_slice %arg9[%select_n3A_431] : memref<2x!tpu.dma_semaphore, #tpu.memory_space<semaphore_mem>> -> memref<1x!tpu.dma_semaphore, #tpu.memory_space<semaphore_mem>>
        %dma_start3A_444 = tpu.memref_squeeze %dma_start3A_443 : memref<1x!tpu.dma_semaphore, #tpu.memory_space<semaphore_mem>> -> memref<!tpu.dma_semaphore, #tpu.memory_space<semaphore_mem>>
        tpu.enqueue_indirect_dma source(%dma_start3A_442 : memref<10000x136xf32, #tpu.memory_space<hbm>>) target(%dma_start3A_437 : memref<128x136xf32, #tpu.memory_space<vmem>>) offsets(%dma_start3A_439 : memref<128xi32, #tpu.memory_space<vmem>>) semaphore(%dma_start3A_444 : memref<!tpu.dma_semaphore, #tpu.memory_space<semaphore_mem>>)
      } else {
      }
      %eq3A_328 = arith.constant 12 : i32
      %eq3A_329 = arith.cmpi eq, %scan3A_320, %eq3A_328 : i32
      %convert_element_type3A_330 = arith.extui %eq3A_329 : i1 to i32
      %cond3A_331 = arith.constant 0 : i32
      %cond3A_332 = arith.cmpi ne, %convert_element_type3A_330, %cond3A_331 : i32
      scf.if %cond3A_332 {
        %add3A_394 = arith.constant 8320 : i32
        %add3A_395 = arith.addi %mul3A_6, %add3A_394 : i32
        %dma_wait3A_396 = arith.constant 0 : i32
        %dma_wait3A_397 = arith.constant 1 : i32
        %dma_wait3A_398 = arith.constant 0 : i32
        %dma_wait3A_399 = arith.constant 1 : i32
        %dma_wait3A_400 = arith.constant 0 : i32
        %dma_wait3A_401 = tpu.memref_slice %arg7[%dma_wait3A_397, %dma_wait3A_398, %dma_wait3A_400] : memref<2x2x1664xi32, #tpu.memory_space<vmem>> -> memref<1x1x1664xi32, #tpu.memory_space<vmem>>
        %dma_wait3A_402 = tpu.memref_squeeze %dma_wait3A_401 : memref<1x1x1664xi32, #tpu.memory_space<vmem>> -> memref<1664xi32, #tpu.memory_space<vmem>>
        %dma_wait3A_403 = tpu.memref_slice %arg2[%dma_wait3A_396, %add3A_395] : memref<2x320000xi32, #tpu.memory_space<hbm>> -> memref<1x1664xi32, #tpu.memory_space<hbm>>
        %dma_wait3A_404 = tpu.memref_squeeze %dma_wait3A_403 : memref<1x1664xi32, #tpu.memory_space<hbm>> -> memref<1664xi32, #tpu.memory_space<hbm>>
        %dma_wait3A_405 = tpu.memref_slice %arg10[%dma_wait3A_399] : memref<2x!tpu.dma_semaphore, #tpu.memory_space<semaphore_mem>> -> memref<1x!tpu.dma_semaphore, #tpu.memory_space<semaphore_mem>>
        %dma_wait3A_406 = tpu.memref_squeeze %dma_wait3A_405 : memref<1x!tpu.dma_semaphore, #tpu.memory_space<semaphore_mem>> -> memref<!tpu.dma_semaphore, #tpu.memory_space<semaphore_mem>>
        %dma_wait3A_407 = arith.constant 0 : i32
        %dma_wait3A_408 = tpu.memref_slice %arg7[%dma_wait3A_397, %dma_wait3A_398, %dma_wait3A_407] : memref<2x2x1664xi32, #tpu.memory_space<vmem>> -> memref<1x1x1664xi32, #tpu.memory_space<vmem>>
        %dma_wait3A_409 = tpu.memref_squeeze %dma_wait3A_408 : memref<1x1x1664xi32, #tpu.memory_space<vmem>> -> memref<1664xi32, #tpu.memory_space<vmem>>
        %dma_wait3A_410 = tpu.memref_slice %arg2[%dma_wait3A_396, %add3A_395] : memref<2x320000xi32, #tpu.memory_space<hbm>> -> memref<1x1664xi32, #tpu.memory_space<hbm>>
        %dma_wait3A_411 = tpu.memref_squeeze %dma_wait3A_410 : memref<1x1664xi32, #tpu.memory_space<hbm>> -> memref<1664xi32, #tpu.memory_space<hbm>>
        tpu.wait_dma2 semaphore(%dma_wait3A_406 : memref<!tpu.dma_semaphore, #tpu.memory_space<semaphore_mem>>) src(%dma_wait3A_411 : memref<1664xi32, #tpu.memory_space<hbm>>) dst(%dma_wait3A_409 : memref<1664xi32, #tpu.memory_space<vmem>>)
        %add3A_412 = arith.constant 8320 : i32
        %add3A_413 = arith.addi %mul3A_6, %add3A_412 : i32
        %dma_wait3A_414 = arith.constant 1 : i32
        %dma_wait3A_415 = arith.constant 1 : i32
        %dma_wait3A_416 = arith.constant 1 : i32
        %dma_wait3A_417 = arith.constant 1 : i32
        %dma_wait3A_418 = arith.constant 0 : i32
        %dma_wait3A_419 = tpu.memref_slice %arg7[%dma_wait3A_415, %dma_wait3A_416, %dma_wait3A_418] : memref<2x2x1664xi32, #tpu.memory_space<vmem>> -> memref<1x1x1664xi32, #tpu.memory_space<vmem>>
        %dma_wait3A_420 = tpu.memref_squeeze %dma_wait3A_419 : memref<1x1x1664xi32, #tpu.memory_space<vmem>> -> memref<1664xi32, #tpu.memory_space<vmem>>
        %dma_wait3A_421 = tpu.memref_slice %arg2[%dma_wait3A_414, %add3A_413] : memref<2x320000xi32, #tpu.memory_space<hbm>> -> memref<1x1664xi32, #tpu.memory_space<hbm>>
        %dma_wait3A_422 = tpu.memref_squeeze %dma_wait3A_421 : memref<1x1664xi32, #tpu.memory_space<hbm>> -> memref<1664xi32, #tpu.memory_space<hbm>>
        %dma_wait3A_423 = tpu.memref_slice %arg10[%dma_wait3A_417] : memref<2x!tpu.dma_semaphore, #tpu.memory_space<semaphore_mem>> -> memref<1x!tpu.dma_semaphore, #tpu.memory_space<semaphore_mem>>
        %dma_wait3A_424 = tpu.memref_squeeze %dma_wait3A_423 : memref<1x!tpu.dma_semaphore, #tpu.memory_space<semaphore_mem>> -> memref<!tpu.dma_semaphore, #tpu.memory_space<semaphore_mem>>
        %dma_wait3A_425 = arith.constant 0 : i32
        %dma_wait3A_426 = tpu.memref_slice %arg7[%dma_wait3A_415, %dma_wait3A_416, %dma_wait3A_425] : memref<2x2x1664xi32, #tpu.memory_space<vmem>> -> memref<1x1x1664xi32, #tpu.memory_space<vmem>>
        %dma_wait3A_427 = tpu.memref_squeeze %dma_wait3A_426 : memref<1x1x1664xi32, #tpu.memory_space<vmem>> -> memref<1664xi32, #tpu.memory_space<vmem>>
        %dma_wait3A_428 = tpu.memref_slice %arg2[%dma_wait3A_414, %add3A_413] : memref<2x320000xi32, #tpu.memory_space<hbm>> -> memref<1x1664xi32, #tpu.memory_space<hbm>>
        %dma_wait3A_429 = tpu.memref_squeeze %dma_wait3A_428 : memref<1x1664xi32, #tpu.memory_space<hbm>> -> memref<1664xi32, #tpu.memory_space<hbm>>
        tpu.wait_dma2 semaphore(%dma_wait3A_424 : memref<!tpu.dma_semaphore, #tpu.memory_space<semaphore_mem>>) src(%dma_wait3A_429 : memref<1664xi32, #tpu.memory_space<hbm>>) dst(%dma_wait3A_427 : memref<1664xi32, #tpu.memory_space<vmem>>)
        %add3A_430 = arith.constant 1 : i32
        %add3A_431 = arith.addi %add3A_322, %add3A_430 : i32
        %jit3A_432 = arith.constant 2 : i32
        %eq3A_433 = arith.constant 0 : i32
        %eq3A_434 = arith.cmpi eq, %jit3A_432, %eq3A_433 : i32
        %jit3A_435 = arith.constant 1 : i32
        %select_n3A_436 = arith.select %eq3A_434, %jit3A_435, %jit3A_432 : i32
        %rem3A_437 = arith.remsi %add3A_431, %select_n3A_436 : i32
        %ne3A_438 = arith.constant 0 : i32
        %ne3A_439 = arith.cmpi ne, %rem3A_437, %ne3A_438 : i32
        %lt3A_440 = arith.constant 0 : i32
        %lt3A_441 = arith.cmpi slt, %rem3A_437, %lt3A_440 : i32
        %lt3A_442 = arith.constant 0 : i32
        %lt3A_443 = arith.cmpi slt, %select_n3A_436, %lt3A_442 : i32
        %ne3A_444 = arith.xori %lt3A_441, %lt3A_443 : i1
        %and3A_445 = arith.andi %ne3A_444, %ne3A_439 : i1
        %add3A_446 = arith.addi %rem3A_437, %select_n3A_436 : i32
        %select_n3A_447 = arith.select %and3A_445, %add3A_446, %rem3A_437 : i32
        %jit3A_448 = arith.constant 2 : i32
        %eq3A_449 = arith.constant 0 : i32
        %eq3A_450 = arith.cmpi eq, %jit3A_448, %eq3A_449 : i32
        %jit3A_451 = arith.constant 1 : i32
        %select_n3A_452 = arith.select %eq3A_450, %jit3A_451, %jit3A_448 : i32
        %rem3A_453 = arith.remsi %add3A_431, %select_n3A_452 : i32
        %ne3A_454 = arith.constant 0 : i32
        %ne3A_455 = arith.cmpi ne, %rem3A_453, %ne3A_454 : i32
        %lt3A_456 = arith.constant 0 : i32
        %lt3A_457 = arith.cmpi slt, %rem3A_453, %lt3A_456 : i32
        %lt3A_458 = arith.constant 0 : i32
        %lt3A_459 = arith.cmpi slt, %select_n3A_452, %lt3A_458 : i32
        %ne3A_460 = arith.xori %lt3A_457, %lt3A_459 : i1
        %and3A_461 = arith.andi %ne3A_460, %ne3A_455 : i1
        %add3A_462 = arith.addi %rem3A_453, %select_n3A_452 : i32
        %select_n3A_463 = arith.select %and3A_461, %add3A_462, %rem3A_453 : i32
        %dma_start3A_464 = arith.constant 1 : i32
        %dma_start3A_465 = arith.constant 0 : i32
        %dma_start3A_466 = arith.constant 0 : i32
        %dma_start3A_467 = arith.constant 0 : i32
        %dma_start3A_468 = tpu.memref_slice %arg8[%select_n3A_447, %dma_start3A_466, %dma_start3A_467] : memref<2x128x136xf32, #tpu.memory_space<vmem>> -> memref<1x128x136xf32, #tpu.memory_space<vmem>>
        %dma_start3A_469 = tpu.memref_squeeze %dma_start3A_468 : memref<1x128x136xf32, #tpu.memory_space<vmem>> -> memref<128x136xf32, #tpu.memory_space<vmem>>
        %dma_start3A_470 = arith.constant 0 : i32
        %dma_start3A_471 = tpu.memref_slice %arg7[%dma_start3A_464, %dma_start3A_465, %dma_start3A_470] : memref<2x2x1664xi32, #tpu.memory_space<vmem>> -> memref<1x1x128xi32, #tpu.memory_space<vmem>>
        %dma_start3A_472 = tpu.memref_squeeze %dma_start3A_471 : memref<1x1x128xi32, #tpu.memory_space<vmem>> -> memref<128xi32, #tpu.memory_space<vmem>>
        %dma_start3A_473 = arith.constant 0 : i32
        %dma_start3A_474 = arith.constant 0 : i32
        %dma_start3A_475 = tpu.memref_slice %arg3[%dma_start3A_473, %dma_start3A_474] : memref<10000x136xf32, #tpu.memory_space<hbm>> -> memref<10000x136xf32, #tpu.memory_space<hbm>>
        %dma_start3A_476 = tpu.memref_slice %arg9[%select_n3A_463] : memref<2x!tpu.dma_semaphore, #tpu.memory_space<semaphore_mem>> -> memref<1x!tpu.dma_semaphore, #tpu.memory_space<semaphore_mem>>
        %dma_start3A_477 = tpu.memref_squeeze %dma_start3A_476 : memref<1x!tpu.dma_semaphore, #tpu.memory_space<semaphore_mem>> -> memref<!tpu.dma_semaphore, #tpu.memory_space<semaphore_mem>>
        tpu.enqueue_indirect_dma source(%dma_start3A_475 : memref<10000x136xf32, #tpu.memory_space<hbm>>) target(%dma_start3A_469 : memref<128x136xf32, #tpu.memory_space<vmem>>) offsets(%dma_start3A_472 : memref<128xi32, #tpu.memory_space<vmem>>) semaphore(%dma_start3A_477 : memref<!tpu.dma_semaphore, #tpu.memory_space<semaphore_mem>>)
      } else {
      }
      %mul3A_333 = arith.constant 128 : i32
      %mul3A_334 = arith.muli %scan3A_320, %mul3A_333 : i32
      %jit3A = arith.constant 2 : i32
      %eq3A_335 = arith.constant 0 : i32
      %eq3A_336 = arith.cmpi eq, %jit3A, %eq3A_335 : i32
      %jit3A_337 = arith.constant 1 : i32
      %select_n3A = arith.select %eq3A_336, %jit3A_337, %jit3A : i32
      %rem3A = arith.remsi %add3A_322, %select_n3A : i32
      %ne3A = arith.constant 0 : i32
      %ne3A_338 = arith.cmpi ne, %rem3A, %ne3A : i32
      %lt3A_339 = arith.constant 0 : i32
      %lt3A_340 = arith.cmpi slt, %rem3A, %lt3A_339 : i32
      %lt3A_341 = arith.constant 0 : i32
      %lt3A_342 = arith.cmpi slt, %select_n3A, %lt3A_341 : i32
      %ne3A_343 = arith.xori %lt3A_340, %lt3A_342 : i1
      %and3A = arith.andi %ne3A_343, %ne3A_338 : i1
      %add3A_344 = arith.addi %rem3A, %select_n3A : i32
      %select_n3A_345 = arith.select %and3A, %add3A_344, %rem3A : i32
      %jit3A_346 = arith.constant 2 : i32
      %eq3A_347 = arith.constant 0 : i32
      %eq3A_348 = arith.cmpi eq, %jit3A_346, %eq3A_347 : i32
      %jit3A_349 = arith.constant 1 : i32
      %select_n3A_350 = arith.select %eq3A_348, %jit3A_349, %jit3A_346 : i32
      %rem3A_351 = arith.remsi %add3A_322, %select_n3A_350 : i32
      %ne3A_352 = arith.constant 0 : i32
      %ne3A_353 = arith.cmpi ne, %rem3A_351, %ne3A_352 : i32
      %lt3A_354 = arith.constant 0 : i32
      %lt3A_355 = arith.cmpi slt, %rem3A_351, %lt3A_354 : i32
      %lt3A_356 = arith.constant 0 : i32
      %lt3A_357 = arith.cmpi slt, %select_n3A_350, %lt3A_356 : i32
      %ne3A_358 = arith.xori %lt3A_355, %lt3A_357 : i1
      %and3A_359 = arith.andi %ne3A_358, %ne3A_353 : i1
      %add3A_360 = arith.addi %rem3A_351, %select_n3A_350 : i32
      %select_n3A_361 = arith.select %and3A_359, %add3A_360, %rem3A_351 : i32
      %dma_wait3A_362 = arith.constant 0 : i32
      %dma_wait3A_363 = arith.constant 0 : i32
      %dma_wait3A_364 = arith.constant 0 : i32
      %dma_wait3A_365 = arith.constant 0 : i32
      %dma_wait3A_366 = tpu.memref_slice %arg8[%select_n3A_345, %dma_wait3A_364, %dma_wait3A_365] : memref<2x128x136xf32, #tpu.memory_space<vmem>> -> memref<1x128x136xf32, #tpu.memory_space<vmem>>
      %dma_wait3A_367 = tpu.memref_squeeze %dma_wait3A_366 : memref<1x128x136xf32, #tpu.memory_space<vmem>> -> memref<128x136xf32, #tpu.memory_space<vmem>>
      %dma_wait3A_368 = tpu.memref_slice %arg7[%dma_wait3A_362, %dma_wait3A_363, %mul3A_334] : memref<2x2x1664xi32, #tpu.memory_space<vmem>> -> memref<1x1x128xi32, #tpu.memory_space<vmem>>
      %dma_wait3A_369 = tpu.memref_squeeze %dma_wait3A_368 : memref<1x1x128xi32, #tpu.memory_space<vmem>> -> memref<128xi32, #tpu.memory_space<vmem>>
      %dma_wait3A_370 = arith.constant 0 : i32
      %dma_wait3A_371 = arith.constant 0 : i32
      %dma_wait3A_372 = tpu.memref_slice %arg3[%dma_wait3A_370, %dma_wait3A_371] : memref<10000x136xf32, #tpu.memory_space<hbm>> -> memref<10000x136xf32, #tpu.memory_space<hbm>>
      %dma_wait3A_373 = tpu.memref_slice %arg9[%select_n3A_361] : memref<2x!tpu.dma_semaphore, #tpu.memory_space<semaphore_mem>> -> memref<1x!tpu.dma_semaphore, #tpu.memory_space<semaphore_mem>>
      %dma_wait3A_374 = tpu.memref_squeeze %dma_wait3A_373 : memref<1x!tpu.dma_semaphore, #tpu.memory_space<semaphore_mem>> -> memref<!tpu.dma_semaphore, #tpu.memory_space<semaphore_mem>>
      tpu.wait_indirect_dma semaphore(%dma_wait3A_374 : memref<!tpu.dma_semaphore, #tpu.memory_space<semaphore_mem>>) src(%dma_wait3A_372 : memref<10000x136xf32, #tpu.memory_space<hbm>>) dst(%dma_wait3A_367 : memref<128x136xf32, #tpu.memory_space<vmem>>)
      %jit3A_375 = arith.constant 2 : i32
      %eq3A_376 = arith.constant 0 : i32
      %eq3A_377 = arith.cmpi eq, %jit3A_375, %eq3A_376 : i32
      %jit3A_378 = arith.constant 1 : i32
      %select_n3A_379 = arith.select %eq3A_377, %jit3A_378, %jit3A_375 : i32
      %rem3A_380 = arith.remsi %add3A_322, %select_n3A_379 : i32
      %ne3A_381 = arith.constant 0 : i32
      %ne3A_382 = arith.cmpi ne, %rem3A_380, %ne3A_381 : i32
      %lt3A_383 = arith.constant 0 : i32
      %lt3A_384 = arith.cmpi slt, %rem3A_380, %lt3A_383 : i32
      %lt3A_385 = arith.constant 0 : i32
      %lt3A_386 = arith.cmpi slt, %select_n3A_379, %lt3A_385 : i32
      %ne3A_387 = arith.xori %lt3A_384, %lt3A_386 : i1
      %and3A_388 = arith.andi %ne3A_387, %ne3A_382 : i1
      %add3A_389 = arith.addi %rem3A_380, %select_n3A_379 : i32
      %select_n3A_390 = arith.select %and3A_388, %add3A_389, %rem3A_380 : i32
      %mul3A_391 = arith.constant 128 : i32
      %mul3A_392 = arith.muli %scan3A_320, %mul3A_391 : i32
      %run_scoped3A = arith.constant 0 : i32
      %run_scoped3A_393 = arith.constant 1 : i32
      "tpu.region"() ({
        %run_scoped3A_394 = tpu.sem_alloc : memref<!tpu.dma_semaphore, #tpu.memory_space<semaphore_mem>>
        %dma_start3A_395 = arith.constant 0 : i32
        %dma_start3A_396 = arith.constant 0 : i32
        %dma_start3A_397 = tpu.memref_slice %arg8[%select_n3A_390, %dma_start3A_395, %dma_start3A_396] : memref<2x128x136xf32, #tpu.memory_space<vmem>> -> memref<1x128x136xf32, #tpu.memory_space<vmem>>
        %dma_start3A_398 = tpu.memref_squeeze %dma_start3A_397 : memref<1x128x136xf32, #tpu.memory_space<vmem>> -> memref<128x136xf32, #tpu.memory_space<vmem>>
        %dma_start3A_399 = tpu.memref_slice %arg7[%run_scoped3A, %run_scoped3A_393, %mul3A_392] : memref<2x2x1664xi32, #tpu.memory_space<vmem>> -> memref<1x1x128xi32, #tpu.memory_space<vmem>>
        %dma_start3A_400 = tpu.memref_squeeze %dma_start3A_399 : memref<1x1x128xi32, #tpu.memory_space<vmem>> -> memref<128xi32, #tpu.memory_space<vmem>>
        %dma_start3A_401 = arith.constant 0 : i32
        %dma_start3A_402 = arith.constant 0 : i32
        %dma_start3A_403 = tpu.memref_slice %arg11[%dma_start3A_401, %dma_start3A_402] : memref<10000x136xf32, #tpu.memory_space<vmem_shared>> -> memref<10000x136xf32, #tpu.memory_space<vmem_shared>>
        tpu.enqueue_indirect_dma source(%dma_start3A_398 : memref<128x136xf32, #tpu.memory_space<vmem>>) target(%dma_start3A_403 : memref<10000x136xf32, #tpu.memory_space<vmem_shared>>) offsets(%dma_start3A_400 : memref<128xi32, #tpu.memory_space<vmem>>) semaphore(%run_scoped3A_394 : memref<!tpu.dma_semaphore, #tpu.memory_space<semaphore_mem>>) {add = true}
        %dma_wait3A_404 = arith.constant 0 : i32
        %dma_wait3A_405 = arith.constant 0 : i32
        %dma_wait3A_406 = tpu.memref_slice %arg8[%select_n3A_390, %dma_wait3A_404, %dma_wait3A_405] : memref<2x128x136xf32, #tpu.memory_space<vmem>> -> memref<1x128x136xf32, #tpu.memory_space<vmem>>
        %dma_wait3A_407 = tpu.memref_squeeze %dma_wait3A_406 : memref<1x128x136xf32, #tpu.memory_space<vmem>> -> memref<128x136xf32, #tpu.memory_space<vmem>>
        %dma_wait3A_408 = tpu.memref_slice %arg7[%run_scoped3A, %run_scoped3A_393, %mul3A_392] : memref<2x2x1664xi32, #tpu.memory_space<vmem>> -> memref<1x1x128xi32, #tpu.memory_space<vmem>>
        %dma_wait3A_409 = tpu.memref_squeeze %dma_wait3A_408 : memref<1x1x128xi32, #tpu.memory_space<vmem>> -> memref<128xi32, #tpu.memory_space<vmem>>
        %dma_wait3A_410 = arith.constant 0 : i32
        %dma_wait3A_411 = arith.constant 0 : i32
        %dma_wait3A_412 = tpu.memref_slice %arg11[%dma_wait3A_410, %dma_wait3A_411] : memref<10000x136xf32, #tpu.memory_space<vmem_shared>> -> memref<10000x136xf32, #tpu.memory_space<vmem_shared>>
        tpu.wait_indirect_dma semaphore(%run_scoped3A_394 : memref<!tpu.dma_semaphore, #tpu.memory_space<semaphore_mem>>) src(%dma_wait3A_407 : memref<128x136xf32, #tpu.memory_space<vmem>>) dst(%dma_wait3A_412 : memref<10000x136xf32, #tpu.memory_space<vmem_shared>>)
        tpu.yield
      }) : () -> ()
    }
    %scan3A_303 = arith.constant 13 : i32
    %scan3A_304 = arith.constant 0 : i32
    %scan3A_305 = arith.constant 0 : i32
    %scan3A_306 = arith.constant 13 : i32
    %scan3A_307 = arith.addi %scan3A_305, %scan3A_306 : i32
    %scan3A_308 = arith.constant 1 : i32
    scf.for %scan3A_320 = %scan3A_305 to %scan3A_307 step %scan3A_308  : i32 {
      %add3A_321 = arith.constant 65 : i32
      %add3A_322 = arith.addi %add3A_321, %scan3A_320 : i32
      %lt3A_323 = arith.constant 12 : i32
      %lt3A_324 = arith.cmpi slt, %scan3A_320, %lt3A_323 : i32
      %convert_element_type3A_325 = arith.extui %lt3A_324 : i1 to i32
      %cond3A_326 = arith.constant 0 : i32
      %cond3A_327 = arith.cmpi ne, %convert_element_type3A_325, %cond3A_326 : i32
      scf.if %cond3A_327 {
        %add3A_389 = arith.constant 1 : i32
        %add3A_390 = arith.addi %scan3A_320, %add3A_389 : i32
        %add3A_391 = arith.constant 1 : i32
        %add3A_392 = arith.addi %add3A_322, %add3A_391 : i32
        %mul3A_393 = arith.constant 128 : i32
        %mul3A_394 = arith.muli %add3A_390, %mul3A_393 : i32
        %jit3A_395 = arith.constant 2 : i32
        %eq3A_396 = arith.constant 0 : i32
        %eq3A_397 = arith.cmpi eq, %jit3A_395, %eq3A_396 : i32
        %jit3A_398 = arith.constant 1 : i32
        %select_n3A_399 = arith.select %eq3A_397, %jit3A_398, %jit3A_395 : i32
        %rem3A_400 = arith.remsi %add3A_392, %select_n3A_399 : i32
        %ne3A_401 = arith.constant 0 : i32
        %ne3A_402 = arith.cmpi ne, %rem3A_400, %ne3A_401 : i32
        %lt3A_403 = arith.constant 0 : i32
        %lt3A_404 = arith.cmpi slt, %rem3A_400, %lt3A_403 : i32
        %lt3A_405 = arith.constant 0 : i32
        %lt3A_406 = arith.cmpi slt, %select_n3A_399, %lt3A_405 : i32
        %ne3A_407 = arith.xori %lt3A_404, %lt3A_406 : i1
        %and3A_408 = arith.andi %ne3A_407, %ne3A_402 : i1
        %add3A_409 = arith.addi %rem3A_400, %select_n3A_399 : i32
        %select_n3A_410 = arith.select %and3A_408, %add3A_409, %rem3A_400 : i32
        %jit3A_411 = arith.constant 2 : i32
        %eq3A_412 = arith.constant 0 : i32
        %eq3A_413 = arith.cmpi eq, %jit3A_411, %eq3A_412 : i32
        %jit3A_414 = arith.constant 1 : i32
        %select_n3A_415 = arith.select %eq3A_413, %jit3A_414, %jit3A_411 : i32
        %rem3A_416 = arith.remsi %add3A_392, %select_n3A_415 : i32
        %ne3A_417 = arith.constant 0 : i32
        %ne3A_418 = arith.cmpi ne, %rem3A_416, %ne3A_417 : i32
        %lt3A_419 = arith.constant 0 : i32
        %lt3A_420 = arith.cmpi slt, %rem3A_416, %lt3A_419 : i32
        %lt3A_421 = arith.constant 0 : i32
        %lt3A_422 = arith.cmpi slt, %select_n3A_415, %lt3A_421 : i32
        %ne3A_423 = arith.xori %lt3A_420, %lt3A_422 : i1
        %and3A_424 = arith.andi %ne3A_423, %ne3A_418 : i1
        %add3A_425 = arith.addi %rem3A_416, %select_n3A_415 : i32
        %select_n3A_426 = arith.select %and3A_424, %add3A_425, %rem3A_416 : i32
        %dma_start3A_427 = arith.constant 1 : i32
        %dma_start3A_428 = arith.constant 0 : i32
        %dma_start3A_429 = arith.constant 0 : i32
        %dma_start3A_430 = arith.constant 0 : i32
        %dma_start3A_431 = tpu.memref_slice %arg8[%select_n3A_410, %dma_start3A_429, %dma_start3A_430] : memref<2x128x136xf32, #tpu.memory_space<vmem>> -> memref<1x128x136xf32, #tpu.memory_space<vmem>>
        %dma_start3A_432 = tpu.memref_squeeze %dma_start3A_431 : memref<1x128x136xf32, #tpu.memory_space<vmem>> -> memref<128x136xf32, #tpu.memory_space<vmem>>
        %dma_start3A_433 = tpu.memref_slice %arg7[%dma_start3A_427, %dma_start3A_428, %mul3A_394] : memref<2x2x1664xi32, #tpu.memory_space<vmem>> -> memref<1x1x128xi32, #tpu.memory_space<vmem>>
        %dma_start3A_434 = tpu.memref_squeeze %dma_start3A_433 : memref<1x1x128xi32, #tpu.memory_space<vmem>> -> memref<128xi32, #tpu.memory_space<vmem>>
        %dma_start3A_435 = arith.constant 0 : i32
        %dma_start3A_436 = arith.constant 0 : i32
        %dma_start3A_437 = tpu.memref_slice %arg3[%dma_start3A_435, %dma_start3A_436] : memref<10000x136xf32, #tpu.memory_space<hbm>> -> memref<10000x136xf32, #tpu.memory_space<hbm>>
        %dma_start3A_438 = tpu.memref_slice %arg9[%select_n3A_426] : memref<2x!tpu.dma_semaphore, #tpu.memory_space<semaphore_mem>> -> memref<1x!tpu.dma_semaphore, #tpu.memory_space<semaphore_mem>>
        %dma_start3A_439 = tpu.memref_squeeze %dma_start3A_438 : memref<1x!tpu.dma_semaphore, #tpu.memory_space<semaphore_mem>> -> memref<!tpu.dma_semaphore, #tpu.memory_space<semaphore_mem>>
        tpu.enqueue_indirect_dma source(%dma_start3A_437 : memref<10000x136xf32, #tpu.memory_space<hbm>>) target(%dma_start3A_432 : memref<128x136xf32, #tpu.memory_space<vmem>>) offsets(%dma_start3A_434 : memref<128xi32, #tpu.memory_space<vmem>>) semaphore(%dma_start3A_439 : memref<!tpu.dma_semaphore, #tpu.memory_space<semaphore_mem>>)
      } else {
      }
      %mul3A_328 = arith.constant 128 : i32
      %mul3A_329 = arith.muli %scan3A_320, %mul3A_328 : i32
      %jit3A = arith.constant 2 : i32
      %eq3A_330 = arith.constant 0 : i32
      %eq3A_331 = arith.cmpi eq, %jit3A, %eq3A_330 : i32
      %jit3A_332 = arith.constant 1 : i32
      %select_n3A = arith.select %eq3A_331, %jit3A_332, %jit3A : i32
      %rem3A = arith.remsi %add3A_322, %select_n3A : i32
      %ne3A = arith.constant 0 : i32
      %ne3A_333 = arith.cmpi ne, %rem3A, %ne3A : i32
      %lt3A_334 = arith.constant 0 : i32
      %lt3A_335 = arith.cmpi slt, %rem3A, %lt3A_334 : i32
      %lt3A_336 = arith.constant 0 : i32
      %lt3A_337 = arith.cmpi slt, %select_n3A, %lt3A_336 : i32
      %ne3A_338 = arith.xori %lt3A_335, %lt3A_337 : i1
      %and3A = arith.andi %ne3A_338, %ne3A_333 : i1
      %add3A_339 = arith.addi %rem3A, %select_n3A : i32
      %select_n3A_340 = arith.select %and3A, %add3A_339, %rem3A : i32
      %jit3A_341 = arith.constant 2 : i32
      %eq3A_342 = arith.constant 0 : i32
      %eq3A_343 = arith.cmpi eq, %jit3A_341, %eq3A_342 : i32
      %jit3A_344 = arith.constant 1 : i32
      %select_n3A_345 = arith.select %eq3A_343, %jit3A_344, %jit3A_341 : i32
      %rem3A_346 = arith.remsi %add3A_322, %select_n3A_345 : i32
      %ne3A_347 = arith.constant 0 : i32
      %ne3A_348 = arith.cmpi ne, %rem3A_346, %ne3A_347 : i32
      %lt3A_349 = arith.constant 0 : i32
      %lt3A_350 = arith.cmpi slt, %rem3A_346, %lt3A_349 : i32
      %lt3A_351 = arith.constant 0 : i32
      %lt3A_352 = arith.cmpi slt, %select_n3A_345, %lt3A_351 : i32
      %ne3A_353 = arith.xori %lt3A_350, %lt3A_352 : i1
      %and3A_354 = arith.andi %ne3A_353, %ne3A_348 : i1
      %add3A_355 = arith.addi %rem3A_346, %select_n3A_345 : i32
      %select_n3A_356 = arith.select %and3A_354, %add3A_355, %rem3A_346 : i32
      %dma_wait3A_357 = arith.constant 1 : i32
      %dma_wait3A_358 = arith.constant 0 : i32
      %dma_wait3A_359 = arith.constant 0 : i32
      %dma_wait3A_360 = arith.constant 0 : i32
      %dma_wait3A_361 = tpu.memref_slice %arg8[%select_n3A_340, %dma_wait3A_359, %dma_wait3A_360] : memref<2x128x136xf32, #tpu.memory_space<vmem>> -> memref<1x128x136xf32, #tpu.memory_space<vmem>>
      %dma_wait3A_362 = tpu.memref_squeeze %dma_wait3A_361 : memref<1x128x136xf32, #tpu.memory_space<vmem>> -> memref<128x136xf32, #tpu.memory_space<vmem>>
      %dma_wait3A_363 = tpu.memref_slice %arg7[%dma_wait3A_357, %dma_wait3A_358, %mul3A_329] : memref<2x2x1664xi32, #tpu.memory_space<vmem>> -> memref<1x1x128xi32, #tpu.memory_space<vmem>>
      %dma_wait3A_364 = tpu.memref_squeeze %dma_wait3A_363 : memref<1x1x128xi32, #tpu.memory_space<vmem>> -> memref<128xi32, #tpu.memory_space<vmem>>
      %dma_wait3A_365 = arith.constant 0 : i32
      %dma_wait3A_366 = arith.constant 0 : i32
      %dma_wait3A_367 = tpu.memref_slice %arg3[%dma_wait3A_365, %dma_wait3A_366] : memref<10000x136xf32, #tpu.memory_space<hbm>> -> memref<10000x136xf32, #tpu.memory_space<hbm>>
      %dma_wait3A_368 = tpu.memref_slice %arg9[%select_n3A_356] : memref<2x!tpu.dma_semaphore, #tpu.memory_space<semaphore_mem>> -> memref<1x!tpu.dma_semaphore, #tpu.memory_space<semaphore_mem>>
      %dma_wait3A_369 = tpu.memref_squeeze %dma_wait3A_368 : memref<1x!tpu.dma_semaphore, #tpu.memory_space<semaphore_mem>> -> memref<!tpu.dma_semaphore, #tpu.memory_space<semaphore_mem>>
      tpu.wait_indirect_dma semaphore(%dma_wait3A_369 : memref<!tpu.dma_semaphore, #tpu.memory_space<semaphore_mem>>) src(%dma_wait3A_367 : memref<10000x136xf32, #tpu.memory_space<hbm>>) dst(%dma_wait3A_362 : memref<128x136xf32, #tpu.memory_space<vmem>>)
      %jit3A_370 = arith.constant 2 : i32
      %eq3A_371 = arith.constant 0 : i32
      %eq3A_372 = arith.cmpi eq, %jit3A_370, %eq3A_371 : i32
      %jit3A_373 = arith.constant 1 : i32
      %select_n3A_374 = arith.select %eq3A_372, %jit3A_373, %jit3A_370 : i32
      %rem3A_375 = arith.remsi %add3A_322, %select_n3A_374 : i32
      %ne3A_376 = arith.constant 0 : i32
      %ne3A_377 = arith.cmpi ne, %rem3A_375, %ne3A_376 : i32
      %lt3A_378 = arith.constant 0 : i32
      %lt3A_379 = arith.cmpi slt, %rem3A_375, %lt3A_378 : i32
      %lt3A_380 = arith.constant 0 : i32
      %lt3A_381 = arith.cmpi slt, %select_n3A_374, %lt3A_380 : i32
      %ne3A_382 = arith.xori %lt3A_379, %lt3A_381 : i1
      %and3A_383 = arith.andi %ne3A_382, %ne3A_377 : i1
      %add3A_384 = arith.addi %rem3A_375, %select_n3A_374 : i32
      %select_n3A_385 = arith.select %and3A_383, %add3A_384, %rem3A_375 : i32
      %mul3A_386 = arith.constant 128 : i32
      %mul3A_387 = arith.muli %scan3A_320, %mul3A_386 : i32
      %run_scoped3A = arith.constant 1 : i32
      %run_scoped3A_388 = arith.constant 1 : i32
      "tpu.region"() ({
        %run_scoped3A_389 = tpu.sem_alloc : memref<!tpu.dma_semaphore, #tpu.memory_space<semaphore_mem>>
        %dma_start3A_390 = arith.constant 0 : i32
        %dma_start3A_391 = arith.constant 0 : i32
        %dma_start3A_392 = tpu.memref_slice %arg8[%select_n3A_385, %dma_start3A_390, %dma_start3A_391] : memref<2x128x136xf32, #tpu.memory_space<vmem>> -> memref<1x128x136xf32, #tpu.memory_space<vmem>>
        %dma_start3A_393 = tpu.memref_squeeze %dma_start3A_392 : memref<1x128x136xf32, #tpu.memory_space<vmem>> -> memref<128x136xf32, #tpu.memory_space<vmem>>
        %dma_start3A_394 = tpu.memref_slice %arg7[%run_scoped3A, %run_scoped3A_388, %mul3A_387] : memref<2x2x1664xi32, #tpu.memory_space<vmem>> -> memref<1x1x128xi32, #tpu.memory_space<vmem>>
        %dma_start3A_395 = tpu.memref_squeeze %dma_start3A_394 : memref<1x1x128xi32, #tpu.memory_space<vmem>> -> memref<128xi32, #tpu.memory_space<vmem>>
        %dma_start3A_396 = arith.constant 0 : i32
        %dma_start3A_397 = arith.constant 0 : i32
        %dma_start3A_398 = tpu.memref_slice %arg11[%dma_start3A_396, %dma_start3A_397] : memref<10000x136xf32, #tpu.memory_space<vmem_shared>> -> memref<10000x136xf32, #tpu.memory_space<vmem_shared>>
        tpu.enqueue_indirect_dma source(%dma_start3A_393 : memref<128x136xf32, #tpu.memory_space<vmem>>) target(%dma_start3A_398 : memref<10000x136xf32, #tpu.memory_space<vmem_shared>>) offsets(%dma_start3A_395 : memref<128xi32, #tpu.memory_space<vmem>>) semaphore(%run_scoped3A_389 : memref<!tpu.dma_semaphore, #tpu.memory_space<semaphore_mem>>) {add = true}
        %dma_wait3A_399 = arith.constant 0 : i32
        %dma_wait3A_400 = arith.constant 0 : i32
        %dma_wait3A_401 = tpu.memref_slice %arg8[%select_n3A_385, %dma_wait3A_399, %dma_wait3A_400] : memref<2x128x136xf32, #tpu.memory_space<vmem>> -> memref<1x128x136xf32, #tpu.memory_space<vmem>>
        %dma_wait3A_402 = tpu.memref_squeeze %dma_wait3A_401 : memref<1x128x136xf32, #tpu.memory_space<vmem>> -> memref<128x136xf32, #tpu.memory_space<vmem>>
        %dma_wait3A_403 = tpu.memref_slice %arg7[%run_scoped3A, %run_scoped3A_388, %mul3A_387] : memref<2x2x1664xi32, #tpu.memory_space<vmem>> -> memref<1x1x128xi32, #tpu.memory_space<vmem>>
        %dma_wait3A_404 = tpu.memref_squeeze %dma_wait3A_403 : memref<1x1x128xi32, #tpu.memory_space<vmem>> -> memref<128xi32, #tpu.memory_space<vmem>>
        %dma_wait3A_405 = arith.constant 0 : i32
        %dma_wait3A_406 = arith.constant 0 : i32
        %dma_wait3A_407 = tpu.memref_slice %arg11[%dma_wait3A_405, %dma_wait3A_406] : memref<10000x136xf32, #tpu.memory_space<vmem_shared>> -> memref<10000x136xf32, #tpu.memory_space<vmem_shared>>
        tpu.wait_indirect_dma semaphore(%run_scoped3A_389 : memref<!tpu.dma_semaphore, #tpu.memory_space<semaphore_mem>>) src(%dma_wait3A_402 : memref<128x136xf32, #tpu.memory_space<vmem>>) dst(%dma_wait3A_407 : memref<10000x136xf32, #tpu.memory_space<vmem_shared>>)
        tpu.yield
      }) : () -> ()
    }
    %scan3A_309 = arith.constant 13 : i32
    %lt3A = arith.constant 4 : i32
    %lt3A_310 = arith.cmpi slt, %add3A, %lt3A : i32
    %convert_element_type3A_311 = arith.extui %lt3A_310 : i1 to i32
    %cond3A_312 = arith.constant 0 : i32
    %cond3A_313 = arith.cmpi ne, %convert_element_type3A_311, %cond3A_312 : i32
    scf.if %cond3A_313 {
      %mul3A_320 = arith.constant 128 : i32
      %mul3A_321 = arith.muli %add3A, %mul3A_320 : i32
      %add3A_322 = arith.constant 319488 : i32
      %add3A_323 = arith.addi %add3A_322, %mul3A_321 : i32
      %run_scoped3A = arith.constant 0 : i32
      %run_scoped3A_324 = arith.constant 0 : i32
      %run_scoped3A_325 = arith.constant 0 : i32
      "tpu.region"() ({
        %run_scoped3A_364 = tpu.sem_alloc : memref<!tpu.dma_semaphore, #tpu.memory_space<semaphore_mem>>
        %dma_start3A_365 = arith.constant 0 : i32
        %dma_start3A_366 = tpu.memref_slice %arg7[%run_scoped3A_324, %run_scoped3A_325, %dma_start3A_365] : memref<2x2x1664xi32, #tpu.memory_space<vmem>> -> memref<1x1x128xi32, #tpu.memory_space<vmem>>
        %dma_start3A_367 = tpu.memref_squeeze %dma_start3A_366 : memref<1x1x128xi32, #tpu.memory_space<vmem>> -> memref<128xi32, #tpu.memory_space<vmem>>
        %dma_start3A_368 = tpu.memref_slice %arg2[%run_scoped3A, %add3A_323] : memref<2x320000xi32, #tpu.memory_space<hbm>> -> memref<1x128xi32, #tpu.memory_space<hbm>>
        %dma_start3A_369 = tpu.memref_squeeze %dma_start3A_368 : memref<1x128xi32, #tpu.memory_space<hbm>> -> memref<128xi32, #tpu.memory_space<hbm>>
        %dma_start3A_370 = arith.constant 0 : i32
        %dma_start3A_371 = tpu.memref_slice %arg7[%run_scoped3A_324, %run_scoped3A_325, %dma_start3A_370] : memref<2x2x1664xi32, #tpu.memory_space<vmem>> -> memref<1x1x128xi32, #tpu.memory_space<vmem>>
        %dma_start3A_372 = tpu.memref_squeeze %dma_start3A_371 : memref<1x1x128xi32, #tpu.memory_space<vmem>> -> memref<128xi32, #tpu.memory_space<vmem>>
        %dma_start3A_373 = tpu.memref_slice %arg2[%run_scoped3A, %add3A_323] : memref<2x320000xi32, #tpu.memory_space<hbm>> -> memref<1x128xi32, #tpu.memory_space<hbm>>
        %dma_start3A_374 = tpu.memref_squeeze %dma_start3A_373 : memref<1x128xi32, #tpu.memory_space<hbm>> -> memref<128xi32, #tpu.memory_space<hbm>>
        tpu.enqueue_dma source(%dma_start3A_374 : memref<128xi32, #tpu.memory_space<hbm>>) target(%dma_start3A_372 : memref<128xi32, #tpu.memory_space<vmem>>) target_semaphore(%run_scoped3A_364 : memref<!tpu.dma_semaphore, #tpu.memory_space<semaphore_mem>>)
        %dma_wait3A_375 = arith.constant 0 : i32
        %dma_wait3A_376 = tpu.memref_slice %arg7[%run_scoped3A_324, %run_scoped3A_325, %dma_wait3A_375] : memref<2x2x1664xi32, #tpu.memory_space<vmem>> -> memref<1x1x128xi32, #tpu.memory_space<vmem>>
        %dma_wait3A_377 = tpu.memref_squeeze %dma_wait3A_376 : memref<1x1x128xi32, #tpu.memory_space<vmem>> -> memref<128xi32, #tpu.memory_space<vmem>>
        %dma_wait3A_378 = tpu.memref_slice %arg2[%run_scoped3A, %add3A_323] : memref<2x320000xi32, #tpu.memory_space<hbm>> -> memref<1x128xi32, #tpu.memory_space<hbm>>
        %dma_wait3A_379 = tpu.memref_squeeze %dma_wait3A_378 : memref<1x128xi32, #tpu.memory_space<hbm>> -> memref<128xi32, #tpu.memory_space<hbm>>
        %dma_wait3A_380 = arith.constant 0 : i32
        %dma_wait3A_381 = tpu.memref_slice %arg7[%run_scoped3A_324, %run_scoped3A_325, %dma_wait3A_380] : memref<2x2x1664xi32, #tpu.memory_space<vmem>> -> memref<1x1x128xi32, #tpu.memory_space<vmem>>
        %dma_wait3A_382 = tpu.memref_squeeze %dma_wait3A_381 : memref<1x1x128xi32, #tpu.memory_space<vmem>> -> memref<128xi32, #tpu.memory_space<vmem>>
        %dma_wait3A_383 = tpu.memref_slice %arg2[%run_scoped3A, %add3A_323] : memref<2x320000xi32, #tpu.memory_space<hbm>> -> memref<1x128xi32, #tpu.memory_space<hbm>>
        %dma_wait3A_384 = tpu.memref_squeeze %dma_wait3A_383 : memref<1x128xi32, #tpu.memory_space<hbm>> -> memref<128xi32, #tpu.memory_space<hbm>>
        tpu.wait_dma2 semaphore(%run_scoped3A_364 : memref<!tpu.dma_semaphore, #tpu.memory_space<semaphore_mem>>) src(%dma_wait3A_384 : memref<128xi32, #tpu.memory_space<hbm>>) dst(%dma_wait3A_382 : memref<128xi32, #tpu.memory_space<vmem>>)
        tpu.yield
      }) : () -> ()
      %run_scoped3A_326 = arith.constant 1 : i32
      %run_scoped3A_327 = arith.constant 0 : i32
      %run_scoped3A_328 = arith.constant 1 : i32
      "tpu.region"() ({
        %run_scoped3A_364 = tpu.sem_alloc : memref<!tpu.dma_semaphore, #tpu.memory_space<semaphore_mem>>
        %dma_start3A_365 = arith.constant 0 : i32
        %dma_start3A_366 = tpu.memref_slice %arg7[%run_scoped3A_327, %run_scoped3A_328, %dma_start3A_365] : memref<2x2x1664xi32, #tpu.memory_space<vmem>> -> memref<1x1x128xi32, #tpu.memory_space<vmem>>
        %dma_start3A_367 = tpu.memref_squeeze %dma_start3A_366 : memref<1x1x128xi32, #tpu.memory_space<vmem>> -> memref<128xi32, #tpu.memory_space<vmem>>
        %dma_start3A_368 = tpu.memref_slice %arg2[%run_scoped3A_326, %add3A_323] : memref<2x320000xi32, #tpu.memory_space<hbm>> -> memref<1x128xi32, #tpu.memory_space<hbm>>
        %dma_start3A_369 = tpu.memref_squeeze %dma_start3A_368 : memref<1x128xi32, #tpu.memory_space<hbm>> -> memref<128xi32, #tpu.memory_space<hbm>>
        %dma_start3A_370 = arith.constant 0 : i32
        %dma_start3A_371 = tpu.memref_slice %arg7[%run_scoped3A_327, %run_scoped3A_328, %dma_start3A_370] : memref<2x2x1664xi32, #tpu.memory_space<vmem>> -> memref<1x1x128xi32, #tpu.memory_space<vmem>>
        %dma_start3A_372 = tpu.memref_squeeze %dma_start3A_371 : memref<1x1x128xi32, #tpu.memory_space<vmem>> -> memref<128xi32, #tpu.memory_space<vmem>>
        %dma_start3A_373 = tpu.memref_slice %arg2[%run_scoped3A_326, %add3A_323] : memref<2x320000xi32, #tpu.memory_space<hbm>> -> memref<1x128xi32, #tpu.memory_space<hbm>>
        %dma_start3A_374 = tpu.memref_squeeze %dma_start3A_373 : memref<1x128xi32, #tpu.memory_space<hbm>> -> memref<128xi32, #tpu.memory_space<hbm>>
        tpu.enqueue_dma source(%dma_start3A_374 : memref<128xi32, #tpu.memory_space<hbm>>) target(%dma_start3A_372 : memref<128xi32, #tpu.memory_space<vmem>>) target_semaphore(%run_scoped3A_364 : memref<!tpu.dma_semaphore, #tpu.memory_space<semaphore_mem>>)
        %dma_wait3A_375 = arith.constant 0 : i32
        %dma_wait3A_376 = tpu.memref_slice %arg7[%run_scoped3A_327, %run_scoped3A_328, %dma_wait3A_375] : memref<2x2x1664xi32, #tpu.memory_space<vmem>> -> memref<1x1x128xi32, #tpu.memory_space<vmem>>
        %dma_wait3A_377 = tpu.memref_squeeze %dma_wait3A_376 : memref<1x1x128xi32, #tpu.memory_space<vmem>> -> memref<128xi32, #tpu.memory_space<vmem>>
        %dma_wait3A_378 = tpu.memref_slice %arg2[%run_scoped3A_326, %add3A_323] : memref<2x320000xi32, #tpu.memory_space<hbm>> -> memref<1x128xi32, #tpu.memory_space<hbm>>
        %dma_wait3A_379 = tpu.memref_squeeze %dma_wait3A_378 : memref<1x128xi32, #tpu.memory_space<hbm>> -> memref<128xi32, #tpu.memory_space<hbm>>
        %dma_wait3A_380 = arith.constant 0 : i32
        %dma_wait3A_381 = tpu.memref_slice %arg7[%run_scoped3A_327, %run_scoped3A_328, %dma_wait3A_380] : memref<2x2x1664xi32, #tpu.memory_space<vmem>> -> memref<1x1x128xi32, #tpu.memory_space<vmem>>
        %dma_wait3A_382 = tpu.memref_squeeze %dma_wait3A_381 : memref<1x1x128xi32, #tpu.memory_space<vmem>> -> memref<128xi32, #tpu.memory_space<vmem>>
        %dma_wait3A_383 = tpu.memref_slice %arg2[%run_scoped3A_326, %add3A_323] : memref<2x320000xi32, #tpu.memory_space<hbm>> -> memref<1x128xi32, #tpu.memory_space<hbm>>
        %dma_wait3A_384 = tpu.memref_squeeze %dma_wait3A_383 : memref<1x128xi32, #tpu.memory_space<hbm>> -> memref<128xi32, #tpu.memory_space<hbm>>
        tpu.wait_dma2 semaphore(%run_scoped3A_364 : memref<!tpu.dma_semaphore, #tpu.memory_space<semaphore_mem>>) src(%dma_wait3A_384 : memref<128xi32, #tpu.memory_space<hbm>>) dst(%dma_wait3A_382 : memref<128xi32, #tpu.memory_space<vmem>>)
        tpu.yield
      }) : () -> ()
      %dma_start3A_329 = arith.constant 0 : i32
      %dma_start3A_330 = arith.constant 0 : i32
      %dma_start3A_331 = arith.constant 0 : i32
      %dma_start3A_332 = arith.constant 0 : i32
      %dma_start3A_333 = arith.constant 0 : i32
      %dma_start3A_334 = arith.constant 0 : i32
      %dma_start3A_335 = tpu.memref_slice %arg8[%dma_start3A_331, %dma_start3A_333, %dma_start3A_334] : memref<2x128x136xf32, #tpu.memory_space<vmem>> -> memref<1x128x136xf32, #tpu.memory_space<vmem>>
      %dma_start3A_336 = tpu.memref_squeeze %dma_start3A_335 : memref<1x128x136xf32, #tpu.memory_space<vmem>> -> memref<128x136xf32, #tpu.memory_space<vmem>>
      %dma_start3A_337 = arith.constant 0 : i32
      %dma_start3A_338 = tpu.memref_slice %arg7[%dma_start3A_329, %dma_start3A_330, %dma_start3A_337] : memref<2x2x1664xi32, #tpu.memory_space<vmem>> -> memref<1x1x128xi32, #tpu.memory_space<vmem>>
      %dma_start3A_339 = tpu.memref_squeeze %dma_start3A_338 : memref<1x1x128xi32, #tpu.memory_space<vmem>> -> memref<128xi32, #tpu.memory_space<vmem>>
      %dma_start3A_340 = arith.constant 0 : i32
      %dma_start3A_341 = arith.constant 0 : i32
      %dma_start3A_342 = tpu.memref_slice %arg3[%dma_start3A_340, %dma_start3A_341] : memref<10000x136xf32, #tpu.memory_space<hbm>> -> memref<10000x136xf32, #tpu.memory_space<hbm>>
      %dma_start3A_343 = tpu.memref_slice %arg9[%dma_start3A_332] : memref<2x!tpu.dma_semaphore, #tpu.memory_space<semaphore_mem>> -> memref<1x!tpu.dma_semaphore, #tpu.memory_space<semaphore_mem>>
      %dma_start3A_344 = tpu.memref_squeeze %dma_start3A_343 : memref<1x!tpu.dma_semaphore, #tpu.memory_space<semaphore_mem>> -> memref<!tpu.dma_semaphore, #tpu.memory_space<semaphore_mem>>
      tpu.enqueue_indirect_dma source(%dma_start3A_342 : memref<10000x136xf32, #tpu.memory_space<hbm>>) target(%dma_start3A_336 : memref<128x136xf32, #tpu.memory_space<vmem>>) offsets(%dma_start3A_339 : memref<128xi32, #tpu.memory_space<vmem>>) semaphore(%dma_start3A_344 : memref<!tpu.dma_semaphore, #tpu.memory_space<semaphore_mem>>)
      %dma_wait3A_345 = arith.constant 0 : i32
      %dma_wait3A_346 = arith.constant 0 : i32
      %dma_wait3A_347 = arith.constant 0 : i32
      %dma_wait3A_348 = arith.constant 0 : i32
      %dma_wait3A_349 = arith.constant 0 : i32
      %dma_wait3A_350 = arith.constant 0 : i32
      %dma_wait3A_351 = tpu.memref_slice %arg8[%dma_wait3A_347, %dma_wait3A_349, %dma_wait3A_350] : memref<2x128x136xf32, #tpu.memory_space<vmem>> -> memref<1x128x136xf32, #tpu.memory_space<vmem>>
      %dma_wait3A_352 = tpu.memref_squeeze %dma_wait3A_351 : memref<1x128x136xf32, #tpu.memory_space<vmem>> -> memref<128x136xf32, #tpu.memory_space<vmem>>
      %dma_wait3A_353 = arith.constant 0 : i32
      %dma_wait3A_354 = tpu.memref_slice %arg7[%dma_wait3A_345, %dma_wait3A_346, %dma_wait3A_353] : memref<2x2x1664xi32, #tpu.memory_space<vmem>> -> memref<1x1x128xi32, #tpu.memory_space<vmem>>
      %dma_wait3A_355 = tpu.memref_squeeze %dma_wait3A_354 : memref<1x1x128xi32, #tpu.memory_space<vmem>> -> memref<128xi32, #tpu.memory_space<vmem>>
      %dma_wait3A_356 = arith.constant 0 : i32
      %dma_wait3A_357 = arith.constant 0 : i32
      %dma_wait3A_358 = tpu.memref_slice %arg3[%dma_wait3A_356, %dma_wait3A_357] : memref<10000x136xf32, #tpu.memory_space<hbm>> -> memref<10000x136xf32, #tpu.memory_space<hbm>>
      %dma_wait3A_359 = tpu.memref_slice %arg9[%dma_wait3A_348] : memref<2x!tpu.dma_semaphore, #tpu.memory_space<semaphore_mem>> -> memref<1x!tpu.dma_semaphore, #tpu.memory_space<semaphore_mem>>
      %dma_wait3A_360 = tpu.memref_squeeze %dma_wait3A_359 : memref<1x!tpu.dma_semaphore, #tpu.memory_space<semaphore_mem>> -> memref<!tpu.dma_semaphore, #tpu.memory_space<semaphore_mem>>
      tpu.wait_indirect_dma semaphore(%dma_wait3A_360 : memref<!tpu.dma_semaphore, #tpu.memory_space<semaphore_mem>>) src(%dma_wait3A_358 : memref<10000x136xf32, #tpu.memory_space<hbm>>) dst(%dma_wait3A_352 : memref<128x136xf32, #tpu.memory_space<vmem>>)
      %run_scoped3A_361 = arith.constant 0 : i32
      %run_scoped3A_362 = arith.constant 0 : i32
      %run_scoped3A_363 = arith.constant 1 : i32
      "tpu.region"() ({
        %run_scoped3A_364 = tpu.sem_alloc : memref<!tpu.dma_semaphore, #tpu.memory_space<semaphore_mem>>
        %dma_start3A_365 = arith.constant 0 : i32
        %dma_start3A_366 = arith.constant 0 : i32
        %dma_start3A_367 = tpu.memref_slice %arg8[%run_scoped3A_361, %dma_start3A_365, %dma_start3A_366] : memref<2x128x136xf32, #tpu.memory_space<vmem>> -> memref<1x128x136xf32, #tpu.memory_space<vmem>>
        %dma_start3A_368 = tpu.memref_squeeze %dma_start3A_367 : memref<1x128x136xf32, #tpu.memory_space<vmem>> -> memref<128x136xf32, #tpu.memory_space<vmem>>
        %dma_start3A_369 = arith.constant 0 : i32
        %dma_start3A_370 = tpu.memref_slice %arg7[%run_scoped3A_362, %run_scoped3A_363, %dma_start3A_369] : memref<2x2x1664xi32, #tpu.memory_space<vmem>> -> memref<1x1x128xi32, #tpu.memory_space<vmem>>
        %dma_start3A_371 = tpu.memref_squeeze %dma_start3A_370 : memref<1x1x128xi32, #tpu.memory_space<vmem>> -> memref<128xi32, #tpu.memory_space<vmem>>
        %dma_start3A_372 = arith.constant 0 : i32
        %dma_start3A_373 = arith.constant 0 : i32
        %dma_start3A_374 = tpu.memref_slice %arg11[%dma_start3A_372, %dma_start3A_373] : memref<10000x136xf32, #tpu.memory_space<vmem_shared>> -> memref<10000x136xf32, #tpu.memory_space<vmem_shared>>
        tpu.enqueue_indirect_dma source(%dma_start3A_368 : memref<128x136xf32, #tpu.memory_space<vmem>>) target(%dma_start3A_374 : memref<10000x136xf32, #tpu.memory_space<vmem_shared>>) offsets(%dma_start3A_371 : memref<128xi32, #tpu.memory_space<vmem>>) semaphore(%run_scoped3A_364 : memref<!tpu.dma_semaphore, #tpu.memory_space<semaphore_mem>>) {add = true}
        %dma_wait3A_375 = arith.constant 0 : i32
        %dma_wait3A_376 = arith.constant 0 : i32
        %dma_wait3A_377 = tpu.memref_slice %arg8[%run_scoped3A_361, %dma_wait3A_375, %dma_wait3A_376] : memref<2x128x136xf32, #tpu.memory_space<vmem>> -> memref<1x128x136xf32, #tpu.memory_space<vmem>>
        %dma_wait3A_378 = tpu.memref_squeeze %dma_wait3A_377 : memref<1x128x136xf32, #tpu.memory_space<vmem>> -> memref<128x136xf32, #tpu.memory_space<vmem>>
        %dma_wait3A_379 = arith.constant 0 : i32
        %dma_wait3A_380 = tpu.memref_slice %arg7[%run_scoped3A_362, %run_scoped3A_363, %dma_wait3A_379] : memref<2x2x1664xi32, #tpu.memory_space<vmem>> -> memref<1x1x128xi32, #tpu.memory_space<vmem>>
        %dma_wait3A_381 = tpu.memref_squeeze %dma_wait3A_380 : memref<1x1x128xi32, #tpu.memory_space<vmem>> -> memref<128xi32, #tpu.memory_space<vmem>>
        %dma_wait3A_382 = arith.constant 0 : i32
        %dma_wait3A_383 = arith.constant 0 : i32
        %dma_wait3A_384 = tpu.memref_slice %arg11[%dma_wait3A_382, %dma_wait3A_383] : memref<10000x136xf32, #tpu.memory_space<vmem_shared>> -> memref<10000x136xf32, #tpu.memory_space<vmem_shared>>
        tpu.wait_indirect_dma semaphore(%run_scoped3A_364 : memref<!tpu.dma_semaphore, #tpu.memory_space<semaphore_mem>>) src(%dma_wait3A_378 : memref<128x136xf32, #tpu.memory_space<vmem>>) dst(%dma_wait3A_384 : memref<10000x136xf32, #tpu.memory_space<vmem_shared>>)
        tpu.yield
      }) : () -> ()
    } else {
    }
    %barrier3A_314 = arith.constant 0 : index
    tpu.barrier barrier_id(%barrier3A_314)
    "tpu.region"() ({
      %run_scoped3A = tpu.sem_alloc : memref<!tpu.dma_semaphore, #tpu.memory_space<semaphore_mem>>
      %dma_start3A_320 = arith.constant 0 : i32
      %dma_start3A_321 = tpu.memref_slice %arg5[%arg0, %mul3A_2, %dma_start3A_320] : memref<2x10000x128xf32, #tpu.memory_space<hbm>> -> memref<1x624x128xf32, #tpu.memory_space<hbm>>
      %dma_start3A_322 = tpu.memref_squeeze %dma_start3A_321 : memref<1x624x128xf32, #tpu.memory_space<hbm>> -> memref<624x128xf32, #tpu.memory_space<hbm>>
      %dma_start3A_323 = arith.constant 0 : i32
      %dma_start3A_324 = tpu.memref_slice %arg11[%mul3A_2, %dma_start3A_323] : memref<10000x136xf32, #tpu.memory_space<vmem_shared>> -> memref<624x128xf32, #tpu.memory_space<vmem_shared>>
      tpu.enqueue_dma source(%dma_start3A_324 : memref<624x128xf32, #tpu.memory_space<vmem_shared>>) target(%dma_start3A_322 : memref<624x128xf32, #tpu.memory_space<hbm>>) target_semaphore(%run_scoped3A : memref<!tpu.dma_semaphore, #tpu.memory_space<semaphore_mem>>)
      %dma_wait3A_325 = arith.constant 0 : i32
      %dma_wait3A_326 = tpu.memref_slice %arg5[%arg0, %mul3A_2, %dma_wait3A_325] : memref<2x10000x128xf32, #tpu.memory_space<hbm>> -> memref<1x624x128xf32, #tpu.memory_space<hbm>>
      %dma_wait3A_327 = tpu.memref_squeeze %dma_wait3A_326 : memref<1x624x128xf32, #tpu.memory_space<hbm>> -> memref<624x128xf32, #tpu.memory_space<hbm>>
      %dma_wait3A_328 = arith.constant 0 : i32
      %dma_wait3A_329 = tpu.memref_slice %arg11[%mul3A_2, %dma_wait3A_328] : memref<10000x136xf32, #tpu.memory_space<vmem_shared>> -> memref<624x128xf32, #tpu.memory_space<vmem_shared>>
      tpu.wait_dma2 semaphore(%run_scoped3A : memref<!tpu.dma_semaphore, #tpu.memory_space<semaphore_mem>>) src(%dma_wait3A_329 : memref<624x128xf32, #tpu.memory_space<vmem_shared>>) dst(%dma_wait3A_327 : memref<624x128xf32, #tpu.memory_space<hbm>>)
      tpu.yield
    }) : () -> ()
    "tpu.region"() ({
      %run_scoped3A = tpu.sem_alloc : memref<!tpu.dma_semaphore, #tpu.memory_space<semaphore_mem>>
      %dma_start3A_320 = arith.constant 0 : i32
      %dma_start3A_321 = tpu.memref_slice %arg6[%arg0, %mul3A_2, %dma_start3A_320] : memref<2x10000x8xf32, #tpu.memory_space<hbm>> -> memref<1x624x8xf32, #tpu.memory_space<hbm>>
      %dma_start3A_322 = tpu.memref_squeeze %dma_start3A_321 : memref<1x624x8xf32, #tpu.memory_space<hbm>> -> memref<624x8xf32, #tpu.memory_space<hbm>>
      %dma_start3A_323 = arith.constant 128 : i32
      %dma_start3A_324 = tpu.memref_slice %arg11[%mul3A_2, %dma_start3A_323] : memref<10000x136xf32, #tpu.memory_space<vmem_shared>> -> memref<624x8xf32, #tpu.memory_space<vmem_shared>>
      tpu.enqueue_dma source(%dma_start3A_324 : memref<624x8xf32, #tpu.memory_space<vmem_shared>>) target(%dma_start3A_322 : memref<624x8xf32, #tpu.memory_space<hbm>>) target_semaphore(%run_scoped3A : memref<!tpu.dma_semaphore, #tpu.memory_space<semaphore_mem>>)
      %dma_wait3A_325 = arith.constant 0 : i32
      %dma_wait3A_326 = tpu.memref_slice %arg6[%arg0, %mul3A_2, %dma_wait3A_325] : memref<2x10000x8xf32, #tpu.memory_space<hbm>> -> memref<1x624x8xf32, #tpu.memory_space<hbm>>
      %dma_wait3A_327 = tpu.memref_squeeze %dma_wait3A_326 : memref<1x624x8xf32, #tpu.memory_space<hbm>> -> memref<624x8xf32, #tpu.memory_space<hbm>>
      %dma_wait3A_328 = arith.constant 128 : i32
      %dma_wait3A_329 = tpu.memref_slice %arg11[%mul3A_2, %dma_wait3A_328] : memref<10000x136xf32, #tpu.memory_space<vmem_shared>> -> memref<624x8xf32, #tpu.memory_space<vmem_shared>>
      tpu.wait_dma2 semaphore(%run_scoped3A : memref<!tpu.dma_semaphore, #tpu.memory_space<semaphore_mem>>) src(%dma_wait3A_329 : memref<624x8xf32, #tpu.memory_space<vmem_shared>>) dst(%dma_wait3A_327 : memref<624x8xf32, #tpu.memory_space<hbm>>)
      tpu.yield
    }) : () -> ()
    %eq3A_315 = arith.constant 15 : i32
    %eq3A_316 = arith.cmpi eq, %arg1, %eq3A_315 : i32
    %convert_element_type3A_317 = arith.extui %eq3A_316 : i1 to i32
    %cond3A_318 = arith.constant 0 : i32
    %cond3A_319 = arith.cmpi ne, %convert_element_type3A_317, %cond3A_318 : i32
    scf.if %cond3A_319 {
      "tpu.region"() ({
        %run_scoped3A = tpu.sem_alloc : memref<!tpu.dma_semaphore, #tpu.memory_space<semaphore_mem>>
        %dma_start3A_320 = arith.constant 9984 : i32
        %dma_start3A_321 = arith.constant 0 : i32
        %dma_start3A_322 = tpu.memref_slice %arg5[%arg0, %dma_start3A_320, %dma_start3A_321] : memref<2x10000x128xf32, #tpu.memory_space<hbm>> -> memref<1x16x128xf32, #tpu.memory_space<hbm>>
        %dma_start3A_323 = tpu.memref_squeeze %dma_start3A_322 : memref<1x16x128xf32, #tpu.memory_space<hbm>> -> memref<16x128xf32, #tpu.memory_space<hbm>>
        %dma_start3A_324 = arith.constant 9984 : i32
        %dma_start3A_325 = arith.constant 0 : i32
        %dma_start3A_326 = tpu.memref_slice %arg11[%dma_start3A_324, %dma_start3A_325] : memref<10000x136xf32, #tpu.memory_space<vmem_shared>> -> memref<16x128xf32, #tpu.memory_space<vmem_shared>>
        tpu.enqueue_dma source(%dma_start3A_326 : memref<16x128xf32, #tpu.memory_space<vmem_shared>>) target(%dma_start3A_323 : memref<16x128xf32, #tpu.memory_space<hbm>>) target_semaphore(%run_scoped3A : memref<!tpu.dma_semaphore, #tpu.memory_space<semaphore_mem>>)
        %dma_wait3A_327 = arith.constant 9984 : i32
        %dma_wait3A_328 = arith.constant 0 : i32
        %dma_wait3A_329 = tpu.memref_slice %arg5[%arg0, %dma_wait3A_327, %dma_wait3A_328] : memref<2x10000x128xf32, #tpu.memory_space<hbm>> -> memref<1x16x128xf32, #tpu.memory_space<hbm>>
        %dma_wait3A_330 = tpu.memref_squeeze %dma_wait3A_329 : memref<1x16x128xf32, #tpu.memory_space<hbm>> -> memref<16x128xf32, #tpu.memory_space<hbm>>
        %dma_wait3A_331 = arith.constant 9984 : i32
        %dma_wait3A_332 = arith.constant 0 : i32
        %dma_wait3A_333 = tpu.memref_slice %arg11[%dma_wait3A_331, %dma_wait3A_332] : memref<10000x136xf32, #tpu.memory_space<vmem_shared>> -> memref<16x128xf32, #tpu.memory_space<vmem_shared>>
        tpu.wait_dma2 semaphore(%run_scoped3A : memref<!tpu.dma_semaphore, #tpu.memory_space<semaphore_mem>>) src(%dma_wait3A_333 : memref<16x128xf32, #tpu.memory_space<vmem_shared>>) dst(%dma_wait3A_330 : memref<16x128xf32, #tpu.memory_space<hbm>>)
        tpu.yield
      }) : () -> ()
      "tpu.region"() ({
        %run_scoped3A = tpu.sem_alloc : memref<!tpu.dma_semaphore, #tpu.memory_space<semaphore_mem>>
        %dma_start3A_320 = arith.constant 9984 : i32
        %dma_start3A_321 = arith.constant 0 : i32
        %dma_start3A_322 = tpu.memref_slice %arg6[%arg0, %dma_start3A_320, %dma_start3A_321] : memref<2x10000x8xf32, #tpu.memory_space<hbm>> -> memref<1x16x8xf32, #tpu.memory_space<hbm>>
        %dma_start3A_323 = tpu.memref_squeeze %dma_start3A_322 : memref<1x16x8xf32, #tpu.memory_space<hbm>> -> memref<16x8xf32, #tpu.memory_space<hbm>>
        %dma_start3A_324 = arith.constant 9984 : i32
        %dma_start3A_325 = arith.constant 128 : i32
        %dma_start3A_326 = tpu.memref_slice %arg11[%dma_start3A_324, %dma_start3A_325] : memref<10000x136xf32, #tpu.memory_space<vmem_shared>> -> memref<16x8xf32, #tpu.memory_space<vmem_shared>>
        tpu.enqueue_dma source(%dma_start3A_326 : memref<16x8xf32, #tpu.memory_space<vmem_shared>>) target(%dma_start3A_323 : memref<16x8xf32, #tpu.memory_space<hbm>>) target_semaphore(%run_scoped3A : memref<!tpu.dma_semaphore, #tpu.memory_space<semaphore_mem>>)
        %dma_wait3A_327 = arith.constant 9984 : i32
        %dma_wait3A_328 = arith.constant 0 : i32
        %dma_wait3A_329 = tpu.memref_slice %arg6[%arg0, %dma_wait3A_327, %dma_wait3A_328] : memref<2x10000x8xf32, #tpu.memory_space<hbm>> -> memref<1x16x8xf32, #tpu.memory_space<hbm>>
        %dma_wait3A_330 = tpu.memref_squeeze %dma_wait3A_329 : memref<1x16x8xf32, #tpu.memory_space<hbm>> -> memref<16x8xf32, #tpu.memory_space<hbm>>
        %dma_wait3A_331 = arith.constant 9984 : i32
        %dma_wait3A_332 = arith.constant 128 : i32
        %dma_wait3A_333 = tpu.memref_slice %arg11[%dma_wait3A_331, %dma_wait3A_332] : memref<10000x136xf32, #tpu.memory_space<vmem_shared>> -> memref<16x8xf32, #tpu.memory_space<vmem_shared>>
        tpu.wait_dma2 semaphore(%run_scoped3A : memref<!tpu.dma_semaphore, #tpu.memory_space<semaphore_mem>>) src(%dma_wait3A_333 : memref<16x8xf32, #tpu.memory_space<vmem_shared>>) dst(%dma_wait3A_330 : memref<16x8xf32, #tpu.memory_space<hbm>>)
        tpu.yield
      }) : () -> ()
    } else {
    }
    return
  }
}

module attributes {stable_mosaic.version = 14 : i64} {
  func.func @_mm0_body(%arg0: i32, %arg1: memref<2000x128xf32, #tpu.memory_space<vmem>>, %arg2: memref<128x128xf32, #tpu.memory_space<vmem>>, %arg3: memref<128x128xf32, #tpu.memory_space<vmem>>, %arg4: memref<1x128xf32, #tpu.memory_space<vmem>>, %arg5: memref<2000x128xf32, #tpu.memory_space<vmem>>, %arg6: memref<2000x136xf32, #tpu.memory_space<vmem>>) attributes {dimension_semantics = [#tpu.dimension_semantics<arbitrary>], iteration_bounds = array<i64: 5>, scalar_prefetch = 0 : i64, scratch_operands = 0 : i64, tpu.core_type = #tpu.core_type<tc>, window_params = [{transform_indices = @transform_0, window_bounds = array<i64: 2000, 128>}, {pipeline_mode = #tpu.pipeline_mode<synchronous>, transform_indices = @transform_1, window_bounds = array<i64: 128, 128>}, {pipeline_mode = #tpu.pipeline_mode<synchronous>, transform_indices = @transform_2, window_bounds = array<i64: 128, 128>}, {pipeline_mode = #tpu.pipeline_mode<synchronous>, transform_indices = @transform_3, window_bounds = array<i64: 1, 128>}, {transform_indices = @transform_4, window_bounds = array<i64: 2000, 128>}, {transform_indices = @transform_5, window_bounds = array<i64: 2000, 136>}]} {
    %get3A = arith.constant 0 : index
    %get3A_0 = arith.constant 0 : index
    %get3A_1 = vector.load %arg1[%get3A, %get3A_0] : memref<2000x128xf32, #tpu.memory_space<vmem>>, vector<2000x128xf32>
    %get3A_2 = arith.constant 0 : index
    %get3A_3 = arith.constant 0 : index
    %get3A_4 = vector.load %arg2[%get3A_2, %get3A_3] : memref<128x128xf32, #tpu.memory_space<vmem>>, vector<128x128xf32>
    %dot_general3A = arith.constant dense<0.000000e+00> : vector<2000x128xf32>
    %dot_general3A_5 = tpu.matmul %get3A_1, %get3A_4, %dot_general3A {dimension_numbers = #tpu.dot_dimension_numbers<[1], [0], [0], [1], [0, 0, 1, 1], [], []>, transpose_lhs_hint = false} : vector<2000x128xf32>, vector<128x128xf32>, vector<2000x128xf32> -> vector<2000x128xf32>
    %get3A_6 = arith.constant 0 : index
    %get3A_7 = arith.constant 0 : index
    %get3A_8 = vector.load %arg4[%get3A_6, %get3A_7] : memref<1x128xf32, #tpu.memory_space<vmem>>, vector<1x128xf32>
    %add3A = vector.broadcast %get3A_8 : vector<1x128xf32> to vector<2000x128xf32>
    %add3A_9 = arith.addf %dot_general3A_5, %add3A : vector<2000x128xf32>
    %swap3A = arith.constant 0 : index
    %swap3A_10 = arith.constant 0 : index
    %swap3A_11 = vector.load %arg5[%swap3A, %swap3A_10] : memref<2000x128xf32, #tpu.memory_space<vmem>>, vector<2000x128xf32>
    tpu.vector_store %arg5[%swap3A, %swap3A_10], %add3A_9 {strides = array<i32>} : memref<2000x128xf32, #tpu.memory_space<vmem>>, vector<2000x128xf32>,
    %get3A_12 = arith.constant 0 : index
    %get3A_13 = arith.constant 0 : index
    %get3A_14 = vector.load %arg3[%get3A_12, %get3A_13] : memref<128x128xf32, #tpu.memory_space<vmem>>, vector<128x128xf32>
    %dot_general3A_15 = arith.constant dense<0.000000e+00> : vector<2000x128xf32>
    %dot_general3A_16 = tpu.matmul %get3A_1, %get3A_14, %dot_general3A_15 {dimension_numbers = #tpu.dot_dimension_numbers<[1], [0], [0], [1], [0, 0, 1, 1], [], []>, transpose_lhs_hint = false} : vector<2000x128xf32>, vector<128x128xf32>, vector<2000x128xf32> -> vector<2000x128xf32>
    %swap3A_17 = arith.constant 0 : index
    %swap3A_18 = arith.constant 0 : index
    %swap3A_19 = vector.load %arg6[%swap3A_17, %swap3A_18] : memref<2000x136xf32, #tpu.memory_space<vmem>>, vector<2000x128xf32>
    tpu.vector_store %arg6[%swap3A_17, %swap3A_18], %dot_general3A_16 {strides = array<i32>} : memref<2000x136xf32, #tpu.memory_space<vmem>>, vector<2000x128xf32>,
    %broadcast_in_dim3A = arith.constant 1.000000e+00 : f32
    %broadcast_in_dim3A_20 = vector.broadcast %broadcast_in_dim3A : f32 to vector<2000x8xf32>
    %swap3A_21 = arith.constant 0 : index
    %swap3A_22 = arith.constant 128 : index
    %swap3A_23 = vector.load %arg6[%swap3A_21, %swap3A_22] : memref<2000x136xf32, #tpu.memory_space<vmem>>, vector<2000x8xf32>
    tpu.vector_store %arg6[%swap3A_21, %swap3A_22], %broadcast_in_dim3A_20 {strides = array<i32>} : memref<2000x136xf32, #tpu.memory_space<vmem>>, vector<2000x8xf32>,
    return
  }
  func.func @transform_0(%arg0: i32) -> (i32, i32) {
    %c0_i32 = arith.constant 0 : i32
    %c0_i32_0 = arith.constant 0 : i32
    return %arg0, %c0_i32 : i32, i32
  }
  func.func @transform_1(%arg0: i32) -> (i32, i32) {
    %c0_i32 = arith.constant 0 : i32
    %c0_i32_0 = arith.constant 0 : i32
    %c0_i32_1 = arith.constant 0 : i32
    return %c0_i32, %c0_i32_0 : i32, i32
  }
  func.func @transform_2(%arg0: i32) -> (i32, i32) {
    %c0_i32 = arith.constant 0 : i32
    %c0_i32_0 = arith.constant 0 : i32
    %c0_i32_1 = arith.constant 0 : i32
    return %c0_i32, %c0_i32_0 : i32, i32
  }
  func.func @transform_3(%arg0: i32) -> (i32, i32) {
    %c0_i32 = arith.constant 0 : i32
    %c0_i32_0 = arith.constant 0 : i32
    %c0_i32_1 = arith.constant 0 : i32
    return %c0_i32, %c0_i32_0 : i32, i32
  }
  func.func @transform_4(%arg0: i32) -> (i32, i32) {
    %c0_i32 = arith.constant 0 : i32
    %c0_i32_0 = arith.constant 0 : i32
    return %arg0, %c0_i32 : i32, i32
  }
  func.func @transform_5(%arg0: i32) -> (i32, i32) {
    %c0_i32 = arith.constant 0 : i32
    %c0_i32_0 = arith.constant 0 : i32
    return %arg0, %c0_i32 : i32, i32
  }
}

module attributes {stable_mosaic.version = 14 : i64} {
  func.func @_stage1_body(%arg0: i32, %arg1: memref<2000x128xf32, #tpu.memory_space<vmem>>, %arg2: memref<2x2000x128xf32, #tpu.memory_space<vmem>>, %arg3: memref<2x2000x8xf32, #tpu.memory_space<vmem>>, %arg4: memref<128x128xf32, #tpu.memory_space<vmem>>, %arg5: memref<128x128xf32, #tpu.memory_space<vmem>>, %arg6: memref<1x128xf32, #tpu.memory_space<vmem>>, %arg7: memref<2000x128xf32, #tpu.memory_space<vmem>>, %arg8: memref<2000x128xf32, #tpu.memory_space<vmem>>, %arg9: memref<2000x8xf32, #tpu.memory_space<vmem>>) attributes {dimension_semantics = [#tpu.dimension_semantics<arbitrary>], iteration_bounds = array<i64: 5>, scalar_prefetch = 0 : i64, scratch_operands = 0 : i64, tpu.core_type = #tpu.core_type<tc>, window_params = [{transform_indices = @transform_0, window_bounds = array<i64: 2000, 128>}, {transform_indices = @transform_1, window_bounds = array<i64: 2, 2000, 128>}, {transform_indices = @transform_2, window_bounds = array<i64: 2, 2000, 8>}, {pipeline_mode = #tpu.pipeline_mode<synchronous>, transform_indices = @transform_3, window_bounds = array<i64: 128, 128>}, {pipeline_mode = #tpu.pipeline_mode<synchronous>, transform_indices = @transform_4, window_bounds = array<i64: 128, 128>}, {pipeline_mode = #tpu.pipeline_mode<synchronous>, transform_indices = @transform_5, window_bounds = array<i64: 1, 128>}, {transform_indices = @transform_6, window_bounds = array<i64: 2000, 128>}, {transform_indices = @transform_7, window_bounds = array<i64: 2000, 128>}, {transform_indices = @transform_8, window_bounds = array<i64: 2000, 8>}]} {
    %get3A = arith.constant 0 : index
    %get3A_0 = arith.constant 0 : index
    %get3A_1 = arith.constant 0 : index
    %get3A_2 = vector.load %arg3[%get3A, %get3A_0, %get3A_1] : memref<2x2000x8xf32, #tpu.memory_space<vmem>>, vector<1x2000x1xf32>
    %get3A_3 = vector.shape_cast %get3A_2 : vector<1x2000x1xf32> to vector<2000x1xf32>
    %get3A_4 = arith.constant 1 : index
    %get3A_5 = arith.constant 0 : index
    %get3A_6 = arith.constant 0 : index
    %get3A_7 = vector.load %arg3[%get3A_4, %get3A_5, %get3A_6] : memref<2x2000x8xf32, #tpu.memory_space<vmem>>, vector<1x2000x1xf32>
    %get3A_8 = vector.shape_cast %get3A_7 : vector<1x2000x1xf32> to vector<2000x1xf32>
    %add3A = arith.addf %get3A_3, %get3A_8 : vector<2000x1xf32>
    %max3A = arith.constant 1.000000e+00 : f32
    %max3A_9 = vector.broadcast %max3A : f32 to vector<2000x1xf32>
    %max3A_10 = arith.maximumf %add3A, %max3A_9 : vector<2000x1xf32>
    %div3A = arith.constant 1.000000e+00 : f32
    %div3A_11 = vector.broadcast %div3A : f32 to vector<2000x1xf32>
    %div3A_12 = arith.divf %div3A_11, %max3A_10 : vector<2000x1xf32>
    %get3A_13 = arith.constant 0 : index
    %get3A_14 = arith.constant 0 : index
    %get3A_15 = vector.load %arg1[%get3A_13, %get3A_14] : memref<2000x128xf32, #tpu.memory_space<vmem>>, vector<2000x128xf32>
    %get3A_16 = arith.constant 0 : index
    %get3A_17 = arith.constant 0 : index
    %get3A_18 = arith.constant 0 : index
    %get3A_19 = vector.load %arg2[%get3A_16, %get3A_17, %get3A_18] : memref<2x2000x128xf32, #tpu.memory_space<vmem>>, vector<1x2000x128xf32>
    %get3A_20 = vector.shape_cast %get3A_19 : vector<1x2000x128xf32> to vector<2000x128xf32>
    %get3A_21 = arith.constant 1 : index
    %get3A_22 = arith.constant 0 : index
    %get3A_23 = arith.constant 0 : index
    %get3A_24 = vector.load %arg2[%get3A_21, %get3A_22, %get3A_23] : memref<2x2000x128xf32, #tpu.memory_space<vmem>>, vector<1x2000x128xf32>
    %get3A_25 = vector.shape_cast %get3A_24 : vector<1x2000x128xf32> to vector<2000x128xf32>
    %add3A_26 = arith.addf %get3A_20, %get3A_25 : vector<2000x128xf32>
    %mul3A = vector.broadcast %div3A_12 : vector<2000x1xf32> to vector<2000x128xf32>
    %mul3A_27 = arith.mulf %add3A_26, %mul3A : vector<2000x128xf32>
    %add3A_28 = arith.addf %get3A_15, %mul3A_27 : vector<2000x128xf32>
    %max3A_29 = arith.constant 0.000000e+00 : f32
    %max3A_30 = vector.broadcast %max3A_29 : f32 to vector<2000x128xf32>
    %max3A_31 = arith.maximumf %add3A_28, %max3A_30 : vector<2000x128xf32>
    %get3A_32 = arith.constant 0 : index
    %get3A_33 = arith.constant 0 : index
    %get3A_34 = vector.load %arg4[%get3A_32, %get3A_33] : memref<128x128xf32, #tpu.memory_space<vmem>>, vector<128x128xf32>
    %dot_general3A = arith.constant dense<0.000000e+00> : vector<2000x128xf32>
    %dot_general3A_35 = tpu.matmul %max3A_31, %get3A_34, %dot_general3A {dimension_numbers = #tpu.dot_dimension_numbers<[1], [0], [0], [1], [0, 0, 1, 1], [], []>, transpose_lhs_hint = false} : vector<2000x128xf32>, vector<128x128xf32>, vector<2000x128xf32> -> vector<2000x128xf32>
    %get3A_36 = arith.constant 0 : index
    %get3A_37 = arith.constant 0 : index
    %get3A_38 = vector.load %arg6[%get3A_36, %get3A_37] : memref<1x128xf32, #tpu.memory_space<vmem>>, vector<1x128xf32>
    %add3A_39 = vector.broadcast %get3A_38 : vector<1x128xf32> to vector<2000x128xf32>
    %add3A_40 = arith.addf %dot_general3A_35, %add3A_39 : vector<2000x128xf32>
    %swap3A = arith.constant 0 : index
    %swap3A_41 = arith.constant 0 : index
    %swap3A_42 = vector.load %arg7[%swap3A, %swap3A_41] : memref<2000x128xf32, #tpu.memory_space<vmem>>, vector<2000x128xf32>
    tpu.vector_store %arg7[%swap3A, %swap3A_41], %add3A_40 {strides = array<i32>} : memref<2000x128xf32, #tpu.memory_space<vmem>>, vector<2000x128xf32>,
    %get3A_43 = arith.constant 0 : index
    %get3A_44 = arith.constant 0 : index
    %get3A_45 = vector.load %arg5[%get3A_43, %get3A_44] : memref<128x128xf32, #tpu.memory_space<vmem>>, vector<128x128xf32>
    %dot_general3A_46 = arith.constant dense<0.000000e+00> : vector<2000x128xf32>
    %dot_general3A_47 = tpu.matmul %max3A_31, %get3A_45, %dot_general3A_46 {dimension_numbers = #tpu.dot_dimension_numbers<[1], [0], [0], [1], [0, 0, 1, 1], [], []>, transpose_lhs_hint = false} : vector<2000x128xf32>, vector<128x128xf32>, vector<2000x128xf32> -> vector<2000x128xf32>
    %swap3A_48 = arith.constant 0 : index
    %swap3A_49 = arith.constant 0 : index
    %swap3A_50 = vector.load %arg8[%swap3A_48, %swap3A_49] : memref<2000x128xf32, #tpu.memory_space<vmem>>, vector<2000x128xf32>
    tpu.vector_store %arg8[%swap3A_48, %swap3A_49], %dot_general3A_47 {strides = array<i32>} : memref<2000x128xf32, #tpu.memory_space<vmem>>, vector<2000x128xf32>,
    %broadcast_in_dim3A = vector.shape_cast %div3A_12 : vector<2000x1xf32> to vector<2000x1xf32>
    %broadcast_in_dim3A_51 = vector.broadcast %broadcast_in_dim3A : vector<2000x1xf32> to vector<2000x8xf32>
    %swap3A_52 = arith.constant 0 : index
    %swap3A_53 = arith.constant 0 : index
    %swap3A_54 = vector.load %arg9[%swap3A_52, %swap3A_53] : memref<2000x8xf32, #tpu.memory_space<vmem>>, vector<2000x8xf32>
    tpu.vector_store %arg9[%swap3A_52, %swap3A_53], %broadcast_in_dim3A_51 {strides = array<i32>} : memref<2000x8xf32, #tpu.memory_space<vmem>>, vector<2000x8xf32>,
    return
  }
  func.func @transform_0(%arg0: i32) -> (i32, i32) {
    %c0_i32 = arith.constant 0 : i32
    %c0_i32_0 = arith.constant 0 : i32
    return %arg0, %c0_i32 : i32, i32
  }
  func.func @transform_1(%arg0: i32) -> (i32, i32, i32) {
    %c0_i32 = arith.constant 0 : i32
    %c0_i32_0 = arith.constant 0 : i32
    %c0_i32_1 = arith.constant 0 : i32
    return %c0_i32, %arg0, %c0_i32_0 : i32, i32, i32
  }
  func.func @transform_2(%arg0: i32) -> (i32, i32, i32) {
    %c0_i32 = arith.constant 0 : i32
    %c0_i32_0 = arith.constant 0 : i32
    %c0_i32_1 = arith.constant 0 : i32
    return %c0_i32, %arg0, %c0_i32_0 : i32, i32, i32
  }
  func.func @transform_3(%arg0: i32) -> (i32, i32) {
    %c0_i32 = arith.constant 0 : i32
    %c0_i32_0 = arith.constant 0 : i32
    %c0_i32_1 = arith.constant 0 : i32
    return %c0_i32, %c0_i32_0 : i32, i32
  }
  func.func @transform_4(%arg0: i32) -> (i32, i32) {
    %c0_i32 = arith.constant 0 : i32
    %c0_i32_0 = arith.constant 0 : i32
    %c0_i32_1 = arith.constant 0 : i32
    return %c0_i32, %c0_i32_0 : i32, i32
  }
  func.func @transform_5(%arg0: i32) -> (i32, i32) {
    %c0_i32 = arith.constant 0 : i32
    %c0_i32_0 = arith.constant 0 : i32
    %c0_i32_1 = arith.constant 0 : i32
    return %c0_i32, %c0_i32_0 : i32, i32
  }
  func.func @transform_6(%arg0: i32) -> (i32, i32) {
    %c0_i32 = arith.constant 0 : i32
    %c0_i32_0 = arith.constant 0 : i32
    return %arg0, %c0_i32 : i32, i32
  }
  func.func @transform_7(%arg0: i32) -> (i32, i32) {
    %c0_i32 = arith.constant 0 : i32
    %c0_i32_0 = arith.constant 0 : i32
    return %arg0, %c0_i32 : i32, i32
  }
  func.func @transform_8(%arg0: i32) -> (i32, i32) {
    %c0_i32 = arith.constant 0 : i32
    %c0_i32_0 = arith.constant 0 : i32
    return %arg0, %c0_i32 : i32, i32
  }
}

module attributes {stable_mosaic.version = 14 : i64} {
  func.func @_stage2_body(%arg0: i32, %arg1: memref<2000x128xf32, #tpu.memory_space<vmem>>, %arg2: memref<2x2000x128xf32, #tpu.memory_space<vmem>>, %arg3: memref<2000x8xf32, #tpu.memory_space<vmem>>, %arg4: memref<128x64xf32, #tpu.memory_space<vmem>>, %arg5: memref<128x64xf32, #tpu.memory_space<vmem>>, %arg6: memref<1x64xf32, #tpu.memory_space<vmem>>, %arg7: memref<2000x64xf32, #tpu.memory_space<vmem>>, %arg8: memref<2000x64xf32, #tpu.memory_space<vmem>>) attributes {dimension_semantics = [#tpu.dimension_semantics<arbitrary>], iteration_bounds = array<i64: 5>, scalar_prefetch = 0 : i64, scratch_operands = 0 : i64, tpu.core_type = #tpu.core_type<tc>, window_params = [{transform_indices = @transform_0, window_bounds = array<i64: 2000, 128>}, {transform_indices = @transform_1, window_bounds = array<i64: 2, 2000, 128>}, {transform_indices = @transform_2, window_bounds = array<i64: 2000, 8>}, {pipeline_mode = #tpu.pipeline_mode<synchronous>, transform_indices = @transform_3, window_bounds = array<i64: 128, 64>}, {pipeline_mode = #tpu.pipeline_mode<synchronous>, transform_indices = @transform_4, window_bounds = array<i64: 128, 64>}, {pipeline_mode = #tpu.pipeline_mode<synchronous>, transform_indices = @transform_5, window_bounds = array<i64: 1, 64>}, {transform_indices = @transform_6, window_bounds = array<i64: 2000, 64>}, {transform_indices = @transform_7, window_bounds = array<i64: 2000, 64>}]} {
    %get3A = arith.constant 0 : index
    %get3A_0 = arith.constant 0 : index
    %get3A_1 = vector.load %arg3[%get3A, %get3A_0] : memref<2000x8xf32, #tpu.memory_space<vmem>>, vector<2000x1xf32>
    %get3A_2 = arith.constant 0 : index
    %get3A_3 = arith.constant 0 : index
    %get3A_4 = vector.load %arg1[%get3A_2, %get3A_3] : memref<2000x128xf32, #tpu.memory_space<vmem>>, vector<2000x128xf32>
    %get3A_5 = arith.constant 0 : index
    %get3A_6 = arith.constant 0 : index
    %get3A_7 = arith.constant 0 : index
    %get3A_8 = vector.load %arg2[%get3A_5, %get3A_6, %get3A_7] : memref<2x2000x128xf32, #tpu.memory_space<vmem>>, vector<1x2000x128xf32>
    %get3A_9 = vector.shape_cast %get3A_8 : vector<1x2000x128xf32> to vector<2000x128xf32>
    %get3A_10 = arith.constant 1 : index
    %get3A_11 = arith.constant 0 : index
    %get3A_12 = arith.constant 0 : index
    %get3A_13 = vector.load %arg2[%get3A_10, %get3A_11, %get3A_12] : memref<2x2000x128xf32, #tpu.memory_space<vmem>>, vector<1x2000x128xf32>
    %get3A_14 = vector.shape_cast %get3A_13 : vector<1x2000x128xf32> to vector<2000x128xf32>
    %add3A = arith.addf %get3A_9, %get3A_14 : vector<2000x128xf32>
    %mul3A = vector.broadcast %get3A_1 : vector<2000x1xf32> to vector<2000x128xf32>
    %mul3A_15 = arith.mulf %add3A, %mul3A : vector<2000x128xf32>
    %add3A_16 = arith.addf %get3A_4, %mul3A_15 : vector<2000x128xf32>
    %max3A = arith.constant 0.000000e+00 : f32
    %max3A_17 = vector.broadcast %max3A : f32 to vector<2000x128xf32>
    %max3A_18 = arith.maximumf %add3A_16, %max3A_17 : vector<2000x128xf32>
    %get3A_19 = arith.constant 0 : index
    %get3A_20 = arith.constant 0 : index
    %get3A_21 = vector.load %arg4[%get3A_19, %get3A_20] : memref<128x64xf32, #tpu.memory_space<vmem>>, vector<128x64xf32>
    %dot_general3A = arith.constant dense<0.000000e+00> : vector<2000x64xf32>
    %dot_general3A_22 = tpu.matmul %max3A_18, %get3A_21, %dot_general3A {dimension_numbers = #tpu.dot_dimension_numbers<[1], [0], [0], [1], [0, 0, 1, 1], [], []>, transpose_lhs_hint = false} : vector<2000x128xf32>, vector<128x64xf32>, vector<2000x64xf32> -> vector<2000x64xf32>
    %get3A_23 = arith.constant 0 : index
    %get3A_24 = arith.constant 0 : index
    %get3A_25 = vector.load %arg6[%get3A_23, %get3A_24] : memref<1x64xf32, #tpu.memory_space<vmem>>, vector<1x64xf32>
    %add3A_26 = vector.broadcast %get3A_25 : vector<1x64xf32> to vector<2000x64xf32>
    %add3A_27 = arith.addf %dot_general3A_22, %add3A_26 : vector<2000x64xf32>
    %swap3A = arith.constant 0 : index
    %swap3A_28 = arith.constant 0 : index
    %swap3A_29 = vector.load %arg7[%swap3A, %swap3A_28] : memref<2000x64xf32, #tpu.memory_space<vmem>>, vector<2000x64xf32>
    tpu.vector_store %arg7[%swap3A, %swap3A_28], %add3A_27 {strides = array<i32>} : memref<2000x64xf32, #tpu.memory_space<vmem>>, vector<2000x64xf32>,
    %get3A_30 = arith.constant 0 : index
    %get3A_31 = arith.constant 0 : index
    %get3A_32 = vector.load %arg5[%get3A_30, %get3A_31] : memref<128x64xf32, #tpu.memory_space<vmem>>, vector<128x64xf32>
    %dot_general3A_33 = arith.constant dense<0.000000e+00> : vector<2000x64xf32>
    %dot_general3A_34 = tpu.matmul %max3A_18, %get3A_32, %dot_general3A_33 {dimension_numbers = #tpu.dot_dimension_numbers<[1], [0], [0], [1], [0, 0, 1, 1], [], []>, transpose_lhs_hint = false} : vector<2000x128xf32>, vector<128x64xf32>, vector<2000x64xf32> -> vector<2000x64xf32>
    %swap3A_35 = arith.constant 0 : index
    %swap3A_36 = arith.constant 0 : index
    %swap3A_37 = vector.load %arg8[%swap3A_35, %swap3A_36] : memref<2000x64xf32, #tpu.memory_space<vmem>>, vector<2000x64xf32>
    tpu.vector_store %arg8[%swap3A_35, %swap3A_36], %dot_general3A_34 {strides = array<i32>} : memref<2000x64xf32, #tpu.memory_space<vmem>>, vector<2000x64xf32>,
    return
  }
  func.func @transform_0(%arg0: i32) -> (i32, i32) {
    %c0_i32 = arith.constant 0 : i32
    %c0_i32_0 = arith.constant 0 : i32
    return %arg0, %c0_i32 : i32, i32
  }
  func.func @transform_1(%arg0: i32) -> (i32, i32, i32) {
    %c0_i32 = arith.constant 0 : i32
    %c0_i32_0 = arith.constant 0 : i32
    %c0_i32_1 = arith.constant 0 : i32
    return %c0_i32, %arg0, %c0_i32_0 : i32, i32, i32
  }
  func.func @transform_2(%arg0: i32) -> (i32, i32) {
    %c0_i32 = arith.constant 0 : i32
    %c0_i32_0 = arith.constant 0 : i32
    return %arg0, %c0_i32 : i32, i32
  }
  func.func @transform_3(%arg0: i32) -> (i32, i32) {
    %c0_i32 = arith.constant 0 : i32
    %c0_i32_0 = arith.constant 0 : i32
    %c0_i32_1 = arith.constant 0 : i32
    return %c0_i32, %c0_i32_0 : i32, i32
  }
  func.func @transform_4(%arg0: i32) -> (i32, i32) {
    %c0_i32 = arith.constant 0 : i32
    %c0_i32_0 = arith.constant 0 : i32
    %c0_i32_1 = arith.constant 0 : i32
    return %c0_i32, %c0_i32_0 : i32, i32
  }
  func.func @transform_5(%arg0: i32) -> (i32, i32) {
    %c0_i32 = arith.constant 0 : i32
    %c0_i32_0 = arith.constant 0 : i32
    %c0_i32_1 = arith.constant 0 : i32
    return %c0_i32, %c0_i32_0 : i32, i32
  }
  func.func @transform_6(%arg0: i32) -> (i32, i32) {
    %c0_i32 = arith.constant 0 : i32
    %c0_i32_0 = arith.constant 0 : i32
    return %arg0, %c0_i32 : i32, i32
  }
  func.func @transform_7(%arg0: i32) -> (i32, i32) {
    %c0_i32 = arith.constant 0 : i32
    %c0_i32_0 = arith.constant 0 : i32
    return %arg0, %c0_i32 : i32, i32
  }
}

module attributes {stable_mosaic.version = 14 : i64} {
  func.func @_stage3_body(%arg0: i32, %arg1: memref<2000x64xf32, #tpu.memory_space<vmem>>, %arg2: memref<2x2000x64xf32, #tpu.memory_space<vmem>>, %arg3: memref<2000x8xf32, #tpu.memory_space<vmem>>, %arg4: memref<2000x64xf32, #tpu.memory_space<vmem>>) attributes {dimension_semantics = [#tpu.dimension_semantics<arbitrary>], iteration_bounds = array<i64: 5>, scalar_prefetch = 0 : i64, scratch_operands = 0 : i64, tpu.core_type = #tpu.core_type<tc>, window_params = [{transform_indices = @transform_0, window_bounds = array<i64: 2000, 64>}, {transform_indices = @transform_1, window_bounds = array<i64: 2, 2000, 64>}, {transform_indices = @transform_2, window_bounds = array<i64: 2000, 8>}, {transform_indices = @transform_3, window_bounds = array<i64: 2000, 64>}]} {
    %get3A = arith.constant 0 : index
    %get3A_0 = arith.constant 0 : index
    %get3A_1 = vector.load %arg3[%get3A, %get3A_0] : memref<2000x8xf32, #tpu.memory_space<vmem>>, vector<2000x1xf32>
    %get3A_2 = arith.constant 0 : index
    %get3A_3 = arith.constant 0 : index
    %get3A_4 = vector.load %arg1[%get3A_2, %get3A_3] : memref<2000x64xf32, #tpu.memory_space<vmem>>, vector<2000x64xf32>
    %get3A_5 = arith.constant 0 : index
    %get3A_6 = arith.constant 0 : index
    %get3A_7 = arith.constant 0 : index
    %get3A_8 = vector.load %arg2[%get3A_5, %get3A_6, %get3A_7] : memref<2x2000x64xf32, #tpu.memory_space<vmem>>, vector<1x2000x64xf32>
    %get3A_9 = vector.shape_cast %get3A_8 : vector<1x2000x64xf32> to vector<2000x64xf32>
    %get3A_10 = arith.constant 1 : index
    %get3A_11 = arith.constant 0 : index
    %get3A_12 = arith.constant 0 : index
    %get3A_13 = vector.load %arg2[%get3A_10, %get3A_11, %get3A_12] : memref<2x2000x64xf32, #tpu.memory_space<vmem>>, vector<1x2000x64xf32>
    %get3A_14 = vector.shape_cast %get3A_13 : vector<1x2000x64xf32> to vector<2000x64xf32>
    %add3A = arith.addf %get3A_9, %get3A_14 : vector<2000x64xf32>
    %mul3A = vector.broadcast %get3A_1 : vector<2000x1xf32> to vector<2000x64xf32>
    %mul3A_15 = arith.mulf %add3A, %mul3A : vector<2000x64xf32>
    %add3A_16 = arith.addf %get3A_4, %mul3A_15 : vector<2000x64xf32>
    %max3A = arith.constant 0.000000e+00 : f32
    %max3A_17 = vector.broadcast %max3A : f32 to vector<2000x64xf32>
    %max3A_18 = arith.maximumf %add3A_16, %max3A_17 : vector<2000x64xf32>
    %swap3A = arith.constant 0 : index
    %swap3A_19 = arith.constant 0 : index
    %swap3A_20 = vector.load %arg4[%swap3A, %swap3A_19] : memref<2000x64xf32, #tpu.memory_space<vmem>>, vector<2000x64xf32>
    tpu.vector_store %arg4[%swap3A, %swap3A_19], %max3A_18 {strides = array<i32>} : memref<2000x64xf32, #tpu.memory_space<vmem>>, vector<2000x64xf32>,
    return
  }
  func.func @transform_0(%arg0: i32) -> (i32, i32) {
    %c0_i32 = arith.constant 0 : i32
    %c0_i32_0 = arith.constant 0 : i32
    return %arg0, %c0_i32 : i32, i32
  }
  func.func @transform_1(%arg0: i32) -> (i32, i32, i32) {
    %c0_i32 = arith.constant 0 : i32
    %c0_i32_0 = arith.constant 0 : i32
    %c0_i32_1 = arith.constant 0 : i32
    return %c0_i32, %arg0, %c0_i32_0 : i32, i32, i32
  }
  func.func @transform_2(%arg0: i32) -> (i32, i32) {
    %c0_i32 = arith.constant 0 : i32
    %c0_i32_0 = arith.constant 0 : i32
    return %arg0, %c0_i32 : i32, i32
  }
  func.func @transform_3(%arg0: i32) -> (i32, i32) {
    %c0_i32 = arith.constant 0 : i32
    %c0_i32_0 = arith.constant 0 : i32
    return %arg0, %c0_i32 : i32, i32
  }
}

</mosaic_0001>

<sc_bundles>
// kernel: kernel.12.cloned.1.call-start
scs
__scs_entry_jumppad:
0x0: {  	(pc) =	sbr.rel $0x88, $3  }
0x1: {  	(tag) =	ssettag $0x0;
	lr =	simm.s32 $0x1  }
0x2: {  	[smem:$0x3F96] =	sst lr;
	_ =	strace $0xD0000000  }
0x3: {  	_ = 	snop  }
0x4: {  	_ = 	snop  }
0x5: {  	_ = 	snop  }
0x6: {  	_ = 	snop  }
0x7: {  	_ = 	snop  }
__scs_overlays_trampoline_lowered:
0x8: {  	[smem:$0x3FA5] =	sst s0  }
0x9: {  	[smem:$0x3FA6] =	sst s1  }
0xa: {  	[smem:$0x3FA7] =	sst s2  }
0xb: {  	[smem:$0x3FA8] =	sst s3  }
0xc: {  	[smem:$0x3FA9] =	sst s4  }
0xd: {  	[smem:$0x3FAA] =	sst s5  }
0xe: {  	[smem:$0x3FAB] =	sst s6  }
0xf: {  	[smem:$0x3FAC] =	sst s7  }
0x10: {  	[smem:$0x3FAD] =	sst s8  }
0x11: {  	[smem:$0x3FAE] =	sst s9;
	s0 =	simm.s32 @!p0 $0x0  }
0x12: {  	s1 =	sld [smem:$0x3F94];
	s0 =	simm.s32 @p0 $0x1  }
0x13: {  	[smem:$0x3FAF] =	sst s0;
	s0 =	simm.s32 @!p1 $0x0  }
0x14: {  	s2 =	sld [smem:$0x3F93];
	s0 =	simm.s32 @p1 $0x1  }
0x15: {  	[smem:$0x3FB0] =	sst s0;
	s0 =	simm.s32 @!p2 $0x0  }
0x16: {  	s3 =	sld [smem:$0x3FDB];
	s0 =	simm.s32 @p2 $0x1  }
0x17: {  	s4 =	simm.s32 $0x1BF5;
	[smem:$0x3FB2] =	sst s0  }
0x18: {  	s0 =	sld [smem:$0x3F95];
	_ =	swait.ge [sflag:s4], $0x0  }
0x19: {  	s7 =	sld [smem:$0x3F96]  }
0x1a: {  	s8 =	sadd.s32 $0xFFFFE003, lr  }
0x1b: {  	s9 =	sadd.s32 $0xFFFFFEF7, lr;
	s5 =	simm.s32 $0xFFFFFFFF;
	p2 =	slt.u32 s8, $0xFFFFF086  }
0x1c: {  	p1 =	slt.u32 s9, $0xF7A;
	s5 =	simm.s32 @!p2 $0x0  }
0x1d: {  	s5 =	simm.s32 @p1 $0x1;
	p0 =	seq.s32 s7, s2  }
0x1e: {  	s7 =	smul.u32 @!p0 $0xF7A, s2;
	p2 =	seq.s32 @!p0 s5, $0x0  }
0x1f: {  	s9 =	smul.u32 $0xF7A, s1;
	s8 =	simm.s32 @!p0 $0x1BF5;
	p2 =	por !p2, p0  }
0x20: {  	[sflag:s8] =	ssyncset.s32 @!p0 $0xFFFFF086;
	s6 =	sadd.s32 @!p0 s3, s7;
	s7 =	simm.s32 @!p0 $0x108  }
0x21: {  	s3 =	sadd.s32 s3, s9;
	s6 =	sadd.s32 @!p0 $0x88, s6;
	s7 =	simm.s32 @p2 $0x1082  }
0x22: {  	[simem:s7], [sflag:s8] =	dma.local @!p0 [hbm:s6], $0xF7A  }
0x23: {  	s9 =	sor.u32 $0xD0000000, s2;
	s6 =	simm.s32 $0x108;
	_ =	swait.ge @!p0 [sflag:s8], $0x0  }
0x24: {  	s3 =	sadd.s32 $0x88, s3;
	s6 =	simm.s32 @!p1 $0x1082;
	[sflag:s4] =	ssyncset.s32 $0xFFFFF086  }
0x25: {  	[simem:s6], [sflag:s4] =	dma.local [hbm:s3], $0xF7A  }
0x26: {  	[smem:$0x3F96] =	sst s1;
	(tag) =	ssettag s2;
	_ =	strace s9  }
0x27: {  	s1 =	sld [smem:$0x3FA6]  }
0x28: {  	s2 =	sld [smem:$0x3FA7]  }
0x29: {  	s4 =	sld [smem:$0x3FA9]  }
0x2a: {  	p0 =	seq.s32 s5, $0x0;
	s5 =	sld [smem:$0x3FAA]  }
0x2b: {  	s6 =	sld [smem:$0x3FAB]  }
0x2c: {  	s7 =	sld [smem:$0x3FAC]  }
0x2d: {  	s3 =	simm.s32 $0x108;
	s8 =	sld [smem:$0x3FAD]  }
0x2e: {  	s3 =	simm.s32 @!p0 $0x1082;
	s9 =	sld [smem:$0x3FAE]  }
0x2f: {  	lr =	sadd.s32 s0, s3;
	s0 =	sld [smem:$0x3FA5]  }
0x30: {  	s3 =	sld [smem:$0x3FA8]  }
0x31: {  	[smem:$0x3FB1] =	sst s10  }
0x32: {  	s10 =	sld [smem:$0x3FAF];
	_ =	sdelay $0x3  }
0x33: {  	p0 =	seq.s32 s10, $0x1;
	s10 =	sld [smem:$0x3FB1];
	_ =	sdelay $0x3  }
0x34: {  	[smem:$0x3FB1] =	sst s10  }
0x35: {  	s10 =	sld [smem:$0x3FB0];
	_ =	sdelay $0x3  }
0x36: {  	p1 =	seq.s32 s10, $0x1;
	s10 =	sld [smem:$0x3FB1];
	_ =	sdelay $0x3  }
0x37: {  	[smem:$0x3FB1] =	sst s10  }
0x38: {  	s10 =	sld [smem:$0x3FB2]  }
0x39: {  	_ = 	snop;
	(pc) =	sbr.ind lr, $3  }
0x3a: {  	_ = 	snop  }
0x3b: {  	_ = 	snop  }
0x3c: {  	p2 =	seq.s32 s10, $0x1;
	s10 =	sld [smem:$0x3FB1]  }
0x3d: {  	_ =	shalt  }
0x3e: {  	_ =	shalt  }
0x3f: {  	_ =	shalt  }
0x40: {  	_ =	shalt  }
0x41: {  	_ =	shalt  }
0x42: {  	_ =	shalt  }
0x43: {  	_ =	shalt  }
0x44: {  	_ =	shalt  }
0x45: {  	_ =	shalt  }
0x46: {  	_ =	shalt  }
0x47: {  	_ =	shalt  }
0x48: {  	_ =	shalt  }
0x49: {  	_ =	shalt  }
0x4a: {  	_ =	shalt  }
0x4b: {  	_ =	shalt  }
0x4c: {  	_ =	shalt  }
0x4d: {  	_ =	shalt  }
0x4e: {  	_ =	shalt  }
0x4f: {  	_ =	shalt  }
0x50: {  	_ =	shalt  }
0x51: {  	_ =	shalt  }
0x52: {  	_ =	shalt  }
0x53: {  	_ =	shalt  }
0x54: {  	_ =	shalt  }
0x55: {  	_ =	shalt  }
0x56: {  	_ =	shalt  }
0x57: {  	_ =	shalt  }
0x58: {  	_ =	shalt  }
0x59: {  	_ =	shalt  }
0x5a: {  	_ =	shalt  }
0x5b: {  	_ =	shalt  }
0x5c: {  	_ =	shalt  }
0x5d: {  	_ =	shalt  }
0x5e: {  	_ =	shalt  }
0x5f: {  	_ =	shalt  }
0x60: {  	_ =	shalt  }
0x61: {  	_ =	shalt  }
0x62: {  	_ =	shalt  }
0x63: {  	_ =	shalt  }
0x64: {  	_ =	shalt  }
0x65: {  	_ =	shalt  }
0x66: {  	_ =	shalt  }
0x67: {  	_ =	shalt  }
0x68: {  	_ =	shalt  }
0x69: {  	_ =	shalt  }
0x6a: {  	_ =	shalt  }
0x6b: {  	_ =	shalt  }
0x6c: {  	_ =	shalt  }
0x6d: {  	_ =	shalt  }
0x6e: {  	_ =	shalt  }
0x6f: {  	_ =	shalt  }
0x70: {  	_ =	shalt  }
0x71: {  	_ =	shalt  }
0x72: {  	_ =	shalt  }
0x73: {  	_ =	shalt  }
0x74: {  	_ =	shalt  }
0x75: {  	_ =	shalt  }
0x76: {  	_ =	shalt  }
0x77: {  	_ =	shalt  }
0x78: {  	_ =	shalt  }
0x79: {  	_ =	shalt  }
0x7a: {  	_ =	shalt  }
0x7b: {  	_ =	shalt  }
0x7c: {  	_ =	shalt  }
0x7d: {  	_ =	shalt  }
0x7e: {  	_ =	shalt  }
0x7f: {  	_ =	shalt  }
0x80: {  	_ =	shalt  }
0x81: {  	_ =	shalt  }
0x82: {  	_ =	shalt  }
0x83: {  	_ =	shalt  }
0x84: {  	_ =	shalt  }
0x85: {  	_ =	shalt  }
0x86: {  	_ =	shalt  }
0x87: {  	_ =	shalt  }
.Lfunc_end0:
.L_simem_size_0:
called_computation.1_lowered:
.L_overlay_start_0:
0x88: {  	s2 =	sld [smem:$0x3FD9]  }
0x89: {  	s3 =	sld [smem:$0x3FFE];
	_ =	sdelay $0x1  }
0x8a: {  	s1 =	srdreg.scid  }
0x8b: {  	s0 =	sand.u32 $0x1, s1  }
0x8c: {  	s17 =	sshll.u32 s0, $0xA;
	s2 =	sadd.s32 s3, s2  }
0x8d: {  	s2 =	sadd.s32 s2, s17  }
0x8e: {  	[smem:$0x3FBD] =	sst s2  }
0x8f: {  	_ = 	snop  }
0x90: {  	s2 =	sld [smem:$0x3FD0];
	(tm) =	ssettm $0x1  }
0x91: {  	s18 =	sld [smem:$0x3FFB];
	_ =	sdelay $0x3  }
0x92: {  	_ =	strace s18  }
0x93: {  	s3 =	sld [smem:$0x3FFC];
	_ =	sdelay $0x3  }
0x94: {  	_ =	strace s3  }
0x95: {  	s3 =	sld [smem:$0x3FFD];
	_ =	sdelay $0x3  }
0x96: {  	_ =	strace s3  }
0x97: {  	_ =	strace $0x8FFFFFFF  }
0x98: {  	s19 =	sld [smem:$0x3FDB];
	_ =	sdelay $0x1  }
0x99: {  	s4 =	simm.s32 $_scs_section_size  }
0x9a: {  	s5 =	simm.s32 $_size__tile_overlayer_lowered;
	s6 =	simm.s32 $_tile_overlayer_lowered  }
0x9b: {  	s22 =	simm.s32 $0x1BFF;
	s21 =	sshll.u32 s6, $0x1;
	s3 =	sadd.s32 s4, s19  }
0x9c: {  	s7 =	simm.s32 $0x0;
	s20 =	sshll.u32 s5, $0x1;
	s5 =	sadd.s32 s21, s3  }
0x9d: {  	[timem:s7], [sflag:s22] =	dma.local [hbm:s5], s20  }
0x9e: {  	_ =	swait.ge [sflag:s22], s20  }
0x9f: {  	s4 =	ssub.s32 $0x0, s20;
	[sflag:s22] =	ssyncset.done $0x0  }
0xa0: {  	[sflag:s22] =	ssyncadd.s32 s4;
	_ =	sdelay $0x1  }
0xa1: {  	s23 =	simm.s32 $0x1B8B  }
0xa2: {  	_ =	swait.ge [sflag:s23], $0x1  }
0xa3: {  	[sflag:s23] =	ssyncset.done $0x0  }
0xa4: {  	s25 =	simm.s32 $0x1B8E;
	s24 =	sld [smem:$0x3FFE];
	[sflag:s23] =	ssyncadd.s32 $0xFFFFFFFF  }
0xa5: {  	s26 =	simm.s32 $execute0_lowered;
	[smem:$0x3FD2] =	sst s25  }
0xa6: {  	s5 =	sshll.u32 s26, $0x1;
	_ =	strace $0x80000049;
	[dreg:$0x1] =	wrdreg $0xFFFFFFFF  }
0xa7: {  	s28 =	simm.s32 $_size_execute0_lowered;
	s3 =	sadd.s32 s3, s5;
	[dreg:$0x0] =	wrdreg $0x0  }
0xa8: {  	s5 =	sshll.u32 s28, $0x1;
	[dreg:$0x2] =	wrdreg s3  }
0xa9: {  	[dreg:$0x3] =	wrdreg s5  }
0xaa: {  	[dreg:$0x4] =	wrdreg $0xC0  }
0xab: {  	_ =	task [dreg:s7], $0x5FFFF  }
0xac: {  	[dreg:$0x1] =	wrdreg $0xFFFFFFFF  }
0xad: {  	[dreg:$0x0] =	wrdreg $0x60  }
0xae: {  	[dreg:$0x2] =	wrdreg s2  }
0xaf: {  	[dreg:$0x3] =	wrdreg s24  }
0xb0: {  	[dreg:$0x4] =	wrdreg $0x9A000  }
0xb1: {  	[dreg:$0x5] =	wrdreg $0x9  }
0xb2: {  	_ =	task.clear_ibuf [dreg:s7], $0x6FFFF;
	_ =	strace $0x90000049  }
0xb3: {  	s29 =	simm.s32 $0x9;
	_ =	strace $0x8000004B  }
0xb4: {  	_ =	swait.ge [sflag:s29], $0x1  }
0xb5: {  	[sflag:s29] =	ssyncadd.s32 $0xFFFFFFFF  }
0xb6: {  	_ =	strace $0x9000004B  }
0xb7: {  	_ =	sfence  }
0xb8: {  	s30 =	sld [smem:$0x0];
	_ =	sdelay $0x2  }
0xb9: {  	s31 =	sshll.u32 s1, $0xD;
	s1 =	sshrl.u32 s1, $0x2  }
0xba: {  	s3 =	sand.u32 $0x4000, s31;
	s1 =	sadd.s32 s1, s30  }
0xbb: {  	s0 =	sor.u32 s3, s0;
	s1 =	sshll.u32 s1, $0x11  }
0xbc: {  	s0 =	sor.u32 s1, s0  }
0xbd: {  	s0 =	sadd.s32 $0x8F2B, s0  }
0xbe: {  	[sflag:s0] =	ssyncadd.remote.s32 $0x1  }
0xbf: {  	_ =	sfence.sel $0xFFFF  }
0xc0: {  	[dreg:$0x0] =	wrdreg $0xFFFFFFFF;
	(pc) =	sbr.abs _section_cstart, $3  }
0xc1: {  	[dreg:$0x1] =	wrdreg $0xFFFFFFFF  }
0xc2: {  	_ =	task.clear_ibuf [dreg:s7], $0x2FFFF;
	_ =	strace $0x9FFFFFFF  }
0xc3: {  	(tm) =	ssettm $0x7FFFFFFF  }
tec
execute0_lowered:
.L_overlay_start_1:
0x0: {  	(tag) =	ssettag $0x1  }
0x1: {  	s0 =	rddreg [dreg:$0x0]  }
0x2: {  	s1 =	rddreg [dreg:$0x1]  }
0x3: {  	s2 =	rddreg [dreg:$0x2];
	s3 =	simm.s32 $0x0  }
0x4: {  	s13 =	stileid.u32;
	s6 =	srdreg.scid;
	s28 =	simm.s32 $0x5  }
0x5: {  	s29 =	simm.s32 $0x3;
	s30 =	simm.s32 $0x80;
	[smem:$0x7FF] =	sst s3  }
0x6: {  	s5 =	smul.u32 $0x13800, s13;
	s4 =	sadd.s32 $0x3000, s1;
	s6 =	sand.u32 $0x1, s6  }
0x7: {  	s8 =	sshll.u32 s13, $0x1;
	s11 =	sadd.s32 $0x78600, s1;
	s26 =	sadd.s32 $0x138000, s2  }
0x8: {  	_ =	strace $0x8000004A;
	s9 =	ssub.s32 $0x2, s6;
	s8 =	sor.u32 s6, s8  }
0x9: {  	[dreg:$0x6] =	wrdreg s26;
	s18 =	smul.u32 $0x138800, s6;
	s7 =	sshrl.u32 s5, $0x3  }
0xa: {  	s10 =	sshrl.u32 s9, $0x1;
	s12 =	smul.u32 $0x2700, s8;
	s23 =	sadd.s32 s5, s2  }
0xb: {  	s7 =	sadd.s32 s7, s1;
	s9 =	ssub.s32 s9, s10;
	[dreg:$0x4] =	wrdreg s23  }
0xc: {  	s1 =	sadd.s32 $0x78400, s1;
	s5 =	sadd.s32 s5, s18;
	s7 =	sadd.s32 $0x51400, s7  }
0xd: {  	s25 =	sshrl.u32 s12, $0x3;
	[dreg:$0x7] =	wrdreg s1;
	s5 =	sshrl.u32 s5, $0x3  }
0xe: {  	[dreg:$0x5] =	wrdreg s7;
	s10 =	sadd.s32 s0, s25;
	s5 =	sadd.s32 s11, s5  }
0xf: {  	s31 =	simm.s32 $0x1A00;
	s12 =	sadd.s32 $0x9C40, s10;
	[dreg:$0x12] =	wrdreg s5  }
0x10: {  	s24 =	sshll.u32 s13, $0x6;
	s14 =	sadd.s32 $0xD0, s10;
	[dreg:$0x8] =	wrdreg s12  }
0x11: {  	p0 =	sne.s32 s13, $0xF;
	s15 =	sadd.s32 $0x9D10, s10;
	[dreg:$0x9] =	wrdreg s14  }
0x12: {  	p1 =	sgt.u32 s13, $0x1;
	s16 =	sadd.s32 $0x1A0, s10;
	[dreg:$0xa] =	wrdreg s15  }
0x13: {  	s13 =	simm.s32 $0x1980;
	s17 =	sadd.s32 $0x9DE0, s10;
	[dreg:$0xb] =	wrdreg s16  }
0x14: {  	s6 =	simm.s32 $0x5A00;
	s19 =	sadd.s32 $0x270, s10;
	[dreg:$0xc] =	wrdreg s17  }
0x15: {  	s23 =	sshll.u32 s8, $0x4;
	s20 =	sadd.s32 $0x9EB0, s10;
	[dreg:$0xd] =	wrdreg s19  }
0x16: {  	s8 =	simm.s32 $0x1;
	s21 =	sadd.s32 $0x340, s10;
	[dreg:$0xe] =	wrdreg s20  }
0x17: {  	s7 =	sor.u32 $0x1C05, s24;
	s22 =	sadd.s32 $0x9F80, s10;
	[dreg:$0xf] =	wrdreg s21  }
0x18: {  	s0 =	sadd.s32 s23, s0;
	s24 =	sadd.s32 $0x410, s10;
	[dreg:$0x10] =	wrdreg s22  }
0x19: {  	s1 =	sshrl.u32 s18, $0x3;
	s25 =	sadd.s32 $0x9C00, s0;
	[dreg:$0x11] =	wrdreg s24  }
0x1a: {  	s1 =	sadd.s32 s11, s1;
	s0 =	sadd.s32 $0x13840, s0;
	[dreg:$0x13] =	wrdreg s25  }
0x1b: {  	s11 =	simm.s32 $0x680;
	s26 =	sadd.s32 $0x27000, s1;
	[dreg:$0x14] =	wrdreg s0  }
0x1c: {  	s1 =	simm.s32 $0x1380;
	s5 =	simm.s32 $0x4;
	[dreg:$0x15] =	wrdreg s26  }
0x1d: {  	s25 =	smax.u32 s9, $0x1;
	s26 =	sadd.s32 $0xA050, s10;
	s0 =	simm.s32 $0xD00  }
0x1e: {  	s9 =	simm.s32 $0xC80;
	s12 =	simm.s32 $0x2;
	s14 =	simm.s32 $0x0  }
.LBB2_1:
0x1f: {  	s15 =	rddreg [dreg:$0x4]  }
0x20: {  	s16 =	rddreg [dreg:$0x5];
	s15 =	sshrl.u32 s15, $0x3  }
0x21: {  	[spmem:s15], [sflag:s7] =	dma.local [hbm:s16], $0x2700  }
0x22: {  	_ =	swait.ge [sflag:s28], $0x2700  }
0x23: {  	[sflag:s28] =	ssyncset.done $0x0;
	s16 =	rddreg [dreg:$0x6]  }
0x24: {  	s17 =	rddreg [dreg:$0x7];
	[sflag:s28] =	ssyncadd.s32 $0xFFFFD900;
	s16 =	sshrl.u32 @!p0 s16, $0x3  }
0x25: {  	[spmem:s16], [sflag:s7] =	dma.local @!p0 [hbm:s17], $0x100  }
0x26: {  	s17 =	simm.s32 @!p0 $0x5  }
0x27: {  	_ =	swait.ge @!p0 [sflag:s17], $0x100  }
0x28: {  	[sflag:s17] =	ssyncset.done @!p0 $0x0  }
0x29: {  	[sflag:s17] =	ssyncadd.s32 @!p0 $0xFFFFFF00  }
0x2a: {  	[tilespmem:s3], [sflag:$0x3] =	stream.linear.gather [hbm4b:s10+s3], $0x680, $0x38;
	[tilespmem:$0x1D280] =	vst v63  }
0x2b: {  	s20 =	rddreg [dreg:$0x8]  }
0x2c: {  	[tilespmem:s11], [sflag:$0x3] =	stream.linear.gather [hbm4b:s20+s3], $0x680, $0x38;
	[tilespmem:$0x1D280] =	vst v63  }
0x2d: {  	_ =	swait.ge [sflag:s29], $0x680  }
0x2e: {  	[sflag:s29] =	ssyncset.done $0x0  }
0x2f: {  	[sflag:s29] =	ssyncadd.s32 $0xFFFFF980  }
0x30: {  	_ =	swait.ge [sflag:s29], $0x680  }
0x31: {  	[sflag:s29] =	ssyncset.done $0x0  }
0x32: {  	s23 =	sand.u32 $0x1, s3;
	s17 =	simm.s32 $0x1;
	[sflag:s29] =	ssyncadd.s32 $0xFFFFF980  }
0x33: {  	[tilespmem:s31], [sflag:$0x1] =	stream.indirect.gather [hbm4b:s4+s30], $0x80, s3, s30, $0xb8;
	[tilespmem:$0x1D280] =	vst v63  }
0x34: {  	s24 =	sadd.s32 $0x1, s23;
	s18 =	sand.u32 $0x1, s17;
	s21 =	rddreg [dreg:$0x9]  }
0x35: {  	[tilespmem:s0], [sflag:$0x4] =	stream.linear.gather [hbm4b:s21+s3], $0x680, $0x38;
	[tilespmem:$0x1D280] =	vst v63  }
0x36: {  	s19 =	sshll.u32 s18, $0xE;
	s18 =	sadd.s32 $0x1, s18;
	s22 =	rddreg [dreg:$0xa]  }
0x37: {  	[tilespmem:s1], [sflag:$0x4] =	stream.linear.gather [hbm4b:s22+s3], $0x680, $0x38;
	[tilespmem:$0x1D280] =	vst v63  }
0x38: {  	s19 =	sor.u32 $0x1A00, s19;
	s20 =	simm.s32 $0x80;
	[bflag:$0x0] =	sbarrier.arrive $0xFFFF  }
0x39: {  	[tilespmem:s19], [sflag:s18] =	stream.indirect.gather [hbm4b:s4+s30], $0x80, s20, s30, $0xb8;
	[tilespmem:$0x1D280] =	vst v63  }
0x3a: {  	_ =	swait.ge [sflag:s24], $0x4000  }
0x3b: {  	s18 =	sshll.u32 s23, $0xE;
	[sflag:s24] =	ssyncset.done $0x0  }
0x3c: {  	s18 =	sor.u32 $0x1A00, s18;
	[sflag:s24] =	ssyncadd.s32 $0xFFFFC000  }
0x3d: {  	[spmem:s2] =	stream.indirect.scatter.add.f32 [tilespmem:s18], [sflag:$0x5], $0x80, s11, s30, $0xb8;
	[tilespmem:$0x1D280] =	vst v63  }
0x3e: {  	s18 =	simm.s32 $0x680  }
.LBB2_2:
0x3f: {  	p2 =	sne.s32 s17, $0xB;
	s19 =	smov.u32 s17;
	s17 =	sadd.s32 $0x1, s17  }
0x40: {  	s18 =	sadd.s32 $0x80, s18;
	s20 =	sand.u32 $0x1, s17;
	_ =	swait.ge [sflag:s28], $0x4000  }
0x41: {  	s19 =	sand.u32 $0x1, s19;
	s21 =	sshll.u32 s20, $0xE;
	[sflag:s28] =	ssyncset.done $0x0  }
0x42: {  	s22 =	sadd.s32 $0xFFFFFA00, s18;
	s20 =	sadd.s32 $0x1, s20;
	s21 =	sor.u32 $0x1A00, s21  }
0x43: {  	s23 =	sadd.s32 $0x1, s19;
	[sflag:s28] =	ssyncadd.s32 $0xFFFFC000  }
0x44: {  	[tilespmem:s21], [sflag:s20] =	stream.indirect.gather [hbm4b:s4+s30], $0x80, s22, s30, $0xb8;
	[tilespmem:$0x1D280] =	vst v63  }
.Ltmp0:
0x45: {  	_ = 	snop;
	(pc) =	sbr.rel @p2 .LBB2_2-.Ltmp0, $4  }
0x46: {  	s19 =	sshll.u32 s19, $0xE;
	_ =	swait.ge [sflag:s23], $0x4000  }
0x47: {  	s19 =	sor.u32 $0x1A00, s19;
	[sflag:s23] =	ssyncset.done $0x0  }
0x48: {  	[sflag:s23] =	ssyncadd.s32 $0xFFFFC000  }
0x49: {  	[spmem:s2] =	stream.indirect.scatter.add.f32 [tilespmem:s19], [sflag:$0x5], $0x80, s18, s30, $0xb8;
	[tilespmem:$0x1D280] =	vst v63  }
0x4a: {  	_ =	swait.ge [sflag:s28], $0x4000  }
0x4b: {  	[sflag:s28] =	ssyncset.done $0x0  }
0x4c: {  	[sflag:s28] =	ssyncadd.s32 $0xFFFFC000  }
0x4d: {  	_ =	swait.ge [sflag:s5], $0x680  }
0x4e: {  	[sflag:s5] =	ssyncset.done $0x0  }
0x4f: {  	[sflag:s5] =	ssyncadd.s32 $0xFFFFF980  }
0x50: {  	_ =	swait.ge [sflag:s5], $0x680  }
0x51: {  	[sflag:s5] =	ssyncset.done $0x0  }
0x52: {  	[sflag:s5] =	ssyncadd.s32 $0xFFFFF980  }
0x53: {  	[tilespmem:s6], [sflag:$0x2] =	stream.indirect.gather [hbm4b:s4+s30], $0x80, s0, s30, $0xb8;
	[tilespmem:$0x1D280] =	vst v63  }
0x54: {  	_ =	swait.ge [sflag:s8], $0x4000  }
0x55: {  	[sflag:s8] =	ssyncset.done $0x0  }
0x56: {  	[sflag:s8] =	ssyncadd.s32 $0xFFFFC000  }
0x57: {  	[spmem:s2] =	stream.indirect.scatter.add.f32 [tilespmem:s31], [sflag:$0x5], $0x80, s9, s30, $0xb8;
	[tilespmem:$0x1D280] =	vst v63  }
0x58: {  	_ =	swait.ge [sflag:s28], $0x4000  }
0x59: {  	[sflag:s28] =	ssyncset.done $0x0  }
0x5a: {  	s17 =	simm.s32 $0x0;
	s18 =	rddreg [dreg:$0xb];
	[sflag:s28] =	ssyncadd.s32 $0xFFFFC000  }
0x5b: {  	[tilespmem:s17], [sflag:$0x3] =	stream.linear.gather [hbm4b:s18+s17], $0x680, $0x38;
	[tilespmem:$0x1D280] =	vst v63  }
0x5c: {  	s23 =	rddreg [dreg:$0xc]  }
0x5d: {  	[tilespmem:s11], [sflag:$0x3] =	stream.linear.gather [hbm4b:s23+s17], $0x680, $0x38;
	[tilespmem:$0x1D280] =	vst v63  }
0x5e: {  	s17 =	sand.u32 $0x1, s17  }
0x5f: {  	s24 =	simm.s32 $0xD80;
	s19 =	sshll.u32 s17, $0xE;
	s20 =	sxor.u32 $0x1, s17  }
0x60: {  	s17 =	sadd.s32 $0x1, s17;
	s19 =	sor.u32 $0x1A00, s19;
	s21 =	sadd.s32 $0x1, s20  }
0x61: {  	[tilespmem:s19], [sflag:s17] =	stream.indirect.gather [hbm4b:s4+s30], $0x80, s24, s30, $0xb8;
	[tilespmem:$0x1D280] =	vst v63  }
0x62: {  	s23 =	simm.s32 $0x1380;
	s22 =	sshll.u32 s20, $0xE;
	_ =	swait.ge [sflag:s21], $0x4000  }
0x63: {  	s18 =	sor.u32 $0x1A00, s22;
	s24 =	simm.s32 $0x1;
	[sflag:s21] =	ssyncset.done $0x0  }
0x64: {  	s19 =	simm.s32 $0x2;
	s17 =	simm.s32 $0x1400;
	[sflag:s21] =	ssyncadd.s32 $0xFFFFC000  }
0x65: {  	[spmem:s2] =	stream.indirect.scatter.add.f32 [tilespmem:s18], [sflag:$0x5], $0x80, s23, s30, $0xb8;
	[tilespmem:$0x1D280] =	vst v63  }
0x66: {  	s20 =	sand.u32 $0x1, s24;
	s18 =	simm.s32 $0xE00;
	_ =	swait.ge [sflag:s28], $0x4000  }
.LBB2_4:
0x67: {  	s21 =	sshll.u32 s20, $0xE;
	s22 =	sxor.u32 $0x1, s20;
	[sflag:s28] =	ssyncset.done $0x0  }
0x68: {  	s23 =	smov.u32 s19;
	s24 =	smov.u32 s17;
	s20 =	sadd.s32 $0x1, s20  }
0x69: {  	p2 =	sne.s32 s19, $0xB;
	s21 =	sor.u32 $0x1A00, s21;
	[sflag:s28] =	ssyncadd.s32 $0xFFFFC000  }
0x6a: {  	[tilespmem:s21], [sflag:s20] =	stream.indirect.gather [hbm4b:s4+s30], $0x80, s18, s30, $0xb8;
	[tilespmem:$0x1D280] =	vst v63  }
0x6b: {  	s21 =	sadd.s32 $0x1, s19;
	s18 =	sshll.u32 s22, $0xE;
	s20 =	sadd.s32 $0x1, s22  }
.Ltmp1:
0x6c: {  	_ =	swait.ge [sflag:s20], $0x4000;
	(pc) =	sbr.rel @p2 .LBB2_4-.Ltmp1, $4  }
0x6d: {  	s18 =	sor.u32 $0x1A00, s18;
	[sflag:s20] =	ssyncset.done $0x0  }
0x6e: {  	s17 =	sadd.s32 $0x80, s17;
	s19 =	smov.u32 s21;
	[sflag:s20] =	ssyncadd.s32 $0xFFFFC000  }
0x6f: {  	[spmem:s2] =	stream.indirect.scatter.add.f32 [tilespmem:s18], [sflag:$0x5], $0x80, s24, s30, $0xb8;
	[tilespmem:$0x1D280] =	vst v63  }
0x70: {  	s20 =	sand.u32 $0x1, s23;
	s18 =	sadd.s32 $0xFFFFFA00, s17;
	_ =	swait.ge [sflag:s28], $0x4000  }
0x71: {  	s19 =	sshll.u32 s20, $0xE  }
0x72: {  	s21 =	sxor.u32 $0x1, s20;
	[sflag:s28] =	ssyncset.done $0x0;
	s23 =	sadd.s32 $0x1, s20  }
0x73: {  	s19 =	sor.u32 $0x1A00, s19;
	[sflag:s28] =	ssyncadd.s32 $0xFFFFC000;
	s24 =	sadd.s32 $0x1, s21  }
0x74: {  	[tilespmem:s19], [sflag:s23] =	stream.indirect.gather [hbm4b:s4+s30], $0x80, s18, s30, $0xb8;
	[tilespmem:$0x1D280] =	vst v63  }
0x75: {  	_ =	swait.ge [sflag:s24], $0x4000  }
0x76: {  	s20 =	sshll.u32 s21, $0xE;
	[sflag:s24] =	ssyncset.done $0x0  }
0x77: {  	s19 =	sor.u32 $0x1A00, s20;
	[sflag:s24] =	ssyncadd.s32 $0xFFFFC000  }
0x78: {  	[spmem:s2] =	stream.indirect.scatter.add.f32 [tilespmem:s19], [sflag:$0x5], $0x80, s17, s30, $0xb8;
	[tilespmem:$0x1D280] =	vst v63  }
0x79: {  	_ =	swait.ge [sflag:s28], $0x4000  }
0x7a: {  	[sflag:s28] =	ssyncset.done $0x0  }
0x7b: {  	[sflag:s28] =	ssyncadd.s32 $0xFFFFC000  }
0x7c: {  	_ =	swait.ge [sflag:s29], $0x680  }
0x7d: {  	[sflag:s29] =	ssyncset.done $0x0  }
0x7e: {  	[sflag:s29] =	ssyncadd.s32 $0xFFFFF980  }
0x7f: {  	_ =	swait.ge [sflag:s29], $0x680  }
0x80: {  	[sflag:s29] =	ssyncset.done $0x0  }
0x81: {  	s21 =	simm.s32 $0x0;
	[sflag:s29] =	ssyncadd.s32 $0xFFFFF980  }
0x82: {  	[tilespmem:s31], [sflag:$0x1] =	stream.indirect.gather [hbm4b:s4+s30], $0x80, s21, s30, $0xb8;
	[tilespmem:$0x1D280] =	vst v63  }
0x83: {  	_ =	swait.ge [sflag:s12], $0x4000  }
0x84: {  	[sflag:s12] =	ssyncset.done $0x0  }
0x85: {  	[sflag:s12] =	ssyncadd.s32 $0xFFFFC000  }
0x86: {  	[spmem:s2] =	stream.indirect.scatter.add.f32 [tilespmem:s6], [sflag:$0x5], $0x80, s13, s30, $0xb8;
	[tilespmem:$0x1D280] =	vst v63  }
0x87: {  	_ =	swait.ge [sflag:s28], $0x4000  }
0x88: {  	s17 =	sand.u32 $0x1, s21;
	[sflag:s28] =	ssyncset.done $0x0  }
0x89: {  	s24 =	sxor.u32 $0x1, s17;
	s22 =	rddreg [dreg:$0xd];
	[sflag:s28] =	ssyncadd.s32 $0xFFFFC000  }
0x8a: {  	[tilespmem:s0], [sflag:$0x4] =	stream.linear.gather [hbm4b:s22+s21], $0x680, $0x38;
	[tilespmem:$0x1D280] =	vst v63  }
0x8b: {  	s20 =	sshll.u32 s24, $0xE;
	s18 =	sadd.s32 $0x1, s24;
	s23 =	rddreg [dreg:$0xe]  }
0x8c: {  	[tilespmem:s1], [sflag:$0x4] =	stream.linear.gather [hbm4b:s23+s21], $0x680, $0x38;
	[tilespmem:$0x1D280] =	vst v63  }
0x8d: {  	s19 =	sor.u32 $0x1A00, s20;
	s22 =	sadd.s32 $0x1, s17;
	s21 =	simm.s32 $0x80  }
0x8e: {  	[tilespmem:s19], [sflag:s18] =	stream.indirect.gather [hbm4b:s4+s30], $0x80, s21, s30, $0xb8;
	[tilespmem:$0x1D280] =	vst v63  }
0x8f: {  	s24 =	simm.s32 $0x1;
	_ =	swait.ge [sflag:s22], $0x4000  }
0x90: {  	s20 =	sand.u32 $0x1, s24;
	s17 =	sshll.u32 s17, $0xE;
	[sflag:s22] =	ssyncset.done $0x0  }
0x91: {  	s17 =	sor.u32 $0x1A00, s17;
	s23 =	simm.s32 $0x680;
	[sflag:s22] =	ssyncadd.s32 $0xFFFFC000  }
0x92: {  	[spmem:s2] =	stream.indirect.scatter.add.f32 [tilespmem:s17], [sflag:$0x5], $0x80, s23, s30, $0xb8;
	[tilespmem:$0x1D280] =	vst v63  }
0x93: {  	s18 =	simm.s32 $0x2;
	s21 =	sxor.u32 $0x1, s20;
	_ =	swait.ge [sflag:s28], $0x4000  }
0x94: {  	s19 =	sshll.u32 s20, $0xE;
	s17 =	simm.s32 $0x700;
	[sflag:s28] =	ssyncset.done $0x0  }
.LBB2_6:
0x95: {  	s22 =	sshll.u32 s21, $0xE  }
0x96: {  	s23 =	sadd.s32 $0xFFFFFA00, s17;
	[sflag:s28] =	ssyncadd.s32 $0xFFFFC000;
	s24 =	smov.u32 s18  }
0x97: {  	s21 =	sadd.s32 $0x1, s21;
	s20 =	sadd.s32 $0x1, s20;
	s22 =	sor.u32 $0x1A00, s22  }
0x98: {  	[tilespmem:s22], [sflag:s21] =	stream.indirect.gather [hbm4b:s4+s30], $0x80, s23, s30, $0xb8;
	[tilespmem:$0x1D280] =	vst v63  }
0x99: {  	p2 =	sne.s32 s18, $0xB;
	s18 =	sadd.s32 $0x1, s18;
	_ =	swait.ge [sflag:s20], $0x4000  }
.Ltmp2:
0x9a: {  	[sflag:s20] =	ssyncset.done $0x0;
	(pc) =	sbr.rel @p2 .LBB2_6-.Ltmp2, $4  }
0x9b: {  	s19 =	sor.u32 $0x1A00, s19;
	[sflag:s20] =	ssyncadd.s32 $0xFFFFC000  }
0x9c: {  	[spmem:s2] =	stream.indirect.scatter.add.f32 [tilespmem:s19], [sflag:$0x5], $0x80, s17, s30, $0xb8;
	[tilespmem:$0x1D280] =	vst v63  }
0x9d: {  	s20 =	sand.u32 $0x1, s24;
	s17 =	sadd.s32 $0x80, s17;
	_ =	swait.ge [sflag:s28], $0x4000  }
0x9e: {  	s21 =	sxor.u32 $0x1, s20;
	s19 =	sshll.u32 s20, $0xE;
	[sflag:s28] =	ssyncset.done $0x0  }
0x9f: {  	s18 =	sshll.u32 s21, $0xE;
	s22 =	sadd.s32 $0xFFFFFA00, s17;
	[sflag:s28] =	ssyncadd.s32 $0xFFFFC000  }
0xa0: {  	s23 =	sadd.s32 $0x1, s21;
	s20 =	sadd.s32 $0x1, s20;
	s18 =	sor.u32 $0x1A00, s18  }
0xa1: {  	[tilespmem:s18], [sflag:s23] =	stream.indirect.gather [hbm4b:s4+s30], $0x80, s22, s30, $0xb8;
	[tilespmem:$0x1D280] =	vst v63  }
0xa2: {  	_ =	swait.ge [sflag:s20], $0x4000  }
0xa3: {  	[sflag:s20] =	ssyncset.done $0x0  }
0xa4: {  	s24 =	sor.u32 $0x1A00, s19;
	[sflag:s20] =	ssyncadd.s32 $0xFFFFC000  }
0xa5: {  	[spmem:s2] =	stream.indirect.scatter.add.f32 [tilespmem:s24], [sflag:$0x5], $0x80, s17, s30, $0xb8;
	[tilespmem:$0x1D280] =	vst v63  }
0xa6: {  	_ =	swait.ge [sflag:s28], $0x4000  }
0xa7: {  	[sflag:s28] =	ssyncset.done $0x0  }
0xa8: {  	[sflag:s28] =	ssyncadd.s32 $0xFFFFC000  }
0xa9: {  	_ =	swait.ge [sflag:s5], $0x680  }
0xaa: {  	[sflag:s5] =	ssyncset.done $0x0  }
0xab: {  	[sflag:s5] =	ssyncadd.s32 $0xFFFFF980  }
0xac: {  	_ =	swait.ge [sflag:s5], $0x680  }
0xad: {  	[sflag:s5] =	ssyncset.done $0x0  }
0xae: {  	[sflag:s5] =	ssyncadd.s32 $0xFFFFF980  }
0xaf: {  	[tilespmem:s6], [sflag:$0x2] =	stream.indirect.gather [hbm4b:s4+s30], $0x80, s0, s30, $0xb8;
	[tilespmem:$0x1D280] =	vst v63  }
0xb0: {  	_ =	swait.ge [sflag:s8], $0x4000  }
0xb1: {  	[sflag:s8] =	ssyncset.done $0x0  }
0xb2: {  	[sflag:s8] =	ssyncadd.s32 $0xFFFFC000  }
0xb3: {  	[spmem:s2] =	stream.indirect.scatter.add.f32 [tilespmem:s31], [sflag:$0x5], $0x80, s9, s30, $0xb8;
	[tilespmem:$0x1D280] =	vst v63  }
0xb4: {  	_ =	swait.ge [sflag:s28], $0x4000  }
0xb5: {  	s19 =	simm.s32 $0x0;
	s22 =	simm.s32 $0xD80;
	[sflag:s28] =	ssyncset.done $0x0  }
0xb6: {  	s17 =	sand.u32 $0x1, s19;
	s20 =	rddreg [dreg:$0xf];
	[sflag:s28] =	ssyncadd.s32 $0xFFFFC000  }
0xb7: {  	[tilespmem:s19], [sflag:$0x3] =	stream.linear.gather [hbm4b:s20+s19], $0x680, $0x38;
	[tilespmem:$0x1D280] =	vst v63  }
0xb8: {  	s23 =	sshll.u32 s17, $0xE;
	s24 =	sxor.u32 $0x1, s17;
	s21 =	rddreg [dreg:$0x10]  }
0xb9: {  	[tilespmem:s11], [sflag:$0x3] =	stream.linear.gather [hbm4b:s21+s19], $0x680, $0x38;
	[tilespmem:$0x1D280] =	vst v63  }
0xba: {  	s17 =	sadd.s32 $0x1, s17;
	s19 =	sor.u32 $0x1A00, s23;
	s21 =	sadd.s32 $0x1, s24  }
0xbb: {  	[tilespmem:s19], [sflag:s17] =	stream.indirect.gather [hbm4b:s4+s30], $0x80, s22, s30, $0xb8;
	[tilespmem:$0x1D280] =	vst v63  }
0xbc: {  	s23 =	simm.s32 $0x1380;
	s22 =	sshll.u32 s24, $0xE;
	_ =	swait.ge [sflag:s21], $0x4000  }
0xbd: {  	s24 =	simm.s32 $0x1;
	s19 =	simm.s32 $0x2;
	[sflag:s21] =	ssyncset.done $0x0  }
0xbe: {  	s17 =	simm.s32 $0x1400;
	s18 =	sor.u32 $0x1A00, s22;
	[sflag:s21] =	ssyncadd.s32 $0xFFFFC000  }
0xbf: {  	[spmem:s2] =	stream.indirect.scatter.add.f32 [tilespmem:s18], [sflag:$0x5], $0x80, s23, s30, $0xb8;
	[tilespmem:$0x1D280] =	vst v63  }
0xc0: {  	s20 =	sand.u32 $0x1, s24;
	s18 =	simm.s32 $0xE00;
	_ =	swait.ge [sflag:s28], $0x4000  }
.LBB2_8:
0xc1: {  	s21 =	sshll.u32 s20, $0xE;
	s22 =	sxor.u32 $0x1, s20;
	[sflag:s28] =	ssyncset.done $0x0  }
0xc2: {  	s23 =	smov.u32 s19;
	s24 =	smov.u32 s17;
	s20 =	sadd.s32 $0x1, s20  }
0xc3: {  	p2 =	sne.s32 s19, $0xB;
	s21 =	sor.u32 $0x1A00, s21;
	[sflag:s28] =	ssyncadd.s32 $0xFFFFC000  }
0xc4: {  	[tilespmem:s21], [sflag:s20] =	stream.indirect.gather [hbm4b:s4+s30], $0x80, s18, s30, $0xb8;
	[tilespmem:$0x1D280] =	vst v63  }
0xc5: {  	s21 =	sadd.s32 $0x1, s19;
	s18 =	sshll.u32 s22, $0xE;
	s20 =	sadd.s32 $0x1, s22  }
.Ltmp3:
0xc6: {  	_ =	swait.ge [sflag:s20], $0x4000;
	(pc) =	sbr.rel @p2 .LBB2_8-.Ltmp3, $4  }
0xc7: {  	s18 =	sor.u32 $0x1A00, s18;
	[sflag:s20] =	ssyncset.done $0x0  }
0xc8: {  	s17 =	sadd.s32 $0x80, s17;
	s19 =	smov.u32 s21;
	[sflag:s20] =	ssyncadd.s32 $0xFFFFC000  }
0xc9: {  	[spmem:s2] =	stream.indirect.scatter.add.f32 [tilespmem:s18], [sflag:$0x5], $0x80, s24, s30, $0xb8;
	[tilespmem:$0x1D280] =	vst v63  }
0xca: {  	s20 =	sand.u32 $0x1, s23;
	s18 =	sadd.s32 $0xFFFFFA00, s17;
	_ =	swait.ge [sflag:s28], $0x4000  }
0xcb: {  	s19 =	sshll.u32 s20, $0xE  }
0xcc: {  	s21 =	sxor.u32 $0x1, s20;
	[sflag:s28] =	ssyncset.done $0x0;
	s24 =	sadd.s32 $0x1, s20  }
0xcd: {  	s19 =	sor.u32 $0x1A00, s19;
	[sflag:s28] =	ssyncadd.s32 $0xFFFFC000;
	s20 =	sadd.s32 $0x1, s21  }
0xce: {  	[tilespmem:s19], [sflag:s24] =	stream.indirect.gather [hbm4b:s4+s30], $0x80, s18, s30, $0xb8;
	[tilespmem:$0x1D280] =	vst v63  }
0xcf: {  	_ =	swait.ge [sflag:s20], $0x4000  }
0xd0: {  	s21 =	sshll.u32 s21, $0xE;
	[sflag:s20] =	ssyncset.done $0x0  }
0xd1: {  	s19 =	sor.u32 $0x1A00, s21;
	[sflag:s20] =	ssyncadd.s32 $0xFFFFC000  }
0xd2: {  	[spmem:s2] =	stream.indirect.scatter.add.f32 [tilespmem:s19], [sflag:$0x5], $0x80, s17, s30, $0xb8;
	[tilespmem:$0x1D280] =	vst v63  }
0xd3: {  	_ =	swait.ge [sflag:s28], $0x4000  }
0xd4: {  	[sflag:s28] =	ssyncset.done $0x0  }
0xd5: {  	[sflag:s28] =	ssyncadd.s32 $0xFFFFC000  }
0xd6: {  	_ =	swait.ge [sflag:s29], $0x680  }
0xd7: {  	[sflag:s29] =	ssyncset.done $0x0  }
0xd8: {  	[sflag:s29] =	ssyncadd.s32 $0xFFFFF980  }
0xd9: {  	_ =	swait.ge [sflag:s29], $0x680  }
0xda: {  	[sflag:s29] =	ssyncset.done $0x0  }
0xdb: {  	s22 =	simm.s32 $0x0;
	[sflag:s29] =	ssyncadd.s32 $0xFFFFF980  }
0xdc: {  	[tilespmem:s31], [sflag:$0x1] =	stream.indirect.gather [hbm4b:s4+s30], $0x80, s22, s30, $0xb8;
	[tilespmem:$0x1D280] =	vst v63  }
0xdd: {  	_ =	swait.ge [sflag:s12], $0x4000  }
0xde: {  	[sflag:s12] =	ssyncset.done $0x0  }
0xdf: {  	[sflag:s12] =	ssyncadd.s32 $0xFFFFC000  }
0xe0: {  	[spmem:s2] =	stream.indirect.scatter.add.f32 [tilespmem:s6], [sflag:$0x5], $0x80, s13, s30, $0xb8;
	[tilespmem:$0x1D280] =	vst v63  }
0xe1: {  	_ =	swait.ge [sflag:s28], $0x4000  }
0xe2: {  	s17 =	sand.u32 $0x1, s22;
	[sflag:s28] =	ssyncset.done $0x0  }
0xe3: {  	s24 =	sxor.u32 $0x1, s17;
	s23 =	rddreg [dreg:$0x11];
	[sflag:s28] =	ssyncadd.s32 $0xFFFFC000  }
0xe4: {  	[tilespmem:s0], [sflag:$0x4] =	stream.linear.gather [hbm4b:s23+s22], $0x680, $0x38;
	[tilespmem:$0x1D280] =	vst v63  }
0xe5: {  	s21 =	simm.s32 $0x80;
	s20 =	sshll.u32 s24, $0xE  }
0xe6: {  	[tilespmem:s1], [sflag:$0x4] =	stream.linear.gather [hbm4b:s26+s22], $0x680, $0x38;
	[tilespmem:$0x1D280] =	vst v63  }
0xe7: {  	s18 =	sadd.s32 $0x1, s24;
	s19 =	sor.u32 $0x1A00, s20;
	s22 =	sadd.s32 $0x1, s17  }
0xe8: {  	[tilespmem:s19], [sflag:s18] =	stream.indirect.gather [hbm4b:s4+s30], $0x80, s21, s30, $0xb8;
	[tilespmem:$0x1D280] =	vst v63  }
0xe9: {  	s24 =	simm.s32 $0x1;
	_ =	swait.ge [sflag:s22], $0x4000  }
0xea: {  	s20 =	sand.u32 $0x1, s24;
	s17 =	sshll.u32 s17, $0xE;
	[sflag:s22] =	ssyncset.done $0x0  }
0xeb: {  	s23 =	simm.s32 $0x680;
	s17 =	sor.u32 $0x1A00, s17;
	[sflag:s22] =	ssyncadd.s32 $0xFFFFC000  }
0xec: {  	[spmem:s2] =	stream.indirect.scatter.add.f32 [tilespmem:s17], [sflag:$0x5], $0x80, s23, s30, $0xb8;
	[tilespmem:$0x1D280] =	vst v63  }
0xed: {  	s18 =	simm.s32 $0x2;
	s21 =	sxor.u32 $0x1, s20;
	_ =	swait.ge [sflag:s28], $0x4000  }
0xee: {  	s19 =	sshll.u32 s20, $0xE;
	s17 =	simm.s32 $0x700;
	[sflag:s28] =	ssyncset.done $0x0  }
.LBB2_10:
0xef: {  	s22 =	sshll.u32 s21, $0xE  }
0xf0: {  	s23 =	sadd.s32 $0xFFFFFA00, s17;
	[sflag:s28] =	ssyncadd.s32 $0xFFFFC000;
	s24 =	smov.u32 s18  }
0xf1: {  	s21 =	sadd.s32 $0x1, s21;
	s20 =	sadd.s32 $0x1, s20;
	s22 =	sor.u32 $0x1A00, s22  }
0xf2: {  	[tilespmem:s22], [sflag:s21] =	stream.indirect.gather [hbm4b:s4+s30], $0x80, s23, s30, $0xb8;
	[tilespmem:$0x1D280] =	vst v63  }
0xf3: {  	p2 =	sne.s32 s18, $0xB;
	s18 =	sadd.s32 $0x1, s18;
	_ =	swait.ge [sflag:s20], $0x4000  }
.Ltmp4:
0xf4: {  	[sflag:s20] =	ssyncset.done $0x0;
	(pc) =	sbr.rel @p2 .LBB2_10-.Ltmp4, $4  }
0xf5: {  	s19 =	sor.u32 $0x1A00, s19;
	[sflag:s20] =	ssyncadd.s32 $0xFFFFC000  }
0xf6: {  	[spmem:s2] =	stream.indirect.scatter.add.f32 [tilespmem:s19], [sflag:$0x5], $0x80, s17, s30, $0xb8;
	[tilespmem:$0x1D280] =	vst v63  }
0xf7: {  	s20 =	sand.u32 $0x1, s24;
	s17 =	sadd.s32 $0x80, s17;
	_ =	swait.ge [sflag:s28], $0x4000  }
0xf8: {  	s21 =	sxor.u32 $0x1, s20;
	s19 =	sshll.u32 s20, $0xE;
	[sflag:s28] =	ssyncset.done $0x0  }
0xf9: {  	s18 =	sshll.u32 s21, $0xE;
	s22 =	sadd.s32 $0xFFFFFA00, s17;
	[sflag:s28] =	ssyncadd.s32 $0xFFFFC000  }
0xfa: {  	s24 =	sadd.s32 $0x1, s21;
	s20 =	sadd.s32 $0x1, s20;
	s18 =	sor.u32 $0x1A00, s18  }
0xfb: {  	[tilespmem:s18], [sflag:s24] =	stream.indirect.gather [hbm4b:s4+s30], $0x80, s22, s30, $0xb8;
	[tilespmem:$0x1D280] =	vst v63  }
0xfc: {  	_ =	swait.ge [sflag:s20], $0x4000  }
0xfd: {  	[sflag:s20] =	ssyncset.done $0x0  }
0xfe: {  	s19 =	sor.u32 $0x1A00, s19;
	[sflag:s20] =	ssyncadd.s32 $0xFFFFC000  }
0xff: {  	[spmem:s2] =	stream.indirect.scatter.add.f32 [tilespmem:s19], [sflag:$0x5], $0x80, s17, s30, $0xb8;
	[tilespmem:$0x1D280] =	vst v63  }
0x100: {  	_ =	swait.ge [sflag:s28], $0x4000  }
0x101: {  	[sflag:s28] =	ssyncset.done $0x0  }
0x102: {  	[sflag:s28] =	ssyncadd.s32 $0xFFFFC000  }
0x103: {  	_ =	swait.ge [sflag:s5], $0x680  }
0x104: {  	[sflag:s5] =	ssyncset.done $0x0  }
0x105: {  	[sflag:s5] =	ssyncadd.s32 $0xFFFFF980  }
0x106: {  	_ =	swait.ge [sflag:s5], $0x680  }
0x107: {  	[sflag:s5] =	ssyncset.done $0x0  }
0x108: {  	[sflag:s5] =	ssyncadd.s32 $0xFFFFF980  }
0x109: {  	[tilespmem:s6], [sflag:$0x2] =	stream.indirect.gather [hbm4b:s4+s30], $0x80, s0, s30, $0xb8;
	[tilespmem:$0x1D280] =	vst v63  }
0x10a: {  	_ =	swait.ge [sflag:s8], $0x4000  }
0x10b: {  	s21 =	simm.s32 $0x0;
	[sflag:s8] =	ssyncset.done $0x0  }
0x10c: {  	s17 =	sand.u32 $0x1, s21;
	[sflag:s8] =	ssyncadd.s32 $0xFFFFC000  }
0x10d: {  	[spmem:s2] =	stream.indirect.scatter.add.f32 [tilespmem:s31], [sflag:$0x5], $0x80, s9, s30, $0xb8;
	[tilespmem:$0x1D280] =	vst v63  }
0x10e: {  	s22 =	simm.s32 $0xD80;
	s23 =	sshll.u32 s17, $0xE;
	_ =	swait.ge [sflag:s28], $0x4000  }
0x10f: {  	s24 =	sxor.u32 $0x1, s17;
	s17 =	sadd.s32 $0x1, s17;
	[sflag:s28] =	ssyncset.done $0x0  }
0x110: {  	s19 =	sor.u32 $0x1A00, s23;
	s21 =	sadd.s32 $0x1, s24;
	[sflag:s28] =	ssyncadd.s32 $0xFFFFC000  }
0x111: {  	[tilespmem:s19], [sflag:s17] =	stream.indirect.gather [hbm4b:s4+s30], $0x80, s22, s30, $0xb8;
	[tilespmem:$0x1D280] =	vst v63  }
0x112: {  	s23 =	simm.s32 $0x1380;
	s22 =	sshll.u32 s24, $0xE;
	_ =	swait.ge [sflag:s21], $0x4000  }
0x113: {  	s24 =	simm.s32 $0x1;
	s19 =	simm.s32 $0x2;
	[sflag:s21] =	ssyncset.done $0x0  }
0x114: {  	s17 =	simm.s32 $0x1400;
	s18 =	sor.u32 $0x1A00, s22;
	[sflag:s21] =	ssyncadd.s32 $0xFFFFC000  }
0x115: {  	[spmem:s2] =	stream.indirect.scatter.add.f32 [tilespmem:s18], [sflag:$0x5], $0x80, s23, s30, $0xb8;
	[tilespmem:$0x1D280] =	vst v63  }
0x116: {  	s20 =	sand.u32 $0x1, s24;
	s18 =	simm.s32 $0xE00;
	_ =	swait.ge [sflag:s28], $0x4000  }
.LBB2_12:
0x117: {  	s21 =	sshll.u32 s20, $0xE;
	s22 =	sxor.u32 $0x1, s20;
	[sflag:s28] =	ssyncset.done $0x0  }
0x118: {  	s23 =	smov.u32 s19;
	s24 =	smov.u32 s17;
	s20 =	sadd.s32 $0x1, s20  }
0x119: {  	p2 =	sne.s32 s19, $0xB;
	s21 =	sor.u32 $0x1A00, s21;
	[sflag:s28] =	ssyncadd.s32 $0xFFFFC000  }
0x11a: {  	[tilespmem:s21], [sflag:s20] =	stream.indirect.gather [hbm4b:s4+s30], $0x80, s18, s30, $0xb8;
	[tilespmem:$0x1D280] =	vst v63  }
0x11b: {  	s21 =	sadd.s32 $0x1, s19;
	s18 =	sshll.u32 s22, $0xE;
	s20 =	sadd.s32 $0x1, s22  }
.Ltmp5:
0x11c: {  	_ =	swait.ge [sflag:s20], $0x4000;
	(pc) =	sbr.rel @p2 .LBB2_12-.Ltmp5, $4  }
0x11d: {  	s18 =	sor.u32 $0x1A00, s18;
	[sflag:s20] =	ssyncset.done $0x0  }
0x11e: {  	s17 =	sadd.s32 $0x80, s17;
	s19 =	smov.u32 s21;
	[sflag:s20] =	ssyncadd.s32 $0xFFFFC000  }
0x11f: {  	[spmem:s2] =	stream.indirect.scatter.add.f32 [tilespmem:s18], [sflag:$0x5], $0x80, s24, s30, $0xb8;
	[tilespmem:$0x1D280] =	vst v63  }
0x120: {  	s20 =	sand.u32 $0x1, s23;
	s18 =	sadd.s32 $0xFFFFFA00, s17;
	_ =	swait.ge [sflag:s28], $0x4000  }
0x121: {  	s19 =	sshll.u32 s20, $0xE  }
0x122: {  	s21 =	sxor.u32 $0x1, s20;
	[sflag:s28] =	ssyncset.done $0x0;
	s24 =	sadd.s32 $0x1, s20  }
0x123: {  	s19 =	sor.u32 $0x1A00, s19;
	[sflag:s28] =	ssyncadd.s32 $0xFFFFC000;
	s22 =	sadd.s32 $0x1, s21  }
0x124: {  	[tilespmem:s19], [sflag:s24] =	stream.indirect.gather [hbm4b:s4+s30], $0x80, s18, s30, $0xb8;
	[tilespmem:$0x1D280] =	vst v63  }
0x125: {  	_ =	swait.ge [sflag:s22], $0x4000  }
0x126: {  	s23 =	sshll.u32 s21, $0xE;
	[sflag:s22] =	ssyncset.done $0x0  }
0x127: {  	s19 =	sor.u32 $0x1A00, s23;
	[sflag:s22] =	ssyncadd.s32 $0xFFFFC000  }
0x128: {  	[spmem:s2] =	stream.indirect.scatter.add.f32 [tilespmem:s19], [sflag:$0x5], $0x80, s17, s30, $0xb8;
	[tilespmem:$0x1D280] =	vst v63  }
0x129: {  	_ =	swait.ge [sflag:s28], $0x4000  }
0x12a: {  	[sflag:s28] =	ssyncset.done $0x0  }
0x12b: {  	[sflag:s28] =	ssyncadd.s32 $0xFFFFC000  }
0x12c: {  	_ =	swait.ge [sflag:s12], $0x4000  }
0x12d: {  	[sflag:s12] =	ssyncset.done $0x0  }
0x12e: {  	[sflag:s12] =	ssyncadd.s32 $0xFFFFC000  }
0x12f: {  	[spmem:s2] =	stream.indirect.scatter.add.f32 [tilespmem:s6], [sflag:$0x5], $0x80, s13, s30, $0xb8;
	[tilespmem:$0x1D280] =	vst v63  }
0x130: {  	_ =	swait.ge [sflag:s28], $0x4000  }
0x131: {  	[sflag:s28] =	ssyncset.done $0x0  }
0x132: {  	s17 =	simm.s32 @!p1 $0x0;
	s18 =	rddreg [dreg:$0x13];
	[sflag:s28] =	ssyncadd.s32 $0xFFFFC000  }
0x133: {  	[tilespmem:s17], [sflag:$0x5] =	stream.linear.gather @!p1 [hbm4b:s18+s17], $0x80, $0x38;
	[tilespmem:$0x1D280] =	vst v63  }
0x134: {  	s18 =	simm.s32 @!p1 $0x5  }
0x135: {  	_ =	swait.ge @!p1 [sflag:s18], $0x80  }
0x136: {  	[sflag:s18] =	ssyncset.done @!p1 $0x0  }
0x137: {  	s19 =	simm.s32 @!p1 $0x680;
	s20 =	rddreg [dreg:$0x14];
	[sflag:s18] =	ssyncadd.s32 @!p1 $0xFFFFFF80  }
0x138: {  	[tilespmem:s19], [sflag:$0x5] =	stream.linear.gather @!p1 [hbm4b:s20+s17], $0x80, $0x38;
	[tilespmem:$0x1D280] =	vst v63  }
0x139: {  	_ =	swait.ge @!p1 [sflag:s18], $0x80  }
0x13a: {  	[sflag:s18] =	ssyncset.done @!p1 $0x0  }
0x13b: {  	s21 =	simm.s32 @!p1 $0x1A00;
	s20 =	simm.s32 @!p1 $0x80;
	[sflag:s18] =	ssyncadd.s32 @!p1 $0xFFFFFF80  }
0x13c: {  	[tilespmem:s21], [sflag:$0x1] =	stream.indirect.gather @!p1 [hbm4b:s4+s20], $0x80, s17, s20, $0xb8;
	[tilespmem:$0x1D280] =	vst v63  }
0x13d: {  	s17 =	simm.s32 @!p1 $0x1  }
0x13e: {  	_ =	swait.ge @!p1 [sflag:s17], $0x4000  }
0x13f: {  	[sflag:s17] =	ssyncset.done @!p1 $0x0  }
0x140: {  	[sflag:s17] =	ssyncadd.s32 @!p1 $0xFFFFC000  }
0x141: {  	[spmem:s2] =	stream.indirect.scatter.add.f32 @!p1 [tilespmem:s21], [sflag:$0x5], $0x80, s19, s20, $0xb8;
	[tilespmem:$0x1D280] =	vst v63  }
0x142: {  	_ =	swait.ge @!p1 [sflag:s18], $0x4000  }
0x143: {  	[sflag:s18] =	ssyncset.done @!p1 $0x0  }
0x144: {  	[sflag:s18] =	ssyncadd.s32 @!p1 $0xFFFFC000  }
0x145: {  	[bflag:$0x0] =	sbarrier.arrive $0xFFFF  }
0x146: {  	s24 =	rddreg [dreg:$0x12]  }
0x147: {  	[hbm:s24], [sflag:s7] =	dma.local [spmem:s15], $0x2700  }
0x148: {  	_ =	swait.ge [sflag:s28], $0x2700  }
0x149: {  	s14 =	sadd.s32 $0x1, s14;
	[sflag:s28] =	ssyncset.done $0x0  }
0x14a: {  	p2 =	sne.s32 s14, s25;
	s15 =	rddreg [dreg:$0x15];
	[sflag:s28] =	ssyncadd.s32 $0xFFFFD900  }
0x14b: {  	[hbm:s15], [sflag:s7] =	dma.local @!p0 [spmem:s16], $0x100  }
.Ltmp6:
0x14c: {  	_ = 	snop;
	(pc) =	sbr.rel @p2 .LBB2_1-.Ltmp6, $4  }
0x14d: {  	s15 =	simm.s32 @!p0 $0x5  }
0x14e: {  	_ =	swait.ge @!p0 [sflag:s15], $0x100  }
0x14f: {  	[sflag:s15] =	ssyncset.done @!p0 $0x0  }
0x150: {  	[sflag:s15] =	ssyncadd.s32 @!p0 $0xFFFFFF00  }
0x151: {  	_ =	sfence.sel $0x180000  }
0x152: {  	[bflag:$0x0] =	sbarrier.arrive $0xFFFF  }
0x153: {  	_ =	strace $0x9000004A  }
0x154: {  	s0 =	stileid.u32;
	[bflag:$0x2] =	sbarrier.arrive $0xFFFF  }
0x155: {  	p0 =	sne.s32 s0, $0x0;
	s0 =	rddreg [dreg:$0x3]  }
0x156: {  	s0 =	sadd.s32 @!p0 $0x100000, s0  }
0x157: {  	[sflag:s0] =	ssyncadd.tile.s32 @!p0 $0x1;
	_ =	shalt  }
.Lfunc_end2:
_tile_overlayer_lowered:
.L_overlay_start_2:
0x158: {  	(tag) =	ssettag $0x2  }
0x159: {  	s0 =	rddreg [dreg:$0x0];
	s2 =	stileid.u32  }
0x15a: {  	s1 =	rddreg [dreg:$0x1];
	p0 =	sne.s32 s2, $0x0  }
0x15b: {  	s3 =	rddreg [dreg:$0x2];
	[bflag:$0x3] =	sbarrier.arrive $0xFFFF;
	s2 =	simm.s32 @!p0 $0x1C05  }
0x15c: {  	[timem:s3], [sflag:s2] =	dma.local @!p0 [hbm:s0], s1  }
0x15d: {  	s0 =	simm.s32 @!p0 $0x5  }
0x15e: {  	_ =	swait.ge @!p0 [sflag:s0], s1  }
0x15f: {  	s1 =	ssub.s32 @!p0 $0x0, s1;
	[sflag:s0] =	ssyncset.done @!p0 $0x0  }
0x160: {  	[sflag:s0] =	ssyncadd.s32 @!p0 s1  }
0x161: {  	[bflag:$0x3] =	sbarrier.arrive $0xFFFF  }
0x162: {  	_ =	shalt  }

// kernel: kernel.15.cloned.1.call-start
scs
__scs_entry_jumppad:
0x0: {  	(pc) =	sbr.rel $0x88, $3  }
0x1: {  	(tag) =	ssettag $0x0;
	lr =	simm.s32 $0x1  }
0x2: {  	[smem:$0x3F96] =	sst lr;
	_ =	strace $0xD0000000  }
0x3: {  	_ = 	snop  }
0x4: {  	_ = 	snop  }
0x5: {  	_ = 	snop  }
0x6: {  	_ = 	snop  }
0x7: {  	_ = 	snop  }
__scs_overlays_trampoline_lowered:
0x8: {  	[smem:$0x3FA5] =	sst s0  }
0x9: {  	[smem:$0x3FA6] =	sst s1  }
0xa: {  	[smem:$0x3FA7] =	sst s2  }
0xb: {  	[smem:$0x3FA8] =	sst s3  }
0xc: {  	[smem:$0x3FA9] =	sst s4  }
0xd: {  	[smem:$0x3FAA] =	sst s5  }
0xe: {  	[smem:$0x3FAB] =	sst s6  }
0xf: {  	[smem:$0x3FAC] =	sst s7  }
0x10: {  	[smem:$0x3FAD] =	sst s8  }
0x11: {  	[smem:$0x3FAE] =	sst s9;
	s0 =	simm.s32 @!p0 $0x0  }
0x12: {  	s1 =	sld [smem:$0x3F94];
	s0 =	simm.s32 @p0 $0x1  }
0x13: {  	[smem:$0x3FAF] =	sst s0;
	s0 =	simm.s32 @!p1 $0x0  }
0x14: {  	s2 =	sld [smem:$0x3F93];
	s0 =	simm.s32 @p1 $0x1  }
0x15: {  	[smem:$0x3FB0] =	sst s0;
	s0 =	simm.s32 @!p2 $0x0  }
0x16: {  	s3 =	sld [smem:$0x3FDB];
	s0 =	simm.s32 @p2 $0x1  }
0x17: {  	s4 =	simm.s32 $0x1BF5;
	[smem:$0x3FB2] =	sst s0  }
0x18: {  	s0 =	sld [smem:$0x3F95];
	_ =	swait.ge [sflag:s4], $0x0  }
0x19: {  	s7 =	sld [smem:$0x3F96]  }
0x1a: {  	s8 =	sadd.s32 $0xFFFFE003, lr  }
0x1b: {  	s9 =	sadd.s32 $0xFFFFFEF7, lr;
	s5 =	simm.s32 $0xFFFFFFFF;
	p2 =	slt.u32 s8, $0xFFFFF086  }
0x1c: {  	p1 =	slt.u32 s9, $0xF7A;
	s5 =	simm.s32 @!p2 $0x0  }
0x1d: {  	s5 =	simm.s32 @p1 $0x1;
	p0 =	seq.s32 s7, s2  }
0x1e: {  	s7 =	smul.u32 @!p0 $0xF7A, s2;
	p2 =	seq.s32 @!p0 s5, $0x0  }
0x1f: {  	s9 =	smul.u32 $0xF7A, s1;
	s8 =	simm.s32 @!p0 $0x1BF5;
	p2 =	por !p2, p0  }
0x20: {  	[sflag:s8] =	ssyncset.s32 @!p0 $0xFFFFF086;
	s6 =	sadd.s32 @!p0 s3, s7;
	s7 =	simm.s32 @!p0 $0x108  }
0x21: {  	s3 =	sadd.s32 s3, s9;
	s6 =	sadd.s32 @!p0 $0x88, s6;
	s7 =	simm.s32 @p2 $0x1082  }
0x22: {  	[simem:s7], [sflag:s8] =	dma.local @!p0 [hbm:s6], $0xF7A  }
0x23: {  	s9 =	sor.u32 $0xD0000000, s2;
	s6 =	simm.s32 $0x108;
	_ =	swait.ge @!p0 [sflag:s8], $0x0  }
0x24: {  	s3 =	sadd.s32 $0x88, s3;
	s6 =	simm.s32 @!p1 $0x1082;
	[sflag:s4] =	ssyncset.s32 $0xFFFFF086  }
0x25: {  	[simem:s6], [sflag:s4] =	dma.local [hbm:s3], $0xF7A  }
0x26: {  	[smem:$0x3F96] =	sst s1;
	(tag) =	ssettag s2;
	_ =	strace s9  }
0x27: {  	s1 =	sld [smem:$0x3FA6]  }
0x28: {  	s2 =	sld [smem:$0x3FA7]  }
0x29: {  	s4 =	sld [smem:$0x3FA9]  }
0x2a: {  	p0 =	seq.s32 s5, $0x0;
	s5 =	sld [smem:$0x3FAA]  }
0x2b: {  	s6 =	sld [smem:$0x3FAB]  }
0x2c: {  	s7 =	sld [smem:$0x3FAC]  }
0x2d: {  	s3 =	simm.s32 $0x108;
	s8 =	sld [smem:$0x3FAD]  }
0x2e: {  	s3 =	simm.s32 @!p0 $0x1082;
	s9 =	sld [smem:$0x3FAE]  }
0x2f: {  	lr =	sadd.s32 s0, s3;
	s0 =	sld [smem:$0x3FA5]  }
0x30: {  	s3 =	sld [smem:$0x3FA8]  }
0x31: {  	[smem:$0x3FB1] =	sst s10  }
0x32: {  	s10 =	sld [smem:$0x3FAF];
	_ =	sdelay $0x3  }
0x33: {  	p0 =	seq.s32 s10, $0x1;
	s10 =	sld [smem:$0x3FB1];
	_ =	sdelay $0x3  }
0x34: {  	[smem:$0x3FB1] =	sst s10  }
0x35: {  	s10 =	sld [smem:$0x3FB0];
	_ =	sdelay $0x3  }
0x36: {  	p1 =	seq.s32 s10, $0x1;
	s10 =	sld [smem:$0x3FB1];
	_ =	sdelay $0x3  }
0x37: {  	[smem:$0x3FB1] =	sst s10  }
0x38: {  	s10 =	sld [smem:$0x3FB2]  }
0x39: {  	_ = 	snop;
	(pc) =	sbr.ind lr, $3  }
0x3a: {  	_ = 	snop  }
0x3b: {  	_ = 	snop  }
0x3c: {  	p2 =	seq.s32 s10, $0x1;
	s10 =	sld [smem:$0x3FB1]  }
0x3d: {  	_ =	shalt  }
0x3e: {  	_ =	shalt  }
0x3f: {  	_ =	shalt  }
0x40: {  	_ =	shalt  }
0x41: {  	_ =	shalt  }
0x42: {  	_ =	shalt  }
0x43: {  	_ =	shalt  }
0x44: {  	_ =	shalt  }
0x45: {  	_ =	shalt  }
0x46: {  	_ =	shalt  }
0x47: {  	_ =	shalt  }
0x48: {  	_ =	shalt  }
0x49: {  	_ =	shalt  }
0x4a: {  	_ =	shalt  }
0x4b: {  	_ =	shalt  }
0x4c: {  	_ =	shalt  }
0x4d: {  	_ =	shalt  }
0x4e: {  	_ =	shalt  }
0x4f: {  	_ =	shalt  }
0x50: {  	_ =	shalt  }
0x51: {  	_ =	shalt  }
0x52: {  	_ =	shalt  }
0x53: {  	_ =	shalt  }
0x54: {  	_ =	shalt  }
0x55: {  	_ =	shalt  }
0x56: {  	_ =	shalt  }
0x57: {  	_ =	shalt  }
0x58: {  	_ =	shalt  }
0x59: {  	_ =	shalt  }
0x5a: {  	_ =	shalt  }
0x5b: {  	_ =	shalt  }
0x5c: {  	_ =	shalt  }
0x5d: {  	_ =	shalt  }
0x5e: {  	_ =	shalt  }
0x5f: {  	_ =	shalt  }
0x60: {  	_ =	shalt  }
0x61: {  	_ =	shalt  }
0x62: {  	_ =	shalt  }
0x63: {  	_ =	shalt  }
0x64: {  	_ =	shalt  }
0x65: {  	_ =	shalt  }
0x66: {  	_ =	shalt  }
0x67: {  	_ =	shalt  }
0x68: {  	_ =	shalt  }
0x69: {  	_ =	shalt  }
0x6a: {  	_ =	shalt  }
0x6b: {  	_ =	shalt  }
0x6c: {  	_ =	shalt  }
0x6d: {  	_ =	shalt  }
0x6e: {  	_ =	shalt  }
0x6f: {  	_ =	shalt  }
0x70: {  	_ =	shalt  }
0x71: {  	_ =	shalt  }
0x72: {  	_ =	shalt  }
0x73: {  	_ =	shalt  }
0x74: {  	_ =	shalt  }
0x75: {  	_ =	shalt  }
0x76: {  	_ =	shalt  }
0x77: {  	_ =	shalt  }
0x78: {  	_ =	shalt  }
0x79: {  	_ =	shalt  }
0x7a: {  	_ =	shalt  }
0x7b: {  	_ =	shalt  }
0x7c: {  	_ =	shalt  }
0x7d: {  	_ =	shalt  }
0x7e: {  	_ =	shalt  }
0x7f: {  	_ =	shalt  }
0x80: {  	_ =	shalt  }
0x81: {  	_ =	shalt  }
0x82: {  	_ =	shalt  }
0x83: {  	_ =	shalt  }
0x84: {  	_ =	shalt  }
0x85: {  	_ =	shalt  }
0x86: {  	_ =	shalt  }
0x87: {  	_ =	shalt  }
.Lfunc_end0:
.L_simem_size_0:
called_computation.2_lowered:
.L_overlay_start_0:
0x88: {  	s2 =	sld [smem:$0x3FD9]  }
0x89: {  	s3 =	sld [smem:$0x3FFE];
	_ =	sdelay $0x1  }
0x8a: {  	s1 =	srdreg.scid  }
0x8b: {  	s0 =	sand.u32 $0x1, s1  }
0x8c: {  	s17 =	sshll.u32 s0, $0xA;
	s2 =	sadd.s32 s3, s2  }
0x8d: {  	s2 =	sadd.s32 s2, s17  }
0x8e: {  	[smem:$0x3FBD] =	sst s2  }
0x8f: {  	_ = 	snop  }
0x90: {  	s2 =	sld [smem:$0x3FD0];
	(tm) =	ssettm $0x1  }
0x91: {  	s18 =	sld [smem:$0x3FFB];
	_ =	sdelay $0x3  }
0x92: {  	_ =	strace s18  }
0x93: {  	s3 =	sld [smem:$0x3FFC];
	_ =	sdelay $0x3  }
0x94: {  	_ =	strace s3  }
0x95: {  	s3 =	sld [smem:$0x3FFD];
	_ =	sdelay $0x3  }
0x96: {  	_ =	strace s3  }
0x97: {  	_ =	strace $0x8FFFFFFF  }
0x98: {  	s19 =	sld [smem:$0x3FDB];
	_ =	sdelay $0x1  }
0x99: {  	s4 =	simm.s32 $_scs_section_size  }
0x9a: {  	s5 =	simm.s32 $_size__tile_overlayer_lowered;
	s6 =	simm.s32 $_tile_overlayer_lowered  }
0x9b: {  	s22 =	simm.s32 $0x1BFF;
	s21 =	sshll.u32 s6, $0x1;
	s3 =	sadd.s32 s4, s19  }
0x9c: {  	s7 =	simm.s32 $0x0;
	s20 =	sshll.u32 s5, $0x1;
	s5 =	sadd.s32 s21, s3  }
0x9d: {  	[timem:s7], [sflag:s22] =	dma.local [hbm:s5], s20  }
0x9e: {  	_ =	swait.ge [sflag:s22], s20  }
0x9f: {  	s4 =	ssub.s32 $0x0, s20;
	[sflag:s22] =	ssyncset.done $0x0  }
0xa0: {  	[sflag:s22] =	ssyncadd.s32 s4;
	_ =	sdelay $0x1  }
0xa1: {  	s23 =	simm.s32 $0x1B8B  }
0xa2: {  	_ =	swait.ge [sflag:s23], $0x1  }
0xa3: {  	[sflag:s23] =	ssyncset.done $0x0  }
0xa4: {  	s25 =	simm.s32 $0x1B8E;
	s24 =	sld [smem:$0x3FFE];
	[sflag:s23] =	ssyncadd.s32 $0xFFFFFFFF  }
0xa5: {  	s26 =	simm.s32 $execute0_lowered;
	[smem:$0x3FD2] =	sst s25  }
0xa6: {  	s5 =	sshll.u32 s26, $0x1;
	_ =	strace $0x8000004C;
	[dreg:$0x1] =	wrdreg $0xFFFFFFFF  }
0xa7: {  	s28 =	simm.s32 $_size_execute0_lowered;
	s3 =	sadd.s32 s3, s5;
	[dreg:$0x0] =	wrdreg $0x0  }
0xa8: {  	s5 =	sshll.u32 s28, $0x1;
	[dreg:$0x2] =	wrdreg s3  }
0xa9: {  	[dreg:$0x3] =	wrdreg s5  }
0xaa: {  	[dreg:$0x4] =	wrdreg $0xC0  }
0xab: {  	_ =	task [dreg:s7], $0x5FFFF  }
0xac: {  	[dreg:$0x1] =	wrdreg $0xFFFFFFFF  }
0xad: {  	[dreg:$0x0] =	wrdreg $0x60  }
0xae: {  	[dreg:$0x2] =	wrdreg s2  }
0xaf: {  	[dreg:$0x3] =	wrdreg s24  }
0xb0: {  	[dreg:$0x4] =	wrdreg $0x116200  }
0xb1: {  	[dreg:$0x5] =	wrdreg $0x9  }
0xb2: {  	_ =	task.clear_ibuf [dreg:s7], $0x6FFFF;
	_ =	strace $0x9000004C  }
0xb3: {  	s29 =	simm.s32 $0x9;
	_ =	strace $0x8000004E  }
0xb4: {  	_ =	swait.ge [sflag:s29], $0x1  }
0xb5: {  	[sflag:s29] =	ssyncadd.s32 $0xFFFFFFFF  }
0xb6: {  	_ =	strace $0x9000004E  }
0xb7: {  	_ =	sfence  }
0xb8: {  	s30 =	sld [smem:$0x0];
	_ =	sdelay $0x2  }
0xb9: {  	s31 =	sshll.u32 s1, $0xD;
	s1 =	sshrl.u32 s1, $0x2  }
0xba: {  	s3 =	sand.u32 $0x4000, s31;
	s1 =	sadd.s32 s1, s30  }
0xbb: {  	s0 =	sor.u32 s3, s0;
	s1 =	sshll.u32 s1, $0x11  }
0xbc: {  	s0 =	sor.u32 s1, s0  }
0xbd: {  	s0 =	sadd.s32 $0x8F2B, s0  }
0xbe: {  	[sflag:s0] =	ssyncadd.remote.s32 $0x1  }
0xbf: {  	_ =	sfence.sel $0xFFFF  }
0xc0: {  	[dreg:$0x0] =	wrdreg $0xFFFFFFFF;
	(pc) =	sbr.abs _section_cstart, $3  }
0xc1: {  	[dreg:$0x1] =	wrdreg $0xFFFFFFFF  }
0xc2: {  	_ =	task.clear_ibuf [dreg:s7], $0x2FFFF;
	_ =	strace $0x9FFFFFFF  }
0xc3: {  	(tm) =	ssettm $0x7FFFFFFF  }
tec
execute0_lowered:
.L_overlay_start_1:
0x0: {  	(tag) =	ssettag $0x1  }
0x1: {  	s8 =	rddreg [dreg:$0x0]  }
0x2: {  	s7 =	rddreg [dreg:$0x1]  }
0x3: {  	s2 =	rddreg [dreg:$0x2]  }
0x4: {  	s0 =	rddreg [dreg:$0x3];
	s3 =	simm.s32 $0x0  }
0x5: {  	s1 =	stileid.u32;
	s4 =	srdreg.scid;
	s17 =	simm.s32 $0x190  }
0x6: {  	s18 =	simm.s32 $0x1;
	s19 =	simm.s32 $0x4C90;
	s20 =	simm.s32 $0x0  }
0x7: {  	[smem:$0x7FF] =	sst s3;
	s9 =	smul.u32 $0x9C00, s1;
	s10 =	sand.u32 $0x1, s4  }
0x8: {  	s4 =	sadd.s32 $0x3000, s7;
	s12 =	sshll.u32 s1, $0x1;
	s13 =	sadd.s32 $0x2A400, s7  }
0x9: {  	s28 =	sshll.u32 s1, $0x6;
	s16 =	sadd.s32 $0x9C000, s2;
	p0 =	sne.s32 s1, $0xF  }
0xa: {  	_ =	strace $0x8000004D;
	s6 =	ssub.s32 $0x2, s10;
	s26 =	sor.u32 s10, s12  }
0xb: {  	s10 =	smul.u32 $0x9C400, s10;
	s5 =	sshrl.u32 s9, $0x3;
	s11 =	sshrl.u32 s6, $0x1  }
0xc: {  	s15 =	sadd.s32 s9, s2;
	s12 =	smul.u32 $0x2710, s26;
	s5 =	sadd.s32 s5, s7  }
0xd: {  	s14 =	ssub.s32 s6, s11;
	s6 =	sor.u32 $0x1C03, s28;
	s7 =	sadd.s32 $0x2A200, s7  }
0xe: {  	s30 =	sadd.s32 s9, s10;
	s10 =	sshrl.u32 s10, $0x3;
	s5 =	sadd.s32 $0x16A00, s5  }
0xf: {  	s29 =	sshrl.u32 s12, $0x3;
	s11 =	sshrl.u32 s30, $0x3;
	s31 =	sadd.s32 s13, s10  }
0x10: {  	s12 =	smax.u32 s14, $0x1;
	s14 =	simm.s32 $0x3;
	s8 =	sadd.s32 s8, s29  }
0x11: {  	s10 =	sadd.s32 s13, s11;
	s11 =	sadd.s32 $0x13800, s31;
	s13 =	sshrl.u32 s15, $0x3  }
0x12: {  	s15 =	sshrl.u32 @!p0 s16, $0x3;
	s16 =	simm.s32 $0x4E20;
	s9 =	sadd.s32 $0x9C40, s8  }
.LBB2_1:
0x13: {  	[spmem:s13], [sflag:s6] =	dma.local [hbm:s5], $0x1380  }
0x14: {  	_ =	swait.ge [sflag:s14], $0x1380  }
0x15: {  	[sflag:s14] =	ssyncset.done $0x0  }
0x16: {  	s21 =	simm.s32 @!p0 $0x3;
	[sflag:s14] =	ssyncadd.s32 $0xFFFFEC80  }
0x17: {  	[spmem:s15], [sflag:s6] =	dma.local @!p0 [hbm:s7], $0x80  }
0x18: {  	_ =	swait.ge @!p0 [sflag:s21], $0x80  }
0x19: {  	[sflag:s21] =	ssyncset.done @!p0 $0x0  }
0x1a: {  	[sflag:s21] =	ssyncadd.s32 @!p0 $0xFFFFFF80  }
0x1b: {  	[tilespmem:s3], [sflag:$0x3] =	stream.linear.gather [hbm4b:s8+s3], $0x2710, $0x38;
	[tilespmem:$0x1B260] =	vst v63  }
0x1c: {  	_ =	swait.ge [sflag:s14], $0x2710  }
0x1d: {  	[sflag:s14] =	ssyncset.done $0x0  }
0x1e: {  	s22 =	simm.s32 $0x1;
	s21 =	simm.s32 $0x2710;
	[sflag:s14] =	ssyncadd.s32 $0xFFFFD8F0  }
0x1f: {  	[tilespmem:s21], [sflag:$0x3] =	stream.linear.gather [hbm4b:s9+s3], $0x2710, $0x38;
	[tilespmem:$0x1B260] =	vst v63  }
0x20: {  	s23 =	sand.u32 $0x1, s22;
	_ =	swait.ge [sflag:s14], $0x2710  }
0x21: {  	s24 =	smul.u32 $0x19000, s23;
	[sflag:s14] =	ssyncset.done $0x0  }
0x22: {  	[sflag:s14] =	ssyncadd.s32 $0xFFFFD8F0  }
0x23: {  	s25 =	sand.u32 $0x1, s3;
	s24 =	sshrl.u32 s24, $0x2;
	[bflag:$0x0] =	sbarrier.arrive $0xFFFF  }
0x24: {  	[tilespmem:s16], [sflag:$0x1] =	stream.indirect.gather [hbm4b:s4+s17], $0x40, s3, s17, $0xb8;
	[tilespmem:$0x1B260] =	vst v63  }
0x25: {  	s26 =	smul.u32 $0x19000, s25;
	s23 =	sadd.s32 $0x1, s23;
	s24 =	sadd.s32 $0x4E20, s24  }
0x26: {  	[tilespmem:s24], [sflag:s23] =	stream.indirect.gather [hbm4b:s4+s17], $0x40, s17, s17, $0xb8;
	[tilespmem:$0x1B260] =	vst v63  }
0x27: {  	s24 =	sadd.s32 $0x1, s25  }
0x28: {  	s25 =	sshrl.u32 s26, $0x2;
	s23 =	simm.s32 $0x190;
	_ =	swait.ge [sflag:s24], $0x6400  }
.LBB2_2:
0x29: {  	p1 =	sne.s32 s22, $0x17;
	s26 =	smov.u32 s22;
	s22 =	sadd.s32 $0x1, s22  }
0x2a: {  	[sflag:s24] =	ssyncset.done $0x0  }
0x2b: {  	s28 =	sand.u32 $0x1, s22;
	[sflag:s24] =	ssyncadd.s32 $0xFFFF9C00  }
0x2c: {  	s25 =	sadd.s32 $0x4E20, s25;
	s23 =	sadd.s32 $0x190, s23;
	s24 =	smul.u32 $0x19000, s28  }
0x2d: {  	[spmem:s2] =	stream.indirect.scatter.add.f32 [tilespmem:s25], [sflag:$0x3], $0x40, s21, s17, $0xb8;
	[tilespmem:$0x1B260] =	vst v63  }
0x2e: {  	s24 =	sshrl.u32 s24, $0x2  }
.Ltmp0:
0x2f: {  	s25 =	sand.u32 $0x1, s26;
	_ =	swait.ge [sflag:s14], $0x6400;
	(pc) =	sbr.rel @p1 .LBB2_2-.Ltmp0, $4  }
0x30: {  	s28 =	sadd.s32 $0x1, s28;
	s26 =	sadd.s32 $0x4E20, s24;
	[sflag:s14] =	ssyncset.done $0x0  }
0x31: {  	s29 =	smul.u32 $0x19000, s25;
	s24 =	sadd.s32 $0x1, s25;
	[sflag:s14] =	ssyncadd.s32 $0xFFFF9C00  }
0x32: {  	[tilespmem:s26], [sflag:s28] =	stream.indirect.gather [hbm4b:s4+s17], $0x40, s23, s17, $0xb8;
	[tilespmem:$0x1B260] =	vst v63  }
0x33: {  	s21 =	sadd.s32 $0x190, s21;
	s25 =	sshrl.u32 s29, $0x2;
	_ =	swait.ge [sflag:s24], $0x6400  }
0x34: {  	[sflag:s24] =	ssyncset.done $0x0  }
0x35: {  	s22 =	sadd.s32 $0x4E20, s25;
	[sflag:s24] =	ssyncadd.s32 $0xFFFF9C00  }
0x36: {  	[spmem:s2] =	stream.indirect.scatter.add.f32 [tilespmem:s22], [sflag:$0x3], $0x40, s21, s17, $0xb8;
	[tilespmem:$0x1B260] =	vst v63  }
0x37: {  	_ =	swait.ge [sflag:s14], $0x6400  }
0x38: {  	[sflag:s14] =	ssyncset.done $0x0  }
0x39: {  	[sflag:s14] =	ssyncadd.s32 $0xFFFF9C00  }
0x3a: {  	_ =	swait.ge [sflag:s18], $0x6400  }
0x3b: {  	[sflag:s18] =	ssyncset.done $0x0  }
0x3c: {  	[sflag:s18] =	ssyncadd.s32 $0xFFFF9C00  }
0x3d: {  	[spmem:s2] =	stream.indirect.scatter.add.f32 [tilespmem:s16], [sflag:$0x3], $0x40, s19, s17, $0xb8;
	[tilespmem:$0x1B260] =	vst v63  }
0x3e: {  	_ =	swait.ge [sflag:s14], $0x6400  }
0x3f: {  	[sflag:s14] =	ssyncset.done $0x0  }
0x40: {  	[sflag:s14] =	ssyncadd.s32 $0xFFFF9C00  }
0x41: {  	[bflag:$0x0] =	sbarrier.arrive $0xFFFF  }
0x42: {  	[hbm:s10], [sflag:s6] =	dma.local [spmem:s13], $0x1380  }
0x43: {  	s20 =	sadd.s32 $0x1, s20;
	_ =	swait.ge [sflag:s14], $0x1380  }
0x44: {  	p1 =	sne.s32 s20, s12;
	[sflag:s14] =	ssyncset.done $0x0  }
.Ltmp1:
0x45: {  	s21 =	simm.s32 @!p0 $0x3;
	[sflag:s14] =	ssyncadd.s32 $0xFFFFEC80;
	(pc) =	sbr.rel @p1 .LBB2_1-.Ltmp1, $4  }
0x46: {  	[hbm:s11], [sflag:s6] =	dma.local @!p0 [spmem:s15], $0x80  }
0x47: {  	_ =	swait.ge @!p0 [sflag:s21], $0x80  }
0x48: {  	[sflag:s21] =	ssyncset.done @!p0 $0x0  }
0x49: {  	[sflag:s21] =	ssyncadd.s32 @!p0 $0xFFFFFF80  }
0x4a: {  	_ =	sfence.sel $0x180000  }
0x4b: {  	[bflag:$0x0] =	sbarrier.arrive $0xFFFF  }
0x4c: {  	p0 =	sne.s32 s1, $0x0;
	_ =	strace $0x9000004D  }
0x4d: {  	s0 =	sadd.s32 @!p0 $0x100000, s0;
	[bflag:$0x2] =	sbarrier.arrive $0xFFFF  }
0x4e: {  	[sflag:s0] =	ssyncadd.tile.s32 @!p0 $0x1;
	_ =	shalt  }
.Lfunc_end2:
_tile_overlayer_lowered:
.L_overlay_start_2:
0x4f: {  	(tag) =	ssettag $0x2  }
0x50: {  	s0 =	rddreg [dreg:$0x0];
	s2 =	stileid.u32  }
0x51: {  	s1 =	rddreg [dreg:$0x1];
	p0 =	sne.s32 s2, $0x0  }
0x52: {  	s3 =	rddreg [dreg:$0x2];
	[bflag:$0x3] =	sbarrier.arrive $0xFFFF;
	s2 =	simm.s32 @!p0 $0x1C03  }
0x53: {  	[timem:s3], [sflag:s2] =	dma.local @!p0 [hbm:s0], s1  }
0x54: {  	s0 =	simm.s32 @!p0 $0x3  }
0x55: {  	_ =	swait.ge @!p0 [sflag:s0], s1  }
0x56: {  	s1 =	ssub.s32 @!p0 $0x0, s1;
	[sflag:s0] =	ssyncset.done @!p0 $0x0  }
0x57: {  	[sflag:s0] =	ssyncadd.s32 @!p0 s1  }
0x58: {  	[bflag:$0x3] =	sbarrier.arrive $0xFFFF  }
0x59: {  	_ =	shalt  }

// kernel: kernel.9.cloned.1.call-start
scs
__scs_entry_jumppad:
0x0: {  	(pc) =	sbr.rel $0x88, $3  }
0x1: {  	(tag) =	ssettag $0x0;
	lr =	simm.s32 $0x1  }
0x2: {  	[smem:$0x3F96] =	sst lr;
	_ =	strace $0xD0000000  }
0x3: {  	_ = 	snop  }
0x4: {  	_ = 	snop  }
0x5: {  	_ = 	snop  }
0x6: {  	_ = 	snop  }
0x7: {  	_ = 	snop  }
__scs_overlays_trampoline_lowered:
0x8: {  	[smem:$0x3FA5] =	sst s0  }
0x9: {  	[smem:$0x3FA6] =	sst s1  }
0xa: {  	[smem:$0x3FA7] =	sst s2  }
0xb: {  	[smem:$0x3FA8] =	sst s3  }
0xc: {  	[smem:$0x3FA9] =	sst s4  }
0xd: {  	[smem:$0x3FAA] =	sst s5  }
0xe: {  	[smem:$0x3FAB] =	sst s6  }
0xf: {  	[smem:$0x3FAC] =	sst s7  }
0x10: {  	[smem:$0x3FAD] =	sst s8  }
0x11: {  	[smem:$0x3FAE] =	sst s9;
	s0 =	simm.s32 @!p0 $0x0  }
0x12: {  	s1 =	sld [smem:$0x3F94];
	s0 =	simm.s32 @p0 $0x1  }
0x13: {  	[smem:$0x3FAF] =	sst s0;
	s0 =	simm.s32 @!p1 $0x0  }
0x14: {  	s2 =	sld [smem:$0x3F93];
	s0 =	simm.s32 @p1 $0x1  }
0x15: {  	[smem:$0x3FB0] =	sst s0;
	s0 =	simm.s32 @!p2 $0x0  }
0x16: {  	s3 =	sld [smem:$0x3FDB];
	s0 =	simm.s32 @p2 $0x1  }
0x17: {  	s4 =	simm.s32 $0x1BF5;
	[smem:$0x3FB2] =	sst s0  }
0x18: {  	s0 =	sld [smem:$0x3F95];
	_ =	swait.ge [sflag:s4], $0x0  }
0x19: {  	s7 =	sld [smem:$0x3F96]  }
0x1a: {  	s8 =	sadd.s32 $0xFFFFE003, lr  }
0x1b: {  	s9 =	sadd.s32 $0xFFFFFEF7, lr;
	s5 =	simm.s32 $0xFFFFFFFF;
	p2 =	slt.u32 s8, $0xFFFFF086  }
0x1c: {  	p1 =	slt.u32 s9, $0xF7A;
	s5 =	simm.s32 @!p2 $0x0  }
0x1d: {  	s5 =	simm.s32 @p1 $0x1;
	p0 =	seq.s32 s7, s2  }
0x1e: {  	s7 =	smul.u32 @!p0 $0xF7A, s2;
	p2 =	seq.s32 @!p0 s5, $0x0  }
0x1f: {  	s9 =	smul.u32 $0xF7A, s1;
	s8 =	simm.s32 @!p0 $0x1BF5;
	p2 =	por !p2, p0  }
0x20: {  	[sflag:s8] =	ssyncset.s32 @!p0 $0xFFFFF086;
	s6 =	sadd.s32 @!p0 s3, s7;
	s7 =	simm.s32 @!p0 $0x108  }
0x21: {  	s3 =	sadd.s32 s3, s9;
	s6 =	sadd.s32 @!p0 $0x88, s6;
	s7 =	simm.s32 @p2 $0x1082  }
0x22: {  	[simem:s7], [sflag:s8] =	dma.local @!p0 [hbm:s6], $0xF7A  }
0x23: {  	s9 =	sor.u32 $0xD0000000, s2;
	s6 =	simm.s32 $0x108;
	_ =	swait.ge @!p0 [sflag:s8], $0x0  }
0x24: {  	s3 =	sadd.s32 $0x88, s3;
	s6 =	simm.s32 @!p1 $0x1082;
	[sflag:s4] =	ssyncset.s32 $0xFFFFF086  }
0x25: {  	[simem:s6], [sflag:s4] =	dma.local [hbm:s3], $0xF7A  }
0x26: {  	[smem:$0x3F96] =	sst s1;
	(tag) =	ssettag s2;
	_ =	strace s9  }
0x27: {  	s1 =	sld [smem:$0x3FA6]  }
0x28: {  	s2 =	sld [smem:$0x3FA7]  }
0x29: {  	s4 =	sld [smem:$0x3FA9]  }
0x2a: {  	p0 =	seq.s32 s5, $0x0;
	s5 =	sld [smem:$0x3FAA]  }
0x2b: {  	s6 =	sld [smem:$0x3FAB]  }
0x2c: {  	s7 =	sld [smem:$0x3FAC]  }
0x2d: {  	s3 =	simm.s32 $0x108;
	s8 =	sld [smem:$0x3FAD]  }
0x2e: {  	s3 =	simm.s32 @!p0 $0x1082;
	s9 =	sld [smem:$0x3FAE]  }
0x2f: {  	lr =	sadd.s32 s0, s3;
	s0 =	sld [smem:$0x3FA5]  }
0x30: {  	s3 =	sld [smem:$0x3FA8]  }
0x31: {  	[smem:$0x3FB1] =	sst s10  }
0x32: {  	s10 =	sld [smem:$0x3FAF];
	_ =	sdelay $0x3  }
0x33: {  	p0 =	seq.s32 s10, $0x1;
	s10 =	sld [smem:$0x3FB1];
	_ =	sdelay $0x3  }
0x34: {  	[smem:$0x3FB1] =	sst s10  }
0x35: {  	s10 =	sld [smem:$0x3FB0];
	_ =	sdelay $0x3  }
0x36: {  	p1 =	seq.s32 s10, $0x1;
	s10 =	sld [smem:$0x3FB1];
	_ =	sdelay $0x3  }
0x37: {  	[smem:$0x3FB1] =	sst s10  }
0x38: {  	s10 =	sld [smem:$0x3FB2]  }
0x39: {  	_ = 	snop;
	(pc) =	sbr.ind lr, $3  }
0x3a: {  	_ = 	snop  }
0x3b: {  	_ = 	snop  }
0x3c: {  	p2 =	seq.s32 s10, $0x1;
	s10 =	sld [smem:$0x3FB1]  }
0x3d: {  	_ =	shalt  }
0x3e: {  	_ =	shalt  }
0x3f: {  	_ =	shalt  }
0x40: {  	_ =	shalt  }
0x41: {  	_ =	shalt  }
0x42: {  	_ =	shalt  }
0x43: {  	_ =	shalt  }
0x44: {  	_ =	shalt  }
0x45: {  	_ =	shalt  }
0x46: {  	_ =	shalt  }
0x47: {  	_ =	shalt  }
0x48: {  	_ =	shalt  }
0x49: {  	_ =	shalt  }
0x4a: {  	_ =	shalt  }
0x4b: {  	_ =	shalt  }
0x4c: {  	_ =	shalt  }
0x4d: {  	_ =	shalt  }
0x4e: {  	_ =	shalt  }
0x4f: {  	_ =	shalt  }
0x50: {  	_ =	shalt  }
0x51: {  	_ =	shalt  }
0x52: {  	_ =	shalt  }
0x53: {  	_ =	shalt  }
0x54: {  	_ =	shalt  }
0x55: {  	_ =	shalt  }
0x56: {  	_ =	shalt  }
0x57: {  	_ =	shalt  }
0x58: {  	_ =	shalt  }
0x59: {  	_ =	shalt  }
0x5a: {  	_ =	shalt  }
0x5b: {  	_ =	shalt  }
0x5c: {  	_ =	shalt  }
0x5d: {  	_ =	shalt  }
0x5e: {  	_ =	shalt  }
0x5f: {  	_ =	shalt  }
0x60: {  	_ =	shalt  }
0x61: {  	_ =	shalt  }
0x62: {  	_ =	shalt  }
0x63: {  	_ =	shalt  }
0x64: {  	_ =	shalt  }
0x65: {  	_ =	shalt  }
0x66: {  	_ =	shalt  }
0x67: {  	_ =	shalt  }
0x68: {  	_ =	shalt  }
0x69: {  	_ =	shalt  }
0x6a: {  	_ =	shalt  }
0x6b: {  	_ =	shalt  }
0x6c: {  	_ =	shalt  }
0x6d: {  	_ =	shalt  }
0x6e: {  	_ =	shalt  }
0x6f: {  	_ =	shalt  }
0x70: {  	_ =	shalt  }
0x71: {  	_ =	shalt  }
0x72: {  	_ =	shalt  }
0x73: {  	_ =	shalt  }
0x74: {  	_ =	shalt  }
0x75: {  	_ =	shalt  }
0x76: {  	_ =	shalt  }
0x77: {  	_ =	shalt  }
0x78: {  	_ =	shalt  }
0x79: {  	_ =	shalt  }
0x7a: {  	_ =	shalt  }
0x7b: {  	_ =	shalt  }
0x7c: {  	_ =	shalt  }
0x7d: {  	_ =	shalt  }
0x7e: {  	_ =	shalt  }
0x7f: {  	_ =	shalt  }
0x80: {  	_ =	shalt  }
0x81: {  	_ =	shalt  }
0x82: {  	_ =	shalt  }
0x83: {  	_ =	shalt  }
0x84: {  	_ =	shalt  }
0x85: {  	_ =	shalt  }
0x86: {  	_ =	shalt  }
0x87: {  	_ =	shalt  }
.Lfunc_end0:
.L_simem_size_0:
called_computation_lowered:
.L_overlay_start_0:
0x88: {  	s2 =	sld [smem:$0x3FD9]  }
0x89: {  	s3 =	sld [smem:$0x3FFE];
	_ =	sdelay $0x1  }
0x8a: {  	s1 =	srdreg.scid  }
0x8b: {  	s0 =	sand.u32 $0x1, s1  }
0x8c: {  	s17 =	sshll.u32 s0, $0xA;
	s2 =	sadd.s32 s3, s2  }
0x8d: {  	s2 =	sadd.s32 s2, s17  }
0x8e: {  	[smem:$0x3FBD] =	sst s2  }
0x8f: {  	_ = 	snop  }
0x90: {  	s2 =	sld [smem:$0x3FD0];
	(tm) =	ssettm $0x1  }
0x91: {  	s18 =	sld [smem:$0x3FFB];
	_ =	sdelay $0x3  }
0x92: {  	_ =	strace s18  }
0x93: {  	s3 =	sld [smem:$0x3FFC];
	_ =	sdelay $0x3  }
0x94: {  	_ =	strace s3  }
0x95: {  	s3 =	sld [smem:$0x3FFD];
	_ =	sdelay $0x3  }
0x96: {  	_ =	strace s3  }
0x97: {  	_ =	strace $0x8FFFFFFF  }
0x98: {  	s19 =	sld [smem:$0x3FDB];
	_ =	sdelay $0x1  }
0x99: {  	s4 =	simm.s32 $_scs_section_size  }
0x9a: {  	s5 =	simm.s32 $_size__tile_overlayer_lowered;
	s6 =	simm.s32 $_tile_overlayer_lowered  }
0x9b: {  	s22 =	simm.s32 $0x1BFF;
	s21 =	sshll.u32 s6, $0x1;
	s3 =	sadd.s32 s4, s19  }
0x9c: {  	s7 =	simm.s32 $0x0;
	s20 =	sshll.u32 s5, $0x1;
	s5 =	sadd.s32 s21, s3  }
0x9d: {  	[timem:s7], [sflag:s22] =	dma.local [hbm:s5], s20  }
0x9e: {  	_ =	swait.ge [sflag:s22], s20  }
0x9f: {  	s4 =	ssub.s32 $0x0, s20;
	[sflag:s22] =	ssyncset.done $0x0  }
0xa0: {  	[sflag:s22] =	ssyncadd.s32 s4;
	_ =	sdelay $0x1  }
0xa1: {  	s23 =	simm.s32 $0x1B8B  }
0xa2: {  	_ =	swait.ge [sflag:s23], $0x1  }
0xa3: {  	[sflag:s23] =	ssyncset.done $0x0  }
0xa4: {  	s25 =	simm.s32 $0x1B8E;
	s24 =	sld [smem:$0x3FFE];
	[sflag:s23] =	ssyncadd.s32 $0xFFFFFFFF  }
0xa5: {  	s26 =	simm.s32 $execute0_lowered;
	[smem:$0x3FD2] =	sst s25  }
0xa6: {  	s5 =	sshll.u32 s26, $0x1;
	_ =	strace $0x80000046;
	[dreg:$0x1] =	wrdreg $0xFFFFFFFF  }
0xa7: {  	s28 =	simm.s32 $_size_execute0_lowered;
	s3 =	sadd.s32 s3, s5;
	[dreg:$0x0] =	wrdreg $0x0  }
0xa8: {  	s5 =	sshll.u32 s28, $0x1;
	[dreg:$0x2] =	wrdreg s3  }
0xa9: {  	[dreg:$0x3] =	wrdreg s5  }
0xaa: {  	[dreg:$0x4] =	wrdreg $0xC0  }
0xab: {  	_ =	task [dreg:s7], $0x5FFFF  }
0xac: {  	[dreg:$0x1] =	wrdreg $0xFFFFFFFF  }
0xad: {  	[dreg:$0x0] =	wrdreg $0x60  }
0xae: {  	[dreg:$0x2] =	wrdreg s2  }
0xaf: {  	[dreg:$0x3] =	wrdreg s24  }
0xb0: {  	[dreg:$0x4] =	wrdreg $0xA2000  }
0xb1: {  	[dreg:$0x5] =	wrdreg $0x9  }
0xb2: {  	_ =	task.clear_ibuf [dreg:s7], $0x6FFFF;
	_ =	strace $0x90000046  }
0xb3: {  	s29 =	simm.s32 $0x9;
	_ =	strace $0x80000048  }
0xb4: {  	_ =	swait.ge [sflag:s29], $0x1  }
0xb5: {  	[sflag:s29] =	ssyncadd.s32 $0xFFFFFFFF  }
0xb6: {  	_ =	strace $0x90000048  }
0xb7: {  	_ =	sfence  }
0xb8: {  	s30 =	sld [smem:$0x0];
	_ =	sdelay $0x2  }
0xb9: {  	s31 =	sshll.u32 s1, $0xD;
	s1 =	sshrl.u32 s1, $0x2  }
0xba: {  	s3 =	sand.u32 $0x4000, s31;
	s1 =	sadd.s32 s1, s30  }
0xbb: {  	s0 =	sor.u32 s3, s0;
	s1 =	sshll.u32 s1, $0x11  }
0xbc: {  	s0 =	sor.u32 s1, s0  }
0xbd: {  	s0 =	sadd.s32 $0x8F2B, s0  }
0xbe: {  	[sflag:s0] =	ssyncadd.remote.s32 $0x1  }
0xbf: {  	_ =	sfence.sel $0xFFFF  }
0xc0: {  	[dreg:$0x0] =	wrdreg $0xFFFFFFFF;
	(pc) =	sbr.abs _section_cstart, $3  }
0xc1: {  	[dreg:$0x1] =	wrdreg $0xFFFFFFFF  }
0xc2: {  	_ =	task.clear_ibuf [dreg:s7], $0x2FFFF;
	_ =	strace $0x9FFFFFFF  }
0xc3: {  	(tm) =	ssettm $0x7FFFFFFF  }
tec
execute0_lowered:
.L_overlay_start_1:
0x0: {  	(tag) =	ssettag $0x1  }
0x1: {  	s0 =	rddreg [dreg:$0x0]  }
0x2: {  	s1 =	rddreg [dreg:$0x1]  }
0x3: {  	s2 =	rddreg [dreg:$0x2]  }
0x4: {  	s3 =	simm.s32 $0x0;
	s15 =	stileid.u32;
	s7 =	srdreg.scid  }
0x5: {  	[smem:$0x7FF] =	sst s3;
	s5 =	smul.u32 $0x14B80, s15;
	s4 =	sadd.s32 $0x3000, s1  }
0x6: {  	s8 =	sand.u32 $0x1, s7;
	s17 =	sshll.u32 s15, $0x1;
	s9 =	sadd.s32 $0x5B400, s1  }
0x7: {  	s12 =	sadd.s32 $0x56400, s1;
	s19 =	sshll.u32 s15, $0x6;
	s26 =	smul.u32 $0x13800, s15  }
0x8: {  	s21 =	sadd.s32 $0x14B800, s2;
	s30 =	smul.u32 $0x1380, s15;
	p0 =	sne.s32 s15, $0xF  }
0x9: {  	p1 =	sgt.u32 s15, $0x1;
	s15 =	simm.s32 $0xC80;
	_ =	strace $0x80000047  }
0xa: {  	s10 =	ssub.s32 $0x2, s8;
	s11 =	sor.u32 s8, s17;
	s24 =	smul.u32 $0x138800, s8  }
0xb: {  	s7 =	sor.u32 $0x1C05, s19;
	[dreg:$0x6] =	wrdreg s21;
	s8 =	smul.u32 $0x13880, s8  }
0xc: {  	s6 =	sshrl.u32 s5, $0x3;
	s18 =	sshrl.u32 s10, $0x1;
	s13 =	smul.u32 $0x2700, s11  }
0xd: {  	s16 =	sadd.s32 s5, s2;
	s29 =	sshll.u32 s11, $0x4;
	s11 =	simm.s32 $0x1380  }
0xe: {  	s6 =	sadd.s32 s6, s1;
	s14 =	ssub.s32 s10, s18;
	s1 =	sadd.s32 $0x56100, s1  }
0xf: {  	s18 =	sadd.s32 s30, s8;
	[dreg:$0x4] =	wrdreg s16;
	s20 =	sshrl.u32 s13, $0x3  }
0x10: {  	s6 =	sadd.s32 $0x2CA00, s6;
	[dreg:$0x7] =	wrdreg s1;
	s10 =	sadd.s32 s0, s20  }
0x11: {  	s19 =	sshrl.u32 s8, $0x3;
	[dreg:$0x5] =	wrdreg s6;
	s22 =	sadd.s32 $0x9C40, s10  }
0x12: {  	s8 =	simm.s32 $0x1A00;
	s23 =	sadd.s32 $0xD0, s10;
	[dreg:$0x8] =	wrdreg s22  }
0x13: {  	s1 =	sshrl.u32 s24, $0x3;
	s5 =	sadd.s32 $0x9D10, s10;
	[dreg:$0x9] =	wrdreg s23  }
0x14: {  	s21 =	sadd.s32 s12, s19;
	s25 =	sadd.s32 $0x1A0, s10;
	[dreg:$0xa] =	wrdreg s5  }
0x15: {  	s19 =	simm.s32 $0x0;
	s28 =	sadd.s32 $0x9DE0, s10;
	[dreg:$0xb] =	wrdreg s25  }
0x16: {  	s0 =	sadd.s32 s29, s0;
	s31 =	sadd.s32 $0x270, s10;
	[dreg:$0xc] =	wrdreg s28  }
0x17: {  	s20 =	sadd.s32 s9, s1;
	s13 =	sadd.s32 $0x9C00, s0;
	[dreg:$0xd] =	wrdreg s31  }
0x18: {  	s1 =	simm.s32 $0x3;
	s0 =	sadd.s32 $0x13840, s0;
	[dreg:$0xe] =	wrdreg s13  }
0x19: {  	s6 =	simm.s32 $0x80;
	s29 =	sadd.s32 $0x9F80, s10;
	[dreg:$0xf] =	wrdreg s0  }
0x1a: {  	s30 =	sadd.s32 $0x410, s10;
	s5 =	sadd.s32 s26, s24;
	[dreg:$0x19] =	wrdreg s29  }
0x1b: {  	s0 =	sshrl.u32 s18, $0x3;
	s23 =	sadd.s32 $0x2700, s21;
	[dreg:$0x1a] =	wrdreg s30  }
0x1c: {  	s22 =	sadd.s32 $0x80, s16;
	s24 =	smax.u32 s14, $0x1;
	[dreg:$0x13] =	wrdreg s23  }
0x1d: {  	s26 =	sadd.s32 $0x9EB0, s10;
	s28 =	sadd.s32 $0x340, s10;
	[dreg:$0x14] =	wrdreg s24  }
0x1e: {  	s31 =	sadd.s32 $0xA050, s10;
	s13 =	simm.s32 $0x5E00;
	[dreg:$0x17] =	wrdreg s26  }
0x1f: {  	s14 =	simm.s32 $0x1;
	s16 =	simm.s32 $0x680;
	[dreg:$0x18] =	wrdreg s28  }
0x20: {  	s5 =	sshrl.u32 s5, $0x3;
	s0 =	sadd.s32 s12, s0;
	[dreg:$0x1b] =	wrdreg s31  }
0x21: {  	s25 =	sshrl.u32 s22, $0x3;
	s12 =	simm.s32 $0x4;
	[dreg:$0x11] =	wrdreg s0  }
0x22: {  	s17 =	sadd.s32 s9, s5;
	s0 =	sadd.s32 $0x27000, s20;
	[dreg:$0x15] =	wrdreg s25  }
0x23: {  	s9 =	simm.s32 $0xD00;
	[dreg:$0x12] =	wrdreg s0;
	s0 =	sadd.s32 $0x14B880, s2  }
0x24: {  	s5 =	simm.s32 $0x2;
	[dreg:$0x10] =	wrdreg s17;
	s0 =	sshrl.u32 @!p0 s0, $0x3  }
0x25: {  	s17 =	simm.s32 $0x1980;
	[dreg:$0x16] =	wrdreg s0;
	s0 =	simm.s32 $0x5  }
.LBB2_1:
0x26: {  	s18 =	rddreg [dreg:$0x4]  }
0x27: {  	s26 =	rddreg [dreg:$0x5];
	s21 =	sshrl.u32 s18, $0x3  }
0x28: {  	[spmem:s21], [sflag:s7] =	dma.local [hbm:s26], $0x2970  }
0x29: {  	_ =	swait.ge [sflag:s0], $0x2970  }
0x2a: {  	s22 =	simm.s32 @!p0 $0x5;
	[sflag:s0] =	ssyncset.done $0x0;
	s18 =	rddreg [dreg:$0x6]  }
0x2b: {  	[sflag:s0] =	ssyncadd.s32 $0xFFFFD690;
	s20 =	sshrl.u32 @!p0 s18, $0x3;
	s18 =	rddreg [dreg:$0x7]  }
0x2c: {  	[spmem:s20], [sflag:s7] =	dma.local @!p0 [hbm:s18], $0x110  }
0x2d: {  	_ =	swait.ge @!p0 [sflag:s22], $0x110  }
0x2e: {  	[sflag:s22] =	ssyncset.done @!p0 $0x0  }
0x2f: {  	[sflag:s22] =	ssyncadd.s32 @!p0 $0xFFFFFEF0  }
0x30: {  	[tilespmem:s3], [sflag:$0x3] =	stream.linear.gather [hbm4b:s10+s3], $0x680, $0x38;
	[tilespmem:$0x1EE08] =	vst v63  }
0x31: {  	s28 =	rddreg [dreg:$0x8]  }
0x32: {  	[tilespmem:s16], [sflag:$0x3] =	stream.linear.gather [hbm4b:s28+s3], $0x680, $0x38;
	[tilespmem:$0x1EE08] =	vst v63  }
0x33: {  	_ =	swait.ge [sflag:s1], $0x680  }
0x34: {  	[sflag:s1] =	ssyncset.done $0x0  }
0x35: {  	[sflag:s1] =	ssyncadd.s32 $0xFFFFF980  }
0x36: {  	_ =	swait.ge [sflag:s1], $0x680  }
0x37: {  	s22 =	simm.s32 $0x1;
	[sflag:s1] =	ssyncset.done $0x0  }
0x38: {  	s23 =	sand.u32 $0x1, s22;
	[sflag:s1] =	ssyncadd.s32 $0xFFFFF980  }
0x39: {  	[tilespmem:s8], [sflag:$0x1] =	stream.indirect.gather [hbm4b:s4+s6], $0x88, s3, s6, $0xb8;
	[tilespmem:$0x1EE08] =	vst v63  }
0x3a: {  	s25 =	simm.s32 $0x80;
	s24 =	smul.u32 $0x11000, s23;
	s29 =	rddreg [dreg:$0x9]  }
0x3b: {  	[tilespmem:s9], [sflag:$0x4] =	stream.linear.gather [hbm4b:s29+s3], $0x680, $0x38;
	[tilespmem:$0x1EE08] =	vst v63  }
0x3c: {  	s31 =	sand.u32 $0x1, s3;
	s24 =	sshrl.u32 s24, $0x2;
	s30 =	rddreg [dreg:$0xa]  }
0x3d: {  	[tilespmem:s11], [sflag:$0x4] =	stream.linear.gather [hbm4b:s30+s3], $0x680, $0x38;
	[tilespmem:$0x1EE08] =	vst v63  }
0x3e: {  	s23 =	sadd.s32 $0x1, s23;
	s24 =	sadd.s32 $0x1A00, s24;
	[bflag:$0x0] =	sbarrier.arrive $0xFFFF  }
0x3f: {  	[tilespmem:s24], [sflag:s23] =	stream.indirect.gather [hbm4b:s4+s6], $0x88, s25, s6, $0xb8;
	[tilespmem:$0x1EE08] =	vst v63  }
0x40: {  	s25 =	smul.u32 $0x11000, s31  }
0x41: {  	s24 =	sadd.s32 $0x1, s31;
	s23 =	simm.s32 $0x680  }
.LBB2_2:
0x42: {  	s25 =	sshrl.u32 s25, $0x2;
	_ =	swait.ge [sflag:s24], $0x4400;
	s26 =	smov.u32 s22  }
0x43: {  	s28 =	sadd.s32 $0x1, s22;
	s29 =	smov.u32 s23;
	s23 =	sadd.s32 $0x80, s23  }
0x44: {  	s30 =	sand.u32 $0x1, s28;
	s25 =	sadd.s32 $0x1A00, s25;
	[sflag:s24] =	ssyncset.done $0x0  }
0x45: {  	p2 =	sne.s32 s22, $0xB;
	s31 =	smul.u32 $0x11000, s30;
	[sflag:s24] =	ssyncadd.s32 $0xFFFFBC00  }
0x46: {  	[spmem:s2] =	stream.indirect.scatter.add.f32 [tilespmem:s25], [sflag:$0x5], $0x88, s29, s6, $0xb8;
	[tilespmem:$0x1EE08] =	vst v63  }
.Ltmp0:
0x47: {  	s24 =	sshrl.u32 s31, $0x2;
	_ =	swait.ge [sflag:s0], $0x4400;
	(pc) =	sbr.rel @p2 .LBB2_2-.Ltmp0, $4  }
0x48: {  	s29 =	sadd.s32 $0x1A00, s24;
	s24 =	sand.u32 $0x1, s26;
	[sflag:s0] =	ssyncset.done $0x0  }
0x49: {  	s30 =	sadd.s32 $0x1, s30;
	s26 =	sadd.s32 $0xFFFFFA00, s23;
	[sflag:s0] =	ssyncadd.s32 $0xFFFFBC00  }
0x4a: {  	s22 =	smov.u32 s28;
	s25 =	smul.u32 $0x11000, s24;
	s24 =	sadd.s32 $0x1, s24  }
0x4b: {  	[tilespmem:s29], [sflag:s30] =	stream.indirect.gather [hbm4b:s4+s6], $0x88, s26, s6, $0xb8;
	[tilespmem:$0x1EE08] =	vst v63  }
0x4c: {  	_ =	swait.ge [sflag:s24], $0x4400  }
0x4d: {  	s22 =	sshrl.u32 s25, $0x2;
	[sflag:s24] =	ssyncset.done $0x0  }
0x4e: {  	s22 =	sadd.s32 $0x1A00, s22;
	[sflag:s24] =	ssyncadd.s32 $0xFFFFBC00  }
0x4f: {  	[spmem:s2] =	stream.indirect.scatter.add.f32 [tilespmem:s22], [sflag:$0x5], $0x88, s23, s6, $0xb8;
	[tilespmem:$0x1EE08] =	vst v63  }
0x50: {  	_ =	swait.ge [sflag:s0], $0x4400  }
0x51: {  	[sflag:s0] =	ssyncset.done $0x0  }
0x52: {  	[sflag:s0] =	ssyncadd.s32 $0xFFFFBC00  }
0x53: {  	_ =	swait.ge [sflag:s12], $0x680  }
0x54: {  	[sflag:s12] =	ssyncset.done $0x0  }
0x55: {  	[sflag:s12] =	ssyncadd.s32 $0xFFFFF980  }
0x56: {  	_ =	swait.ge [sflag:s12], $0x680  }
0x57: {  	[sflag:s12] =	ssyncset.done $0x0  }
0x58: {  	[sflag:s12] =	ssyncadd.s32 $0xFFFFF980  }
0x59: {  	[tilespmem:s13], [sflag:$0x2] =	stream.indirect.gather [hbm4b:s4+s6], $0x88, s9, s6, $0xb8;
	[tilespmem:$0x1EE08] =	vst v63  }
0x5a: {  	_ =	swait.ge [sflag:s14], $0x4400  }
0x5b: {  	[sflag:s14] =	ssyncset.done $0x0  }
0x5c: {  	[sflag:s14] =	ssyncadd.s32 $0xFFFFBC00  }
0x5d: {  	[spmem:s2] =	stream.indirect.scatter.add.f32 [tilespmem:s8], [sflag:$0x5], $0x88, s15, s6, $0xb8;
	[tilespmem:$0x1EE08] =	vst v63  }
0x5e: {  	_ =	swait.ge [sflag:s0], $0x4400  }
0x5f: {  	s31 =	simm.s32 $0x0;
	[sflag:s0] =	ssyncset.done $0x0  }
0x60: {  	s22 =	sand.u32 $0x1, s31;
	s18 =	rddreg [dreg:$0xb];
	[sflag:s0] =	ssyncadd.s32 $0xFFFFBC00  }
0x61: {  	[tilespmem:s31], [sflag:$0x3] =	stream.linear.gather [hbm4b:s18+s31], $0x680, $0x38;
	[tilespmem:$0x1EE08] =	vst v63  }
0x62: {  	s26 =	simm.s32 $0xD80;
	s24 =	smul.u32 $0x11000, s22;
	s23 =	rddreg [dreg:$0xc]  }
0x63: {  	[tilespmem:s16], [sflag:$0x3] =	stream.linear.gather [hbm4b:s23+s31], $0x680, $0x38;
	[tilespmem:$0x1EE08] =	vst v63  }
0x64: {  	s25 =	sxor.u32 $0x1, s22;
	s22 =	sadd.s32 $0x1, s22;
	s23 =	sshrl.u32 s24, $0x2  }
0x65: {  	s29 =	smul.u32 $0x11000, s25;
	s28 =	sadd.s32 $0x1, s25;
	s23 =	sadd.s32 $0x1A00, s23  }
0x66: {  	[tilespmem:s23], [sflag:s22] =	stream.indirect.gather [hbm4b:s4+s6], $0x88, s26, s6, $0xb8;
	[tilespmem:$0x1EE08] =	vst v63  }
0x67: {  	s30 =	simm.s32 $0x1380;
	s25 =	sshrl.u32 s29, $0x2;
	_ =	swait.ge [sflag:s28], $0x4400  }
0x68: {  	s25 =	sadd.s32 $0x1A00, s25;
	s31 =	simm.s32 $0x1;
	[sflag:s28] =	ssyncset.done $0x0  }
0x69: {  	s24 =	simm.s32 $0x2;
	s23 =	sand.u32 $0x1, s31;
	[sflag:s28] =	ssyncadd.s32 $0xFFFFBC00  }
0x6a: {  	[spmem:s2] =	stream.indirect.scatter.add.f32 [tilespmem:s25], [sflag:$0x5], $0x88, s30, s6, $0xb8;
	[tilespmem:$0x1EE08] =	vst v63  }
0x6b: {  	s26 =	sxor.u32 $0x1, s23;
	s28 =	smul.u32 $0x11000, s23;
	_ =	swait.ge [sflag:s0], $0x4400  }
0x6c: {  	s22 =	simm.s32 $0x1400;
	s25 =	smul.u32 $0x11000, s26;
	[sflag:s0] =	ssyncset.done $0x0  }
.LBB2_4:
0x6d: {  	s28 =	sshrl.u32 s28, $0x2;
	s29 =	sadd.s32 $0xFFFFFA00, s22;
	[sflag:s0] =	ssyncadd.s32 $0xFFFFBC00  }
0x6e: {  	s30 =	smov.u32 s24;
	s23 =	sadd.s32 $0x1, s23;
	s26 =	sadd.s32 $0x1, s26  }
0x6f: {  	p2 =	sne.s32 s24, $0xB;
	s28 =	sadd.s32 $0x1A00, s28;
	s25 =	sshrl.u32 s25, $0x2  }
0x70: {  	[tilespmem:s28], [sflag:s23] =	stream.indirect.gather [hbm4b:s4+s6], $0x88, s29, s6, $0xb8;
	[tilespmem:$0x1EE08] =	vst v63  }
0x71: {  	s29 =	sadd.s32 $0x1, s24;
	s23 =	sand.u32 $0x1, s30;
	_ =	swait.ge [sflag:s26], $0x4400  }
.Ltmp1:
0x72: {  	s24 =	sadd.s32 $0x1A00, s25;
	[sflag:s26] =	ssyncset.done $0x0;
	(pc) =	sbr.rel @p2 .LBB2_4-.Ltmp1, $4  }
0x73: {  	s28 =	smul.u32 $0x11000, s23;
	[sflag:s26] =	ssyncadd.s32 $0xFFFFBC00;
	s26 =	sxor.u32 $0x1, s23  }
0x74: {  	[spmem:s2] =	stream.indirect.scatter.add.f32 [tilespmem:s24], [sflag:$0x5], $0x88, s22, s6, $0xb8;
	[tilespmem:$0x1EE08] =	vst v63  }
0x75: {  	s25 =	smul.u32 $0x11000, s26;
	_ =	swait.ge [sflag:s0], $0x4400  }
0x76: {  	s22 =	sadd.s32 $0x80, s22;
	s24 =	smov.u32 s29;
	[sflag:s0] =	ssyncset.done $0x0  }
0x77: {  	s24 =	sshrl.u32 s28, $0x2;
	s28 =	sadd.s32 $0xFFFFFA00, s22;
	[sflag:s0] =	ssyncadd.s32 $0xFFFFBC00  }
0x78: {  	s23 =	sadd.s32 $0x1, s23;
	s26 =	sadd.s32 $0x1, s26;
	s24 =	sadd.s32 $0x1A00, s24  }
0x79: {  	[tilespmem:s24], [sflag:s23] =	stream.indirect.gather [hbm4b:s4+s6], $0x88, s28, s6, $0xb8;
	[tilespmem:$0x1EE08] =	vst v63  }
0x7a: {  	_ =	swait.ge [sflag:s26], $0x4400  }
0x7b: {  	s24 =	sshrl.u32 s25, $0x2;
	[sflag:s26] =	ssyncset.done $0x0  }
0x7c: {  	s23 =	sadd.s32 $0x1A00, s24;
	[sflag:s26] =	ssyncadd.s32 $0xFFFFBC00  }
0x7d: {  	[spmem:s2] =	stream.indirect.scatter.add.f32 [tilespmem:s23], [sflag:$0x5], $0x88, s22, s6, $0xb8;
	[tilespmem:$0x1EE08] =	vst v63  }
0x7e: {  	_ =	swait.ge [sflag:s0], $0x4400  }
0x7f: {  	[sflag:s0] =	ssyncset.done $0x0  }
0x80: {  	[sflag:s0] =	ssyncadd.s32 $0xFFFFBC00  }
0x81: {  	_ =	swait.ge [sflag:s1], $0x680  }
0x82: {  	[sflag:s1] =	ssyncset.done $0x0  }
0x83: {  	[sflag:s1] =	ssyncadd.s32 $0xFFFFF980  }
0x84: {  	_ =	swait.ge [sflag:s1], $0x680  }
0x85: {  	[sflag:s1] =	ssyncset.done $0x0  }
0x86: {  	s25 =	simm.s32 $0x0;
	[sflag:s1] =	ssyncadd.s32 $0xFFFFF980  }
0x87: {  	[tilespmem:s8], [sflag:$0x1] =	stream.indirect.gather [hbm4b:s4+s6], $0x88, s25, s6, $0xb8;
	[tilespmem:$0x1EE08] =	vst v63  }
0x88: {  	_ =	swait.ge [sflag:s5], $0x4400  }
0x89: {  	s23 =	sand.u32 $0x1, s25;
	[sflag:s5] =	ssyncset.done $0x0  }
0x8a: {  	s26 =	sxor.u32 $0x1, s23;
	[sflag:s5] =	ssyncadd.s32 $0xFFFFBC00  }
0x8b: {  	[spmem:s2] =	stream.indirect.scatter.add.f32 [tilespmem:s13], [sflag:$0x5], $0x88, s17, s6, $0xb8;
	[tilespmem:$0x1EE08] =	vst v63  }
0x8c: {  	s29 =	smul.u32 $0x11000, s26;
	_ =	swait.ge [sflag:s0], $0x4400  }
0x8d: {  	s24 =	sadd.s32 $0x1, s26;
	s26 =	smul.u32 $0x11000, s23;
	[sflag:s0] =	ssyncset.done $0x0  }
0x8e: {  	s31 =	sshrl.u32 s29, $0x2;
	s18 =	rddreg [dreg:$0xd];
	[sflag:s0] =	ssyncadd.s32 $0xFFFFBC00  }
0x8f: {  	[tilespmem:s9], [sflag:$0x4] =	stream.linear.gather [hbm4b:s18+s25], $0x680, $0x38;
	[tilespmem:$0x1EE08] =	vst v63  }
0x90: {  	s22 =	sadd.s32 $0x1A00, s31;
	s31 =	simm.s32 $0x1;
	s30 =	rddreg [dreg:$0x17]  }
0x91: {  	[tilespmem:s11], [sflag:$0x4] =	stream.linear.gather [hbm4b:s30+s25], $0x680, $0x38;
	[tilespmem:$0x1EE08] =	vst v63  }
0x92: {  	s29 =	sadd.s32 $0x1, s23;
	s23 =	sand.u32 $0x1, s31;
	s18 =	simm.s32 $0x80  }
0x93: {  	[tilespmem:s22], [sflag:s24] =	stream.indirect.gather [hbm4b:s4+s6], $0x88, s18, s6, $0xb8;
	[tilespmem:$0x1EE08] =	vst v63  }
0x94: {  	s30 =	simm.s32 $0x680;
	s25 =	smul.u32 $0x11000, s23;
	_ =	swait.ge [sflag:s29], $0x4400  }
0x95: {  	s22 =	sshrl.u32 s26, $0x2;
	s24 =	sxor.u32 $0x1, s23;
	[sflag:s29] =	ssyncset.done $0x0  }
0x96: {  	s22 =	sadd.s32 $0x1A00, s22;
	s28 =	smul.u32 $0x11000, s24;
	[sflag:s29] =	ssyncadd.s32 $0xFFFFBC00  }
0x97: {  	[spmem:s2] =	stream.indirect.scatter.add.f32 [tilespmem:s22], [sflag:$0x5], $0x88, s30, s6, $0xb8;
	[tilespmem:$0x1EE08] =	vst v63  }
0x98: {  	s26 =	simm.s32 $0x2;
	s22 =	simm.s32 $0x700  }
.LBB2_6:
0x99: {  	s28 =	sshrl.u32 s28, $0x2;
	s25 =	sshrl.u32 s25, $0x2  }
0x9a: {  	_ =	swait.ge [sflag:s0], $0x4400;
	s29 =	smov.u32 s26;
	s30 =	smov.u32 s22  }
0x9b: {  	s31 =	sadd.s32 $0x1, s26;
	s28 =	sadd.s32 $0x1A00, s28;
	[sflag:s0] =	ssyncset.done $0x0  }
0x9c: {  	s18 =	sadd.s32 $0xFFFFFA00, s22;
	s24 =	sadd.s32 $0x1, s24;
	[sflag:s0] =	ssyncadd.s32 $0xFFFFBC00  }
0x9d: {  	[tilespmem:s28], [sflag:s24] =	stream.indirect.gather [hbm4b:s4+s6], $0x88, s18, s6, $0xb8;
	[tilespmem:$0x1EE08] =	vst v63  }
0x9e: {  	p2 =	sne.s32 s26, $0xB;
	s26 =	sadd.s32 $0x1A00, s25;
	s18 =	sadd.s32 $0x1, s23  }
.Ltmp2:
0x9f: {  	s23 =	sand.u32 $0x1, s29;
	_ =	swait.ge [sflag:s18], $0x4400;
	(pc) =	sbr.rel @p2 .LBB2_6-.Ltmp2, $4  }
0xa0: {  	s24 =	sxor.u32 $0x1, s23;
	s25 =	smul.u32 $0x11000, s23;
	[sflag:s18] =	ssyncset.done $0x0  }
0xa1: {  	s22 =	sadd.s32 $0x80, s22;
	s28 =	smul.u32 $0x11000, s24;
	[sflag:s18] =	ssyncadd.s32 $0xFFFFBC00  }
0xa2: {  	[spmem:s2] =	stream.indirect.scatter.add.f32 [tilespmem:s26], [sflag:$0x5], $0x88, s30, s6, $0xb8;
	[tilespmem:$0x1EE08] =	vst v63  }
0xa3: {  	s26 =	smov.u32 s31  }
0xa4: {  	s18 =	sshrl.u32 s28, $0x2;
	_ =	swait.ge [sflag:s0], $0x4400  }
0xa5: {  	s26 =	sadd.s32 $0xFFFFFA00, s22;
	s24 =	sadd.s32 $0x1, s24;
	[sflag:s0] =	ssyncset.done $0x0  }
0xa6: {  	s30 =	sadd.s32 $0x1, s23;
	s18 =	sadd.s32 $0x1A00, s18;
	[sflag:s0] =	ssyncadd.s32 $0xFFFFBC00  }
0xa7: {  	[tilespmem:s18], [sflag:s24] =	stream.indirect.gather [hbm4b:s4+s6], $0x88, s26, s6, $0xb8;
	[tilespmem:$0x1EE08] =	vst v63  }
0xa8: {  	_ =	swait.ge [sflag:s30], $0x4400  }
0xa9: {  	s31 =	sshrl.u32 s25, $0x2;
	[sflag:s30] =	ssyncset.done $0x0  }
0xaa: {  	s23 =	sadd.s32 $0x1A00, s31;
	[sflag:s30] =	ssyncadd.s32 $0xFFFFBC00  }
0xab: {  	[spmem:s2] =	stream.indirect.scatter.add.f32 [tilespmem:s23], [sflag:$0x5], $0x88, s22, s6, $0xb8;
	[tilespmem:$0x1EE08] =	vst v63  }
0xac: {  	_ =	swait.ge [sflag:s0], $0x4400  }
0xad: {  	[sflag:s0] =	ssyncset.done $0x0  }
0xae: {  	[sflag:s0] =	ssyncadd.s32 $0xFFFFBC00  }
0xaf: {  	_ =	swait.ge [sflag:s12], $0x680  }
0xb0: {  	[sflag:s12] =	ssyncset.done $0x0  }
0xb1: {  	[sflag:s12] =	ssyncadd.s32 $0xFFFFF980  }
0xb2: {  	_ =	swait.ge [sflag:s12], $0x680  }
0xb3: {  	[sflag:s12] =	ssyncset.done $0x0  }
0xb4: {  	[sflag:s12] =	ssyncadd.s32 $0xFFFFF980  }
0xb5: {  	[tilespmem:s13], [sflag:$0x2] =	stream.indirect.gather [hbm4b:s4+s6], $0x88, s9, s6, $0xb8;
	[tilespmem:$0x1EE08] =	vst v63  }
0xb6: {  	_ =	swait.ge [sflag:s14], $0x4400  }
0xb7: {  	[sflag:s14] =	ssyncset.done $0x0  }
0xb8: {  	s24 =	simm.s32 $0x0;
	[sflag:s14] =	ssyncadd.s32 $0xFFFFBC00  }
0xb9: {  	[spmem:s2] =	stream.indirect.scatter.add.f32 [tilespmem:s8], [sflag:$0x5], $0x88, s15, s6, $0xb8;
	[tilespmem:$0x1EE08] =	vst v63  }
0xba: {  	s18 =	sand.u32 $0x1, s24;
	_ =	swait.ge [sflag:s0], $0x4400  }
0xbb: {  	s31 =	simm.s32 $0xD80;
	s29 =	smul.u32 $0x11000, s18;
	[sflag:s0] =	ssyncset.done $0x0  }
0xbc: {  	s30 =	sxor.u32 $0x1, s18;
	s25 =	rddreg [dreg:$0x18];
	[sflag:s0] =	ssyncadd.s32 $0xFFFFBC00  }
0xbd: {  	[tilespmem:s24], [sflag:$0x3] =	stream.linear.gather [hbm4b:s25+s24], $0x680, $0x38;
	[tilespmem:$0x1EE08] =	vst v63  }
0xbe: {  	s18 =	sadd.s32 $0x1, s18;
	s22 =	sshrl.u32 s29, $0x2;
	s26 =	rddreg [dreg:$0x19]  }
0xbf: {  	[tilespmem:s16], [sflag:$0x3] =	stream.linear.gather [hbm4b:s26+s24], $0x680, $0x38;
	[tilespmem:$0x1EE08] =	vst v63  }
0xc0: {  	s22 =	sadd.s32 $0x1A00, s22;
	s25 =	smul.u32 $0x11000, s30;
	s26 =	sadd.s32 $0x1, s30  }
0xc1: {  	[tilespmem:s22], [sflag:s18] =	stream.indirect.gather [hbm4b:s4+s6], $0x88, s31, s6, $0xb8;
	[tilespmem:$0x1EE08] =	vst v63  }
0xc2: {  	s29 =	simm.s32 $0x1380;
	s30 =	simm.s32 $0x1;
	_ =	swait.ge [sflag:s26], $0x4400  }
0xc3: {  	s24 =	simm.s32 $0x2;
	s25 =	sshrl.u32 s25, $0x2;
	[sflag:s26] =	ssyncset.done $0x0  }
0xc4: {  	s23 =	sand.u32 $0x1, s30;
	s31 =	sadd.s32 $0x1A00, s25;
	[sflag:s26] =	ssyncadd.s32 $0xFFFFBC00  }
0xc5: {  	[spmem:s2] =	stream.indirect.scatter.add.f32 [tilespmem:s31], [sflag:$0x5], $0x88, s29, s6, $0xb8;
	[tilespmem:$0x1EE08] =	vst v63  }
0xc6: {  	s28 =	smul.u32 $0x11000, s23;
	s26 =	sxor.u32 $0x1, s23;
	_ =	swait.ge [sflag:s0], $0x4400  }
0xc7: {  	s22 =	simm.s32 $0x1400;
	s25 =	smul.u32 $0x11000, s26;
	[sflag:s0] =	ssyncset.done $0x0  }
.LBB2_8:
0xc8: {  	s18 =	sshrl.u32 s28, $0x2;
	s28 =	sadd.s32 $0xFFFFFA00, s22;
	[sflag:s0] =	ssyncadd.s32 $0xFFFFBC00  }
0xc9: {  	s29 =	smov.u32 s24;
	s23 =	sadd.s32 $0x1, s23;
	s26 =	sadd.s32 $0x1, s26  }
0xca: {  	p2 =	sne.s32 s24, $0xB;
	s18 =	sadd.s32 $0x1A00, s18;
	s25 =	sshrl.u32 s25, $0x2  }
0xcb: {  	[tilespmem:s18], [sflag:s23] =	stream.indirect.gather [hbm4b:s4+s6], $0x88, s28, s6, $0xb8;
	[tilespmem:$0x1EE08] =	vst v63  }
0xcc: {  	s18 =	sadd.s32 $0x1, s24;
	s23 =	sand.u32 $0x1, s29;
	_ =	swait.ge [sflag:s26], $0x4400  }
.Ltmp3:
0xcd: {  	s24 =	sadd.s32 $0x1A00, s25;
	[sflag:s26] =	ssyncset.done $0x0;
	(pc) =	sbr.rel @p2 .LBB2_8-.Ltmp3, $4  }
0xce: {  	s28 =	smul.u32 $0x11000, s23;
	[sflag:s26] =	ssyncadd.s32 $0xFFFFBC00;
	s26 =	sxor.u32 $0x1, s23  }
0xcf: {  	[spmem:s2] =	stream.indirect.scatter.add.f32 [tilespmem:s24], [sflag:$0x5], $0x88, s22, s6, $0xb8;
	[tilespmem:$0x1EE08] =	vst v63  }
0xd0: {  	s25 =	smul.u32 $0x11000, s26;
	_ =	swait.ge [sflag:s0], $0x4400  }
0xd1: {  	s22 =	sadd.s32 $0x80, s22;
	s24 =	smov.u32 s18;
	[sflag:s0] =	ssyncset.done $0x0  }
0xd2: {  	s18 =	sshrl.u32 s28, $0x2;
	s24 =	sadd.s32 $0xFFFFFA00, s22;
	[sflag:s0] =	ssyncadd.s32 $0xFFFFBC00  }
0xd3: {  	s23 =	sadd.s32 $0x1, s23;
	s26 =	sadd.s32 $0x1, s26;
	s18 =	sadd.s32 $0x1A00, s18  }
0xd4: {  	[tilespmem:s18], [sflag:s23] =	stream.indirect.gather [hbm4b:s4+s6], $0x88, s24, s6, $0xb8;
	[tilespmem:$0x1EE08] =	vst v63  }
0xd5: {  	_ =	swait.ge [sflag:s26], $0x4400  }
0xd6: {  	s24 =	sshrl.u32 s25, $0x2;
	[sflag:s26] =	ssyncset.done $0x0  }
0xd7: {  	s18 =	sadd.s32 $0x1A00, s24;
	[sflag:s26] =	ssyncadd.s32 $0xFFFFBC00  }
0xd8: {  	[spmem:s2] =	stream.indirect.scatter.add.f32 [tilespmem:s18], [sflag:$0x5], $0x88, s22, s6, $0xb8;
	[tilespmem:$0x1EE08] =	vst v63  }
0xd9: {  	_ =	swait.ge [sflag:s0], $0x4400  }
0xda: {  	[sflag:s0] =	ssyncset.done $0x0  }
0xdb: {  	[sflag:s0] =	ssyncadd.s32 $0xFFFFBC00  }
0xdc: {  	_ =	swait.ge [sflag:s1], $0x680  }
0xdd: {  	[sflag:s1] =	ssyncset.done $0x0  }
0xde: {  	[sflag:s1] =	ssyncadd.s32 $0xFFFFF980  }
0xdf: {  	_ =	swait.ge [sflag:s1], $0x680  }
0xe0: {  	[sflag:s1] =	ssyncset.done $0x0  }
0xe1: {  	s25 =	simm.s32 $0x0;
	[sflag:s1] =	ssyncadd.s32 $0xFFFFF980  }
0xe2: {  	[tilespmem:s8], [sflag:$0x1] =	stream.indirect.gather [hbm4b:s4+s6], $0x88, s25, s6, $0xb8;
	[tilespmem:$0x1EE08] =	vst v63  }
0xe3: {  	_ =	swait.ge [sflag:s5], $0x4400  }
0xe4: {  	[sflag:s5] =	ssyncset.done $0x0  }
0xe5: {  	[sflag:s5] =	ssyncadd.s32 $0xFFFFBC00  }
0xe6: {  	[spmem:s2] =	stream.indirect.scatter.add.f32 [tilespmem:s13], [sflag:$0x5], $0x88, s17, s6, $0xb8;
	[tilespmem:$0x1EE08] =	vst v63  }
0xe7: {  	_ =	swait.ge [sflag:s0], $0x4400  }
0xe8: {  	s22 =	sand.u32 $0x1, s25;
	[sflag:s0] =	ssyncset.done $0x0  }
0xe9: {  	s29 =	sxor.u32 $0x1, s22;
	s26 =	rddreg [dreg:$0x1a];
	[sflag:s0] =	ssyncadd.s32 $0xFFFFBC00  }
0xea: {  	[tilespmem:s9], [sflag:$0x4] =	stream.linear.gather [hbm4b:s26+s25], $0x680, $0x38;
	[tilespmem:$0x1EE08] =	vst v63  }
0xeb: {  	s30 =	smul.u32 $0x11000, s29;
	s23 =	sadd.s32 $0x1, s29;
	s31 =	rddreg [dreg:$0x1b]  }
0xec: {  	[tilespmem:s11], [sflag:$0x4] =	stream.linear.gather [hbm4b:s31+s25], $0x680, $0x38;
	[tilespmem:$0x1EE08] =	vst v63  }
0xed: {  	s29 =	smul.u32 $0x11000, s22;
	s22 =	sadd.s32 $0x1, s22;
	s25 =	sshrl.u32 s30, $0x2  }
0xee: {  	s26 =	simm.s32 $0x80;
	s31 =	simm.s32 $0x1;
	s18 =	sadd.s32 $0x1A00, s25  }
0xef: {  	[tilespmem:s18], [sflag:s23] =	stream.indirect.gather [hbm4b:s4+s6], $0x88, s26, s6, $0xb8;
	[tilespmem:$0x1EE08] =	vst v63  }
0xf0: {  	s30 =	simm.s32 $0x680;
	s18 =	sshrl.u32 s29, $0x2;
	s23 =	sand.u32 $0x1, s31  }
0xf1: {  	s26 =	simm.s32 $0x2;
	_ =	swait.ge [sflag:s22], $0x4400;
	s18 =	sadd.s32 $0x1A00, s18  }
0xf2: {  	s24 =	sxor.u32 $0x1, s23;
	s25 =	smul.u32 $0x11000, s23;
	[sflag:s22] =	ssyncset.done $0x0  }
0xf3: {  	s28 =	smul.u32 $0x11000, s24;
	[sflag:s22] =	ssyncadd.s32 $0xFFFFBC00;
	s22 =	simm.s32 $0x700  }
0xf4: {  	[spmem:s2] =	stream.indirect.scatter.add.f32 [tilespmem:s18], [sflag:$0x5], $0x88, s30, s6, $0xb8;
	[tilespmem:$0x1EE08] =	vst v63  }
.LBB2_10:
0xf5: {  	s18 =	sshrl.u32 s28, $0x2;
	s25 =	sshrl.u32 s25, $0x2  }
0xf6: {  	_ =	swait.ge [sflag:s0], $0x4400;
	s28 =	smov.u32 s26;
	s29 =	smov.u32 s22  }
0xf7: {  	s30 =	sadd.s32 $0x1, s26;
	s18 =	sadd.s32 $0x1A00, s18;
	[sflag:s0] =	ssyncset.done $0x0  }
0xf8: {  	s31 =	sadd.s32 $0xFFFFFA00, s22;
	s24 =	sadd.s32 $0x1, s24;
	[sflag:s0] =	ssyncadd.s32 $0xFFFFBC00  }
0xf9: {  	[tilespmem:s18], [sflag:s24] =	stream.indirect.gather [hbm4b:s4+s6], $0x88, s31, s6, $0xb8;
	[tilespmem:$0x1EE08] =	vst v63  }
0xfa: {  	p2 =	sne.s32 s26, $0xB;
	s26 =	sadd.s32 $0x1A00, s25;
	s18 =	sadd.s32 $0x1, s23  }
.Ltmp4:
0xfb: {  	s23 =	sand.u32 $0x1, s28;
	_ =	swait.ge [sflag:s18], $0x4400;
	(pc) =	sbr.rel @p2 .LBB2_10-.Ltmp4, $4  }
0xfc: {  	s24 =	sxor.u32 $0x1, s23;
	s25 =	smul.u32 $0x11000, s23;
	[sflag:s18] =	ssyncset.done $0x0  }
0xfd: {  	s22 =	sadd.s32 $0x80, s22;
	s28 =	smul.u32 $0x11000, s24;
	[sflag:s18] =	ssyncadd.s32 $0xFFFFBC00  }
0xfe: {  	[spmem:s2] =	stream.indirect.scatter.add.f32 [tilespmem:s26], [sflag:$0x5], $0x88, s29, s6, $0xb8;
	[tilespmem:$0x1EE08] =	vst v63  }
0xff: {  	s26 =	smov.u32 s30  }
0x100: {  	_ =	swait.ge [sflag:s0], $0x4400  }
0x101: {  	s18 =	sshrl.u32 s28, $0x2;
	s26 =	sadd.s32 $0xFFFFFA00, s22;
	[sflag:s0] =	ssyncset.done $0x0  }
0x102: {  	s24 =	sadd.s32 $0x1, s24;
	s18 =	sadd.s32 $0x1A00, s18;
	[sflag:s0] =	ssyncadd.s32 $0xFFFFBC00  }
0x103: {  	[tilespmem:s18], [sflag:s24] =	stream.indirect.gather [hbm4b:s4+s6], $0x88, s26, s6, $0xb8;
	[tilespmem:$0x1EE08] =	vst v63  }
0x104: {  	s24 =	sadd.s32 $0x1, s23  }
0x105: {  	_ =	swait.ge [sflag:s24], $0x4400  }
0x106: {  	s25 =	sshrl.u32 s25, $0x2;
	[sflag:s24] =	ssyncset.done $0x0  }
0x107: {  	s23 =	sadd.s32 $0x1A00, s25;
	[sflag:s24] =	ssyncadd.s32 $0xFFFFBC00  }
0x108: {  	[spmem:s2] =	stream.indirect.scatter.add.f32 [tilespmem:s23], [sflag:$0x5], $0x88, s22, s6, $0xb8;
	[tilespmem:$0x1EE08] =	vst v63  }
0x109: {  	_ =	swait.ge [sflag:s0], $0x4400  }
0x10a: {  	[sflag:s0] =	ssyncset.done $0x0  }
0x10b: {  	[sflag:s0] =	ssyncadd.s32 $0xFFFFBC00  }
0x10c: {  	_ =	swait.ge [sflag:s12], $0x680  }
0x10d: {  	[sflag:s12] =	ssyncset.done $0x0  }
0x10e: {  	[sflag:s12] =	ssyncadd.s32 $0xFFFFF980  }
0x10f: {  	_ =	swait.ge [sflag:s12], $0x680  }
0x110: {  	[sflag:s12] =	ssyncset.done $0x0  }
0x111: {  	[sflag:s12] =	ssyncadd.s32 $0xFFFFF980  }
0x112: {  	[tilespmem:s13], [sflag:$0x2] =	stream.indirect.gather [hbm4b:s4+s6], $0x88, s9, s6, $0xb8;
	[tilespmem:$0x1EE08] =	vst v63  }
0x113: {  	s26 =	simm.s32 $0x0;
	_ =	swait.ge [sflag:s14], $0x4400  }
0x114: {  	s18 =	sand.u32 $0x1, s26;
	[sflag:s14] =	ssyncset.done $0x0  }
0x115: {  	s31 =	simm.s32 $0xD80;
	s29 =	smul.u32 $0x11000, s18;
	[sflag:s14] =	ssyncadd.s32 $0xFFFFBC00  }
0x116: {  	[spmem:s2] =	stream.indirect.scatter.add.f32 [tilespmem:s8], [sflag:$0x5], $0x88, s15, s6, $0xb8;
	[tilespmem:$0x1EE08] =	vst v63  }
0x117: {  	s30 =	sxor.u32 $0x1, s18;
	s18 =	sadd.s32 $0x1, s18;
	_ =	swait.ge [sflag:s0], $0x4400  }
0x118: {  	s25 =	smul.u32 $0x11000, s30;
	s22 =	sshrl.u32 s29, $0x2;
	[sflag:s0] =	ssyncset.done $0x0  }
0x119: {  	s26 =	sadd.s32 $0x1, s30;
	s22 =	sadd.s32 $0x1A00, s22;
	[sflag:s0] =	ssyncadd.s32 $0xFFFFBC00  }
0x11a: {  	[tilespmem:s22], [sflag:s18] =	stream.indirect.gather [hbm4b:s4+s6], $0x88, s31, s6, $0xb8;
	[tilespmem:$0x1EE08] =	vst v63  }
0x11b: {  	s30 =	simm.s32 $0x1;
	s24 =	simm.s32 $0x2;
	_ =	swait.ge [sflag:s26], $0x4400  }
0x11c: {  	s29 =	simm.s32 $0x1380;
	s25 =	sshrl.u32 s25, $0x2;
	[sflag:s26] =	ssyncset.done $0x0  }
0x11d: {  	s23 =	sand.u32 $0x1, s30;
	s31 =	sadd.s32 $0x1A00, s25;
	[sflag:s26] =	ssyncadd.s32 $0xFFFFBC00  }
0x11e: {  	[spmem:s2] =	stream.indirect.scatter.add.f32 [tilespmem:s31], [sflag:$0x5], $0x88, s29, s6, $0xb8;
	[tilespmem:$0x1EE08] =	vst v63  }
0x11f: {  	s28 =	smul.u32 $0x11000, s23;
	s26 =	sxor.u32 $0x1, s23;
	_ =	swait.ge [sflag:s0], $0x4400  }
0x120: {  	s22 =	simm.s32 $0x1400;
	s25 =	smul.u32 $0x11000, s26;
	[sflag:s0] =	ssyncset.done $0x0  }
.LBB2_12:
0x121: {  	s18 =	sshrl.u32 s28, $0x2;
	s28 =	sadd.s32 $0xFFFFFA00, s22;
	[sflag:s0] =	ssyncadd.s32 $0xFFFFBC00  }
0x122: {  	s29 =	smov.u32 s24;
	s23 =	sadd.s32 $0x1, s23;
	s26 =	sadd.s32 $0x1, s26  }
0x123: {  	p2 =	sne.s32 s24, $0xB;
	s18 =	sadd.s32 $0x1A00, s18;
	s25 =	sshrl.u32 s25, $0x2  }
0x124: {  	[tilespmem:s18], [sflag:s23] =	stream.indirect.gather [hbm4b:s4+s6], $0x88, s28, s6, $0xb8;
	[tilespmem:$0x1EE08] =	vst v63  }
0x125: {  	s18 =	sadd.s32 $0x1, s24;
	s23 =	sand.u32 $0x1, s29;
	_ =	swait.ge [sflag:s26], $0x4400  }
.Ltmp5:
0x126: {  	s24 =	sadd.s32 $0x1A00, s25;
	[sflag:s26] =	ssyncset.done $0x0;
	(pc) =	sbr.rel @p2 .LBB2_12-.Ltmp5, $4  }
0x127: {  	s28 =	smul.u32 $0x11000, s23;
	[sflag:s26] =	ssyncadd.s32 $0xFFFFBC00;
	s26 =	sxor.u32 $0x1, s23  }
0x128: {  	[spmem:s2] =	stream.indirect.scatter.add.f32 [tilespmem:s24], [sflag:$0x5], $0x88, s22, s6, $0xb8;
	[tilespmem:$0x1EE08] =	vst v63  }
0x129: {  	s25 =	smul.u32 $0x11000, s26;
	_ =	swait.ge [sflag:s0], $0x4400  }
0x12a: {  	s22 =	sadd.s32 $0x80, s22;
	s24 =	smov.u32 s18;
	[sflag:s0] =	ssyncset.done $0x0  }
0x12b: {  	s18 =	sshrl.u32 s28, $0x2;
	s24 =	sadd.s32 $0xFFFFFA00, s22;
	[sflag:s0] =	ssyncadd.s32 $0xFFFFBC00  }
0x12c: {  	s23 =	sadd.s32 $0x1, s23;
	s31 =	sadd.s32 $0x1, s26;
	s18 =	sadd.s32 $0x1A00, s18  }
0x12d: {  	[tilespmem:s18], [sflag:s23] =	stream.indirect.gather [hbm4b:s4+s6], $0x88, s24, s6, $0xb8;
	[tilespmem:$0x1EE08] =	vst v63  }
0x12e: {  	_ =	swait.ge [sflag:s31], $0x4400  }
0x12f: {  	s24 =	sshrl.u32 s25, $0x2;
	[sflag:s31] =	ssyncset.done $0x0  }
0x130: {  	s23 =	sadd.s32 $0x1A00, s24;
	[sflag:s31] =	ssyncadd.s32 $0xFFFFBC00  }
0x131: {  	[spmem:s2] =	stream.indirect.scatter.add.f32 [tilespmem:s23], [sflag:$0x5], $0x88, s22, s6, $0xb8;
	[tilespmem:$0x1EE08] =	vst v63  }
0x132: {  	_ =	swait.ge [sflag:s0], $0x4400  }
0x133: {  	[sflag:s0] =	ssyncset.done $0x0  }
0x134: {  	[sflag:s0] =	ssyncadd.s32 $0xFFFFBC00  }
0x135: {  	_ =	swait.ge [sflag:s5], $0x4400  }
0x136: {  	[sflag:s5] =	ssyncset.done $0x0  }
0x137: {  	[sflag:s5] =	ssyncadd.s32 $0xFFFFBC00  }
0x138: {  	[spmem:s2] =	stream.indirect.scatter.add.f32 [tilespmem:s13], [sflag:$0x5], $0x88, s17, s6, $0xb8;
	[tilespmem:$0x1EE08] =	vst v63  }
0x139: {  	_ =	swait.ge [sflag:s0], $0x4400  }
0x13a: {  	[sflag:s0] =	ssyncset.done $0x0  }
0x13b: {  	s18 =	simm.s32 @!p1 $0x0;
	s22 =	rddreg [dreg:$0xe];
	[sflag:s0] =	ssyncadd.s32 $0xFFFFBC00  }
0x13c: {  	[tilespmem:s18], [sflag:$0x5] =	stream.linear.gather @!p1 [hbm4b:s22+s18], $0x80, $0x38;
	[tilespmem:$0x1EE08] =	vst v63  }
0x13d: {  	s22 =	simm.s32 @!p1 $0x5  }
0x13e: {  	_ =	swait.ge @!p1 [sflag:s22], $0x80  }
0x13f: {  	[sflag:s22] =	ssyncset.done @!p1 $0x0  }
0x140: {  	s23 =	simm.s32 @!p1 $0x680;
	s24 =	rddreg [dreg:$0xf];
	[sflag:s22] =	ssyncadd.s32 @!p1 $0xFFFFFF80  }
0x141: {  	[tilespmem:s23], [sflag:$0x5] =	stream.linear.gather @!p1 [hbm4b:s24+s18], $0x80, $0x38;
	[tilespmem:$0x1EE08] =	vst v63  }
0x142: {  	_ =	swait.ge @!p1 [sflag:s22], $0x80  }
0x143: {  	[sflag:s22] =	ssyncset.done @!p1 $0x0  }
0x144: {  	s25 =	simm.s32 @!p1 $0x1A00;
	s24 =	simm.s32 @!p1 $0x80;
	[sflag:s22] =	ssyncadd.s32 @!p1 $0xFFFFFF80  }
0x145: {  	[tilespmem:s25], [sflag:$0x1] =	stream.indirect.gather @!p1 [hbm4b:s4+s24], $0x88, s18, s24, $0xb8;
	[tilespmem:$0x1EE08] =	vst v63  }
0x146: {  	s18 =	simm.s32 @!p1 $0x1  }
0x147: {  	_ =	swait.ge @!p1 [sflag:s18], $0x4400  }
0x148: {  	[sflag:s18] =	ssyncset.done @!p1 $0x0  }
0x149: {  	[sflag:s18] =	ssyncadd.s32 @!p1 $0xFFFFBC00  }
0x14a: {  	[spmem:s2] =	stream.indirect.scatter.add.f32 @!p1 [tilespmem:s25], [sflag:$0x5], $0x88, s23, s24, $0xb8;
	[tilespmem:$0x1EE08] =	vst v63  }
0x14b: {  	_ =	swait.ge @!p1 [sflag:s22], $0x4400  }
0x14c: {  	[sflag:s22] =	ssyncset.done @!p1 $0x0  }
0x14d: {  	[sflag:s22] =	ssyncadd.s32 @!p1 $0xFFFFBC00  }
0x14e: {  	[bflag:$0x0] =	sbarrier.arrive $0xFFFF  }
0x14f: {  	s26 =	simm.s32 $0x10;
	s28 =	simm.s32 $0x11;
	s25 =	rddreg [dreg:$0x10]  }
0x150: {  	[hbm:s25@s26], [sflag:s7] =	dma.strided [spmem:s21@s28], $0x2700, s14, $0x10   }
0x151: {  	_ =	swait.ge [sflag:s0], $0x2700  }
0x152: {  	[sflag:s0] =	ssyncset.done $0x0;
	s29 =	rddreg [dreg:$0x11]  }
0x153: {  	s30 =	rddreg [dreg:$0x15];
	[sflag:s0] =	ssyncadd.s32 $0xFFFFD900  }
0x154: {  	[hbm:s29@s14], [sflag:s7] =	dma.strided [spmem:s30@s28], $0x270, s14, $0x1   }
0x155: {  	_ =	swait.ge [sflag:s0], $0x270  }
0x156: {  	s18 =	simm.s32 @!p0 $0x1;
	s22 =	simm.s32 @!p0 $0x11;
	[sflag:s0] =	ssyncset.done $0x0  }
0x157: {  	s21 =	simm.s32 @!p0 $0x10;
	s23 =	rddreg [dreg:$0x12];
	[sflag:s0] =	ssyncadd.s32 $0xFFFFFD90  }
0x158: {  	[hbm:s23@s21], [sflag:s7] =	dma.strided @!p0 [spmem:s20@s22], $0x100, s18, $0x10   }
0x159: {  	s20 =	simm.s32 @!p0 $0x5  }
0x15a: {  	_ =	swait.ge @!p0 [sflag:s20], $0x100  }
0x15b: {  	[sflag:s20] =	ssyncset.done @!p0 $0x0;
	s21 =	rddreg [dreg:$0x13]  }
0x15c: {  	s23 =	rddreg [dreg:$0x16];
	[sflag:s20] =	ssyncadd.s32 @!p0 $0xFFFFFF00  }
0x15d: {  	[hbm:s21@s18], [sflag:s7] =	dma.strided @!p0 [spmem:s23@s22], $0x10, s18, $0x1   }
0x15e: {  	_ =	swait.ge @!p0 [sflag:s20], $0x10  }
0x15f: {  	s19 =	sadd.s32 $0x1, s19;
	s31 =	rddreg [dreg:$0x14]  }
0x160: {  	p2 =	sne.s32 s19, s31  }
.Ltmp6:
0x161: {  	_ = 	snop;
	(pc) =	sbr.rel @p2 .LBB2_1-.Ltmp6, $3  }
0x162: {  	_ =	sdelay $0x1  }
0x163: {  	[sflag:s20] =	ssyncset.done @!p0 $0x0  }
0x164: {  	[sflag:s20] =	ssyncadd.s32 @!p0 $0xFFFFFFF0  }
0x165: {  	_ =	sfence.sel $0x180000  }
0x166: {  	[bflag:$0x0] =	sbarrier.arrive $0xFFFF  }
0x167: {  	_ =	strace $0x90000047  }
0x168: {  	s0 =	stileid.u32;
	[bflag:$0x2] =	sbarrier.arrive $0xFFFF  }
0x169: {  	p0 =	sne.s32 s0, $0x0;
	s0 =	rddreg [dreg:$0x3]  }
0x16a: {  	s0 =	sadd.s32 @!p0 $0x100000, s0  }
0x16b: {  	[sflag:s0] =	ssyncadd.tile.s32 @!p0 $0x1;
	_ =	shalt  }
.Lfunc_end2:
_tile_overlayer_lowered:
.L_overlay_start_2:
0x16c: {  	(tag) =	ssettag $0x2  }
0x16d: {  	s0 =	rddreg [dreg:$0x0];
	s2 =	stileid.u32  }
0x16e: {  	s1 =	rddreg [dreg:$0x1];
	p0 =	sne.s32 s2, $0x0  }
0x16f: {  	s3 =	rddreg [dreg:$0x2];
	[bflag:$0x3] =	sbarrier.arrive $0xFFFF;
	s2 =	simm.s32 @!p0 $0x1C05  }
0x170: {  	[timem:s3], [sflag:s2] =	dma.local @!p0 [hbm:s0], s1  }
0x171: {  	s0 =	simm.s32 @!p0 $0x5  }
0x172: {  	_ =	swait.ge @!p0 [sflag:s0], s1  }
0x173: {  	s1 =	ssub.s32 @!p0 $0x0, s1;
	[sflag:s0] =	ssyncset.done @!p0 $0x0  }
0x174: {  	[sflag:s0] =	ssyncadd.s32 @!p0 s1  }
0x175: {  	[bflag:$0x3] =	sbarrier.arrive $0xFFFF  }
0x176: {  	_ =	shalt  }

</sc_bundles>
